<compile_context>
chip_gen: v7x
topology: tpu7x:2x2x1
jax: 0.10.2.dev20260603
libtpu: 0.0.44.dev20260713+nightly
codegen_flags: <defaults>
</compile_context>

<pallas_src>
import functools

import jax
import jax.numpy as jnp
from jax import lax
from jax.experimental import pallas as pl
from jax.experimental.pallas import tpu as pltpu
from jax.experimental.pallas import tpu_sc as plsc

M, N, DIM = 128, 128, 256
ALPHA = 0.3
SIGMA = max(M, N) / 2.0
NUM_EPOCHS = 100

ROWS = M * N
NC, NS, NLANE = 2, 16, 16
NW = NC * NS
RPW = ROWS // NW
NCH = DIM // NLANE
CH1 = 128
BI = 16
WCOL = N * DIM


def _mesh():
    return plsc.VectorSubcoreMesh(core_axis_name="c", subcore_axis_name="s")


@functools.partial(
    pl.kernel,
    mesh=_mesh(),
    compiler_params=pltpu.CompilerParams(needs_layout_passes=False),
    out_type=[
        jax.ShapeDtypeStruct((NW, NLANE), jnp.float32),
        jax.ShapeDtypeStruct((NW, NLANE), jnp.int32),
    ],
    scratch_types=[
        pltpu.VMEM((DIM,), jnp.float32),
        pltpu.VMEM((CH1, DIM), jnp.float32),
        pltpu.VMEM((CH1, DIM), jnp.float32),
        pltpu.VMEM((NLANE,), jnp.float32),
        pltpu.VMEM((NLANE,), jnp.int32),
        pltpu.SemaphoreType.DMA,
        pltpu.SemaphoreType.DMA,
    ],
)
def _sc_search(w_hbm, x_hbm, dist_out, idx_out, xv, buf0, buf1, sd, si,
               sem0, sem1):
    wid = lax.axis_index("s") * NC + lax.axis_index("c")
    base = wid * RPW
    pltpu.sync_copy(x_hbm, xv)
    xs = [xv[pl.ds(c * NLANE, NLANE)] for c in range(NCH)]
    bufs = (buf0, buf1)
    sems = (sem0, sem1)
    nchunk = RPW // CH1
    cps = [None] * nchunk
    cps[0] = pltpu.async_copy(w_hbm.at[pl.ds(base, CH1)], buf0, sem0)
    best = (jnp.float32(jnp.inf), jnp.int32(0))
    for k in range(nchunk):
        if k + 1 < nchunk:
            cps[k + 1] = pltpu.async_copy(
                w_hbm.at[pl.ds(base + (k + 1) * CH1, CH1)],
                bufs[(k + 1) % 2], sems[(k + 1) % 2])
        cps[k].wait()
        buf = bufs[k % 2]

        def row_body(r, carry, _k=k, _buf=buf):
            bd, bi = carry
            accs = [jnp.zeros((NLANE,), jnp.float32) for _ in range(4)]
            for c in range(NCH):
                d = _buf[r, pl.ds(c * NLANE, NLANE)] - xs[c]
                accs[c % 4] = accs[c % 4] + d * d
            acc = (accs[0] + accs[1]) + (accs[2] + accs[3])
            s = plsc.cumsum(acc)[NLANE - 1]
            better = s < bd
            gi = base + _k * CH1 + r
            return (jnp.where(better, s, bd), jnp.where(better, gi, bi))

        best = lax.fori_loop(0, CH1, row_body, best, unroll=4)
    sd[...] = jnp.full((NLANE,), best[0], jnp.float32)
    si[...] = jnp.full((NLANE,), best[1], jnp.int32)
    pltpu.sync_copy(sd, dist_out.at[wid])
    pltpu.sync_copy(si, idx_out.at[wid])


def _tc_update_body(cd, ci, xr, pr, wr, out, bmu_out, bsm, rj_ref):
    g = pl.program_id(0)
    alpha_op = pr[0, 0]
    inv_sig2 = pr[0, 1]

    @pl.when(g == 0)
    def _():
        bd = cd[0, 0]
        bi = ci[0, 0]
        for w in range(1, NW):
            dw = cd[w, 0]
            iw = ci[w, 0]
            better = dw < bd
            bd = jnp.where(better, dw, bd)
            bi = jnp.where(better, iw, bi)
        bmu_i = lax.shift_right_logical(bi, 7)
        bmu_j = lax.bitwise_and(bi, jnp.int32(N - 1))
        bsm[0] = bmu_i
        bsm[1] = bmu_j
        colj = lax.shift_right_logical(
            lax.broadcasted_iota(jnp.int32, (1, WCOL), 1), 8)
        dj = colj - bmu_j
        rj_ref[...] = jnp.exp(-(dj * dj).astype(jnp.float32) * inv_sig2)
        col = lax.broadcasted_iota(jnp.int32, (8, 128), 1)
        row0 = lax.broadcasted_iota(jnp.int32, (8, 128), 0)
        bmu_out[...] = jnp.where((row0 == 0) & (col == 0), bmu_i,
                                 jnp.where((row0 == 0) & (col == 1), bmu_j, 0))

    bmu_i = bsm[0]
    rows_i = g * BI + lax.broadcasted_iota(jnp.int32, (BI, 1), 0)
    di = rows_i - bmu_i
    ri = alpha_op * jnp.exp(-(di * di).astype(jnp.float32) * inv_sig2)
    rate = jnp.reshape(ri * rj_ref[...], (BI * N, DIM))
    wv = wr[...]
    out[...] = wv + rate * (xr[...] - wv)


_tc_update = pl.pallas_call(
    _tc_update_body,
    grid=(M // BI,),
    in_specs=[
        pl.BlockSpec((NW, NLANE), lambda g: (0, 0)),
        pl.BlockSpec((NW, NLANE), lambda g: (0, 0)),
        pl.BlockSpec((1, DIM), lambda g: (0, 0)),
        pl.BlockSpec((1, 128), lambda g: (0, 0)),
        pl.BlockSpec((BI * N, DIM), lambda g: (g, 0)),
    ],
    out_specs=[
        pl.BlockSpec((BI * N, DIM), lambda g: (g, 0)),
        pl.BlockSpec((8, 128), lambda g: (0, 0)),
    ],
    out_shape=[
        jax.ShapeDtypeStruct((ROWS, DIM), jnp.float32),
        jax.ShapeDtypeStruct((8, 128), jnp.int32),
    ],
    scratch_shapes=[pltpu.SMEM((2,), jnp.int32),
                    pltpu.VMEM((1, WCOL), jnp.float32)],
)


def kernel(input_vector, weights, epoch):
    epoch_f = jnp.asarray(epoch, jnp.float32)
    lr = 1.0 - epoch_f / NUM_EPOCHS
    alpha_op = ALPHA * lr
    sigma_op = SIGMA * lr
    inv_sig2 = 1.0 / (sigma_op * sigma_op)
    params = jnp.zeros((1, 128), jnp.float32)
    params = params.at[0, 0].set(alpha_op).at[0, 1].set(inv_sig2)
    dists, idxs = _sc_search(weights, input_vector)
    new_w, bmu_pad = _tc_update(dists, idxs, input_vector.reshape(1, DIM),
                                params, weights)
    return bmu_pad[0, :2], new_w

# --- scband reference (transcript-rebuilt; emitter-appended) ---
"""Pipeline reference for scband-som-59742995087529 (READ-ONLY COPY).

The authoritative reference and input builder live on the scoring server;
editing this copy changes nothing except your own understanding.
"""

import jax, jax.numpy as jnp
import numpy as np

M, N, DIM = 128, 128, 256
ALPHA = 0.3
SIGMA = max(M, N) / 2.0
NUM_EPOCHS = 100


def _locations(m, n):
    ii, jj = np.meshgrid(np.arange(m), np.arange(n), indexing='ij')
    return jnp.asarray(np.stack([ii.ravel(), jj.ravel()], axis=1), dtype=jnp.int32)


def setup_inputs(seed: int = 0):
    key = jax.random.key(seed)
    k1, k2 = jax.random.split(key)
    input_vector = jax.random.normal(k1, (DIM,), dtype=jnp.float32)
    weights = jax.random.normal(k2, (M * N, DIM), dtype=jnp.float32)
    epoch = 10
    return {"input_vector": input_vector, "weights": weights, "epoch": epoch}


def reference(input_vector, weights, epoch):
    locs = _locations(M, N)
    # pack(input_vector m*n times) followed by subtract == broadcast subtract
    diff = weights - input_vector[None, :]
    distance = jnp.sqrt(jnp.sum(diff ** 2, axis=1))
    bmu_index = jnp.argmin(distance)
    bmu_loc = locs[bmu_index]
    # training=True branch of the original call
    epoch_f = jnp.asarray(epoch, dtype=jnp.float32)
    learning_rate_op = 1.0 - epoch_f / NUM_EPOCHS
    alpha_op = ALPHA * learning_rate_op
    sigma_op = SIGMA * learning_rate_op
    loc_diff = locs - bmu_loc[None, :]
    bmu_distance_squares = jnp.sum(loc_diff ** 2, axis=1).astype(jnp.float32)
    neighbourhood_func = jnp.exp(-(bmu_distance_squares / (sigma_op ** 2)))
    rate = alpha_op * neighbourhood_func  # [m*n]
    # tile(rate_i, dim) per row == broadcast over dim axis
    weightage_delta = rate[:, None] * (input_vector[None, :] - weights)
    new_weights = weights + weightage_delta
    return bmu_loc, new_weights

if __name__ == "__main__":
    import jax
    _d = setup_inputs()
    print(jax.jit(kernel)(*tuple(_d.values())))

</pallas_src>

<mosaic_0001>
#map = affine_map<(d0, d1) -> (0, 0)>
#map1 = affine_map<(d0, d1) -> (0)>
module attributes {stable_mosaic.version = 14 : i64} {
  func.func @_sc_search(%arg0: i32, %arg1: i32, %arg2: memref<16384x256xf32, #tpu.memory_space<hbm>>, %arg3: memref<256xf32, #tpu.memory_space<hbm>>, %arg4: memref<32x16xf32, #tpu.memory_space<hbm>>, %arg5: memref<32x16xi32, #tpu.memory_space<hbm>>, %arg6: memref<256xf32, #tpu.memory_space<vmem>>, %arg7: memref<128x256xf32, #tpu.memory_space<vmem>>, %arg8: memref<128x256xf32, #tpu.memory_space<vmem>>, %arg9: memref<16xf32, #tpu.memory_space<vmem>>, %arg10: memref<16xi32, #tpu.memory_space<vmem>>, %arg11: memref<!tpu.dma_semaphore, #tpu.memory_space<semaphore_mem>>, %arg12: memref<!tpu.dma_semaphore, #tpu.memory_space<semaphore_mem>>) attributes {dimension_semantics = [#tpu.dimension_semantics<core_parallel>, #tpu.dimension_semantics<subcore_parallel>], iteration_bounds = array<i64: 2, 16>, scalar_prefetch = 0 : i64, scratch_operands = 7 : i64, tpu.core_type = #tpu.core_type<sc_vector_subcore>, window_params = [{transform_indices = #map}, {transform_indices = #map1}, {transform_indices = #map}, {transform_indices = #map}]} {
    %mul3A = arith.constant 2 : i32
    %mul3A_0 = arith.muli %arg1, %mul3A : i32
    %add3A = arith.addi %mul3A_0, %arg0 : i32
    %mul3A_1 = arith.constant 512 : i32
    %mul3A_2 = arith.muli %add3A, %mul3A_1 : i32
    "tpu.region"() ({
      %run_scoped3A = tpu.sem_alloc : memref<!tpu.dma_semaphore, #tpu.memory_space<semaphore_mem>>
      tpu.enqueue_dma source(%arg3 : memref<256xf32, #tpu.memory_space<hbm>>) target(%arg6 : memref<256xf32, #tpu.memory_space<vmem>>) target_semaphore(%run_scoped3A : memref<!tpu.dma_semaphore, #tpu.memory_space<semaphore_mem>>)
      tpu.wait_dma2 semaphore(%run_scoped3A : memref<!tpu.dma_semaphore, #tpu.memory_space<semaphore_mem>>) src(%arg3 : memref<256xf32, #tpu.memory_space<hbm>>) dst(%arg6 : memref<256xf32, #tpu.memory_space<vmem>>)
      tpu.yield
    }) : () -> ()
    %get3A = arith.constant 0 : index
    %get3A_3 = tpu.vector_load %arg6[%get3A] {strides = array<i32>} : memref<256xf32, #tpu.memory_space<vmem>>, vector<16xf32>,
    %get3A_4 = arith.constant 16 : index
    %get3A_5 = tpu.vector_load %arg6[%get3A_4] {strides = array<i32>} : memref<256xf32, #tpu.memory_space<vmem>>, vector<16xf32>,
    %get3A_6 = arith.constant 32 : index
    %get3A_7 = tpu.vector_load %arg6[%get3A_6] {strides = array<i32>} : memref<256xf32, #tpu.memory_space<vmem>>, vector<16xf32>,
    %get3A_8 = arith.constant 48 : index
    %get3A_9 = tpu.vector_load %arg6[%get3A_8] {strides = array<i32>} : memref<256xf32, #tpu.memory_space<vmem>>, vector<16xf32>,
    %get3A_10 = arith.constant 64 : index
    %get3A_11 = tpu.vector_load %arg6[%get3A_10] {strides = array<i32>} : memref<256xf32, #tpu.memory_space<vmem>>, vector<16xf32>,
    %get3A_12 = arith.constant 80 : index
    %get3A_13 = tpu.vector_load %arg6[%get3A_12] {strides = array<i32>} : memref<256xf32, #tpu.memory_space<vmem>>, vector<16xf32>,
    %get3A_14 = arith.constant 96 : index
    %get3A_15 = tpu.vector_load %arg6[%get3A_14] {strides = array<i32>} : memref<256xf32, #tpu.memory_space<vmem>>, vector<16xf32>,
    %get3A_16 = arith.constant 112 : index
    %get3A_17 = tpu.vector_load %arg6[%get3A_16] {strides = array<i32>} : memref<256xf32, #tpu.memory_space<vmem>>, vector<16xf32>,
    %get3A_18 = arith.constant 128 : index
    %get3A_19 = tpu.vector_load %arg6[%get3A_18] {strides = array<i32>} : memref<256xf32, #tpu.memory_space<vmem>>, vector<16xf32>,
    %get3A_20 = arith.constant 144 : index
    %get3A_21 = tpu.vector_load %arg6[%get3A_20] {strides = array<i32>} : memref<256xf32, #tpu.memory_space<vmem>>, vector<16xf32>,
    %get3A_22 = arith.constant 160 : index
    %get3A_23 = tpu.vector_load %arg6[%get3A_22] {strides = array<i32>} : memref<256xf32, #tpu.memory_space<vmem>>, vector<16xf32>,
    %get3A_24 = arith.constant 176 : index
    %get3A_25 = tpu.vector_load %arg6[%get3A_24] {strides = array<i32>} : memref<256xf32, #tpu.memory_space<vmem>>, vector<16xf32>,
    %get3A_26 = arith.constant 192 : index
    %get3A_27 = tpu.vector_load %arg6[%get3A_26] {strides = array<i32>} : memref<256xf32, #tpu.memory_space<vmem>>, vector<16xf32>,
    %get3A_28 = arith.constant 208 : index
    %get3A_29 = tpu.vector_load %arg6[%get3A_28] {strides = array<i32>} : memref<256xf32, #tpu.memory_space<vmem>>, vector<16xf32>,
    %get3A_30 = arith.constant 224 : index
    %get3A_31 = tpu.vector_load %arg6[%get3A_30] {strides = array<i32>} : memref<256xf32, #tpu.memory_space<vmem>>, vector<16xf32>,
    %get3A_32 = arith.constant 240 : index
    %get3A_33 = tpu.vector_load %arg6[%get3A_32] {strides = array<i32>} : memref<256xf32, #tpu.memory_space<vmem>>, vector<16xf32>,
    %dma_start3A = arith.constant 0 : i32
    %dma_start3A_34 = tpu.memref_slice %arg2[%mul3A_2, %dma_start3A] : memref<16384x256xf32, #tpu.memory_space<hbm>> -> memref<128x256xf32, #tpu.memory_space<hbm>>
    %dma_start3A_35 = arith.constant 0 : i32
    %dma_start3A_36 = tpu.memref_slice %arg2[%mul3A_2, %dma_start3A_35] : memref<16384x256xf32, #tpu.memory_space<hbm>> -> memref<128x256xf32, #tpu.memory_space<hbm>>
    tpu.enqueue_dma source(%dma_start3A_36 : memref<128x256xf32, #tpu.memory_space<hbm>>) target(%arg7 : memref<128x256xf32, #tpu.memory_space<vmem>>) target_semaphore(%arg11 : memref<!tpu.dma_semaphore, #tpu.memory_space<semaphore_mem>>)
    %add3A_37 = arith.constant 128 : i32
    %add3A_38 = arith.addi %mul3A_2, %add3A_37 : i32
    %dma_start3A_39 = arith.constant 0 : i32
    %dma_start3A_40 = tpu.memref_slice %arg2[%add3A_38, %dma_start3A_39] : memref<16384x256xf32, #tpu.memory_space<hbm>> -> memref<128x256xf32, #tpu.memory_space<hbm>>
    %dma_start3A_41 = arith.constant 0 : i32
    %dma_start3A_42 = tpu.memref_slice %arg2[%add3A_38, %dma_start3A_41] : memref<16384x256xf32, #tpu.memory_space<hbm>> -> memref<128x256xf32, #tpu.memory_space<hbm>>
    tpu.enqueue_dma source(%dma_start3A_42 : memref<128x256xf32, #tpu.memory_space<hbm>>) target(%arg8 : memref<128x256xf32, #tpu.memory_space<vmem>>) target_semaphore(%arg12 : memref<!tpu.dma_semaphore, #tpu.memory_space<semaphore_mem>>)
    %dma_wait3A = arith.constant 0 : i32
    %dma_wait3A_43 = tpu.memref_slice %arg2[%mul3A_2, %dma_wait3A] : memref<16384x256xf32, #tpu.memory_space<hbm>> -> memref<128x256xf32, #tpu.memory_space<hbm>>
    %dma_wait3A_44 = arith.constant 0 : i32
    %dma_wait3A_45 = tpu.memref_slice %arg2[%mul3A_2, %dma_wait3A_44] : memref<16384x256xf32, #tpu.memory_space<hbm>> -> memref<128x256xf32, #tpu.memory_space<hbm>>
    tpu.wait_dma2 semaphore(%arg11 : memref<!tpu.dma_semaphore, #tpu.memory_space<semaphore_mem>>) src(%dma_wait3A_45 : memref<128x256xf32, #tpu.memory_space<hbm>>) dst(%arg7 : memref<128x256xf32, #tpu.memory_space<vmem>>)
    %scan3A = arith.constant 0x7F800000 : f32
    %scan3A_46 = arith.constant 0 : i32
    %scan3A_47 = arith.constant 0 : i32
    %scan3A_48 = arith.constant 128 : i32
    %scan3A_49 = arith.addi %scan3A_47, %scan3A_48 : i32
    %scan3A_50 = arith.constant 4 : i32
    %scan3A_51:2 = scf.for %scan3A_99 = %scan3A_47 to %scan3A_49 step %scan3A_50 iter_args(%scan3A_100 = %scan3A, %scan3A_101 = %scan3A_46) -> (f32, i32)  : i32 {
      %broadcast_in_dim3A_102 = arith.constant 0.000000e+00 : f32
      %broadcast_in_dim3A_103 = vector.broadcast %broadcast_in_dim3A_102 : f32 to vector<16xf32>
      %broadcast_in_dim3A_104 = arith.constant 0.000000e+00 : f32
      %broadcast_in_dim3A_105 = vector.broadcast %broadcast_in_dim3A_104 : f32 to vector<16xf32>
      %broadcast_in_dim3A_106 = arith.constant 0.000000e+00 : f32
      %broadcast_in_dim3A_107 = vector.broadcast %broadcast_in_dim3A_106 : f32 to vector<16xf32>
      %broadcast_in_dim3A_108 = arith.constant 0.000000e+00 : f32
      %broadcast_in_dim3A_109 = vector.broadcast %broadcast_in_dim3A_108 : f32 to vector<16xf32>
      %get3A_110 = arith.index_cast %scan3A_99 : i32 to index
      %get3A_111 = arith.constant 0 : index
      %get3A_112 = tpu.vector_load %arg7[%get3A_110, %get3A_111] {strides = array<i32>} : memref<128x256xf32, #tpu.memory_space<vmem>>, vector<16xf32>,
      %sub3A = arith.subf %get3A_112, %get3A_3 : vector<16xf32>
      %mul3A_113 = arith.mulf %sub3A, %sub3A : vector<16xf32>
      %add3A_114 = arith.addf %broadcast_in_dim3A_103, %mul3A_113 : vector<16xf32>
      %get3A_115 = arith.index_cast %scan3A_99 : i32 to index
      %get3A_116 = arith.constant 16 : index
      %get3A_117 = tpu.vector_load %arg7[%get3A_115, %get3A_116] {strides = array<i32>} : memref<128x256xf32, #tpu.memory_space<vmem>>, vector<16xf32>,
      %sub3A_118 = arith.subf %get3A_117, %get3A_5 : vector<16xf32>
      %mul3A_119 = arith.mulf %sub3A_118, %sub3A_118 : vector<16xf32>
      %add3A_120 = arith.addf %broadcast_in_dim3A_105, %mul3A_119 : vector<16xf32>
      %get3A_121 = arith.index_cast %scan3A_99 : i32 to index
      %get3A_122 = arith.constant 32 : index
      %get3A_123 = tpu.vector_load %arg7[%get3A_121, %get3A_122] {strides = array<i32>} : memref<128x256xf32, #tpu.memory_space<vmem>>, vector<16xf32>,
      %sub3A_124 = arith.subf %get3A_123, %get3A_7 : vector<16xf32>
      %mul3A_125 = arith.mulf %sub3A_124, %sub3A_124 : vector<16xf32>
      %add3A_126 = arith.addf %broadcast_in_dim3A_107, %mul3A_125 : vector<16xf32>
      %get3A_127 = arith.index_cast %scan3A_99 : i32 to index
      %get3A_128 = arith.constant 48 : index
      %get3A_129 = tpu.vector_load %arg7[%get3A_127, %get3A_128] {strides = array<i32>} : memref<128x256xf32, #tpu.memory_space<vmem>>, vector<16xf32>,
      %sub3A_130 = arith.subf %get3A_129, %get3A_9 : vector<16xf32>
      %mul3A_131 = arith.mulf %sub3A_130, %sub3A_130 : vector<16xf32>
      %add3A_132 = arith.addf %broadcast_in_dim3A_109, %mul3A_131 : vector<16xf32>
      %get3A_133 = arith.index_cast %scan3A_99 : i32 to index
      %get3A_134 = arith.constant 64 : index
      %get3A_135 = tpu.vector_load %arg7[%get3A_133, %get3A_134] {strides = array<i32>} : memref<128x256xf32, #tpu.memory_space<vmem>>, vector<16xf32>,
      %sub3A_136 = arith.subf %get3A_135, %get3A_11 : vector<16xf32>
      %mul3A_137 = arith.mulf %sub3A_136, %sub3A_136 : vector<16xf32>
      %add3A_138 = arith.addf %add3A_114, %mul3A_137 : vector<16xf32>
      %get3A_139 = arith.index_cast %scan3A_99 : i32 to index
      %get3A_140 = arith.constant 80 : index
      %get3A_141 = tpu.vector_load %arg7[%get3A_139, %get3A_140] {strides = array<i32>} : memref<128x256xf32, #tpu.memory_space<vmem>>, vector<16xf32>,
      %sub3A_142 = arith.subf %get3A_141, %get3A_13 : vector<16xf32>
      %mul3A_143 = arith.mulf %sub3A_142, %sub3A_142 : vector<16xf32>
      %add3A_144 = arith.addf %add3A_120, %mul3A_143 : vector<16xf32>
      %get3A_145 = arith.index_cast %scan3A_99 : i32 to index
      %get3A_146 = arith.constant 96 : index
      %get3A_147 = tpu.vector_load %arg7[%get3A_145, %get3A_146] {strides = array<i32>} : memref<128x256xf32, #tpu.memory_space<vmem>>, vector<16xf32>,
      %sub3A_148 = arith.subf %get3A_147, %get3A_15 : vector<16xf32>
      %mul3A_149 = arith.mulf %sub3A_148, %sub3A_148 : vector<16xf32>
      %add3A_150 = arith.addf %add3A_126, %mul3A_149 : vector<16xf32>
      %get3A_151 = arith.index_cast %scan3A_99 : i32 to index
      %get3A_152 = arith.constant 112 : index
      %get3A_153 = tpu.vector_load %arg7[%get3A_151, %get3A_152] {strides = array<i32>} : memref<128x256xf32, #tpu.memory_space<vmem>>, vector<16xf32>,
      %sub3A_154 = arith.subf %get3A_153, %get3A_17 : vector<16xf32>
      %mul3A_155 = arith.mulf %sub3A_154, %sub3A_154 : vector<16xf32>
      %add3A_156 = arith.addf %add3A_132, %mul3A_155 : vector<16xf32>
      %get3A_157 = arith.index_cast %scan3A_99 : i32 to index
      %get3A_158 = arith.constant 128 : index
      %get3A_159 = tpu.vector_load %arg7[%get3A_157, %get3A_158] {strides = array<i32>} : memref<128x256xf32, #tpu.memory_space<vmem>>, vector<16xf32>,
      %sub3A_160 = arith.subf %get3A_159, %get3A_19 : vector<16xf32>
      %mul3A_161 = arith.mulf %sub3A_160, %sub3A_160 : vector<16xf32>
      %add3A_162 = arith.addf %add3A_138, %mul3A_161 : vector<16xf32>
      %get3A_163 = arith.index_cast %scan3A_99 : i32 to index
      %get3A_164 = arith.constant 144 : index
      %get3A_165 = tpu.vector_load %arg7[%get3A_163, %get3A_164] {strides = array<i32>} : memref<128x256xf32, #tpu.memory_space<vmem>>, vector<16xf32>,
      %sub3A_166 = arith.subf %get3A_165, %get3A_21 : vector<16xf32>
      %mul3A_167 = arith.mulf %sub3A_166, %sub3A_166 : vector<16xf32>
      %add3A_168 = arith.addf %add3A_144, %mul3A_167 : vector<16xf32>
      %get3A_169 = arith.index_cast %scan3A_99 : i32 to index
      %get3A_170 = arith.constant 160 : index
      %get3A_171 = tpu.vector_load %arg7[%get3A_169, %get3A_170] {strides = array<i32>} : memref<128x256xf32, #tpu.memory_space<vmem>>, vector<16xf32>,
      %sub3A_172 = arith.subf %get3A_171, %get3A_23 : vector<16xf32>
      %mul3A_173 = arith.mulf %sub3A_172, %sub3A_172 : vector<16xf32>
      %add3A_174 = arith.addf %add3A_150, %mul3A_173 : vector<16xf32>
      %get3A_175 = arith.index_cast %scan3A_99 : i32 to index
      %get3A_176 = arith.constant 176 : index
      %get3A_177 = tpu.vector_load %arg7[%get3A_175, %get3A_176] {strides = array<i32>} : memref<128x256xf32, #tpu.memory_space<vmem>>, vector<16xf32>,
      %sub3A_178 = arith.subf %get3A_177, %get3A_25 : vector<16xf32>
      %mul3A_179 = arith.mulf %sub3A_178, %sub3A_178 : vector<16xf32>
      %add3A_180 = arith.addf %add3A_156, %mul3A_179 : vector<16xf32>
      %get3A_181 = arith.index_cast %scan3A_99 : i32 to index
      %get3A_182 = arith.constant 192 : index
      %get3A_183 = tpu.vector_load %arg7[%get3A_181, %get3A_182] {strides = array<i32>} : memref<128x256xf32, #tpu.memory_space<vmem>>, vector<16xf32>,
      %sub3A_184 = arith.subf %get3A_183, %get3A_27 : vector<16xf32>
      %mul3A_185 = arith.mulf %sub3A_184, %sub3A_184 : vector<16xf32>
      %add3A_186 = arith.addf %add3A_162, %mul3A_185 : vector<16xf32>
      %get3A_187 = arith.index_cast %scan3A_99 : i32 to index
      %get3A_188 = arith.constant 208 : index
      %get3A_189 = tpu.vector_load %arg7[%get3A_187, %get3A_188] {strides = array<i32>} : memref<128x256xf32, #tpu.memory_space<vmem>>, vector<16xf32>,
      %sub3A_190 = arith.subf %get3A_189, %get3A_29 : vector<16xf32>
      %mul3A_191 = arith.mulf %sub3A_190, %sub3A_190 : vector<16xf32>
      %add3A_192 = arith.addf %add3A_168, %mul3A_191 : vector<16xf32>
      %get3A_193 = arith.index_cast %scan3A_99 : i32 to index
      %get3A_194 = arith.constant 224 : index
      %get3A_195 = tpu.vector_load %arg7[%get3A_193, %get3A_194] {strides = array<i32>} : memref<128x256xf32, #tpu.memory_space<vmem>>, vector<16xf32>,
      %sub3A_196 = arith.subf %get3A_195, %get3A_31 : vector<16xf32>
      %mul3A_197 = arith.mulf %sub3A_196, %sub3A_196 : vector<16xf32>
      %add3A_198 = arith.addf %add3A_174, %mul3A_197 : vector<16xf32>
      %get3A_199 = arith.index_cast %scan3A_99 : i32 to index
      %get3A_200 = arith.constant 240 : index
      %get3A_201 = tpu.vector_load %arg7[%get3A_199, %get3A_200] {strides = array<i32>} : memref<128x256xf32, #tpu.memory_space<vmem>>, vector<16xf32>,
      %sub3A_202 = arith.subf %get3A_201, %get3A_33 : vector<16xf32>
      %mul3A_203 = arith.mulf %sub3A_202, %sub3A_202 : vector<16xf32>
      %add3A_204 = arith.addf %add3A_180, %mul3A_203 : vector<16xf32>
      %add3A_205 = arith.addf %add3A_186, %add3A_192 : vector<16xf32>
      %add3A_206 = arith.addf %add3A_198, %add3A_204 : vector<16xf32>
      %add3A_207 = arith.addf %add3A_205, %add3A_206 : vector<16xf32>
      %broadcast_in_dim3A_208 = arith.constant true
      %broadcast_in_dim3A_209 = vector.broadcast %broadcast_in_dim3A_208 : i1 to vector<16xi1>
      %masked_cumsum3A = tpu.scan <sum>, %add3A_207 masked %broadcast_in_dim3A_209 : vector<16xf32>, vector<16xi1> -> vector<16xf32>
      %slice3A = vector.extract_strided_slice %masked_cumsum3A {offsets = [15], sizes = [1], strides = [1]} : vector<16xf32> to vector<1xf32>
      %squeeze3A = vector.extract %slice3A[0] : f32 from vector<1xf32>
      %lt3A = arith.cmpf olt, %squeeze3A, %scan3A_100 : f32
      %add3A_210 = arith.constant 0 : i32
      %add3A_211 = arith.addi %mul3A_2, %add3A_210 : i32
      %add3A_212 = arith.addi %add3A_211, %scan3A_99 : i32
      %select_n3A = arith.select %lt3A, %squeeze3A, %scan3A_100 : f32
      %select_n3A_213 = arith.select %lt3A, %add3A_212, %scan3A_101 : i32
      %scan3A_214 = arith.constant 1 : i32
      %scan3A_215 = arith.addi %scan3A_99, %scan3A_214 : i32
      %broadcast_in_dim3A_216 = arith.constant 0.000000e+00 : f32
      %broadcast_in_dim3A_217 = vector.broadcast %broadcast_in_dim3A_216 : f32 to vector<16xf32>
      %broadcast_in_dim3A_218 = arith.constant 0.000000e+00 : f32
      %broadcast_in_dim3A_219 = vector.broadcast %broadcast_in_dim3A_218 : f32 to vector<16xf32>
      %broadcast_in_dim3A_220 = arith.constant 0.000000e+00 : f32
      %broadcast_in_dim3A_221 = vector.broadcast %broadcast_in_dim3A_220 : f32 to vector<16xf32>
      %broadcast_in_dim3A_222 = arith.constant 0.000000e+00 : f32
      %broadcast_in_dim3A_223 = vector.broadcast %broadcast_in_dim3A_222 : f32 to vector<16xf32>
      %get3A_224 = arith.index_cast %scan3A_215 : i32 to index
      %get3A_225 = arith.constant 0 : index
      %get3A_226 = tpu.vector_load %arg7[%get3A_224, %get3A_225] {strides = array<i32>} : memref<128x256xf32, #tpu.memory_space<vmem>>, vector<16xf32>,
      %sub3A_227 = arith.subf %get3A_226, %get3A_3 : vector<16xf32>
      %mul3A_228 = arith.mulf %sub3A_227, %sub3A_227 : vector<16xf32>
      %add3A_229 = arith.addf %broadcast_in_dim3A_217, %mul3A_228 : vector<16xf32>
      %get3A_230 = arith.index_cast %scan3A_215 : i32 to index
      %get3A_231 = arith.constant 16 : index
      %get3A_232 = tpu.vector_load %arg7[%get3A_230, %get3A_231] {strides = array<i32>} : memref<128x256xf32, #tpu.memory_space<vmem>>, vector<16xf32>,
      %sub3A_233 = arith.subf %get3A_232, %get3A_5 : vector<16xf32>
      %mul3A_234 = arith.mulf %sub3A_233, %sub3A_233 : vector<16xf32>
      %add3A_235 = arith.addf %broadcast_in_dim3A_219, %mul3A_234 : vector<16xf32>
      %get3A_236 = arith.index_cast %scan3A_215 : i32 to index
      %get3A_237 = arith.constant 32 : index
      %get3A_238 = tpu.vector_load %arg7[%get3A_236, %get3A_237] {strides = array<i32>} : memref<128x256xf32, #tpu.memory_space<vmem>>, vector<16xf32>,
      %sub3A_239 = arith.subf %get3A_238, %get3A_7 : vector<16xf32>
      %mul3A_240 = arith.mulf %sub3A_239, %sub3A_239 : vector<16xf32>
      %add3A_241 = arith.addf %broadcast_in_dim3A_221, %mul3A_240 : vector<16xf32>
      %get3A_242 = arith.index_cast %scan3A_215 : i32 to index
      %get3A_243 = arith.constant 48 : index
      %get3A_244 = tpu.vector_load %arg7[%get3A_242, %get3A_243] {strides = array<i32>} : memref<128x256xf32, #tpu.memory_space<vmem>>, vector<16xf32>,
      %sub3A_245 = arith.subf %get3A_244, %get3A_9 : vector<16xf32>
      %mul3A_246 = arith.mulf %sub3A_245, %sub3A_245 : vector<16xf32>
      %add3A_247 = arith.addf %broadcast_in_dim3A_223, %mul3A_246 : vector<16xf32>
      %get3A_248 = arith.index_cast %scan3A_215 : i32 to index
      %get3A_249 = arith.constant 64 : index
      %get3A_250 = tpu.vector_load %arg7[%get3A_248, %get3A_249] {strides = array<i32>} : memref<128x256xf32, #tpu.memory_space<vmem>>, vector<16xf32>,
      %sub3A_251 = arith.subf %get3A_250, %get3A_11 : vector<16xf32>
      %mul3A_252 = arith.mulf %sub3A_251, %sub3A_251 : vector<16xf32>
      %add3A_253 = arith.addf %add3A_229, %mul3A_252 : vector<16xf32>
      %get3A_254 = arith.index_cast %scan3A_215 : i32 to index
      %get3A_255 = arith.constant 80 : index
      %get3A_256 = tpu.vector_load %arg7[%get3A_254, %get3A_255] {strides = array<i32>} : memref<128x256xf32, #tpu.memory_space<vmem>>, vector<16xf32>,
      %sub3A_257 = arith.subf %get3A_256, %get3A_13 : vector<16xf32>
      %mul3A_258 = arith.mulf %sub3A_257, %sub3A_257 : vector<16xf32>
      %add3A_259 = arith.addf %add3A_235, %mul3A_258 : vector<16xf32>
      %get3A_260 = arith.index_cast %scan3A_215 : i32 to index
      %get3A_261 = arith.constant 96 : index
      %get3A_262 = tpu.vector_load %arg7[%get3A_260, %get3A_261] {strides = array<i32>} : memref<128x256xf32, #tpu.memory_space<vmem>>, vector<16xf32>,
      %sub3A_263 = arith.subf %get3A_262, %get3A_15 : vector<16xf32>
      %mul3A_264 = arith.mulf %sub3A_263, %sub3A_263 : vector<16xf32>
      %add3A_265 = arith.addf %add3A_241, %mul3A_264 : vector<16xf32>
      %get3A_266 = arith.index_cast %scan3A_215 : i32 to index
      %get3A_267 = arith.constant 112 : index
      %get3A_268 = tpu.vector_load %arg7[%get3A_266, %get3A_267] {strides = array<i32>} : memref<128x256xf32, #tpu.memory_space<vmem>>, vector<16xf32>,
      %sub3A_269 = arith.subf %get3A_268, %get3A_17 : vector<16xf32>
      %mul3A_270 = arith.mulf %sub3A_269, %sub3A_269 : vector<16xf32>
      %add3A_271 = arith.addf %add3A_247, %mul3A_270 : vector<16xf32>
      %get3A_272 = arith.index_cast %scan3A_215 : i32 to index
      %get3A_273 = arith.constant 128 : index
      %get3A_274 = tpu.vector_load %arg7[%get3A_272, %get3A_273] {strides = array<i32>} : memref<128x256xf32, #tpu.memory_space<vmem>>, vector<16xf32>,
      %sub3A_275 = arith.subf %get3A_274, %get3A_19 : vector<16xf32>
      %mul3A_276 = arith.mulf %sub3A_275, %sub3A_275 : vector<16xf32>
      %add3A_277 = arith.addf %add3A_253, %mul3A_276 : vector<16xf32>
      %get3A_278 = arith.index_cast %scan3A_215 : i32 to index
      %get3A_279 = arith.constant 144 : index
      %get3A_280 = tpu.vector_load %arg7[%get3A_278, %get3A_279] {strides = array<i32>} : memref<128x256xf32, #tpu.memory_space<vmem>>, vector<16xf32>,
      %sub3A_281 = arith.subf %get3A_280, %get3A_21 : vector<16xf32>
      %mul3A_282 = arith.mulf %sub3A_281, %sub3A_281 : vector<16xf32>
      %add3A_283 = arith.addf %add3A_259, %mul3A_282 : vector<16xf32>
      %get3A_284 = arith.index_cast %scan3A_215 : i32 to index
      %get3A_285 = arith.constant 160 : index
      %get3A_286 = tpu.vector_load %arg7[%get3A_284, %get3A_285] {strides = array<i32>} : memref<128x256xf32, #tpu.memory_space<vmem>>, vector<16xf32>,
      %sub3A_287 = arith.subf %get3A_286, %get3A_23 : vector<16xf32>
      %mul3A_288 = arith.mulf %sub3A_287, %sub3A_287 : vector<16xf32>
      %add3A_289 = arith.addf %add3A_265, %mul3A_288 : vector<16xf32>
      %get3A_290 = arith.index_cast %scan3A_215 : i32 to index
      %get3A_291 = arith.constant 176 : index
      %get3A_292 = tpu.vector_load %arg7[%get3A_290, %get3A_291] {strides = array<i32>} : memref<128x256xf32, #tpu.memory_space<vmem>>, vector<16xf32>,
      %sub3A_293 = arith.subf %get3A_292, %get3A_25 : vector<16xf32>
      %mul3A_294 = arith.mulf %sub3A_293, %sub3A_293 : vector<16xf32>
      %add3A_295 = arith.addf %add3A_271, %mul3A_294 : vector<16xf32>
      %get3A_296 = arith.index_cast %scan3A_215 : i32 to index
      %get3A_297 = arith.constant 192 : index
      %get3A_298 = tpu.vector_load %arg7[%get3A_296, %get3A_297] {strides = array<i32>} : memref<128x256xf32, #tpu.memory_space<vmem>>, vector<16xf32>,
      %sub3A_299 = arith.subf %get3A_298, %get3A_27 : vector<16xf32>
      %mul3A_300 = arith.mulf %sub3A_299, %sub3A_299 : vector<16xf32>
      %add3A_301 = arith.addf %add3A_277, %mul3A_300 : vector<16xf32>
      %get3A_302 = arith.index_cast %scan3A_215 : i32 to index
      %get3A_303 = arith.constant 208 : index
      %get3A_304 = tpu.vector_load %arg7[%get3A_302, %get3A_303] {strides = array<i32>} : memref<128x256xf32, #tpu.memory_space<vmem>>, vector<16xf32>,
      %sub3A_305 = arith.subf %get3A_304, %get3A_29 : vector<16xf32>
      %mul3A_306 = arith.mulf %sub3A_305, %sub3A_305 : vector<16xf32>
      %add3A_307 = arith.addf %add3A_283, %mul3A_306 : vector<16xf32>
      %get3A_308 = arith.index_cast %scan3A_215 : i32 to index
      %get3A_309 = arith.constant 224 : index
      %get3A_310 = tpu.vector_load %arg7[%get3A_308, %get3A_309] {strides = array<i32>} : memref<128x256xf32, #tpu.memory_space<vmem>>, vector<16xf32>,
      %sub3A_311 = arith.subf %get3A_310, %get3A_31 : vector<16xf32>
      %mul3A_312 = arith.mulf %sub3A_311, %sub3A_311 : vector<16xf32>
      %add3A_313 = arith.addf %add3A_289, %mul3A_312 : vector<16xf32>
      %get3A_314 = arith.index_cast %scan3A_215 : i32 to index
      %get3A_315 = arith.constant 240 : index
      %get3A_316 = tpu.vector_load %arg7[%get3A_314, %get3A_315] {strides = array<i32>} : memref<128x256xf32, #tpu.memory_space<vmem>>, vector<16xf32>,
      %sub3A_317 = arith.subf %get3A_316, %get3A_33 : vector<16xf32>
      %mul3A_318 = arith.mulf %sub3A_317, %sub3A_317 : vector<16xf32>
      %add3A_319 = arith.addf %add3A_295, %mul3A_318 : vector<16xf32>
      %add3A_320 = arith.addf %add3A_301, %add3A_307 : vector<16xf32>
      %add3A_321 = arith.addf %add3A_313, %add3A_319 : vector<16xf32>
      %add3A_322 = arith.addf %add3A_320, %add3A_321 : vector<16xf32>
      %broadcast_in_dim3A_323 = arith.constant true
      %broadcast_in_dim3A_324 = vector.broadcast %broadcast_in_dim3A_323 : i1 to vector<16xi1>
      %masked_cumsum3A_325 = tpu.scan <sum>, %add3A_322 masked %broadcast_in_dim3A_324 : vector<16xf32>, vector<16xi1> -> vector<16xf32>
      %slice3A_326 = vector.extract_strided_slice %masked_cumsum3A_325 {offsets = [15], sizes = [1], strides = [1]} : vector<16xf32> to vector<1xf32>
      %squeeze3A_327 = vector.extract %slice3A_326[0] : f32 from vector<1xf32>
      %lt3A_328 = arith.cmpf olt, %squeeze3A_327, %select_n3A : f32
      %add3A_329 = arith.constant 0 : i32
      %add3A_330 = arith.addi %mul3A_2, %add3A_329 : i32
      %add3A_331 = arith.addi %add3A_330, %scan3A_215 : i32
      %select_n3A_332 = arith.select %lt3A_328, %squeeze3A_327, %select_n3A : f32
      %select_n3A_333 = arith.select %lt3A_328, %add3A_331, %select_n3A_213 : i32
      %scan3A_334 = arith.constant 2 : i32
      %scan3A_335 = arith.addi %scan3A_99, %scan3A_334 : i32
      %broadcast_in_dim3A_336 = arith.constant 0.000000e+00 : f32
      %broadcast_in_dim3A_337 = vector.broadcast %broadcast_in_dim3A_336 : f32 to vector<16xf32>
      %broadcast_in_dim3A_338 = arith.constant 0.000000e+00 : f32
      %broadcast_in_dim3A_339 = vector.broadcast %broadcast_in_dim3A_338 : f32 to vector<16xf32>
      %broadcast_in_dim3A_340 = arith.constant 0.000000e+00 : f32
      %broadcast_in_dim3A_341 = vector.broadcast %broadcast_in_dim3A_340 : f32 to vector<16xf32>
      %broadcast_in_dim3A_342 = arith.constant 0.000000e+00 : f32
      %broadcast_in_dim3A_343 = vector.broadcast %broadcast_in_dim3A_342 : f32 to vector<16xf32>
      %get3A_344 = arith.index_cast %scan3A_335 : i32 to index
      %get3A_345 = arith.constant 0 : index
      %get3A_346 = tpu.vector_load %arg7[%get3A_344, %get3A_345] {strides = array<i32>} : memref<128x256xf32, #tpu.memory_space<vmem>>, vector<16xf32>,
      %sub3A_347 = arith.subf %get3A_346, %get3A_3 : vector<16xf32>
      %mul3A_348 = arith.mulf %sub3A_347, %sub3A_347 : vector<16xf32>
      %add3A_349 = arith.addf %broadcast_in_dim3A_337, %mul3A_348 : vector<16xf32>
      %get3A_350 = arith.index_cast %scan3A_335 : i32 to index
      %get3A_351 = arith.constant 16 : index
      %get3A_352 = tpu.vector_load %arg7[%get3A_350, %get3A_351] {strides = array<i32>} : memref<128x256xf32, #tpu.memory_space<vmem>>, vector<16xf32>,
      %sub3A_353 = arith.subf %get3A_352, %get3A_5 : vector<16xf32>
      %mul3A_354 = arith.mulf %sub3A_353, %sub3A_353 : vector<16xf32>
      %add3A_355 = arith.addf %broadcast_in_dim3A_339, %mul3A_354 : vector<16xf32>
      %get3A_356 = arith.index_cast %scan3A_335 : i32 to index
      %get3A_357 = arith.constant 32 : index
      %get3A_358 = tpu.vector_load %arg7[%get3A_356, %get3A_357] {strides = array<i32>} : memref<128x256xf32, #tpu.memory_space<vmem>>, vector<16xf32>,
      %sub3A_359 = arith.subf %get3A_358, %get3A_7 : vector<16xf32>
      %mul3A_360 = arith.mulf %sub3A_359, %sub3A_359 : vector<16xf32>
      %add3A_361 = arith.addf %broadcast_in_dim3A_341, %mul3A_360 : vector<16xf32>
      %get3A_362 = arith.index_cast %scan3A_335 : i32 to index
      %get3A_363 = arith.constant 48 : index
      %get3A_364 = tpu.vector_load %arg7[%get3A_362, %get3A_363] {strides = array<i32>} : memref<128x256xf32, #tpu.memory_space<vmem>>, vector<16xf32>,
      %sub3A_365 = arith.subf %get3A_364, %get3A_9 : vector<16xf32>
      %mul3A_366 = arith.mulf %sub3A_365, %sub3A_365 : vector<16xf32>
      %add3A_367 = arith.addf %broadcast_in_dim3A_343, %mul3A_366 : vector<16xf32>
      %get3A_368 = arith.index_cast %scan3A_335 : i32 to index
      %get3A_369 = arith.constant 64 : index
      %get3A_370 = tpu.vector_load %arg7[%get3A_368, %get3A_369] {strides = array<i32>} : memref<128x256xf32, #tpu.memory_space<vmem>>, vector<16xf32>,
      %sub3A_371 = arith.subf %get3A_370, %get3A_11 : vector<16xf32>
      %mul3A_372 = arith.mulf %sub3A_371, %sub3A_371 : vector<16xf32>
      %add3A_373 = arith.addf %add3A_349, %mul3A_372 : vector<16xf32>
      %get3A_374 = arith.index_cast %scan3A_335 : i32 to index
      %get3A_375 = arith.constant 80 : index
      %get3A_376 = tpu.vector_load %arg7[%get3A_374, %get3A_375] {strides = array<i32>} : memref<128x256xf32, #tpu.memory_space<vmem>>, vector<16xf32>,
      %sub3A_377 = arith.subf %get3A_376, %get3A_13 : vector<16xf32>
      %mul3A_378 = arith.mulf %sub3A_377, %sub3A_377 : vector<16xf32>
      %add3A_379 = arith.addf %add3A_355, %mul3A_378 : vector<16xf32>
      %get3A_380 = arith.index_cast %scan3A_335 : i32 to index
      %get3A_381 = arith.constant 96 : index
      %get3A_382 = tpu.vector_load %arg7[%get3A_380, %get3A_381] {strides = array<i32>} : memref<128x256xf32, #tpu.memory_space<vmem>>, vector<16xf32>,
      %sub3A_383 = arith.subf %get3A_382, %get3A_15 : vector<16xf32>
      %mul3A_384 = arith.mulf %sub3A_383, %sub3A_383 : vector<16xf32>
      %add3A_385 = arith.addf %add3A_361, %mul3A_384 : vector<16xf32>
      %get3A_386 = arith.index_cast %scan3A_335 : i32 to index
      %get3A_387 = arith.constant 112 : index
      %get3A_388 = tpu.vector_load %arg7[%get3A_386, %get3A_387] {strides = array<i32>} : memref<128x256xf32, #tpu.memory_space<vmem>>, vector<16xf32>,
      %sub3A_389 = arith.subf %get3A_388, %get3A_17 : vector<16xf32>
      %mul3A_390 = arith.mulf %sub3A_389, %sub3A_389 : vector<16xf32>
      %add3A_391 = arith.addf %add3A_367, %mul3A_390 : vector<16xf32>
      %get3A_392 = arith.index_cast %scan3A_335 : i32 to index
      %get3A_393 = arith.constant 128 : index
      %get3A_394 = tpu.vector_load %arg7[%get3A_392, %get3A_393] {strides = array<i32>} : memref<128x256xf32, #tpu.memory_space<vmem>>, vector<16xf32>,
      %sub3A_395 = arith.subf %get3A_394, %get3A_19 : vector<16xf32>
      %mul3A_396 = arith.mulf %sub3A_395, %sub3A_395 : vector<16xf32>
      %add3A_397 = arith.addf %add3A_373, %mul3A_396 : vector<16xf32>
      %get3A_398 = arith.index_cast %scan3A_335 : i32 to index
      %get3A_399 = arith.constant 144 : index
      %get3A_400 = tpu.vector_load %arg7[%get3A_398, %get3A_399] {strides = array<i32>} : memref<128x256xf32, #tpu.memory_space<vmem>>, vector<16xf32>,
      %sub3A_401 = arith.subf %get3A_400, %get3A_21 : vector<16xf32>
      %mul3A_402 = arith.mulf %sub3A_401, %sub3A_401 : vector<16xf32>
      %add3A_403 = arith.addf %add3A_379, %mul3A_402 : vector<16xf32>
      %get3A_404 = arith.index_cast %scan3A_335 : i32 to index
      %get3A_405 = arith.constant 160 : index
      %get3A_406 = tpu.vector_load %arg7[%get3A_404, %get3A_405] {strides = array<i32>} : memref<128x256xf32, #tpu.memory_space<vmem>>, vector<16xf32>,
      %sub3A_407 = arith.subf %get3A_406, %get3A_23 : vector<16xf32>
      %mul3A_408 = arith.mulf %sub3A_407, %sub3A_407 : vector<16xf32>
      %add3A_409 = arith.addf %add3A_385, %mul3A_408 : vector<16xf32>
      %get3A_410 = arith.index_cast %scan3A_335 : i32 to index
      %get3A_411 = arith.constant 176 : index
      %get3A_412 = tpu.vector_load %arg7[%get3A_410, %get3A_411] {strides = array<i32>} : memref<128x256xf32, #tpu.memory_space<vmem>>, vector<16xf32>,
      %sub3A_413 = arith.subf %get3A_412, %get3A_25 : vector<16xf32>
      %mul3A_414 = arith.mulf %sub3A_413, %sub3A_413 : vector<16xf32>
      %add3A_415 = arith.addf %add3A_391, %mul3A_414 : vector<16xf32>
      %get3A_416 = arith.index_cast %scan3A_335 : i32 to index
      %get3A_417 = arith.constant 192 : index
      %get3A_418 = tpu.vector_load %arg7[%get3A_416, %get3A_417] {strides = array<i32>} : memref<128x256xf32, #tpu.memory_space<vmem>>, vector<16xf32>,
      %sub3A_419 = arith.subf %get3A_418, %get3A_27 : vector<16xf32>
      %mul3A_420 = arith.mulf %sub3A_419, %sub3A_419 : vector<16xf32>
      %add3A_421 = arith.addf %add3A_397, %mul3A_420 : vector<16xf32>
      %get3A_422 = arith.index_cast %scan3A_335 : i32 to index
      %get3A_423 = arith.constant 208 : index
      %get3A_424 = tpu.vector_load %arg7[%get3A_422, %get3A_423] {strides = array<i32>} : memref<128x256xf32, #tpu.memory_space<vmem>>, vector<16xf32>,
      %sub3A_425 = arith.subf %get3A_424, %get3A_29 : vector<16xf32>
      %mul3A_426 = arith.mulf %sub3A_425, %sub3A_425 : vector<16xf32>
      %add3A_427 = arith.addf %add3A_403, %mul3A_426 : vector<16xf32>
      %get3A_428 = arith.index_cast %scan3A_335 : i32 to index
      %get3A_429 = arith.constant 224 : index
      %get3A_430 = tpu.vector_load %arg7[%get3A_428, %get3A_429] {strides = array<i32>} : memref<128x256xf32, #tpu.memory_space<vmem>>, vector<16xf32>,
      %sub3A_431 = arith.subf %get3A_430, %get3A_31 : vector<16xf32>
      %mul3A_432 = arith.mulf %sub3A_431, %sub3A_431 : vector<16xf32>
      %add3A_433 = arith.addf %add3A_409, %mul3A_432 : vector<16xf32>
      %get3A_434 = arith.index_cast %scan3A_335 : i32 to index
      %get3A_435 = arith.constant 240 : index
      %get3A_436 = tpu.vector_load %arg7[%get3A_434, %get3A_435] {strides = array<i32>} : memref<128x256xf32, #tpu.memory_space<vmem>>, vector<16xf32>,
      %sub3A_437 = arith.subf %get3A_436, %get3A_33 : vector<16xf32>
      %mul3A_438 = arith.mulf %sub3A_437, %sub3A_437 : vector<16xf32>
      %add3A_439 = arith.addf %add3A_415, %mul3A_438 : vector<16xf32>
      %add3A_440 = arith.addf %add3A_421, %add3A_427 : vector<16xf32>
      %add3A_441 = arith.addf %add3A_433, %add3A_439 : vector<16xf32>
      %add3A_442 = arith.addf %add3A_440, %add3A_441 : vector<16xf32>
      %broadcast_in_dim3A_443 = arith.constant true
      %broadcast_in_dim3A_444 = vector.broadcast %broadcast_in_dim3A_443 : i1 to vector<16xi1>
      %masked_cumsum3A_445 = tpu.scan <sum>, %add3A_442 masked %broadcast_in_dim3A_444 : vector<16xf32>, vector<16xi1> -> vector<16xf32>
      %slice3A_446 = vector.extract_strided_slice %masked_cumsum3A_445 {offsets = [15], sizes = [1], strides = [1]} : vector<16xf32> to vector<1xf32>
      %squeeze3A_447 = vector.extract %slice3A_446[0] : f32 from vector<1xf32>
      %lt3A_448 = arith.cmpf olt, %squeeze3A_447, %select_n3A_332 : f32
      %add3A_449 = arith.constant 0 : i32
      %add3A_450 = arith.addi %mul3A_2, %add3A_449 : i32
      %add3A_451 = arith.addi %add3A_450, %scan3A_335 : i32
      %select_n3A_452 = arith.select %lt3A_448, %squeeze3A_447, %select_n3A_332 : f32
      %select_n3A_453 = arith.select %lt3A_448, %add3A_451, %select_n3A_333 : i32
      %scan3A_454 = arith.constant 3 : i32
      %scan3A_455 = arith.addi %scan3A_99, %scan3A_454 : i32
      %broadcast_in_dim3A_456 = arith.constant 0.000000e+00 : f32
      %broadcast_in_dim3A_457 = vector.broadcast %broadcast_in_dim3A_456 : f32 to vector<16xf32>
      %broadcast_in_dim3A_458 = arith.constant 0.000000e+00 : f32
      %broadcast_in_dim3A_459 = vector.broadcast %broadcast_in_dim3A_458 : f32 to vector<16xf32>
      %broadcast_in_dim3A_460 = arith.constant 0.000000e+00 : f32
      %broadcast_in_dim3A_461 = vector.broadcast %broadcast_in_dim3A_460 : f32 to vector<16xf32>
      %broadcast_in_dim3A_462 = arith.constant 0.000000e+00 : f32
      %broadcast_in_dim3A_463 = vector.broadcast %broadcast_in_dim3A_462 : f32 to vector<16xf32>
      %get3A_464 = arith.index_cast %scan3A_455 : i32 to index
      %get3A_465 = arith.constant 0 : index
      %get3A_466 = tpu.vector_load %arg7[%get3A_464, %get3A_465] {strides = array<i32>} : memref<128x256xf32, #tpu.memory_space<vmem>>, vector<16xf32>,
      %sub3A_467 = arith.subf %get3A_466, %get3A_3 : vector<16xf32>
      %mul3A_468 = arith.mulf %sub3A_467, %sub3A_467 : vector<16xf32>
      %add3A_469 = arith.addf %broadcast_in_dim3A_457, %mul3A_468 : vector<16xf32>
      %get3A_470 = arith.index_cast %scan3A_455 : i32 to index
      %get3A_471 = arith.constant 16 : index
      %get3A_472 = tpu.vector_load %arg7[%get3A_470, %get3A_471] {strides = array<i32>} : memref<128x256xf32, #tpu.memory_space<vmem>>, vector<16xf32>,
      %sub3A_473 = arith.subf %get3A_472, %get3A_5 : vector<16xf32>
      %mul3A_474 = arith.mulf %sub3A_473, %sub3A_473 : vector<16xf32>
      %add3A_475 = arith.addf %broadcast_in_dim3A_459, %mul3A_474 : vector<16xf32>
      %get3A_476 = arith.index_cast %scan3A_455 : i32 to index
      %get3A_477 = arith.constant 32 : index
      %get3A_478 = tpu.vector_load %arg7[%get3A_476, %get3A_477] {strides = array<i32>} : memref<128x256xf32, #tpu.memory_space<vmem>>, vector<16xf32>,
      %sub3A_479 = arith.subf %get3A_478, %get3A_7 : vector<16xf32>
      %mul3A_480 = arith.mulf %sub3A_479, %sub3A_479 : vector<16xf32>
      %add3A_481 = arith.addf %broadcast_in_dim3A_461, %mul3A_480 : vector<16xf32>
      %get3A_482 = arith.index_cast %scan3A_455 : i32 to index
      %get3A_483 = arith.constant 48 : index
      %get3A_484 = tpu.vector_load %arg7[%get3A_482, %get3A_483] {strides = array<i32>} : memref<128x256xf32, #tpu.memory_space<vmem>>, vector<16xf32>,
      %sub3A_485 = arith.subf %get3A_484, %get3A_9 : vector<16xf32>
      %mul3A_486 = arith.mulf %sub3A_485, %sub3A_485 : vector<16xf32>
      %add3A_487 = arith.addf %broadcast_in_dim3A_463, %mul3A_486 : vector<16xf32>
      %get3A_488 = arith.index_cast %scan3A_455 : i32 to index
      %get3A_489 = arith.constant 64 : index
      %get3A_490 = tpu.vector_load %arg7[%get3A_488, %get3A_489] {strides = array<i32>} : memref<128x256xf32, #tpu.memory_space<vmem>>, vector<16xf32>,
      %sub3A_491 = arith.subf %get3A_490, %get3A_11 : vector<16xf32>
      %mul3A_492 = arith.mulf %sub3A_491, %sub3A_491 : vector<16xf32>
      %add3A_493 = arith.addf %add3A_469, %mul3A_492 : vector<16xf32>
      %get3A_494 = arith.index_cast %scan3A_455 : i32 to index
      %get3A_495 = arith.constant 80 : index
      %get3A_496 = tpu.vector_load %arg7[%get3A_494, %get3A_495] {strides = array<i32>} : memref<128x256xf32, #tpu.memory_space<vmem>>, vector<16xf32>,
      %sub3A_497 = arith.subf %get3A_496, %get3A_13 : vector<16xf32>
      %mul3A_498 = arith.mulf %sub3A_497, %sub3A_497 : vector<16xf32>
      %add3A_499 = arith.addf %add3A_475, %mul3A_498 : vector<16xf32>
      %get3A_500 = arith.index_cast %scan3A_455 : i32 to index
      %get3A_501 = arith.constant 96 : index
      %get3A_502 = tpu.vector_load %arg7[%get3A_500, %get3A_501] {strides = array<i32>} : memref<128x256xf32, #tpu.memory_space<vmem>>, vector<16xf32>,
      %sub3A_503 = arith.subf %get3A_502, %get3A_15 : vector<16xf32>
      %mul3A_504 = arith.mulf %sub3A_503, %sub3A_503 : vector<16xf32>
      %add3A_505 = arith.addf %add3A_481, %mul3A_504 : vector<16xf32>
      %get3A_506 = arith.index_cast %scan3A_455 : i32 to index
      %get3A_507 = arith.constant 112 : index
      %get3A_508 = tpu.vector_load %arg7[%get3A_506, %get3A_507] {strides = array<i32>} : memref<128x256xf32, #tpu.memory_space<vmem>>, vector<16xf32>,
      %sub3A_509 = arith.subf %get3A_508, %get3A_17 : vector<16xf32>
      %mul3A_510 = arith.mulf %sub3A_509, %sub3A_509 : vector<16xf32>
      %add3A_511 = arith.addf %add3A_487, %mul3A_510 : vector<16xf32>
      %get3A_512 = arith.index_cast %scan3A_455 : i32 to index
      %get3A_513 = arith.constant 128 : index
      %get3A_514 = tpu.vector_load %arg7[%get3A_512, %get3A_513] {strides = array<i32>} : memref<128x256xf32, #tpu.memory_space<vmem>>, vector<16xf32>,
      %sub3A_515 = arith.subf %get3A_514, %get3A_19 : vector<16xf32>
      %mul3A_516 = arith.mulf %sub3A_515, %sub3A_515 : vector<16xf32>
      %add3A_517 = arith.addf %add3A_493, %mul3A_516 : vector<16xf32>
      %get3A_518 = arith.index_cast %scan3A_455 : i32 to index
      %get3A_519 = arith.constant 144 : index
      %get3A_520 = tpu.vector_load %arg7[%get3A_518, %get3A_519] {strides = array<i32>} : memref<128x256xf32, #tpu.memory_space<vmem>>, vector<16xf32>,
      %sub3A_521 = arith.subf %get3A_520, %get3A_21 : vector<16xf32>
      %mul3A_522 = arith.mulf %sub3A_521, %sub3A_521 : vector<16xf32>
      %add3A_523 = arith.addf %add3A_499, %mul3A_522 : vector<16xf32>
      %get3A_524 = arith.index_cast %scan3A_455 : i32 to index
      %get3A_525 = arith.constant 160 : index
      %get3A_526 = tpu.vector_load %arg7[%get3A_524, %get3A_525] {strides = array<i32>} : memref<128x256xf32, #tpu.memory_space<vmem>>, vector<16xf32>,
      %sub3A_527 = arith.subf %get3A_526, %get3A_23 : vector<16xf32>
      %mul3A_528 = arith.mulf %sub3A_527, %sub3A_527 : vector<16xf32>
      %add3A_529 = arith.addf %add3A_505, %mul3A_528 : vector<16xf32>
      %get3A_530 = arith.index_cast %scan3A_455 : i32 to index
      %get3A_531 = arith.constant 176 : index
      %get3A_532 = tpu.vector_load %arg7[%get3A_530, %get3A_531] {strides = array<i32>} : memref<128x256xf32, #tpu.memory_space<vmem>>, vector<16xf32>,
      %sub3A_533 = arith.subf %get3A_532, %get3A_25 : vector<16xf32>
      %mul3A_534 = arith.mulf %sub3A_533, %sub3A_533 : vector<16xf32>
      %add3A_535 = arith.addf %add3A_511, %mul3A_534 : vector<16xf32>
      %get3A_536 = arith.index_cast %scan3A_455 : i32 to index
      %get3A_537 = arith.constant 192 : index
      %get3A_538 = tpu.vector_load %arg7[%get3A_536, %get3A_537] {strides = array<i32>} : memref<128x256xf32, #tpu.memory_space<vmem>>, vector<16xf32>,
      %sub3A_539 = arith.subf %get3A_538, %get3A_27 : vector<16xf32>
      %mul3A_540 = arith.mulf %sub3A_539, %sub3A_539 : vector<16xf32>
      %add3A_541 = arith.addf %add3A_517, %mul3A_540 : vector<16xf32>
      %get3A_542 = arith.index_cast %scan3A_455 : i32 to index
      %get3A_543 = arith.constant 208 : index
      %get3A_544 = tpu.vector_load %arg7[%get3A_542, %get3A_543] {strides = array<i32>} : memref<128x256xf32, #tpu.memory_space<vmem>>, vector<16xf32>,
      %sub3A_545 = arith.subf %get3A_544, %get3A_29 : vector<16xf32>
      %mul3A_546 = arith.mulf %sub3A_545, %sub3A_545 : vector<16xf32>
      %add3A_547 = arith.addf %add3A_523, %mul3A_546 : vector<16xf32>
      %get3A_548 = arith.index_cast %scan3A_455 : i32 to index
      %get3A_549 = arith.constant 224 : index
      %get3A_550 = tpu.vector_load %arg7[%get3A_548, %get3A_549] {strides = array<i32>} : memref<128x256xf32, #tpu.memory_space<vmem>>, vector<16xf32>,
      %sub3A_551 = arith.subf %get3A_550, %get3A_31 : vector<16xf32>
      %mul3A_552 = arith.mulf %sub3A_551, %sub3A_551 : vector<16xf32>
      %add3A_553 = arith.addf %add3A_529, %mul3A_552 : vector<16xf32>
      %get3A_554 = arith.index_cast %scan3A_455 : i32 to index
      %get3A_555 = arith.constant 240 : index
      %get3A_556 = tpu.vector_load %arg7[%get3A_554, %get3A_555] {strides = array<i32>} : memref<128x256xf32, #tpu.memory_space<vmem>>, vector<16xf32>,
      %sub3A_557 = arith.subf %get3A_556, %get3A_33 : vector<16xf32>
      %mul3A_558 = arith.mulf %sub3A_557, %sub3A_557 : vector<16xf32>
      %add3A_559 = arith.addf %add3A_535, %mul3A_558 : vector<16xf32>
      %add3A_560 = arith.addf %add3A_541, %add3A_547 : vector<16xf32>
      %add3A_561 = arith.addf %add3A_553, %add3A_559 : vector<16xf32>
      %add3A_562 = arith.addf %add3A_560, %add3A_561 : vector<16xf32>
      %broadcast_in_dim3A_563 = arith.constant true
      %broadcast_in_dim3A_564 = vector.broadcast %broadcast_in_dim3A_563 : i1 to vector<16xi1>
      %masked_cumsum3A_565 = tpu.scan <sum>, %add3A_562 masked %broadcast_in_dim3A_564 : vector<16xf32>, vector<16xi1> -> vector<16xf32>
      %slice3A_566 = vector.extract_strided_slice %masked_cumsum3A_565 {offsets = [15], sizes = [1], strides = [1]} : vector<16xf32> to vector<1xf32>
      %squeeze3A_567 = vector.extract %slice3A_566[0] : f32 from vector<1xf32>
      %lt3A_568 = arith.cmpf olt, %squeeze3A_567, %select_n3A_452 : f32
      %add3A_569 = arith.constant 0 : i32
      %add3A_570 = arith.addi %mul3A_2, %add3A_569 : i32
      %add3A_571 = arith.addi %add3A_570, %scan3A_455 : i32
      %select_n3A_572 = arith.select %lt3A_568, %squeeze3A_567, %select_n3A_452 : f32
      %select_n3A_573 = arith.select %lt3A_568, %add3A_571, %select_n3A_453 : i32
      scf.yield %select_n3A_572, %select_n3A_573 : f32, i32
    }
    %scan3A_52 = arith.constant 128 : i32
    %add3A_53 = arith.constant 256 : i32
    %add3A_54 = arith.addi %mul3A_2, %add3A_53 : i32
    %dma_start3A_55 = arith.constant 0 : i32
    %dma_start3A_56 = tpu.memref_slice %arg2[%add3A_54, %dma_start3A_55] : memref<16384x256xf32, #tpu.memory_space<hbm>> -> memref<128x256xf32, #tpu.memory_space<hbm>>
    %dma_start3A_57 = arith.constant 0 : i32
    %dma_start3A_58 = tpu.memref_slice %arg2[%add3A_54, %dma_start3A_57] : memref<16384x256xf32, #tpu.memory_space<hbm>> -> memref<128x256xf32, #tpu.memory_space<hbm>>
    tpu.enqueue_dma source(%dma_start3A_58 : memref<128x256xf32, #tpu.memory_space<hbm>>) target(%arg7 : memref<128x256xf32, #tpu.memory_space<vmem>>) target_semaphore(%arg11 : memref<!tpu.dma_semaphore, #tpu.memory_space<semaphore_mem>>)
    %dma_wait3A_59 = arith.constant 0 : i32
    %dma_wait3A_60 = tpu.memref_slice %arg2[%add3A_38, %dma_wait3A_59] : memref<16384x256xf32, #tpu.memory_space<hbm>> -> memref<128x256xf32, #tpu.memory_space<hbm>>
    %dma_wait3A_61 = arith.constant 0 : i32
    %dma_wait3A_62 = tpu.memref_slice %arg2[%add3A_38, %dma_wait3A_61] : memref<16384x256xf32, #tpu.memory_space<hbm>> -> memref<128x256xf32, #tpu.memory_space<hbm>>
    tpu.wait_dma2 semaphore(%arg12 : memref<!tpu.dma_semaphore, #tpu.memory_space<semaphore_mem>>) src(%dma_wait3A_62 : memref<128x256xf32, #tpu.memory_space<hbm>>) dst(%arg8 : memref<128x256xf32, #tpu.memory_space<vmem>>)
    %scan3A_63 = arith.constant 0 : i32
    %scan3A_64 = arith.constant 128 : i32
    %scan3A_65 = arith.addi %scan3A_63, %scan3A_64 : i32
    %scan3A_66 = arith.constant 4 : i32
    %scan3A_67:2 = scf.for %scan3A_99 = %scan3A_63 to %scan3A_65 step %scan3A_66 iter_args(%scan3A_100 = %scan3A_51#0, %scan3A_101 = %scan3A_51#1) -> (f32, i32)  : i32 {
      %broadcast_in_dim3A_102 = arith.constant 0.000000e+00 : f32
      %broadcast_in_dim3A_103 = vector.broadcast %broadcast_in_dim3A_102 : f32 to vector<16xf32>
      %broadcast_in_dim3A_104 = arith.constant 0.000000e+00 : f32
      %broadcast_in_dim3A_105 = vector.broadcast %broadcast_in_dim3A_104 : f32 to vector<16xf32>
      %broadcast_in_dim3A_106 = arith.constant 0.000000e+00 : f32
      %broadcast_in_dim3A_107 = vector.broadcast %broadcast_in_dim3A_106 : f32 to vector<16xf32>
      %broadcast_in_dim3A_108 = arith.constant 0.000000e+00 : f32
      %broadcast_in_dim3A_109 = vector.broadcast %broadcast_in_dim3A_108 : f32 to vector<16xf32>
      %get3A_110 = arith.index_cast %scan3A_99 : i32 to index
      %get3A_111 = arith.constant 0 : index
      %get3A_112 = tpu.vector_load %arg8[%get3A_110, %get3A_111] {strides = array<i32>} : memref<128x256xf32, #tpu.memory_space<vmem>>, vector<16xf32>,
      %sub3A = arith.subf %get3A_112, %get3A_3 : vector<16xf32>
      %mul3A_113 = arith.mulf %sub3A, %sub3A : vector<16xf32>
      %add3A_114 = arith.addf %broadcast_in_dim3A_103, %mul3A_113 : vector<16xf32>
      %get3A_115 = arith.index_cast %scan3A_99 : i32 to index
      %get3A_116 = arith.constant 16 : index
      %get3A_117 = tpu.vector_load %arg8[%get3A_115, %get3A_116] {strides = array<i32>} : memref<128x256xf32, #tpu.memory_space<vmem>>, vector<16xf32>,
      %sub3A_118 = arith.subf %get3A_117, %get3A_5 : vector<16xf32>
      %mul3A_119 = arith.mulf %sub3A_118, %sub3A_118 : vector<16xf32>
      %add3A_120 = arith.addf %broadcast_in_dim3A_105, %mul3A_119 : vector<16xf32>
      %get3A_121 = arith.index_cast %scan3A_99 : i32 to index
      %get3A_122 = arith.constant 32 : index
      %get3A_123 = tpu.vector_load %arg8[%get3A_121, %get3A_122] {strides = array<i32>} : memref<128x256xf32, #tpu.memory_space<vmem>>, vector<16xf32>,
      %sub3A_124 = arith.subf %get3A_123, %get3A_7 : vector<16xf32>
      %mul3A_125 = arith.mulf %sub3A_124, %sub3A_124 : vector<16xf32>
      %add3A_126 = arith.addf %broadcast_in_dim3A_107, %mul3A_125 : vector<16xf32>
      %get3A_127 = arith.index_cast %scan3A_99 : i32 to index
      %get3A_128 = arith.constant 48 : index
      %get3A_129 = tpu.vector_load %arg8[%get3A_127, %get3A_128] {strides = array<i32>} : memref<128x256xf32, #tpu.memory_space<vmem>>, vector<16xf32>,
      %sub3A_130 = arith.subf %get3A_129, %get3A_9 : vector<16xf32>
      %mul3A_131 = arith.mulf %sub3A_130, %sub3A_130 : vector<16xf32>
      %add3A_132 = arith.addf %broadcast_in_dim3A_109, %mul3A_131 : vector<16xf32>
      %get3A_133 = arith.index_cast %scan3A_99 : i32 to index
      %get3A_134 = arith.constant 64 : index
      %get3A_135 = tpu.vector_load %arg8[%get3A_133, %get3A_134] {strides = array<i32>} : memref<128x256xf32, #tpu.memory_space<vmem>>, vector<16xf32>,
      %sub3A_136 = arith.subf %get3A_135, %get3A_11 : vector<16xf32>
      %mul3A_137 = arith.mulf %sub3A_136, %sub3A_136 : vector<16xf32>
      %add3A_138 = arith.addf %add3A_114, %mul3A_137 : vector<16xf32>
      %get3A_139 = arith.index_cast %scan3A_99 : i32 to index
      %get3A_140 = arith.constant 80 : index
      %get3A_141 = tpu.vector_load %arg8[%get3A_139, %get3A_140] {strides = array<i32>} : memref<128x256xf32, #tpu.memory_space<vmem>>, vector<16xf32>,
      %sub3A_142 = arith.subf %get3A_141, %get3A_13 : vector<16xf32>
      %mul3A_143 = arith.mulf %sub3A_142, %sub3A_142 : vector<16xf32>
      %add3A_144 = arith.addf %add3A_120, %mul3A_143 : vector<16xf32>
      %get3A_145 = arith.index_cast %scan3A_99 : i32 to index
      %get3A_146 = arith.constant 96 : index
      %get3A_147 = tpu.vector_load %arg8[%get3A_145, %get3A_146] {strides = array<i32>} : memref<128x256xf32, #tpu.memory_space<vmem>>, vector<16xf32>,
      %sub3A_148 = arith.subf %get3A_147, %get3A_15 : vector<16xf32>
      %mul3A_149 = arith.mulf %sub3A_148, %sub3A_148 : vector<16xf32>
      %add3A_150 = arith.addf %add3A_126, %mul3A_149 : vector<16xf32>
      %get3A_151 = arith.index_cast %scan3A_99 : i32 to index
      %get3A_152 = arith.constant 112 : index
      %get3A_153 = tpu.vector_load %arg8[%get3A_151, %get3A_152] {strides = array<i32>} : memref<128x256xf32, #tpu.memory_space<vmem>>, vector<16xf32>,
      %sub3A_154 = arith.subf %get3A_153, %get3A_17 : vector<16xf32>
      %mul3A_155 = arith.mulf %sub3A_154, %sub3A_154 : vector<16xf32>
      %add3A_156 = arith.addf %add3A_132, %mul3A_155 : vector<16xf32>
      %get3A_157 = arith.index_cast %scan3A_99 : i32 to index
      %get3A_158 = arith.constant 128 : index
      %get3A_159 = tpu.vector_load %arg8[%get3A_157, %get3A_158] {strides = array<i32>} : memref<128x256xf32, #tpu.memory_space<vmem>>, vector<16xf32>,
      %sub3A_160 = arith.subf %get3A_159, %get3A_19 : vector<16xf32>
      %mul3A_161 = arith.mulf %sub3A_160, %sub3A_160 : vector<16xf32>
      %add3A_162 = arith.addf %add3A_138, %mul3A_161 : vector<16xf32>
      %get3A_163 = arith.index_cast %scan3A_99 : i32 to index
      %get3A_164 = arith.constant 144 : index
      %get3A_165 = tpu.vector_load %arg8[%get3A_163, %get3A_164] {strides = array<i32>} : memref<128x256xf32, #tpu.memory_space<vmem>>, vector<16xf32>,
      %sub3A_166 = arith.subf %get3A_165, %get3A_21 : vector<16xf32>
      %mul3A_167 = arith.mulf %sub3A_166, %sub3A_166 : vector<16xf32>
      %add3A_168 = arith.addf %add3A_144, %mul3A_167 : vector<16xf32>
      %get3A_169 = arith.index_cast %scan3A_99 : i32 to index
      %get3A_170 = arith.constant 160 : index
      %get3A_171 = tpu.vector_load %arg8[%get3A_169, %get3A_170] {strides = array<i32>} : memref<128x256xf32, #tpu.memory_space<vmem>>, vector<16xf32>,
      %sub3A_172 = arith.subf %get3A_171, %get3A_23 : vector<16xf32>
      %mul3A_173 = arith.mulf %sub3A_172, %sub3A_172 : vector<16xf32>
      %add3A_174 = arith.addf %add3A_150, %mul3A_173 : vector<16xf32>
      %get3A_175 = arith.index_cast %scan3A_99 : i32 to index
      %get3A_176 = arith.constant 176 : index
      %get3A_177 = tpu.vector_load %arg8[%get3A_175, %get3A_176] {strides = array<i32>} : memref<128x256xf32, #tpu.memory_space<vmem>>, vector<16xf32>,
      %sub3A_178 = arith.subf %get3A_177, %get3A_25 : vector<16xf32>
      %mul3A_179 = arith.mulf %sub3A_178, %sub3A_178 : vector<16xf32>
      %add3A_180 = arith.addf %add3A_156, %mul3A_179 : vector<16xf32>
      %get3A_181 = arith.index_cast %scan3A_99 : i32 to index
      %get3A_182 = arith.constant 192 : index
      %get3A_183 = tpu.vector_load %arg8[%get3A_181, %get3A_182] {strides = array<i32>} : memref<128x256xf32, #tpu.memory_space<vmem>>, vector<16xf32>,
      %sub3A_184 = arith.subf %get3A_183, %get3A_27 : vector<16xf32>
      %mul3A_185 = arith.mulf %sub3A_184, %sub3A_184 : vector<16xf32>
      %add3A_186 = arith.addf %add3A_162, %mul3A_185 : vector<16xf32>
      %get3A_187 = arith.index_cast %scan3A_99 : i32 to index
      %get3A_188 = arith.constant 208 : index
      %get3A_189 = tpu.vector_load %arg8[%get3A_187, %get3A_188] {strides = array<i32>} : memref<128x256xf32, #tpu.memory_space<vmem>>, vector<16xf32>,
      %sub3A_190 = arith.subf %get3A_189, %get3A_29 : vector<16xf32>
      %mul3A_191 = arith.mulf %sub3A_190, %sub3A_190 : vector<16xf32>
      %add3A_192 = arith.addf %add3A_168, %mul3A_191 : vector<16xf32>
      %get3A_193 = arith.index_cast %scan3A_99 : i32 to index
      %get3A_194 = arith.constant 224 : index
      %get3A_195 = tpu.vector_load %arg8[%get3A_193, %get3A_194] {strides = array<i32>} : memref<128x256xf32, #tpu.memory_space<vmem>>, vector<16xf32>,
      %sub3A_196 = arith.subf %get3A_195, %get3A_31 : vector<16xf32>
      %mul3A_197 = arith.mulf %sub3A_196, %sub3A_196 : vector<16xf32>
      %add3A_198 = arith.addf %add3A_174, %mul3A_197 : vector<16xf32>
      %get3A_199 = arith.index_cast %scan3A_99 : i32 to index
      %get3A_200 = arith.constant 240 : index
      %get3A_201 = tpu.vector_load %arg8[%get3A_199, %get3A_200] {strides = array<i32>} : memref<128x256xf32, #tpu.memory_space<vmem>>, vector<16xf32>,
      %sub3A_202 = arith.subf %get3A_201, %get3A_33 : vector<16xf32>
      %mul3A_203 = arith.mulf %sub3A_202, %sub3A_202 : vector<16xf32>
      %add3A_204 = arith.addf %add3A_180, %mul3A_203 : vector<16xf32>
      %add3A_205 = arith.addf %add3A_186, %add3A_192 : vector<16xf32>
      %add3A_206 = arith.addf %add3A_198, %add3A_204 : vector<16xf32>
      %add3A_207 = arith.addf %add3A_205, %add3A_206 : vector<16xf32>
      %broadcast_in_dim3A_208 = arith.constant true
      %broadcast_in_dim3A_209 = vector.broadcast %broadcast_in_dim3A_208 : i1 to vector<16xi1>
      %masked_cumsum3A = tpu.scan <sum>, %add3A_207 masked %broadcast_in_dim3A_209 : vector<16xf32>, vector<16xi1> -> vector<16xf32>
      %slice3A = vector.extract_strided_slice %masked_cumsum3A {offsets = [15], sizes = [1], strides = [1]} : vector<16xf32> to vector<1xf32>
      %squeeze3A = vector.extract %slice3A[0] : f32 from vector<1xf32>
      %lt3A = arith.cmpf olt, %squeeze3A, %scan3A_100 : f32
      %add3A_210 = arith.constant 128 : i32
      %add3A_211 = arith.addi %mul3A_2, %add3A_210 : i32
      %add3A_212 = arith.addi %add3A_211, %scan3A_99 : i32
      %select_n3A = arith.select %lt3A, %squeeze3A, %scan3A_100 : f32
      %select_n3A_213 = arith.select %lt3A, %add3A_212, %scan3A_101 : i32
      %scan3A_214 = arith.constant 1 : i32
      %scan3A_215 = arith.addi %scan3A_99, %scan3A_214 : i32
      %broadcast_in_dim3A_216 = arith.constant 0.000000e+00 : f32
      %broadcast_in_dim3A_217 = vector.broadcast %broadcast_in_dim3A_216 : f32 to vector<16xf32>
      %broadcast_in_dim3A_218 = arith.constant 0.000000e+00 : f32
      %broadcast_in_dim3A_219 = vector.broadcast %broadcast_in_dim3A_218 : f32 to vector<16xf32>
      %broadcast_in_dim3A_220 = arith.constant 0.000000e+00 : f32
      %broadcast_in_dim3A_221 = vector.broadcast %broadcast_in_dim3A_220 : f32 to vector<16xf32>
      %broadcast_in_dim3A_222 = arith.constant 0.000000e+00 : f32
      %broadcast_in_dim3A_223 = vector.broadcast %broadcast_in_dim3A_222 : f32 to vector<16xf32>
      %get3A_224 = arith.index_cast %scan3A_215 : i32 to index
      %get3A_225 = arith.constant 0 : index
      %get3A_226 = tpu.vector_load %arg8[%get3A_224, %get3A_225] {strides = array<i32>} : memref<128x256xf32, #tpu.memory_space<vmem>>, vector<16xf32>,
      %sub3A_227 = arith.subf %get3A_226, %get3A_3 : vector<16xf32>
      %mul3A_228 = arith.mulf %sub3A_227, %sub3A_227 : vector<16xf32>
      %add3A_229 = arith.addf %broadcast_in_dim3A_217, %mul3A_228 : vector<16xf32>
      %get3A_230 = arith.index_cast %scan3A_215 : i32 to index
      %get3A_231 = arith.constant 16 : index
      %get3A_232 = tpu.vector_load %arg8[%get3A_230, %get3A_231] {strides = array<i32>} : memref<128x256xf32, #tpu.memory_space<vmem>>, vector<16xf32>,
      %sub3A_233 = arith.subf %get3A_232, %get3A_5 : vector<16xf32>
      %mul3A_234 = arith.mulf %sub3A_233, %sub3A_233 : vector<16xf32>
      %add3A_235 = arith.addf %broadcast_in_dim3A_219, %mul3A_234 : vector<16xf32>
      %get3A_236 = arith.index_cast %scan3A_215 : i32 to index
      %get3A_237 = arith.constant 32 : index
      %get3A_238 = tpu.vector_load %arg8[%get3A_236, %get3A_237] {strides = array<i32>} : memref<128x256xf32, #tpu.memory_space<vmem>>, vector<16xf32>,
      %sub3A_239 = arith.subf %get3A_238, %get3A_7 : vector<16xf32>
      %mul3A_240 = arith.mulf %sub3A_239, %sub3A_239 : vector<16xf32>
      %add3A_241 = arith.addf %broadcast_in_dim3A_221, %mul3A_240 : vector<16xf32>
      %get3A_242 = arith.index_cast %scan3A_215 : i32 to index
      %get3A_243 = arith.constant 48 : index
      %get3A_244 = tpu.vector_load %arg8[%get3A_242, %get3A_243] {strides = array<i32>} : memref<128x256xf32, #tpu.memory_space<vmem>>, vector<16xf32>,
      %sub3A_245 = arith.subf %get3A_244, %get3A_9 : vector<16xf32>
      %mul3A_246 = arith.mulf %sub3A_245, %sub3A_245 : vector<16xf32>
      %add3A_247 = arith.addf %broadcast_in_dim3A_223, %mul3A_246 : vector<16xf32>
      %get3A_248 = arith.index_cast %scan3A_215 : i32 to index
      %get3A_249 = arith.constant 64 : index
      %get3A_250 = tpu.vector_load %arg8[%get3A_248, %get3A_249] {strides = array<i32>} : memref<128x256xf32, #tpu.memory_space<vmem>>, vector<16xf32>,
      %sub3A_251 = arith.subf %get3A_250, %get3A_11 : vector<16xf32>
      %mul3A_252 = arith.mulf %sub3A_251, %sub3A_251 : vector<16xf32>
      %add3A_253 = arith.addf %add3A_229, %mul3A_252 : vector<16xf32>
      %get3A_254 = arith.index_cast %scan3A_215 : i32 to index
      %get3A_255 = arith.constant 80 : index
      %get3A_256 = tpu.vector_load %arg8[%get3A_254, %get3A_255] {strides = array<i32>} : memref<128x256xf32, #tpu.memory_space<vmem>>, vector<16xf32>,
      %sub3A_257 = arith.subf %get3A_256, %get3A_13 : vector<16xf32>
      %mul3A_258 = arith.mulf %sub3A_257, %sub3A_257 : vector<16xf32>
      %add3A_259 = arith.addf %add3A_235, %mul3A_258 : vector<16xf32>
      %get3A_260 = arith.index_cast %scan3A_215 : i32 to index
      %get3A_261 = arith.constant 96 : index
      %get3A_262 = tpu.vector_load %arg8[%get3A_260, %get3A_261] {strides = array<i32>} : memref<128x256xf32, #tpu.memory_space<vmem>>, vector<16xf32>,
      %sub3A_263 = arith.subf %get3A_262, %get3A_15 : vector<16xf32>
      %mul3A_264 = arith.mulf %sub3A_263, %sub3A_263 : vector<16xf32>
      %add3A_265 = arith.addf %add3A_241, %mul3A_264 : vector<16xf32>
      %get3A_266 = arith.index_cast %scan3A_215 : i32 to index
      %get3A_267 = arith.constant 112 : index
      %get3A_268 = tpu.vector_load %arg8[%get3A_266, %get3A_267] {strides = array<i32>} : memref<128x256xf32, #tpu.memory_space<vmem>>, vector<16xf32>,
      %sub3A_269 = arith.subf %get3A_268, %get3A_17 : vector<16xf32>
      %mul3A_270 = arith.mulf %sub3A_269, %sub3A_269 : vector<16xf32>
      %add3A_271 = arith.addf %add3A_247, %mul3A_270 : vector<16xf32>
      %get3A_272 = arith.index_cast %scan3A_215 : i32 to index
      %get3A_273 = arith.constant 128 : index
      %get3A_274 = tpu.vector_load %arg8[%get3A_272, %get3A_273] {strides = array<i32>} : memref<128x256xf32, #tpu.memory_space<vmem>>, vector<16xf32>,
      %sub3A_275 = arith.subf %get3A_274, %get3A_19 : vector<16xf32>
      %mul3A_276 = arith.mulf %sub3A_275, %sub3A_275 : vector<16xf32>
      %add3A_277 = arith.addf %add3A_253, %mul3A_276 : vector<16xf32>
      %get3A_278 = arith.index_cast %scan3A_215 : i32 to index
      %get3A_279 = arith.constant 144 : index
      %get3A_280 = tpu.vector_load %arg8[%get3A_278, %get3A_279] {strides = array<i32>} : memref<128x256xf32, #tpu.memory_space<vmem>>, vector<16xf32>,
      %sub3A_281 = arith.subf %get3A_280, %get3A_21 : vector<16xf32>
      %mul3A_282 = arith.mulf %sub3A_281, %sub3A_281 : vector<16xf32>
      %add3A_283 = arith.addf %add3A_259, %mul3A_282 : vector<16xf32>
      %get3A_284 = arith.index_cast %scan3A_215 : i32 to index
      %get3A_285 = arith.constant 160 : index
      %get3A_286 = tpu.vector_load %arg8[%get3A_284, %get3A_285] {strides = array<i32>} : memref<128x256xf32, #tpu.memory_space<vmem>>, vector<16xf32>,
      %sub3A_287 = arith.subf %get3A_286, %get3A_23 : vector<16xf32>
      %mul3A_288 = arith.mulf %sub3A_287, %sub3A_287 : vector<16xf32>
      %add3A_289 = arith.addf %add3A_265, %mul3A_288 : vector<16xf32>
      %get3A_290 = arith.index_cast %scan3A_215 : i32 to index
      %get3A_291 = arith.constant 176 : index
      %get3A_292 = tpu.vector_load %arg8[%get3A_290, %get3A_291] {strides = array<i32>} : memref<128x256xf32, #tpu.memory_space<vmem>>, vector<16xf32>,
      %sub3A_293 = arith.subf %get3A_292, %get3A_25 : vector<16xf32>
      %mul3A_294 = arith.mulf %sub3A_293, %sub3A_293 : vector<16xf32>
      %add3A_295 = arith.addf %add3A_271, %mul3A_294 : vector<16xf32>
      %get3A_296 = arith.index_cast %scan3A_215 : i32 to index
      %get3A_297 = arith.constant 192 : index
      %get3A_298 = tpu.vector_load %arg8[%get3A_296, %get3A_297] {strides = array<i32>} : memref<128x256xf32, #tpu.memory_space<vmem>>, vector<16xf32>,
      %sub3A_299 = arith.subf %get3A_298, %get3A_27 : vector<16xf32>
      %mul3A_300 = arith.mulf %sub3A_299, %sub3A_299 : vector<16xf32>
      %add3A_301 = arith.addf %add3A_277, %mul3A_300 : vector<16xf32>
      %get3A_302 = arith.index_cast %scan3A_215 : i32 to index
      %get3A_303 = arith.constant 208 : index
      %get3A_304 = tpu.vector_load %arg8[%get3A_302, %get3A_303] {strides = array<i32>} : memref<128x256xf32, #tpu.memory_space<vmem>>, vector<16xf32>,
      %sub3A_305 = arith.subf %get3A_304, %get3A_29 : vector<16xf32>
      %mul3A_306 = arith.mulf %sub3A_305, %sub3A_305 : vector<16xf32>
      %add3A_307 = arith.addf %add3A_283, %mul3A_306 : vector<16xf32>
      %get3A_308 = arith.index_cast %scan3A_215 : i32 to index
      %get3A_309 = arith.constant 224 : index
      %get3A_310 = tpu.vector_load %arg8[%get3A_308, %get3A_309] {strides = array<i32>} : memref<128x256xf32, #tpu.memory_space<vmem>>, vector<16xf32>,
      %sub3A_311 = arith.subf %get3A_310, %get3A_31 : vector<16xf32>
      %mul3A_312 = arith.mulf %sub3A_311, %sub3A_311 : vector<16xf32>
      %add3A_313 = arith.addf %add3A_289, %mul3A_312 : vector<16xf32>
      %get3A_314 = arith.index_cast %scan3A_215 : i32 to index
      %get3A_315 = arith.constant 240 : index
      %get3A_316 = tpu.vector_load %arg8[%get3A_314, %get3A_315] {strides = array<i32>} : memref<128x256xf32, #tpu.memory_space<vmem>>, vector<16xf32>,
      %sub3A_317 = arith.subf %get3A_316, %get3A_33 : vector<16xf32>
      %mul3A_318 = arith.mulf %sub3A_317, %sub3A_317 : vector<16xf32>
      %add3A_319 = arith.addf %add3A_295, %mul3A_318 : vector<16xf32>
      %add3A_320 = arith.addf %add3A_301, %add3A_307 : vector<16xf32>
      %add3A_321 = arith.addf %add3A_313, %add3A_319 : vector<16xf32>
      %add3A_322 = arith.addf %add3A_320, %add3A_321 : vector<16xf32>
      %broadcast_in_dim3A_323 = arith.constant true
      %broadcast_in_dim3A_324 = vector.broadcast %broadcast_in_dim3A_323 : i1 to vector<16xi1>
      %masked_cumsum3A_325 = tpu.scan <sum>, %add3A_322 masked %broadcast_in_dim3A_324 : vector<16xf32>, vector<16xi1> -> vector<16xf32>
      %slice3A_326 = vector.extract_strided_slice %masked_cumsum3A_325 {offsets = [15], sizes = [1], strides = [1]} : vector<16xf32> to vector<1xf32>
      %squeeze3A_327 = vector.extract %slice3A_326[0] : f32 from vector<1xf32>
      %lt3A_328 = arith.cmpf olt, %squeeze3A_327, %select_n3A : f32
      %add3A_329 = arith.constant 128 : i32
      %add3A_330 = arith.addi %mul3A_2, %add3A_329 : i32
      %add3A_331 = arith.addi %add3A_330, %scan3A_215 : i32
      %select_n3A_332 = arith.select %lt3A_328, %squeeze3A_327, %select_n3A : f32
      %select_n3A_333 = arith.select %lt3A_328, %add3A_331, %select_n3A_213 : i32
      %scan3A_334 = arith.constant 2 : i32
      %scan3A_335 = arith.addi %scan3A_99, %scan3A_334 : i32
      %broadcast_in_dim3A_336 = arith.constant 0.000000e+00 : f32
      %broadcast_in_dim3A_337 = vector.broadcast %broadcast_in_dim3A_336 : f32 to vector<16xf32>
      %broadcast_in_dim3A_338 = arith.constant 0.000000e+00 : f32
      %broadcast_in_dim3A_339 = vector.broadcast %broadcast_in_dim3A_338 : f32 to vector<16xf32>
      %broadcast_in_dim3A_340 = arith.constant 0.000000e+00 : f32
      %broadcast_in_dim3A_341 = vector.broadcast %broadcast_in_dim3A_340 : f32 to vector<16xf32>
      %broadcast_in_dim3A_342 = arith.constant 0.000000e+00 : f32
      %broadcast_in_dim3A_343 = vector.broadcast %broadcast_in_dim3A_342 : f32 to vector<16xf32>
      %get3A_344 = arith.index_cast %scan3A_335 : i32 to index
      %get3A_345 = arith.constant 0 : index
      %get3A_346 = tpu.vector_load %arg8[%get3A_344, %get3A_345] {strides = array<i32>} : memref<128x256xf32, #tpu.memory_space<vmem>>, vector<16xf32>,
      %sub3A_347 = arith.subf %get3A_346, %get3A_3 : vector<16xf32>
      %mul3A_348 = arith.mulf %sub3A_347, %sub3A_347 : vector<16xf32>
      %add3A_349 = arith.addf %broadcast_in_dim3A_337, %mul3A_348 : vector<16xf32>
      %get3A_350 = arith.index_cast %scan3A_335 : i32 to index
      %get3A_351 = arith.constant 16 : index
      %get3A_352 = tpu.vector_load %arg8[%get3A_350, %get3A_351] {strides = array<i32>} : memref<128x256xf32, #tpu.memory_space<vmem>>, vector<16xf32>,
      %sub3A_353 = arith.subf %get3A_352, %get3A_5 : vector<16xf32>
      %mul3A_354 = arith.mulf %sub3A_353, %sub3A_353 : vector<16xf32>
      %add3A_355 = arith.addf %broadcast_in_dim3A_339, %mul3A_354 : vector<16xf32>
      %get3A_356 = arith.index_cast %scan3A_335 : i32 to index
      %get3A_357 = arith.constant 32 : index
      %get3A_358 = tpu.vector_load %arg8[%get3A_356, %get3A_357] {strides = array<i32>} : memref<128x256xf32, #tpu.memory_space<vmem>>, vector<16xf32>,
      %sub3A_359 = arith.subf %get3A_358, %get3A_7 : vector<16xf32>
      %mul3A_360 = arith.mulf %sub3A_359, %sub3A_359 : vector<16xf32>
      %add3A_361 = arith.addf %broadcast_in_dim3A_341, %mul3A_360 : vector<16xf32>
      %get3A_362 = arith.index_cast %scan3A_335 : i32 to index
      %get3A_363 = arith.constant 48 : index
      %get3A_364 = tpu.vector_load %arg8[%get3A_362, %get3A_363] {strides = array<i32>} : memref<128x256xf32, #tpu.memory_space<vmem>>, vector<16xf32>,
      %sub3A_365 = arith.subf %get3A_364, %get3A_9 : vector<16xf32>
      %mul3A_366 = arith.mulf %sub3A_365, %sub3A_365 : vector<16xf32>
      %add3A_367 = arith.addf %broadcast_in_dim3A_343, %mul3A_366 : vector<16xf32>
      %get3A_368 = arith.index_cast %scan3A_335 : i32 to index
      %get3A_369 = arith.constant 64 : index
      %get3A_370 = tpu.vector_load %arg8[%get3A_368, %get3A_369] {strides = array<i32>} : memref<128x256xf32, #tpu.memory_space<vmem>>, vector<16xf32>,
      %sub3A_371 = arith.subf %get3A_370, %get3A_11 : vector<16xf32>
      %mul3A_372 = arith.mulf %sub3A_371, %sub3A_371 : vector<16xf32>
      %add3A_373 = arith.addf %add3A_349, %mul3A_372 : vector<16xf32>
      %get3A_374 = arith.index_cast %scan3A_335 : i32 to index
      %get3A_375 = arith.constant 80 : index
      %get3A_376 = tpu.vector_load %arg8[%get3A_374, %get3A_375] {strides = array<i32>} : memref<128x256xf32, #tpu.memory_space<vmem>>, vector<16xf32>,
      %sub3A_377 = arith.subf %get3A_376, %get3A_13 : vector<16xf32>
      %mul3A_378 = arith.mulf %sub3A_377, %sub3A_377 : vector<16xf32>
      %add3A_379 = arith.addf %add3A_355, %mul3A_378 : vector<16xf32>
      %get3A_380 = arith.index_cast %scan3A_335 : i32 to index
      %get3A_381 = arith.constant 96 : index
      %get3A_382 = tpu.vector_load %arg8[%get3A_380, %get3A_381] {strides = array<i32>} : memref<128x256xf32, #tpu.memory_space<vmem>>, vector<16xf32>,
      %sub3A_383 = arith.subf %get3A_382, %get3A_15 : vector<16xf32>
      %mul3A_384 = arith.mulf %sub3A_383, %sub3A_383 : vector<16xf32>
      %add3A_385 = arith.addf %add3A_361, %mul3A_384 : vector<16xf32>
      %get3A_386 = arith.index_cast %scan3A_335 : i32 to index
      %get3A_387 = arith.constant 112 : index
      %get3A_388 = tpu.vector_load %arg8[%get3A_386, %get3A_387] {strides = array<i32>} : memref<128x256xf32, #tpu.memory_space<vmem>>, vector<16xf32>,
      %sub3A_389 = arith.subf %get3A_388, %get3A_17 : vector<16xf32>
      %mul3A_390 = arith.mulf %sub3A_389, %sub3A_389 : vector<16xf32>
      %add3A_391 = arith.addf %add3A_367, %mul3A_390 : vector<16xf32>
      %get3A_392 = arith.index_cast %scan3A_335 : i32 to index
      %get3A_393 = arith.constant 128 : index
      %get3A_394 = tpu.vector_load %arg8[%get3A_392, %get3A_393] {strides = array<i32>} : memref<128x256xf32, #tpu.memory_space<vmem>>, vector<16xf32>,
      %sub3A_395 = arith.subf %get3A_394, %get3A_19 : vector<16xf32>
      %mul3A_396 = arith.mulf %sub3A_395, %sub3A_395 : vector<16xf32>
      %add3A_397 = arith.addf %add3A_373, %mul3A_396 : vector<16xf32>
      %get3A_398 = arith.index_cast %scan3A_335 : i32 to index
      %get3A_399 = arith.constant 144 : index
      %get3A_400 = tpu.vector_load %arg8[%get3A_398, %get3A_399] {strides = array<i32>} : memref<128x256xf32, #tpu.memory_space<vmem>>, vector<16xf32>,
      %sub3A_401 = arith.subf %get3A_400, %get3A_21 : vector<16xf32>
      %mul3A_402 = arith.mulf %sub3A_401, %sub3A_401 : vector<16xf32>
      %add3A_403 = arith.addf %add3A_379, %mul3A_402 : vector<16xf32>
      %get3A_404 = arith.index_cast %scan3A_335 : i32 to index
      %get3A_405 = arith.constant 160 : index
      %get3A_406 = tpu.vector_load %arg8[%get3A_404, %get3A_405] {strides = array<i32>} : memref<128x256xf32, #tpu.memory_space<vmem>>, vector<16xf32>,
      %sub3A_407 = arith.subf %get3A_406, %get3A_23 : vector<16xf32>
      %mul3A_408 = arith.mulf %sub3A_407, %sub3A_407 : vector<16xf32>
      %add3A_409 = arith.addf %add3A_385, %mul3A_408 : vector<16xf32>
      %get3A_410 = arith.index_cast %scan3A_335 : i32 to index
      %get3A_411 = arith.constant 176 : index
      %get3A_412 = tpu.vector_load %arg8[%get3A_410, %get3A_411] {strides = array<i32>} : memref<128x256xf32, #tpu.memory_space<vmem>>, vector<16xf32>,
      %sub3A_413 = arith.subf %get3A_412, %get3A_25 : vector<16xf32>
      %mul3A_414 = arith.mulf %sub3A_413, %sub3A_413 : vector<16xf32>
      %add3A_415 = arith.addf %add3A_391, %mul3A_414 : vector<16xf32>
      %get3A_416 = arith.index_cast %scan3A_335 : i32 to index
      %get3A_417 = arith.constant 192 : index
      %get3A_418 = tpu.vector_load %arg8[%get3A_416, %get3A_417] {strides = array<i32>} : memref<128x256xf32, #tpu.memory_space<vmem>>, vector<16xf32>,
      %sub3A_419 = arith.subf %get3A_418, %get3A_27 : vector<16xf32>
      %mul3A_420 = arith.mulf %sub3A_419, %sub3A_419 : vector<16xf32>
      %add3A_421 = arith.addf %add3A_397, %mul3A_420 : vector<16xf32>
      %get3A_422 = arith.index_cast %scan3A_335 : i32 to index
      %get3A_423 = arith.constant 208 : index
      %get3A_424 = tpu.vector_load %arg8[%get3A_422, %get3A_423] {strides = array<i32>} : memref<128x256xf32, #tpu.memory_space<vmem>>, vector<16xf32>,
      %sub3A_425 = arith.subf %get3A_424, %get3A_29 : vector<16xf32>
      %mul3A_426 = arith.mulf %sub3A_425, %sub3A_425 : vector<16xf32>
      %add3A_427 = arith.addf %add3A_403, %mul3A_426 : vector<16xf32>
      %get3A_428 = arith.index_cast %scan3A_335 : i32 to index
      %get3A_429 = arith.constant 224 : index
      %get3A_430 = tpu.vector_load %arg8[%get3A_428, %get3A_429] {strides = array<i32>} : memref<128x256xf32, #tpu.memory_space<vmem>>, vector<16xf32>,
      %sub3A_431 = arith.subf %get3A_430, %get3A_31 : vector<16xf32>
      %mul3A_432 = arith.mulf %sub3A_431, %sub3A_431 : vector<16xf32>
      %add3A_433 = arith.addf %add3A_409, %mul3A_432 : vector<16xf32>
      %get3A_434 = arith.index_cast %scan3A_335 : i32 to index
      %get3A_435 = arith.constant 240 : index
      %get3A_436 = tpu.vector_load %arg8[%get3A_434, %get3A_435] {strides = array<i32>} : memref<128x256xf32, #tpu.memory_space<vmem>>, vector<16xf32>,
      %sub3A_437 = arith.subf %get3A_436, %get3A_33 : vector<16xf32>
      %mul3A_438 = arith.mulf %sub3A_437, %sub3A_437 : vector<16xf32>
      %add3A_439 = arith.addf %add3A_415, %mul3A_438 : vector<16xf32>
      %add3A_440 = arith.addf %add3A_421, %add3A_427 : vector<16xf32>
      %add3A_441 = arith.addf %add3A_433, %add3A_439 : vector<16xf32>
      %add3A_442 = arith.addf %add3A_440, %add3A_441 : vector<16xf32>
      %broadcast_in_dim3A_443 = arith.constant true
      %broadcast_in_dim3A_444 = vector.broadcast %broadcast_in_dim3A_443 : i1 to vector<16xi1>
      %masked_cumsum3A_445 = tpu.scan <sum>, %add3A_442 masked %broadcast_in_dim3A_444 : vector<16xf32>, vector<16xi1> -> vector<16xf32>
      %slice3A_446 = vector.extract_strided_slice %masked_cumsum3A_445 {offsets = [15], sizes = [1], strides = [1]} : vector<16xf32> to vector<1xf32>
      %squeeze3A_447 = vector.extract %slice3A_446[0] : f32 from vector<1xf32>
      %lt3A_448 = arith.cmpf olt, %squeeze3A_447, %select_n3A_332 : f32
      %add3A_449 = arith.constant 128 : i32
      %add3A_450 = arith.addi %mul3A_2, %add3A_449 : i32
      %add3A_451 = arith.addi %add3A_450, %scan3A_335 : i32
      %select_n3A_452 = arith.select %lt3A_448, %squeeze3A_447, %select_n3A_332 : f32
      %select_n3A_453 = arith.select %lt3A_448, %add3A_451, %select_n3A_333 : i32
      %scan3A_454 = arith.constant 3 : i32
      %scan3A_455 = arith.addi %scan3A_99, %scan3A_454 : i32
      %broadcast_in_dim3A_456 = arith.constant 0.000000e+00 : f32
      %broadcast_in_dim3A_457 = vector.broadcast %broadcast_in_dim3A_456 : f32 to vector<16xf32>
      %broadcast_in_dim3A_458 = arith.constant 0.000000e+00 : f32
      %broadcast_in_dim3A_459 = vector.broadcast %broadcast_in_dim3A_458 : f32 to vector<16xf32>
      %broadcast_in_dim3A_460 = arith.constant 0.000000e+00 : f32
      %broadcast_in_dim3A_461 = vector.broadcast %broadcast_in_dim3A_460 : f32 to vector<16xf32>
      %broadcast_in_dim3A_462 = arith.constant 0.000000e+00 : f32
      %broadcast_in_dim3A_463 = vector.broadcast %broadcast_in_dim3A_462 : f32 to vector<16xf32>
      %get3A_464 = arith.index_cast %scan3A_455 : i32 to index
      %get3A_465 = arith.constant 0 : index
      %get3A_466 = tpu.vector_load %arg8[%get3A_464, %get3A_465] {strides = array<i32>} : memref<128x256xf32, #tpu.memory_space<vmem>>, vector<16xf32>,
      %sub3A_467 = arith.subf %get3A_466, %get3A_3 : vector<16xf32>
      %mul3A_468 = arith.mulf %sub3A_467, %sub3A_467 : vector<16xf32>
      %add3A_469 = arith.addf %broadcast_in_dim3A_457, %mul3A_468 : vector<16xf32>
      %get3A_470 = arith.index_cast %scan3A_455 : i32 to index
      %get3A_471 = arith.constant 16 : index
      %get3A_472 = tpu.vector_load %arg8[%get3A_470, %get3A_471] {strides = array<i32>} : memref<128x256xf32, #tpu.memory_space<vmem>>, vector<16xf32>,
      %sub3A_473 = arith.subf %get3A_472, %get3A_5 : vector<16xf32>
      %mul3A_474 = arith.mulf %sub3A_473, %sub3A_473 : vector<16xf32>
      %add3A_475 = arith.addf %broadcast_in_dim3A_459, %mul3A_474 : vector<16xf32>
      %get3A_476 = arith.index_cast %scan3A_455 : i32 to index
      %get3A_477 = arith.constant 32 : index
      %get3A_478 = tpu.vector_load %arg8[%get3A_476, %get3A_477] {strides = array<i32>} : memref<128x256xf32, #tpu.memory_space<vmem>>, vector<16xf32>,
      %sub3A_479 = arith.subf %get3A_478, %get3A_7 : vector<16xf32>
      %mul3A_480 = arith.mulf %sub3A_479, %sub3A_479 : vector<16xf32>
      %add3A_481 = arith.addf %broadcast_in_dim3A_461, %mul3A_480 : vector<16xf32>
      %get3A_482 = arith.index_cast %scan3A_455 : i32 to index
      %get3A_483 = arith.constant 48 : index
      %get3A_484 = tpu.vector_load %arg8[%get3A_482, %get3A_483] {strides = array<i32>} : memref<128x256xf32, #tpu.memory_space<vmem>>, vector<16xf32>,
      %sub3A_485 = arith.subf %get3A_484, %get3A_9 : vector<16xf32>
      %mul3A_486 = arith.mulf %sub3A_485, %sub3A_485 : vector<16xf32>
      %add3A_487 = arith.addf %broadcast_in_dim3A_463, %mul3A_486 : vector<16xf32>
      %get3A_488 = arith.index_cast %scan3A_455 : i32 to index
      %get3A_489 = arith.constant 64 : index
      %get3A_490 = tpu.vector_load %arg8[%get3A_488, %get3A_489] {strides = array<i32>} : memref<128x256xf32, #tpu.memory_space<vmem>>, vector<16xf32>,
      %sub3A_491 = arith.subf %get3A_490, %get3A_11 : vector<16xf32>
      %mul3A_492 = arith.mulf %sub3A_491, %sub3A_491 : vector<16xf32>
      %add3A_493 = arith.addf %add3A_469, %mul3A_492 : vector<16xf32>
      %get3A_494 = arith.index_cast %scan3A_455 : i32 to index
      %get3A_495 = arith.constant 80 : index
      %get3A_496 = tpu.vector_load %arg8[%get3A_494, %get3A_495] {strides = array<i32>} : memref<128x256xf32, #tpu.memory_space<vmem>>, vector<16xf32>,
      %sub3A_497 = arith.subf %get3A_496, %get3A_13 : vector<16xf32>
      %mul3A_498 = arith.mulf %sub3A_497, %sub3A_497 : vector<16xf32>
      %add3A_499 = arith.addf %add3A_475, %mul3A_498 : vector<16xf32>
      %get3A_500 = arith.index_cast %scan3A_455 : i32 to index
      %get3A_501 = arith.constant 96 : index
      %get3A_502 = tpu.vector_load %arg8[%get3A_500, %get3A_501] {strides = array<i32>} : memref<128x256xf32, #tpu.memory_space<vmem>>, vector<16xf32>,
      %sub3A_503 = arith.subf %get3A_502, %get3A_15 : vector<16xf32>
      %mul3A_504 = arith.mulf %sub3A_503, %sub3A_503 : vector<16xf32>
      %add3A_505 = arith.addf %add3A_481, %mul3A_504 : vector<16xf32>
      %get3A_506 = arith.index_cast %scan3A_455 : i32 to index
      %get3A_507 = arith.constant 112 : index
      %get3A_508 = tpu.vector_load %arg8[%get3A_506, %get3A_507] {strides = array<i32>} : memref<128x256xf32, #tpu.memory_space<vmem>>, vector<16xf32>,
      %sub3A_509 = arith.subf %get3A_508, %get3A_17 : vector<16xf32>
      %mul3A_510 = arith.mulf %sub3A_509, %sub3A_509 : vector<16xf32>
      %add3A_511 = arith.addf %add3A_487, %mul3A_510 : vector<16xf32>
      %get3A_512 = arith.index_cast %scan3A_455 : i32 to index
      %get3A_513 = arith.constant 128 : index
      %get3A_514 = tpu.vector_load %arg8[%get3A_512, %get3A_513] {strides = array<i32>} : memref<128x256xf32, #tpu.memory_space<vmem>>, vector<16xf32>,
      %sub3A_515 = arith.subf %get3A_514, %get3A_19 : vector<16xf32>
      %mul3A_516 = arith.mulf %sub3A_515, %sub3A_515 : vector<16xf32>
      %add3A_517 = arith.addf %add3A_493, %mul3A_516 : vector<16xf32>
      %get3A_518 = arith.index_cast %scan3A_455 : i32 to index
      %get3A_519 = arith.constant 144 : index
      %get3A_520 = tpu.vector_load %arg8[%get3A_518, %get3A_519] {strides = array<i32>} : memref<128x256xf32, #tpu.memory_space<vmem>>, vector<16xf32>,
      %sub3A_521 = arith.subf %get3A_520, %get3A_21 : vector<16xf32>
      %mul3A_522 = arith.mulf %sub3A_521, %sub3A_521 : vector<16xf32>
      %add3A_523 = arith.addf %add3A_499, %mul3A_522 : vector<16xf32>
      %get3A_524 = arith.index_cast %scan3A_455 : i32 to index
      %get3A_525 = arith.constant 160 : index
      %get3A_526 = tpu.vector_load %arg8[%get3A_524, %get3A_525] {strides = array<i32>} : memref<128x256xf32, #tpu.memory_space<vmem>>, vector<16xf32>,
      %sub3A_527 = arith.subf %get3A_526, %get3A_23 : vector<16xf32>
      %mul3A_528 = arith.mulf %sub3A_527, %sub3A_527 : vector<16xf32>
      %add3A_529 = arith.addf %add3A_505, %mul3A_528 : vector<16xf32>
      %get3A_530 = arith.index_cast %scan3A_455 : i32 to index
      %get3A_531 = arith.constant 176 : index
      %get3A_532 = tpu.vector_load %arg8[%get3A_530, %get3A_531] {strides = array<i32>} : memref<128x256xf32, #tpu.memory_space<vmem>>, vector<16xf32>,
      %sub3A_533 = arith.subf %get3A_532, %get3A_25 : vector<16xf32>
      %mul3A_534 = arith.mulf %sub3A_533, %sub3A_533 : vector<16xf32>
      %add3A_535 = arith.addf %add3A_511, %mul3A_534 : vector<16xf32>
      %get3A_536 = arith.index_cast %scan3A_455 : i32 to index
      %get3A_537 = arith.constant 192 : index
      %get3A_538 = tpu.vector_load %arg8[%get3A_536, %get3A_537] {strides = array<i32>} : memref<128x256xf32, #tpu.memory_space<vmem>>, vector<16xf32>,
      %sub3A_539 = arith.subf %get3A_538, %get3A_27 : vector<16xf32>
      %mul3A_540 = arith.mulf %sub3A_539, %sub3A_539 : vector<16xf32>
      %add3A_541 = arith.addf %add3A_517, %mul3A_540 : vector<16xf32>
      %get3A_542 = arith.index_cast %scan3A_455 : i32 to index
      %get3A_543 = arith.constant 208 : index
      %get3A_544 = tpu.vector_load %arg8[%get3A_542, %get3A_543] {strides = array<i32>} : memref<128x256xf32, #tpu.memory_space<vmem>>, vector<16xf32>,
      %sub3A_545 = arith.subf %get3A_544, %get3A_29 : vector<16xf32>
      %mul3A_546 = arith.mulf %sub3A_545, %sub3A_545 : vector<16xf32>
      %add3A_547 = arith.addf %add3A_523, %mul3A_546 : vector<16xf32>
      %get3A_548 = arith.index_cast %scan3A_455 : i32 to index
      %get3A_549 = arith.constant 224 : index
      %get3A_550 = tpu.vector_load %arg8[%get3A_548, %get3A_549] {strides = array<i32>} : memref<128x256xf32, #tpu.memory_space<vmem>>, vector<16xf32>,
      %sub3A_551 = arith.subf %get3A_550, %get3A_31 : vector<16xf32>
      %mul3A_552 = arith.mulf %sub3A_551, %sub3A_551 : vector<16xf32>
      %add3A_553 = arith.addf %add3A_529, %mul3A_552 : vector<16xf32>
      %get3A_554 = arith.index_cast %scan3A_455 : i32 to index
      %get3A_555 = arith.constant 240 : index
      %get3A_556 = tpu.vector_load %arg8[%get3A_554, %get3A_555] {strides = array<i32>} : memref<128x256xf32, #tpu.memory_space<vmem>>, vector<16xf32>,
      %sub3A_557 = arith.subf %get3A_556, %get3A_33 : vector<16xf32>
      %mul3A_558 = arith.mulf %sub3A_557, %sub3A_557 : vector<16xf32>
      %add3A_559 = arith.addf %add3A_535, %mul3A_558 : vector<16xf32>
      %add3A_560 = arith.addf %add3A_541, %add3A_547 : vector<16xf32>
      %add3A_561 = arith.addf %add3A_553, %add3A_559 : vector<16xf32>
      %add3A_562 = arith.addf %add3A_560, %add3A_561 : vector<16xf32>
      %broadcast_in_dim3A_563 = arith.constant true
      %broadcast_in_dim3A_564 = vector.broadcast %broadcast_in_dim3A_563 : i1 to vector<16xi1>
      %masked_cumsum3A_565 = tpu.scan <sum>, %add3A_562 masked %broadcast_in_dim3A_564 : vector<16xf32>, vector<16xi1> -> vector<16xf32>
      %slice3A_566 = vector.extract_strided_slice %masked_cumsum3A_565 {offsets = [15], sizes = [1], strides = [1]} : vector<16xf32> to vector<1xf32>
      %squeeze3A_567 = vector.extract %slice3A_566[0] : f32 from vector<1xf32>
      %lt3A_568 = arith.cmpf olt, %squeeze3A_567, %select_n3A_452 : f32
      %add3A_569 = arith.constant 128 : i32
      %add3A_570 = arith.addi %mul3A_2, %add3A_569 : i32
      %add3A_571 = arith.addi %add3A_570, %scan3A_455 : i32
      %select_n3A_572 = arith.select %lt3A_568, %squeeze3A_567, %select_n3A_452 : f32
      %select_n3A_573 = arith.select %lt3A_568, %add3A_571, %select_n3A_453 : i32
      scf.yield %select_n3A_572, %select_n3A_573 : f32, i32
    }
    %scan3A_68 = arith.constant 128 : i32
    %add3A_69 = arith.constant 384 : i32
    %add3A_70 = arith.addi %mul3A_2, %add3A_69 : i32
    %dma_start3A_71 = arith.constant 0 : i32
    %dma_start3A_72 = tpu.memref_slice %arg2[%add3A_70, %dma_start3A_71] : memref<16384x256xf32, #tpu.memory_space<hbm>> -> memref<128x256xf32, #tpu.memory_space<hbm>>
    %dma_start3A_73 = arith.constant 0 : i32
    %dma_start3A_74 = tpu.memref_slice %arg2[%add3A_70, %dma_start3A_73] : memref<16384x256xf32, #tpu.memory_space<hbm>> -> memref<128x256xf32, #tpu.memory_space<hbm>>
    tpu.enqueue_dma source(%dma_start3A_74 : memref<128x256xf32, #tpu.memory_space<hbm>>) target(%arg8 : memref<128x256xf32, #tpu.memory_space<vmem>>) target_semaphore(%arg12 : memref<!tpu.dma_semaphore, #tpu.memory_space<semaphore_mem>>)
    %dma_wait3A_75 = arith.constant 0 : i32
    %dma_wait3A_76 = tpu.memref_slice %arg2[%add3A_54, %dma_wait3A_75] : memref<16384x256xf32, #tpu.memory_space<hbm>> -> memref<128x256xf32, #tpu.memory_space<hbm>>
    %dma_wait3A_77 = arith.constant 0 : i32
    %dma_wait3A_78 = tpu.memref_slice %arg2[%add3A_54, %dma_wait3A_77] : memref<16384x256xf32, #tpu.memory_space<hbm>> -> memref<128x256xf32, #tpu.memory_space<hbm>>
    tpu.wait_dma2 semaphore(%arg11 : memref<!tpu.dma_semaphore, #tpu.memory_space<semaphore_mem>>) src(%dma_wait3A_78 : memref<128x256xf32, #tpu.memory_space<hbm>>) dst(%arg7 : memref<128x256xf32, #tpu.memory_space<vmem>>)
    %scan3A_79 = arith.constant 0 : i32
    %scan3A_80 = arith.constant 128 : i32
    %scan3A_81 = arith.addi %scan3A_79, %scan3A_80 : i32
    %scan3A_82 = arith.constant 4 : i32
    %scan3A_83:2 = scf.for %scan3A_99 = %scan3A_79 to %scan3A_81 step %scan3A_82 iter_args(%scan3A_100 = %scan3A_67#0, %scan3A_101 = %scan3A_67#1) -> (f32, i32)  : i32 {
      %broadcast_in_dim3A_102 = arith.constant 0.000000e+00 : f32
      %broadcast_in_dim3A_103 = vector.broadcast %broadcast_in_dim3A_102 : f32 to vector<16xf32>
      %broadcast_in_dim3A_104 = arith.constant 0.000000e+00 : f32
      %broadcast_in_dim3A_105 = vector.broadcast %broadcast_in_dim3A_104 : f32 to vector<16xf32>
      %broadcast_in_dim3A_106 = arith.constant 0.000000e+00 : f32
      %broadcast_in_dim3A_107 = vector.broadcast %broadcast_in_dim3A_106 : f32 to vector<16xf32>
      %broadcast_in_dim3A_108 = arith.constant 0.000000e+00 : f32
      %broadcast_in_dim3A_109 = vector.broadcast %broadcast_in_dim3A_108 : f32 to vector<16xf32>
      %get3A_110 = arith.index_cast %scan3A_99 : i32 to index
      %get3A_111 = arith.constant 0 : index
      %get3A_112 = tpu.vector_load %arg7[%get3A_110, %get3A_111] {strides = array<i32>} : memref<128x256xf32, #tpu.memory_space<vmem>>, vector<16xf32>,
      %sub3A = arith.subf %get3A_112, %get3A_3 : vector<16xf32>
      %mul3A_113 = arith.mulf %sub3A, %sub3A : vector<16xf32>
      %add3A_114 = arith.addf %broadcast_in_dim3A_103, %mul3A_113 : vector<16xf32>
      %get3A_115 = arith.index_cast %scan3A_99 : i32 to index
      %get3A_116 = arith.constant 16 : index
      %get3A_117 = tpu.vector_load %arg7[%get3A_115, %get3A_116] {strides = array<i32>} : memref<128x256xf32, #tpu.memory_space<vmem>>, vector<16xf32>,
      %sub3A_118 = arith.subf %get3A_117, %get3A_5 : vector<16xf32>
      %mul3A_119 = arith.mulf %sub3A_118, %sub3A_118 : vector<16xf32>
      %add3A_120 = arith.addf %broadcast_in_dim3A_105, %mul3A_119 : vector<16xf32>
      %get3A_121 = arith.index_cast %scan3A_99 : i32 to index
      %get3A_122 = arith.constant 32 : index
      %get3A_123 = tpu.vector_load %arg7[%get3A_121, %get3A_122] {strides = array<i32>} : memref<128x256xf32, #tpu.memory_space<vmem>>, vector<16xf32>,
      %sub3A_124 = arith.subf %get3A_123, %get3A_7 : vector<16xf32>
      %mul3A_125 = arith.mulf %sub3A_124, %sub3A_124 : vector<16xf32>
      %add3A_126 = arith.addf %broadcast_in_dim3A_107, %mul3A_125 : vector<16xf32>
      %get3A_127 = arith.index_cast %scan3A_99 : i32 to index
      %get3A_128 = arith.constant 48 : index
      %get3A_129 = tpu.vector_load %arg7[%get3A_127, %get3A_128] {strides = array<i32>} : memref<128x256xf32, #tpu.memory_space<vmem>>, vector<16xf32>,
      %sub3A_130 = arith.subf %get3A_129, %get3A_9 : vector<16xf32>
      %mul3A_131 = arith.mulf %sub3A_130, %sub3A_130 : vector<16xf32>
      %add3A_132 = arith.addf %broadcast_in_dim3A_109, %mul3A_131 : vector<16xf32>
      %get3A_133 = arith.index_cast %scan3A_99 : i32 to index
      %get3A_134 = arith.constant 64 : index
      %get3A_135 = tpu.vector_load %arg7[%get3A_133, %get3A_134] {strides = array<i32>} : memref<128x256xf32, #tpu.memory_space<vmem>>, vector<16xf32>,
      %sub3A_136 = arith.subf %get3A_135, %get3A_11 : vector<16xf32>
      %mul3A_137 = arith.mulf %sub3A_136, %sub3A_136 : vector<16xf32>
      %add3A_138 = arith.addf %add3A_114, %mul3A_137 : vector<16xf32>
      %get3A_139 = arith.index_cast %scan3A_99 : i32 to index
      %get3A_140 = arith.constant 80 : index
      %get3A_141 = tpu.vector_load %arg7[%get3A_139, %get3A_140] {strides = array<i32>} : memref<128x256xf32, #tpu.memory_space<vmem>>, vector<16xf32>,
      %sub3A_142 = arith.subf %get3A_141, %get3A_13 : vector<16xf32>
      %mul3A_143 = arith.mulf %sub3A_142, %sub3A_142 : vector<16xf32>
      %add3A_144 = arith.addf %add3A_120, %mul3A_143 : vector<16xf32>
      %get3A_145 = arith.index_cast %scan3A_99 : i32 to index
      %get3A_146 = arith.constant 96 : index
      %get3A_147 = tpu.vector_load %arg7[%get3A_145, %get3A_146] {strides = array<i32>} : memref<128x256xf32, #tpu.memory_space<vmem>>, vector<16xf32>,
      %sub3A_148 = arith.subf %get3A_147, %get3A_15 : vector<16xf32>
      %mul3A_149 = arith.mulf %sub3A_148, %sub3A_148 : vector<16xf32>
      %add3A_150 = arith.addf %add3A_126, %mul3A_149 : vector<16xf32>
      %get3A_151 = arith.index_cast %scan3A_99 : i32 to index
      %get3A_152 = arith.constant 112 : index
      %get3A_153 = tpu.vector_load %arg7[%get3A_151, %get3A_152] {strides = array<i32>} : memref<128x256xf32, #tpu.memory_space<vmem>>, vector<16xf32>,
      %sub3A_154 = arith.subf %get3A_153, %get3A_17 : vector<16xf32>
      %mul3A_155 = arith.mulf %sub3A_154, %sub3A_154 : vector<16xf32>
      %add3A_156 = arith.addf %add3A_132, %mul3A_155 : vector<16xf32>
      %get3A_157 = arith.index_cast %scan3A_99 : i32 to index
      %get3A_158 = arith.constant 128 : index
      %get3A_159 = tpu.vector_load %arg7[%get3A_157, %get3A_158] {strides = array<i32>} : memref<128x256xf32, #tpu.memory_space<vmem>>, vector<16xf32>,
      %sub3A_160 = arith.subf %get3A_159, %get3A_19 : vector<16xf32>
      %mul3A_161 = arith.mulf %sub3A_160, %sub3A_160 : vector<16xf32>
      %add3A_162 = arith.addf %add3A_138, %mul3A_161 : vector<16xf32>
      %get3A_163 = arith.index_cast %scan3A_99 : i32 to index
      %get3A_164 = arith.constant 144 : index
      %get3A_165 = tpu.vector_load %arg7[%get3A_163, %get3A_164] {strides = array<i32>} : memref<128x256xf32, #tpu.memory_space<vmem>>, vector<16xf32>,
      %sub3A_166 = arith.subf %get3A_165, %get3A_21 : vector<16xf32>
      %mul3A_167 = arith.mulf %sub3A_166, %sub3A_166 : vector<16xf32>
      %add3A_168 = arith.addf %add3A_144, %mul3A_167 : vector<16xf32>
      %get3A_169 = arith.index_cast %scan3A_99 : i32 to index
      %get3A_170 = arith.constant 160 : index
      %get3A_171 = tpu.vector_load %arg7[%get3A_169, %get3A_170] {strides = array<i32>} : memref<128x256xf32, #tpu.memory_space<vmem>>, vector<16xf32>,
      %sub3A_172 = arith.subf %get3A_171, %get3A_23 : vector<16xf32>
      %mul3A_173 = arith.mulf %sub3A_172, %sub3A_172 : vector<16xf32>
      %add3A_174 = arith.addf %add3A_150, %mul3A_173 : vector<16xf32>
      %get3A_175 = arith.index_cast %scan3A_99 : i32 to index
      %get3A_176 = arith.constant 176 : index
      %get3A_177 = tpu.vector_load %arg7[%get3A_175, %get3A_176] {strides = array<i32>} : memref<128x256xf32, #tpu.memory_space<vmem>>, vector<16xf32>,
      %sub3A_178 = arith.subf %get3A_177, %get3A_25 : vector<16xf32>
      %mul3A_179 = arith.mulf %sub3A_178, %sub3A_178 : vector<16xf32>
      %add3A_180 = arith.addf %add3A_156, %mul3A_179 : vector<16xf32>
      %get3A_181 = arith.index_cast %scan3A_99 : i32 to index
      %get3A_182 = arith.constant 192 : index
      %get3A_183 = tpu.vector_load %arg7[%get3A_181, %get3A_182] {strides = array<i32>} : memref<128x256xf32, #tpu.memory_space<vmem>>, vector<16xf32>,
      %sub3A_184 = arith.subf %get3A_183, %get3A_27 : vector<16xf32>
      %mul3A_185 = arith.mulf %sub3A_184, %sub3A_184 : vector<16xf32>
      %add3A_186 = arith.addf %add3A_162, %mul3A_185 : vector<16xf32>
      %get3A_187 = arith.index_cast %scan3A_99 : i32 to index
      %get3A_188 = arith.constant 208 : index
      %get3A_189 = tpu.vector_load %arg7[%get3A_187, %get3A_188] {strides = array<i32>} : memref<128x256xf32, #tpu.memory_space<vmem>>, vector<16xf32>,
      %sub3A_190 = arith.subf %get3A_189, %get3A_29 : vector<16xf32>
      %mul3A_191 = arith.mulf %sub3A_190, %sub3A_190 : vector<16xf32>
      %add3A_192 = arith.addf %add3A_168, %mul3A_191 : vector<16xf32>
      %get3A_193 = arith.index_cast %scan3A_99 : i32 to index
      %get3A_194 = arith.constant 224 : index
      %get3A_195 = tpu.vector_load %arg7[%get3A_193, %get3A_194] {strides = array<i32>} : memref<128x256xf32, #tpu.memory_space<vmem>>, vector<16xf32>,
      %sub3A_196 = arith.subf %get3A_195, %get3A_31 : vector<16xf32>
      %mul3A_197 = arith.mulf %sub3A_196, %sub3A_196 : vector<16xf32>
      %add3A_198 = arith.addf %add3A_174, %mul3A_197 : vector<16xf32>
      %get3A_199 = arith.index_cast %scan3A_99 : i32 to index
      %get3A_200 = arith.constant 240 : index
      %get3A_201 = tpu.vector_load %arg7[%get3A_199, %get3A_200] {strides = array<i32>} : memref<128x256xf32, #tpu.memory_space<vmem>>, vector<16xf32>,
      %sub3A_202 = arith.subf %get3A_201, %get3A_33 : vector<16xf32>
      %mul3A_203 = arith.mulf %sub3A_202, %sub3A_202 : vector<16xf32>
      %add3A_204 = arith.addf %add3A_180, %mul3A_203 : vector<16xf32>
      %add3A_205 = arith.addf %add3A_186, %add3A_192 : vector<16xf32>
      %add3A_206 = arith.addf %add3A_198, %add3A_204 : vector<16xf32>
      %add3A_207 = arith.addf %add3A_205, %add3A_206 : vector<16xf32>
      %broadcast_in_dim3A_208 = arith.constant true
      %broadcast_in_dim3A_209 = vector.broadcast %broadcast_in_dim3A_208 : i1 to vector<16xi1>
      %masked_cumsum3A = tpu.scan <sum>, %add3A_207 masked %broadcast_in_dim3A_209 : vector<16xf32>, vector<16xi1> -> vector<16xf32>
      %slice3A = vector.extract_strided_slice %masked_cumsum3A {offsets = [15], sizes = [1], strides = [1]} : vector<16xf32> to vector<1xf32>
      %squeeze3A = vector.extract %slice3A[0] : f32 from vector<1xf32>
      %lt3A = arith.cmpf olt, %squeeze3A, %scan3A_100 : f32
      %add3A_210 = arith.constant 256 : i32
      %add3A_211 = arith.addi %mul3A_2, %add3A_210 : i32
      %add3A_212 = arith.addi %add3A_211, %scan3A_99 : i32
      %select_n3A = arith.select %lt3A, %squeeze3A, %scan3A_100 : f32
      %select_n3A_213 = arith.select %lt3A, %add3A_212, %scan3A_101 : i32
      %scan3A_214 = arith.constant 1 : i32
      %scan3A_215 = arith.addi %scan3A_99, %scan3A_214 : i32
      %broadcast_in_dim3A_216 = arith.constant 0.000000e+00 : f32
      %broadcast_in_dim3A_217 = vector.broadcast %broadcast_in_dim3A_216 : f32 to vector<16xf32>
      %broadcast_in_dim3A_218 = arith.constant 0.000000e+00 : f32
      %broadcast_in_dim3A_219 = vector.broadcast %broadcast_in_dim3A_218 : f32 to vector<16xf32>
      %broadcast_in_dim3A_220 = arith.constant 0.000000e+00 : f32
      %broadcast_in_dim3A_221 = vector.broadcast %broadcast_in_dim3A_220 : f32 to vector<16xf32>
      %broadcast_in_dim3A_222 = arith.constant 0.000000e+00 : f32
      %broadcast_in_dim3A_223 = vector.broadcast %broadcast_in_dim3A_222 : f32 to vector<16xf32>
      %get3A_224 = arith.index_cast %scan3A_215 : i32 to index
      %get3A_225 = arith.constant 0 : index
      %get3A_226 = tpu.vector_load %arg7[%get3A_224, %get3A_225] {strides = array<i32>} : memref<128x256xf32, #tpu.memory_space<vmem>>, vector<16xf32>,
      %sub3A_227 = arith.subf %get3A_226, %get3A_3 : vector<16xf32>
      %mul3A_228 = arith.mulf %sub3A_227, %sub3A_227 : vector<16xf32>
      %add3A_229 = arith.addf %broadcast_in_dim3A_217, %mul3A_228 : vector<16xf32>
      %get3A_230 = arith.index_cast %scan3A_215 : i32 to index
      %get3A_231 = arith.constant 16 : index
      %get3A_232 = tpu.vector_load %arg7[%get3A_230, %get3A_231] {strides = array<i32>} : memref<128x256xf32, #tpu.memory_space<vmem>>, vector<16xf32>,
      %sub3A_233 = arith.subf %get3A_232, %get3A_5 : vector<16xf32>
      %mul3A_234 = arith.mulf %sub3A_233, %sub3A_233 : vector<16xf32>
      %add3A_235 = arith.addf %broadcast_in_dim3A_219, %mul3A_234 : vector<16xf32>
      %get3A_236 = arith.index_cast %scan3A_215 : i32 to index
      %get3A_237 = arith.constant 32 : index
      %get3A_238 = tpu.vector_load %arg7[%get3A_236, %get3A_237] {strides = array<i32>} : memref<128x256xf32, #tpu.memory_space<vmem>>, vector<16xf32>,
      %sub3A_239 = arith.subf %get3A_238, %get3A_7 : vector<16xf32>
      %mul3A_240 = arith.mulf %sub3A_239, %sub3A_239 : vector<16xf32>
      %add3A_241 = arith.addf %broadcast_in_dim3A_221, %mul3A_240 : vector<16xf32>
      %get3A_242 = arith.index_cast %scan3A_215 : i32 to index
      %get3A_243 = arith.constant 48 : index
      %get3A_244 = tpu.vector_load %arg7[%get3A_242, %get3A_243] {strides = array<i32>} : memref<128x256xf32, #tpu.memory_space<vmem>>, vector<16xf32>,
      %sub3A_245 = arith.subf %get3A_244, %get3A_9 : vector<16xf32>
      %mul3A_246 = arith.mulf %sub3A_245, %sub3A_245 : vector<16xf32>
      %add3A_247 = arith.addf %broadcast_in_dim3A_223, %mul3A_246 : vector<16xf32>
      %get3A_248 = arith.index_cast %scan3A_215 : i32 to index
      %get3A_249 = arith.constant 64 : index
      %get3A_250 = tpu.vector_load %arg7[%get3A_248, %get3A_249] {strides = array<i32>} : memref<128x256xf32, #tpu.memory_space<vmem>>, vector<16xf32>,
      %sub3A_251 = arith.subf %get3A_250, %get3A_11 : vector<16xf32>
      %mul3A_252 = arith.mulf %sub3A_251, %sub3A_251 : vector<16xf32>
      %add3A_253 = arith.addf %add3A_229, %mul3A_252 : vector<16xf32>
      %get3A_254 = arith.index_cast %scan3A_215 : i32 to index
      %get3A_255 = arith.constant 80 : index
      %get3A_256 = tpu.vector_load %arg7[%get3A_254, %get3A_255] {strides = array<i32>} : memref<128x256xf32, #tpu.memory_space<vmem>>, vector<16xf32>,
      %sub3A_257 = arith.subf %get3A_256, %get3A_13 : vector<16xf32>
      %mul3A_258 = arith.mulf %sub3A_257, %sub3A_257 : vector<16xf32>
      %add3A_259 = arith.addf %add3A_235, %mul3A_258 : vector<16xf32>
      %get3A_260 = arith.index_cast %scan3A_215 : i32 to index
      %get3A_261 = arith.constant 96 : index
      %get3A_262 = tpu.vector_load %arg7[%get3A_260, %get3A_261] {strides = array<i32>} : memref<128x256xf32, #tpu.memory_space<vmem>>, vector<16xf32>,
      %sub3A_263 = arith.subf %get3A_262, %get3A_15 : vector<16xf32>
      %mul3A_264 = arith.mulf %sub3A_263, %sub3A_263 : vector<16xf32>
      %add3A_265 = arith.addf %add3A_241, %mul3A_264 : vector<16xf32>
      %get3A_266 = arith.index_cast %scan3A_215 : i32 to index
      %get3A_267 = arith.constant 112 : index
      %get3A_268 = tpu.vector_load %arg7[%get3A_266, %get3A_267] {strides = array<i32>} : memref<128x256xf32, #tpu.memory_space<vmem>>, vector<16xf32>,
      %sub3A_269 = arith.subf %get3A_268, %get3A_17 : vector<16xf32>
      %mul3A_270 = arith.mulf %sub3A_269, %sub3A_269 : vector<16xf32>
      %add3A_271 = arith.addf %add3A_247, %mul3A_270 : vector<16xf32>
      %get3A_272 = arith.index_cast %scan3A_215 : i32 to index
      %get3A_273 = arith.constant 128 : index
      %get3A_274 = tpu.vector_load %arg7[%get3A_272, %get3A_273] {strides = array<i32>} : memref<128x256xf32, #tpu.memory_space<vmem>>, vector<16xf32>,
      %sub3A_275 = arith.subf %get3A_274, %get3A_19 : vector<16xf32>
      %mul3A_276 = arith.mulf %sub3A_275, %sub3A_275 : vector<16xf32>
      %add3A_277 = arith.addf %add3A_253, %mul3A_276 : vector<16xf32>
      %get3A_278 = arith.index_cast %scan3A_215 : i32 to index
      %get3A_279 = arith.constant 144 : index
      %get3A_280 = tpu.vector_load %arg7[%get3A_278, %get3A_279] {strides = array<i32>} : memref<128x256xf32, #tpu.memory_space<vmem>>, vector<16xf32>,
      %sub3A_281 = arith.subf %get3A_280, %get3A_21 : vector<16xf32>
      %mul3A_282 = arith.mulf %sub3A_281, %sub3A_281 : vector<16xf32>
      %add3A_283 = arith.addf %add3A_259, %mul3A_282 : vector<16xf32>
      %get3A_284 = arith.index_cast %scan3A_215 : i32 to index
      %get3A_285 = arith.constant 160 : index
      %get3A_286 = tpu.vector_load %arg7[%get3A_284, %get3A_285] {strides = array<i32>} : memref<128x256xf32, #tpu.memory_space<vmem>>, vector<16xf32>,
      %sub3A_287 = arith.subf %get3A_286, %get3A_23 : vector<16xf32>
      %mul3A_288 = arith.mulf %sub3A_287, %sub3A_287 : vector<16xf32>
      %add3A_289 = arith.addf %add3A_265, %mul3A_288 : vector<16xf32>
      %get3A_290 = arith.index_cast %scan3A_215 : i32 to index
      %get3A_291 = arith.constant 176 : index
      %get3A_292 = tpu.vector_load %arg7[%get3A_290, %get3A_291] {strides = array<i32>} : memref<128x256xf32, #tpu.memory_space<vmem>>, vector<16xf32>,
      %sub3A_293 = arith.subf %get3A_292, %get3A_25 : vector<16xf32>
      %mul3A_294 = arith.mulf %sub3A_293, %sub3A_293 : vector<16xf32>
      %add3A_295 = arith.addf %add3A_271, %mul3A_294 : vector<16xf32>
      %get3A_296 = arith.index_cast %scan3A_215 : i32 to index
      %get3A_297 = arith.constant 192 : index
      %get3A_298 = tpu.vector_load %arg7[%get3A_296, %get3A_297] {strides = array<i32>} : memref<128x256xf32, #tpu.memory_space<vmem>>, vector<16xf32>,
      %sub3A_299 = arith.subf %get3A_298, %get3A_27 : vector<16xf32>
      %mul3A_300 = arith.mulf %sub3A_299, %sub3A_299 : vector<16xf32>
      %add3A_301 = arith.addf %add3A_277, %mul3A_300 : vector<16xf32>
      %get3A_302 = arith.index_cast %scan3A_215 : i32 to index
      %get3A_303 = arith.constant 208 : index
      %get3A_304 = tpu.vector_load %arg7[%get3A_302, %get3A_303] {strides = array<i32>} : memref<128x256xf32, #tpu.memory_space<vmem>>, vector<16xf32>,
      %sub3A_305 = arith.subf %get3A_304, %get3A_29 : vector<16xf32>
      %mul3A_306 = arith.mulf %sub3A_305, %sub3A_305 : vector<16xf32>
      %add3A_307 = arith.addf %add3A_283, %mul3A_306 : vector<16xf32>
      %get3A_308 = arith.index_cast %scan3A_215 : i32 to index
      %get3A_309 = arith.constant 224 : index
      %get3A_310 = tpu.vector_load %arg7[%get3A_308, %get3A_309] {strides = array<i32>} : memref<128x256xf32, #tpu.memory_space<vmem>>, vector<16xf32>,
      %sub3A_311 = arith.subf %get3A_310, %get3A_31 : vector<16xf32>
      %mul3A_312 = arith.mulf %sub3A_311, %sub3A_311 : vector<16xf32>
      %add3A_313 = arith.addf %add3A_289, %mul3A_312 : vector<16xf32>
      %get3A_314 = arith.index_cast %scan3A_215 : i32 to index
      %get3A_315 = arith.constant 240 : index
      %get3A_316 = tpu.vector_load %arg7[%get3A_314, %get3A_315] {strides = array<i32>} : memref<128x256xf32, #tpu.memory_space<vmem>>, vector<16xf32>,
      %sub3A_317 = arith.subf %get3A_316, %get3A_33 : vector<16xf32>
      %mul3A_318 = arith.mulf %sub3A_317, %sub3A_317 : vector<16xf32>
      %add3A_319 = arith.addf %add3A_295, %mul3A_318 : vector<16xf32>
      %add3A_320 = arith.addf %add3A_301, %add3A_307 : vector<16xf32>
      %add3A_321 = arith.addf %add3A_313, %add3A_319 : vector<16xf32>
      %add3A_322 = arith.addf %add3A_320, %add3A_321 : vector<16xf32>
      %broadcast_in_dim3A_323 = arith.constant true
      %broadcast_in_dim3A_324 = vector.broadcast %broadcast_in_dim3A_323 : i1 to vector<16xi1>
      %masked_cumsum3A_325 = tpu.scan <sum>, %add3A_322 masked %broadcast_in_dim3A_324 : vector<16xf32>, vector<16xi1> -> vector<16xf32>
      %slice3A_326 = vector.extract_strided_slice %masked_cumsum3A_325 {offsets = [15], sizes = [1], strides = [1]} : vector<16xf32> to vector<1xf32>
      %squeeze3A_327 = vector.extract %slice3A_326[0] : f32 from vector<1xf32>
      %lt3A_328 = arith.cmpf olt, %squeeze3A_327, %select_n3A : f32
      %add3A_329 = arith.constant 256 : i32
      %add3A_330 = arith.addi %mul3A_2, %add3A_329 : i32
      %add3A_331 = arith.addi %add3A_330, %scan3A_215 : i32
      %select_n3A_332 = arith.select %lt3A_328, %squeeze3A_327, %select_n3A : f32
      %select_n3A_333 = arith.select %lt3A_328, %add3A_331, %select_n3A_213 : i32
      %scan3A_334 = arith.constant 2 : i32
      %scan3A_335 = arith.addi %scan3A_99, %scan3A_334 : i32
      %broadcast_in_dim3A_336 = arith.constant 0.000000e+00 : f32
      %broadcast_in_dim3A_337 = vector.broadcast %broadcast_in_dim3A_336 : f32 to vector<16xf32>
      %broadcast_in_dim3A_338 = arith.constant 0.000000e+00 : f32
      %broadcast_in_dim3A_339 = vector.broadcast %broadcast_in_dim3A_338 : f32 to vector<16xf32>
      %broadcast_in_dim3A_340 = arith.constant 0.000000e+00 : f32
      %broadcast_in_dim3A_341 = vector.broadcast %broadcast_in_dim3A_340 : f32 to vector<16xf32>
      %broadcast_in_dim3A_342 = arith.constant 0.000000e+00 : f32
      %broadcast_in_dim3A_343 = vector.broadcast %broadcast_in_dim3A_342 : f32 to vector<16xf32>
      %get3A_344 = arith.index_cast %scan3A_335 : i32 to index
      %get3A_345 = arith.constant 0 : index
      %get3A_346 = tpu.vector_load %arg7[%get3A_344, %get3A_345] {strides = array<i32>} : memref<128x256xf32, #tpu.memory_space<vmem>>, vector<16xf32>,
      %sub3A_347 = arith.subf %get3A_346, %get3A_3 : vector<16xf32>
      %mul3A_348 = arith.mulf %sub3A_347, %sub3A_347 : vector<16xf32>
      %add3A_349 = arith.addf %broadcast_in_dim3A_337, %mul3A_348 : vector<16xf32>
      %get3A_350 = arith.index_cast %scan3A_335 : i32 to index
      %get3A_351 = arith.constant 16 : index
      %get3A_352 = tpu.vector_load %arg7[%get3A_350, %get3A_351] {strides = array<i32>} : memref<128x256xf32, #tpu.memory_space<vmem>>, vector<16xf32>,
      %sub3A_353 = arith.subf %get3A_352, %get3A_5 : vector<16xf32>
      %mul3A_354 = arith.mulf %sub3A_353, %sub3A_353 : vector<16xf32>
      %add3A_355 = arith.addf %broadcast_in_dim3A_339, %mul3A_354 : vector<16xf32>
      %get3A_356 = arith.index_cast %scan3A_335 : i32 to index
      %get3A_357 = arith.constant 32 : index
      %get3A_358 = tpu.vector_load %arg7[%get3A_356, %get3A_357] {strides = array<i32>} : memref<128x256xf32, #tpu.memory_space<vmem>>, vector<16xf32>,
      %sub3A_359 = arith.subf %get3A_358, %get3A_7 : vector<16xf32>
      %mul3A_360 = arith.mulf %sub3A_359, %sub3A_359 : vector<16xf32>
      %add3A_361 = arith.addf %broadcast_in_dim3A_341, %mul3A_360 : vector<16xf32>
      %get3A_362 = arith.index_cast %scan3A_335 : i32 to index
      %get3A_363 = arith.constant 48 : index
      %get3A_364 = tpu.vector_load %arg7[%get3A_362, %get3A_363] {strides = array<i32>} : memref<128x256xf32, #tpu.memory_space<vmem>>, vector<16xf32>,
      %sub3A_365 = arith.subf %get3A_364, %get3A_9 : vector<16xf32>
      %mul3A_366 = arith.mulf %sub3A_365, %sub3A_365 : vector<16xf32>
      %add3A_367 = arith.addf %broadcast_in_dim3A_343, %mul3A_366 : vector<16xf32>
      %get3A_368 = arith.index_cast %scan3A_335 : i32 to index
      %get3A_369 = arith.constant 64 : index
      %get3A_370 = tpu.vector_load %arg7[%get3A_368, %get3A_369] {strides = array<i32>} : memref<128x256xf32, #tpu.memory_space<vmem>>, vector<16xf32>,
      %sub3A_371 = arith.subf %get3A_370, %get3A_11 : vector<16xf32>
      %mul3A_372 = arith.mulf %sub3A_371, %sub3A_371 : vector<16xf32>
      %add3A_373 = arith.addf %add3A_349, %mul3A_372 : vector<16xf32>
      %get3A_374 = arith.index_cast %scan3A_335 : i32 to index
      %get3A_375 = arith.constant 80 : index
      %get3A_376 = tpu.vector_load %arg7[%get3A_374, %get3A_375] {strides = array<i32>} : memref<128x256xf32, #tpu.memory_space<vmem>>, vector<16xf32>,
      %sub3A_377 = arith.subf %get3A_376, %get3A_13 : vector<16xf32>
      %mul3A_378 = arith.mulf %sub3A_377, %sub3A_377 : vector<16xf32>
      %add3A_379 = arith.addf %add3A_355, %mul3A_378 : vector<16xf32>
      %get3A_380 = arith.index_cast %scan3A_335 : i32 to index
      %get3A_381 = arith.constant 96 : index
      %get3A_382 = tpu.vector_load %arg7[%get3A_380, %get3A_381] {strides = array<i32>} : memref<128x256xf32, #tpu.memory_space<vmem>>, vector<16xf32>,
      %sub3A_383 = arith.subf %get3A_382, %get3A_15 : vector<16xf32>
      %mul3A_384 = arith.mulf %sub3A_383, %sub3A_383 : vector<16xf32>
      %add3A_385 = arith.addf %add3A_361, %mul3A_384 : vector<16xf32>
      %get3A_386 = arith.index_cast %scan3A_335 : i32 to index
      %get3A_387 = arith.constant 112 : index
      %get3A_388 = tpu.vector_load %arg7[%get3A_386, %get3A_387] {strides = array<i32>} : memref<128x256xf32, #tpu.memory_space<vmem>>, vector<16xf32>,
      %sub3A_389 = arith.subf %get3A_388, %get3A_17 : vector<16xf32>
      %mul3A_390 = arith.mulf %sub3A_389, %sub3A_389 : vector<16xf32>
      %add3A_391 = arith.addf %add3A_367, %mul3A_390 : vector<16xf32>
      %get3A_392 = arith.index_cast %scan3A_335 : i32 to index
      %get3A_393 = arith.constant 128 : index
      %get3A_394 = tpu.vector_load %arg7[%get3A_392, %get3A_393] {strides = array<i32>} : memref<128x256xf32, #tpu.memory_space<vmem>>, vector<16xf32>,
      %sub3A_395 = arith.subf %get3A_394, %get3A_19 : vector<16xf32>
      %mul3A_396 = arith.mulf %sub3A_395, %sub3A_395 : vector<16xf32>
      %add3A_397 = arith.addf %add3A_373, %mul3A_396 : vector<16xf32>
      %get3A_398 = arith.index_cast %scan3A_335 : i32 to index
      %get3A_399 = arith.constant 144 : index
      %get3A_400 = tpu.vector_load %arg7[%get3A_398, %get3A_399] {strides = array<i32>} : memref<128x256xf32, #tpu.memory_space<vmem>>, vector<16xf32>,
      %sub3A_401 = arith.subf %get3A_400, %get3A_21 : vector<16xf32>
      %mul3A_402 = arith.mulf %sub3A_401, %sub3A_401 : vector<16xf32>
      %add3A_403 = arith.addf %add3A_379, %mul3A_402 : vector<16xf32>
      %get3A_404 = arith.index_cast %scan3A_335 : i32 to index
      %get3A_405 = arith.constant 160 : index
      %get3A_406 = tpu.vector_load %arg7[%get3A_404, %get3A_405] {strides = array<i32>} : memref<128x256xf32, #tpu.memory_space<vmem>>, vector<16xf32>,
      %sub3A_407 = arith.subf %get3A_406, %get3A_23 : vector<16xf32>
      %mul3A_408 = arith.mulf %sub3A_407, %sub3A_407 : vector<16xf32>
      %add3A_409 = arith.addf %add3A_385, %mul3A_408 : vector<16xf32>
      %get3A_410 = arith.index_cast %scan3A_335 : i32 to index
      %get3A_411 = arith.constant 176 : index
      %get3A_412 = tpu.vector_load %arg7[%get3A_410, %get3A_411] {strides = array<i32>} : memref<128x256xf32, #tpu.memory_space<vmem>>, vector<16xf32>,
      %sub3A_413 = arith.subf %get3A_412, %get3A_25 : vector<16xf32>
      %mul3A_414 = arith.mulf %sub3A_413, %sub3A_413 : vector<16xf32>
      %add3A_415 = arith.addf %add3A_391, %mul3A_414 : vector<16xf32>
      %get3A_416 = arith.index_cast %scan3A_335 : i32 to index
      %get3A_417 = arith.constant 192 : index
      %get3A_418 = tpu.vector_load %arg7[%get3A_416, %get3A_417] {strides = array<i32>} : memref<128x256xf32, #tpu.memory_space<vmem>>, vector<16xf32>,
      %sub3A_419 = arith.subf %get3A_418, %get3A_27 : vector<16xf32>
      %mul3A_420 = arith.mulf %sub3A_419, %sub3A_419 : vector<16xf32>
      %add3A_421 = arith.addf %add3A_397, %mul3A_420 : vector<16xf32>
      %get3A_422 = arith.index_cast %scan3A_335 : i32 to index
      %get3A_423 = arith.constant 208 : index
      %get3A_424 = tpu.vector_load %arg7[%get3A_422, %get3A_423] {strides = array<i32>} : memref<128x256xf32, #tpu.memory_space<vmem>>, vector<16xf32>,
      %sub3A_425 = arith.subf %get3A_424, %get3A_29 : vector<16xf32>
      %mul3A_426 = arith.mulf %sub3A_425, %sub3A_425 : vector<16xf32>
      %add3A_427 = arith.addf %add3A_403, %mul3A_426 : vector<16xf32>
      %get3A_428 = arith.index_cast %scan3A_335 : i32 to index
      %get3A_429 = arith.constant 224 : index
      %get3A_430 = tpu.vector_load %arg7[%get3A_428, %get3A_429] {strides = array<i32>} : memref<128x256xf32, #tpu.memory_space<vmem>>, vector<16xf32>,
      %sub3A_431 = arith.subf %get3A_430, %get3A_31 : vector<16xf32>
      %mul3A_432 = arith.mulf %sub3A_431, %sub3A_431 : vector<16xf32>
      %add3A_433 = arith.addf %add3A_409, %mul3A_432 : vector<16xf32>
      %get3A_434 = arith.index_cast %scan3A_335 : i32 to index
      %get3A_435 = arith.constant 240 : index
      %get3A_436 = tpu.vector_load %arg7[%get3A_434, %get3A_435] {strides = array<i32>} : memref<128x256xf32, #tpu.memory_space<vmem>>, vector<16xf32>,
      %sub3A_437 = arith.subf %get3A_436, %get3A_33 : vector<16xf32>
      %mul3A_438 = arith.mulf %sub3A_437, %sub3A_437 : vector<16xf32>
      %add3A_439 = arith.addf %add3A_415, %mul3A_438 : vector<16xf32>
      %add3A_440 = arith.addf %add3A_421, %add3A_427 : vector<16xf32>
      %add3A_441 = arith.addf %add3A_433, %add3A_439 : vector<16xf32>
      %add3A_442 = arith.addf %add3A_440, %add3A_441 : vector<16xf32>
      %broadcast_in_dim3A_443 = arith.constant true
      %broadcast_in_dim3A_444 = vector.broadcast %broadcast_in_dim3A_443 : i1 to vector<16xi1>
      %masked_cumsum3A_445 = tpu.scan <sum>, %add3A_442 masked %broadcast_in_dim3A_444 : vector<16xf32>, vector<16xi1> -> vector<16xf32>
      %slice3A_446 = vector.extract_strided_slice %masked_cumsum3A_445 {offsets = [15], sizes = [1], strides = [1]} : vector<16xf32> to vector<1xf32>
      %squeeze3A_447 = vector.extract %slice3A_446[0] : f32 from vector<1xf32>
      %lt3A_448 = arith.cmpf olt, %squeeze3A_447, %select_n3A_332 : f32
      %add3A_449 = arith.constant 256 : i32
      %add3A_450 = arith.addi %mul3A_2, %add3A_449 : i32
      %add3A_451 = arith.addi %add3A_450, %scan3A_335 : i32
      %select_n3A_452 = arith.select %lt3A_448, %squeeze3A_447, %select_n3A_332 : f32
      %select_n3A_453 = arith.select %lt3A_448, %add3A_451, %select_n3A_333 : i32
      %scan3A_454 = arith.constant 3 : i32
      %scan3A_455 = arith.addi %scan3A_99, %scan3A_454 : i32
      %broadcast_in_dim3A_456 = arith.constant 0.000000e+00 : f32
      %broadcast_in_dim3A_457 = vector.broadcast %broadcast_in_dim3A_456 : f32 to vector<16xf32>
      %broadcast_in_dim3A_458 = arith.constant 0.000000e+00 : f32
      %broadcast_in_dim3A_459 = vector.broadcast %broadcast_in_dim3A_458 : f32 to vector<16xf32>
      %broadcast_in_dim3A_460 = arith.constant 0.000000e+00 : f32
      %broadcast_in_dim3A_461 = vector.broadcast %broadcast_in_dim3A_460 : f32 to vector<16xf32>
      %broadcast_in_dim3A_462 = arith.constant 0.000000e+00 : f32
      %broadcast_in_dim3A_463 = vector.broadcast %broadcast_in_dim3A_462 : f32 to vector<16xf32>
      %get3A_464 = arith.index_cast %scan3A_455 : i32 to index
      %get3A_465 = arith.constant 0 : index
      %get3A_466 = tpu.vector_load %arg7[%get3A_464, %get3A_465] {strides = array<i32>} : memref<128x256xf32, #tpu.memory_space<vmem>>, vector<16xf32>,
      %sub3A_467 = arith.subf %get3A_466, %get3A_3 : vector<16xf32>
      %mul3A_468 = arith.mulf %sub3A_467, %sub3A_467 : vector<16xf32>
      %add3A_469 = arith.addf %broadcast_in_dim3A_457, %mul3A_468 : vector<16xf32>
      %get3A_470 = arith.index_cast %scan3A_455 : i32 to index
      %get3A_471 = arith.constant 16 : index
      %get3A_472 = tpu.vector_load %arg7[%get3A_470, %get3A_471] {strides = array<i32>} : memref<128x256xf32, #tpu.memory_space<vmem>>, vector<16xf32>,
      %sub3A_473 = arith.subf %get3A_472, %get3A_5 : vector<16xf32>
      %mul3A_474 = arith.mulf %sub3A_473, %sub3A_473 : vector<16xf32>
      %add3A_475 = arith.addf %broadcast_in_dim3A_459, %mul3A_474 : vector<16xf32>
      %get3A_476 = arith.index_cast %scan3A_455 : i32 to index
      %get3A_477 = arith.constant 32 : index
      %get3A_478 = tpu.vector_load %arg7[%get3A_476, %get3A_477] {strides = array<i32>} : memref<128x256xf32, #tpu.memory_space<vmem>>, vector<16xf32>,
      %sub3A_479 = arith.subf %get3A_478, %get3A_7 : vector<16xf32>
      %mul3A_480 = arith.mulf %sub3A_479, %sub3A_479 : vector<16xf32>
      %add3A_481 = arith.addf %broadcast_in_dim3A_461, %mul3A_480 : vector<16xf32>
      %get3A_482 = arith.index_cast %scan3A_455 : i32 to index
      %get3A_483 = arith.constant 48 : index
      %get3A_484 = tpu.vector_load %arg7[%get3A_482, %get3A_483] {strides = array<i32>} : memref<128x256xf32, #tpu.memory_space<vmem>>, vector<16xf32>,
      %sub3A_485 = arith.subf %get3A_484, %get3A_9 : vector<16xf32>
      %mul3A_486 = arith.mulf %sub3A_485, %sub3A_485 : vector<16xf32>
      %add3A_487 = arith.addf %broadcast_in_dim3A_463, %mul3A_486 : vector<16xf32>
      %get3A_488 = arith.index_cast %scan3A_455 : i32 to index
      %get3A_489 = arith.constant 64 : index
      %get3A_490 = tpu.vector_load %arg7[%get3A_488, %get3A_489] {strides = array<i32>} : memref<128x256xf32, #tpu.memory_space<vmem>>, vector<16xf32>,
      %sub3A_491 = arith.subf %get3A_490, %get3A_11 : vector<16xf32>
      %mul3A_492 = arith.mulf %sub3A_491, %sub3A_491 : vector<16xf32>
      %add3A_493 = arith.addf %add3A_469, %mul3A_492 : vector<16xf32>
      %get3A_494 = arith.index_cast %scan3A_455 : i32 to index
      %get3A_495 = arith.constant 80 : index
      %get3A_496 = tpu.vector_load %arg7[%get3A_494, %get3A_495] {strides = array<i32>} : memref<128x256xf32, #tpu.memory_space<vmem>>, vector<16xf32>,
      %sub3A_497 = arith.subf %get3A_496, %get3A_13 : vector<16xf32>
      %mul3A_498 = arith.mulf %sub3A_497, %sub3A_497 : vector<16xf32>
      %add3A_499 = arith.addf %add3A_475, %mul3A_498 : vector<16xf32>
      %get3A_500 = arith.index_cast %scan3A_455 : i32 to index
      %get3A_501 = arith.constant 96 : index
      %get3A_502 = tpu.vector_load %arg7[%get3A_500, %get3A_501] {strides = array<i32>} : memref<128x256xf32, #tpu.memory_space<vmem>>, vector<16xf32>,
      %sub3A_503 = arith.subf %get3A_502, %get3A_15 : vector<16xf32>
      %mul3A_504 = arith.mulf %sub3A_503, %sub3A_503 : vector<16xf32>
      %add3A_505 = arith.addf %add3A_481, %mul3A_504 : vector<16xf32>
      %get3A_506 = arith.index_cast %scan3A_455 : i32 to index
      %get3A_507 = arith.constant 112 : index
      %get3A_508 = tpu.vector_load %arg7[%get3A_506, %get3A_507] {strides = array<i32>} : memref<128x256xf32, #tpu.memory_space<vmem>>, vector<16xf32>,
      %sub3A_509 = arith.subf %get3A_508, %get3A_17 : vector<16xf32>
      %mul3A_510 = arith.mulf %sub3A_509, %sub3A_509 : vector<16xf32>
      %add3A_511 = arith.addf %add3A_487, %mul3A_510 : vector<16xf32>
      %get3A_512 = arith.index_cast %scan3A_455 : i32 to index
      %get3A_513 = arith.constant 128 : index
      %get3A_514 = tpu.vector_load %arg7[%get3A_512, %get3A_513] {strides = array<i32>} : memref<128x256xf32, #tpu.memory_space<vmem>>, vector<16xf32>,
      %sub3A_515 = arith.subf %get3A_514, %get3A_19 : vector<16xf32>
      %mul3A_516 = arith.mulf %sub3A_515, %sub3A_515 : vector<16xf32>
      %add3A_517 = arith.addf %add3A_493, %mul3A_516 : vector<16xf32>
      %get3A_518 = arith.index_cast %scan3A_455 : i32 to index
      %get3A_519 = arith.constant 144 : index
      %get3A_520 = tpu.vector_load %arg7[%get3A_518, %get3A_519] {strides = array<i32>} : memref<128x256xf32, #tpu.memory_space<vmem>>, vector<16xf32>,
      %sub3A_521 = arith.subf %get3A_520, %get3A_21 : vector<16xf32>
      %mul3A_522 = arith.mulf %sub3A_521, %sub3A_521 : vector<16xf32>
      %add3A_523 = arith.addf %add3A_499, %mul3A_522 : vector<16xf32>
      %get3A_524 = arith.index_cast %scan3A_455 : i32 to index
      %get3A_525 = arith.constant 160 : index
      %get3A_526 = tpu.vector_load %arg7[%get3A_524, %get3A_525] {strides = array<i32>} : memref<128x256xf32, #tpu.memory_space<vmem>>, vector<16xf32>,
      %sub3A_527 = arith.subf %get3A_526, %get3A_23 : vector<16xf32>
      %mul3A_528 = arith.mulf %sub3A_527, %sub3A_527 : vector<16xf32>
      %add3A_529 = arith.addf %add3A_505, %mul3A_528 : vector<16xf32>
      %get3A_530 = arith.index_cast %scan3A_455 : i32 to index
      %get3A_531 = arith.constant 176 : index
      %get3A_532 = tpu.vector_load %arg7[%get3A_530, %get3A_531] {strides = array<i32>} : memref<128x256xf32, #tpu.memory_space<vmem>>, vector<16xf32>,
      %sub3A_533 = arith.subf %get3A_532, %get3A_25 : vector<16xf32>
      %mul3A_534 = arith.mulf %sub3A_533, %sub3A_533 : vector<16xf32>
      %add3A_535 = arith.addf %add3A_511, %mul3A_534 : vector<16xf32>
      %get3A_536 = arith.index_cast %scan3A_455 : i32 to index
      %get3A_537 = arith.constant 192 : index
      %get3A_538 = tpu.vector_load %arg7[%get3A_536, %get3A_537] {strides = array<i32>} : memref<128x256xf32, #tpu.memory_space<vmem>>, vector<16xf32>,
      %sub3A_539 = arith.subf %get3A_538, %get3A_27 : vector<16xf32>
      %mul3A_540 = arith.mulf %sub3A_539, %sub3A_539 : vector<16xf32>
      %add3A_541 = arith.addf %add3A_517, %mul3A_540 : vector<16xf32>
      %get3A_542 = arith.index_cast %scan3A_455 : i32 to index
      %get3A_543 = arith.constant 208 : index
      %get3A_544 = tpu.vector_load %arg7[%get3A_542, %get3A_543] {strides = array<i32>} : memref<128x256xf32, #tpu.memory_space<vmem>>, vector<16xf32>,
      %sub3A_545 = arith.subf %get3A_544, %get3A_29 : vector<16xf32>
      %mul3A_546 = arith.mulf %sub3A_545, %sub3A_545 : vector<16xf32>
      %add3A_547 = arith.addf %add3A_523, %mul3A_546 : vector<16xf32>
      %get3A_548 = arith.index_cast %scan3A_455 : i32 to index
      %get3A_549 = arith.constant 224 : index
      %get3A_550 = tpu.vector_load %arg7[%get3A_548, %get3A_549] {strides = array<i32>} : memref<128x256xf32, #tpu.memory_space<vmem>>, vector<16xf32>,
      %sub3A_551 = arith.subf %get3A_550, %get3A_31 : vector<16xf32>
      %mul3A_552 = arith.mulf %sub3A_551, %sub3A_551 : vector<16xf32>
      %add3A_553 = arith.addf %add3A_529, %mul3A_552 : vector<16xf32>
      %get3A_554 = arith.index_cast %scan3A_455 : i32 to index
      %get3A_555 = arith.constant 240 : index
      %get3A_556 = tpu.vector_load %arg7[%get3A_554, %get3A_555] {strides = array<i32>} : memref<128x256xf32, #tpu.memory_space<vmem>>, vector<16xf32>,
      %sub3A_557 = arith.subf %get3A_556, %get3A_33 : vector<16xf32>
      %mul3A_558 = arith.mulf %sub3A_557, %sub3A_557 : vector<16xf32>
      %add3A_559 = arith.addf %add3A_535, %mul3A_558 : vector<16xf32>
      %add3A_560 = arith.addf %add3A_541, %add3A_547 : vector<16xf32>
      %add3A_561 = arith.addf %add3A_553, %add3A_559 : vector<16xf32>
      %add3A_562 = arith.addf %add3A_560, %add3A_561 : vector<16xf32>
      %broadcast_in_dim3A_563 = arith.constant true
      %broadcast_in_dim3A_564 = vector.broadcast %broadcast_in_dim3A_563 : i1 to vector<16xi1>
      %masked_cumsum3A_565 = tpu.scan <sum>, %add3A_562 masked %broadcast_in_dim3A_564 : vector<16xf32>, vector<16xi1> -> vector<16xf32>
      %slice3A_566 = vector.extract_strided_slice %masked_cumsum3A_565 {offsets = [15], sizes = [1], strides = [1]} : vector<16xf32> to vector<1xf32>
      %squeeze3A_567 = vector.extract %slice3A_566[0] : f32 from vector<1xf32>
      %lt3A_568 = arith.cmpf olt, %squeeze3A_567, %select_n3A_452 : f32
      %add3A_569 = arith.constant 256 : i32
      %add3A_570 = arith.addi %mul3A_2, %add3A_569 : i32
      %add3A_571 = arith.addi %add3A_570, %scan3A_455 : i32
      %select_n3A_572 = arith.select %lt3A_568, %squeeze3A_567, %select_n3A_452 : f32
      %select_n3A_573 = arith.select %lt3A_568, %add3A_571, %select_n3A_453 : i32
      scf.yield %select_n3A_572, %select_n3A_573 : f32, i32
    }
    %scan3A_84 = arith.constant 128 : i32
    %dma_wait3A_85 = arith.constant 0 : i32
    %dma_wait3A_86 = tpu.memref_slice %arg2[%add3A_70, %dma_wait3A_85] : memref<16384x256xf32, #tpu.memory_space<hbm>> -> memref<128x256xf32, #tpu.memory_space<hbm>>
    %dma_wait3A_87 = arith.constant 0 : i32
    %dma_wait3A_88 = tpu.memref_slice %arg2[%add3A_70, %dma_wait3A_87] : memref<16384x256xf32, #tpu.memory_space<hbm>> -> memref<128x256xf32, #tpu.memory_space<hbm>>
    tpu.wait_dma2 semaphore(%arg12 : memref<!tpu.dma_semaphore, #tpu.memory_space<semaphore_mem>>) src(%dma_wait3A_88 : memref<128x256xf32, #tpu.memory_space<hbm>>) dst(%arg8 : memref<128x256xf32, #tpu.memory_space<vmem>>)
    %scan3A_89 = arith.constant 0 : i32
    %scan3A_90 = arith.constant 128 : i32
    %scan3A_91 = arith.addi %scan3A_89, %scan3A_90 : i32
    %scan3A_92 = arith.constant 4 : i32
    %scan3A_93:2 = scf.for %scan3A_99 = %scan3A_89 to %scan3A_91 step %scan3A_92 iter_args(%scan3A_100 = %scan3A_83#0, %scan3A_101 = %scan3A_83#1) -> (f32, i32)  : i32 {
      %broadcast_in_dim3A_102 = arith.constant 0.000000e+00 : f32
      %broadcast_in_dim3A_103 = vector.broadcast %broadcast_in_dim3A_102 : f32 to vector<16xf32>
      %broadcast_in_dim3A_104 = arith.constant 0.000000e+00 : f32
      %broadcast_in_dim3A_105 = vector.broadcast %broadcast_in_dim3A_104 : f32 to vector<16xf32>
      %broadcast_in_dim3A_106 = arith.constant 0.000000e+00 : f32
      %broadcast_in_dim3A_107 = vector.broadcast %broadcast_in_dim3A_106 : f32 to vector<16xf32>
      %broadcast_in_dim3A_108 = arith.constant 0.000000e+00 : f32
      %broadcast_in_dim3A_109 = vector.broadcast %broadcast_in_dim3A_108 : f32 to vector<16xf32>
      %get3A_110 = arith.index_cast %scan3A_99 : i32 to index
      %get3A_111 = arith.constant 0 : index
      %get3A_112 = tpu.vector_load %arg8[%get3A_110, %get3A_111] {strides = array<i32>} : memref<128x256xf32, #tpu.memory_space<vmem>>, vector<16xf32>,
      %sub3A = arith.subf %get3A_112, %get3A_3 : vector<16xf32>
      %mul3A_113 = arith.mulf %sub3A, %sub3A : vector<16xf32>
      %add3A_114 = arith.addf %broadcast_in_dim3A_103, %mul3A_113 : vector<16xf32>
      %get3A_115 = arith.index_cast %scan3A_99 : i32 to index
      %get3A_116 = arith.constant 16 : index
      %get3A_117 = tpu.vector_load %arg8[%get3A_115, %get3A_116] {strides = array<i32>} : memref<128x256xf32, #tpu.memory_space<vmem>>, vector<16xf32>,
      %sub3A_118 = arith.subf %get3A_117, %get3A_5 : vector<16xf32>
      %mul3A_119 = arith.mulf %sub3A_118, %sub3A_118 : vector<16xf32>
      %add3A_120 = arith.addf %broadcast_in_dim3A_105, %mul3A_119 : vector<16xf32>
      %get3A_121 = arith.index_cast %scan3A_99 : i32 to index
      %get3A_122 = arith.constant 32 : index
      %get3A_123 = tpu.vector_load %arg8[%get3A_121, %get3A_122] {strides = array<i32>} : memref<128x256xf32, #tpu.memory_space<vmem>>, vector<16xf32>,
      %sub3A_124 = arith.subf %get3A_123, %get3A_7 : vector<16xf32>
      %mul3A_125 = arith.mulf %sub3A_124, %sub3A_124 : vector<16xf32>
      %add3A_126 = arith.addf %broadcast_in_dim3A_107, %mul3A_125 : vector<16xf32>
      %get3A_127 = arith.index_cast %scan3A_99 : i32 to index
      %get3A_128 = arith.constant 48 : index
      %get3A_129 = tpu.vector_load %arg8[%get3A_127, %get3A_128] {strides = array<i32>} : memref<128x256xf32, #tpu.memory_space<vmem>>, vector<16xf32>,
      %sub3A_130 = arith.subf %get3A_129, %get3A_9 : vector<16xf32>
      %mul3A_131 = arith.mulf %sub3A_130, %sub3A_130 : vector<16xf32>
      %add3A_132 = arith.addf %broadcast_in_dim3A_109, %mul3A_131 : vector<16xf32>
      %get3A_133 = arith.index_cast %scan3A_99 : i32 to index
      %get3A_134 = arith.constant 64 : index
      %get3A_135 = tpu.vector_load %arg8[%get3A_133, %get3A_134] {strides = array<i32>} : memref<128x256xf32, #tpu.memory_space<vmem>>, vector<16xf32>,
      %sub3A_136 = arith.subf %get3A_135, %get3A_11 : vector<16xf32>
      %mul3A_137 = arith.mulf %sub3A_136, %sub3A_136 : vector<16xf32>
      %add3A_138 = arith.addf %add3A_114, %mul3A_137 : vector<16xf32>
      %get3A_139 = arith.index_cast %scan3A_99 : i32 to index
      %get3A_140 = arith.constant 80 : index
      %get3A_141 = tpu.vector_load %arg8[%get3A_139, %get3A_140] {strides = array<i32>} : memref<128x256xf32, #tpu.memory_space<vmem>>, vector<16xf32>,
      %sub3A_142 = arith.subf %get3A_141, %get3A_13 : vector<16xf32>
      %mul3A_143 = arith.mulf %sub3A_142, %sub3A_142 : vector<16xf32>
      %add3A_144 = arith.addf %add3A_120, %mul3A_143 : vector<16xf32>
      %get3A_145 = arith.index_cast %scan3A_99 : i32 to index
      %get3A_146 = arith.constant 96 : index
      %get3A_147 = tpu.vector_load %arg8[%get3A_145, %get3A_146] {strides = array<i32>} : memref<128x256xf32, #tpu.memory_space<vmem>>, vector<16xf32>,
      %sub3A_148 = arith.subf %get3A_147, %get3A_15 : vector<16xf32>
      %mul3A_149 = arith.mulf %sub3A_148, %sub3A_148 : vector<16xf32>
      %add3A_150 = arith.addf %add3A_126, %mul3A_149 : vector<16xf32>
      %get3A_151 = arith.index_cast %scan3A_99 : i32 to index
      %get3A_152 = arith.constant 112 : index
      %get3A_153 = tpu.vector_load %arg8[%get3A_151, %get3A_152] {strides = array<i32>} : memref<128x256xf32, #tpu.memory_space<vmem>>, vector<16xf32>,
      %sub3A_154 = arith.subf %get3A_153, %get3A_17 : vector<16xf32>
      %mul3A_155 = arith.mulf %sub3A_154, %sub3A_154 : vector<16xf32>
      %add3A_156 = arith.addf %add3A_132, %mul3A_155 : vector<16xf32>
      %get3A_157 = arith.index_cast %scan3A_99 : i32 to index
      %get3A_158 = arith.constant 128 : index
      %get3A_159 = tpu.vector_load %arg8[%get3A_157, %get3A_158] {strides = array<i32>} : memref<128x256xf32, #tpu.memory_space<vmem>>, vector<16xf32>,
      %sub3A_160 = arith.subf %get3A_159, %get3A_19 : vector<16xf32>
      %mul3A_161 = arith.mulf %sub3A_160, %sub3A_160 : vector<16xf32>
      %add3A_162 = arith.addf %add3A_138, %mul3A_161 : vector<16xf32>
      %get3A_163 = arith.index_cast %scan3A_99 : i32 to index
      %get3A_164 = arith.constant 144 : index
      %get3A_165 = tpu.vector_load %arg8[%get3A_163, %get3A_164] {strides = array<i32>} : memref<128x256xf32, #tpu.memory_space<vmem>>, vector<16xf32>,
      %sub3A_166 = arith.subf %get3A_165, %get3A_21 : vector<16xf32>
      %mul3A_167 = arith.mulf %sub3A_166, %sub3A_166 : vector<16xf32>
      %add3A_168 = arith.addf %add3A_144, %mul3A_167 : vector<16xf32>
      %get3A_169 = arith.index_cast %scan3A_99 : i32 to index
      %get3A_170 = arith.constant 160 : index
      %get3A_171 = tpu.vector_load %arg8[%get3A_169, %get3A_170] {strides = array<i32>} : memref<128x256xf32, #tpu.memory_space<vmem>>, vector<16xf32>,
      %sub3A_172 = arith.subf %get3A_171, %get3A_23 : vector<16xf32>
      %mul3A_173 = arith.mulf %sub3A_172, %sub3A_172 : vector<16xf32>
      %add3A_174 = arith.addf %add3A_150, %mul3A_173 : vector<16xf32>
      %get3A_175 = arith.index_cast %scan3A_99 : i32 to index
      %get3A_176 = arith.constant 176 : index
      %get3A_177 = tpu.vector_load %arg8[%get3A_175, %get3A_176] {strides = array<i32>} : memref<128x256xf32, #tpu.memory_space<vmem>>, vector<16xf32>,
      %sub3A_178 = arith.subf %get3A_177, %get3A_25 : vector<16xf32>
      %mul3A_179 = arith.mulf %sub3A_178, %sub3A_178 : vector<16xf32>
      %add3A_180 = arith.addf %add3A_156, %mul3A_179 : vector<16xf32>
      %get3A_181 = arith.index_cast %scan3A_99 : i32 to index
      %get3A_182 = arith.constant 192 : index
      %get3A_183 = tpu.vector_load %arg8[%get3A_181, %get3A_182] {strides = array<i32>} : memref<128x256xf32, #tpu.memory_space<vmem>>, vector<16xf32>,
      %sub3A_184 = arith.subf %get3A_183, %get3A_27 : vector<16xf32>
      %mul3A_185 = arith.mulf %sub3A_184, %sub3A_184 : vector<16xf32>
      %add3A_186 = arith.addf %add3A_162, %mul3A_185 : vector<16xf32>
      %get3A_187 = arith.index_cast %scan3A_99 : i32 to index
      %get3A_188 = arith.constant 208 : index
      %get3A_189 = tpu.vector_load %arg8[%get3A_187, %get3A_188] {strides = array<i32>} : memref<128x256xf32, #tpu.memory_space<vmem>>, vector<16xf32>,
      %sub3A_190 = arith.subf %get3A_189, %get3A_29 : vector<16xf32>
      %mul3A_191 = arith.mulf %sub3A_190, %sub3A_190 : vector<16xf32>
      %add3A_192 = arith.addf %add3A_168, %mul3A_191 : vector<16xf32>
      %get3A_193 = arith.index_cast %scan3A_99 : i32 to index
      %get3A_194 = arith.constant 224 : index
      %get3A_195 = tpu.vector_load %arg8[%get3A_193, %get3A_194] {strides = array<i32>} : memref<128x256xf32, #tpu.memory_space<vmem>>, vector<16xf32>,
      %sub3A_196 = arith.subf %get3A_195, %get3A_31 : vector<16xf32>
      %mul3A_197 = arith.mulf %sub3A_196, %sub3A_196 : vector<16xf32>
      %add3A_198 = arith.addf %add3A_174, %mul3A_197 : vector<16xf32>
      %get3A_199 = arith.index_cast %scan3A_99 : i32 to index
      %get3A_200 = arith.constant 240 : index
      %get3A_201 = tpu.vector_load %arg8[%get3A_199, %get3A_200] {strides = array<i32>} : memref<128x256xf32, #tpu.memory_space<vmem>>, vector<16xf32>,
      %sub3A_202 = arith.subf %get3A_201, %get3A_33 : vector<16xf32>
      %mul3A_203 = arith.mulf %sub3A_202, %sub3A_202 : vector<16xf32>
      %add3A_204 = arith.addf %add3A_180, %mul3A_203 : vector<16xf32>
      %add3A_205 = arith.addf %add3A_186, %add3A_192 : vector<16xf32>
      %add3A_206 = arith.addf %add3A_198, %add3A_204 : vector<16xf32>
      %add3A_207 = arith.addf %add3A_205, %add3A_206 : vector<16xf32>
      %broadcast_in_dim3A_208 = arith.constant true
      %broadcast_in_dim3A_209 = vector.broadcast %broadcast_in_dim3A_208 : i1 to vector<16xi1>
      %masked_cumsum3A = tpu.scan <sum>, %add3A_207 masked %broadcast_in_dim3A_209 : vector<16xf32>, vector<16xi1> -> vector<16xf32>
      %slice3A = vector.extract_strided_slice %masked_cumsum3A {offsets = [15], sizes = [1], strides = [1]} : vector<16xf32> to vector<1xf32>
      %squeeze3A = vector.extract %slice3A[0] : f32 from vector<1xf32>
      %lt3A = arith.cmpf olt, %squeeze3A, %scan3A_100 : f32
      %add3A_210 = arith.constant 384 : i32
      %add3A_211 = arith.addi %mul3A_2, %add3A_210 : i32
      %add3A_212 = arith.addi %add3A_211, %scan3A_99 : i32
      %select_n3A = arith.select %lt3A, %squeeze3A, %scan3A_100 : f32
      %select_n3A_213 = arith.select %lt3A, %add3A_212, %scan3A_101 : i32
      %scan3A_214 = arith.constant 1 : i32
      %scan3A_215 = arith.addi %scan3A_99, %scan3A_214 : i32
      %broadcast_in_dim3A_216 = arith.constant 0.000000e+00 : f32
      %broadcast_in_dim3A_217 = vector.broadcast %broadcast_in_dim3A_216 : f32 to vector<16xf32>
      %broadcast_in_dim3A_218 = arith.constant 0.000000e+00 : f32
      %broadcast_in_dim3A_219 = vector.broadcast %broadcast_in_dim3A_218 : f32 to vector<16xf32>
      %broadcast_in_dim3A_220 = arith.constant 0.000000e+00 : f32
      %broadcast_in_dim3A_221 = vector.broadcast %broadcast_in_dim3A_220 : f32 to vector<16xf32>
      %broadcast_in_dim3A_222 = arith.constant 0.000000e+00 : f32
      %broadcast_in_dim3A_223 = vector.broadcast %broadcast_in_dim3A_222 : f32 to vector<16xf32>
      %get3A_224 = arith.index_cast %scan3A_215 : i32 to index
      %get3A_225 = arith.constant 0 : index
      %get3A_226 = tpu.vector_load %arg8[%get3A_224, %get3A_225] {strides = array<i32>} : memref<128x256xf32, #tpu.memory_space<vmem>>, vector<16xf32>,
      %sub3A_227 = arith.subf %get3A_226, %get3A_3 : vector<16xf32>
      %mul3A_228 = arith.mulf %sub3A_227, %sub3A_227 : vector<16xf32>
      %add3A_229 = arith.addf %broadcast_in_dim3A_217, %mul3A_228 : vector<16xf32>
      %get3A_230 = arith.index_cast %scan3A_215 : i32 to index
      %get3A_231 = arith.constant 16 : index
      %get3A_232 = tpu.vector_load %arg8[%get3A_230, %get3A_231] {strides = array<i32>} : memref<128x256xf32, #tpu.memory_space<vmem>>, vector<16xf32>,
      %sub3A_233 = arith.subf %get3A_232, %get3A_5 : vector<16xf32>
      %mul3A_234 = arith.mulf %sub3A_233, %sub3A_233 : vector<16xf32>
      %add3A_235 = arith.addf %broadcast_in_dim3A_219, %mul3A_234 : vector<16xf32>
      %get3A_236 = arith.index_cast %scan3A_215 : i32 to index
      %get3A_237 = arith.constant 32 : index
      %get3A_238 = tpu.vector_load %arg8[%get3A_236, %get3A_237] {strides = array<i32>} : memref<128x256xf32, #tpu.memory_space<vmem>>, vector<16xf32>,
      %sub3A_239 = arith.subf %get3A_238, %get3A_7 : vector<16xf32>
      %mul3A_240 = arith.mulf %sub3A_239, %sub3A_239 : vector<16xf32>
      %add3A_241 = arith.addf %broadcast_in_dim3A_221, %mul3A_240 : vector<16xf32>
      %get3A_242 = arith.index_cast %scan3A_215 : i32 to index
      %get3A_243 = arith.constant 48 : index
      %get3A_244 = tpu.vector_load %arg8[%get3A_242, %get3A_243] {strides = array<i32>} : memref<128x256xf32, #tpu.memory_space<vmem>>, vector<16xf32>,
      %sub3A_245 = arith.subf %get3A_244, %get3A_9 : vector<16xf32>
      %mul3A_246 = arith.mulf %sub3A_245, %sub3A_245 : vector<16xf32>
      %add3A_247 = arith.addf %broadcast_in_dim3A_223, %mul3A_246 : vector<16xf32>
      %get3A_248 = arith.index_cast %scan3A_215 : i32 to index
      %get3A_249 = arith.constant 64 : index
      %get3A_250 = tpu.vector_load %arg8[%get3A_248, %get3A_249] {strides = array<i32>} : memref<128x256xf32, #tpu.memory_space<vmem>>, vector<16xf32>,
      %sub3A_251 = arith.subf %get3A_250, %get3A_11 : vector<16xf32>
      %mul3A_252 = arith.mulf %sub3A_251, %sub3A_251 : vector<16xf32>
      %add3A_253 = arith.addf %add3A_229, %mul3A_252 : vector<16xf32>
      %get3A_254 = arith.index_cast %scan3A_215 : i32 to index
      %get3A_255 = arith.constant 80 : index
      %get3A_256 = tpu.vector_load %arg8[%get3A_254, %get3A_255] {strides = array<i32>} : memref<128x256xf32, #tpu.memory_space<vmem>>, vector<16xf32>,
      %sub3A_257 = arith.subf %get3A_256, %get3A_13 : vector<16xf32>
      %mul3A_258 = arith.mulf %sub3A_257, %sub3A_257 : vector<16xf32>
      %add3A_259 = arith.addf %add3A_235, %mul3A_258 : vector<16xf32>
      %get3A_260 = arith.index_cast %scan3A_215 : i32 to index
      %get3A_261 = arith.constant 96 : index
      %get3A_262 = tpu.vector_load %arg8[%get3A_260, %get3A_261] {strides = array<i32>} : memref<128x256xf32, #tpu.memory_space<vmem>>, vector<16xf32>,
      %sub3A_263 = arith.subf %get3A_262, %get3A_15 : vector<16xf32>
      %mul3A_264 = arith.mulf %sub3A_263, %sub3A_263 : vector<16xf32>
      %add3A_265 = arith.addf %add3A_241, %mul3A_264 : vector<16xf32>
      %get3A_266 = arith.index_cast %scan3A_215 : i32 to index
      %get3A_267 = arith.constant 112 : index
      %get3A_268 = tpu.vector_load %arg8[%get3A_266, %get3A_267] {strides = array<i32>} : memref<128x256xf32, #tpu.memory_space<vmem>>, vector<16xf32>,
      %sub3A_269 = arith.subf %get3A_268, %get3A_17 : vector<16xf32>
      %mul3A_270 = arith.mulf %sub3A_269, %sub3A_269 : vector<16xf32>
      %add3A_271 = arith.addf %add3A_247, %mul3A_270 : vector<16xf32>
      %get3A_272 = arith.index_cast %scan3A_215 : i32 to index
      %get3A_273 = arith.constant 128 : index
      %get3A_274 = tpu.vector_load %arg8[%get3A_272, %get3A_273] {strides = array<i32>} : memref<128x256xf32, #tpu.memory_space<vmem>>, vector<16xf32>,
      %sub3A_275 = arith.subf %get3A_274, %get3A_19 : vector<16xf32>
      %mul3A_276 = arith.mulf %sub3A_275, %sub3A_275 : vector<16xf32>
      %add3A_277 = arith.addf %add3A_253, %mul3A_276 : vector<16xf32>
      %get3A_278 = arith.index_cast %scan3A_215 : i32 to index
      %get3A_279 = arith.constant 144 : index
      %get3A_280 = tpu.vector_load %arg8[%get3A_278, %get3A_279] {strides = array<i32>} : memref<128x256xf32, #tpu.memory_space<vmem>>, vector<16xf32>,
      %sub3A_281 = arith.subf %get3A_280, %get3A_21 : vector<16xf32>
      %mul3A_282 = arith.mulf %sub3A_281, %sub3A_281 : vector<16xf32>
      %add3A_283 = arith.addf %add3A_259, %mul3A_282 : vector<16xf32>
      %get3A_284 = arith.index_cast %scan3A_215 : i32 to index
      %get3A_285 = arith.constant 160 : index
      %get3A_286 = tpu.vector_load %arg8[%get3A_284, %get3A_285] {strides = array<i32>} : memref<128x256xf32, #tpu.memory_space<vmem>>, vector<16xf32>,
      %sub3A_287 = arith.subf %get3A_286, %get3A_23 : vector<16xf32>
      %mul3A_288 = arith.mulf %sub3A_287, %sub3A_287 : vector<16xf32>
      %add3A_289 = arith.addf %add3A_265, %mul3A_288 : vector<16xf32>
      %get3A_290 = arith.index_cast %scan3A_215 : i32 to index
      %get3A_291 = arith.constant 176 : index
      %get3A_292 = tpu.vector_load %arg8[%get3A_290, %get3A_291] {strides = array<i32>} : memref<128x256xf32, #tpu.memory_space<vmem>>, vector<16xf32>,
      %sub3A_293 = arith.subf %get3A_292, %get3A_25 : vector<16xf32>
      %mul3A_294 = arith.mulf %sub3A_293, %sub3A_293 : vector<16xf32>
      %add3A_295 = arith.addf %add3A_271, %mul3A_294 : vector<16xf32>
      %get3A_296 = arith.index_cast %scan3A_215 : i32 to index
      %get3A_297 = arith.constant 192 : index
      %get3A_298 = tpu.vector_load %arg8[%get3A_296, %get3A_297] {strides = array<i32>} : memref<128x256xf32, #tpu.memory_space<vmem>>, vector<16xf32>,
      %sub3A_299 = arith.subf %get3A_298, %get3A_27 : vector<16xf32>
      %mul3A_300 = arith.mulf %sub3A_299, %sub3A_299 : vector<16xf32>
      %add3A_301 = arith.addf %add3A_277, %mul3A_300 : vector<16xf32>
      %get3A_302 = arith.index_cast %scan3A_215 : i32 to index
      %get3A_303 = arith.constant 208 : index
      %get3A_304 = tpu.vector_load %arg8[%get3A_302, %get3A_303] {strides = array<i32>} : memref<128x256xf32, #tpu.memory_space<vmem>>, vector<16xf32>,
      %sub3A_305 = arith.subf %get3A_304, %get3A_29 : vector<16xf32>
      %mul3A_306 = arith.mulf %sub3A_305, %sub3A_305 : vector<16xf32>
      %add3A_307 = arith.addf %add3A_283, %mul3A_306 : vector<16xf32>
      %get3A_308 = arith.index_cast %scan3A_215 : i32 to index
      %get3A_309 = arith.constant 224 : index
      %get3A_310 = tpu.vector_load %arg8[%get3A_308, %get3A_309] {strides = array<i32>} : memref<128x256xf32, #tpu.memory_space<vmem>>, vector<16xf32>,
      %sub3A_311 = arith.subf %get3A_310, %get3A_31 : vector<16xf32>
      %mul3A_312 = arith.mulf %sub3A_311, %sub3A_311 : vector<16xf32>
      %add3A_313 = arith.addf %add3A_289, %mul3A_312 : vector<16xf32>
      %get3A_314 = arith.index_cast %scan3A_215 : i32 to index
      %get3A_315 = arith.constant 240 : index
      %get3A_316 = tpu.vector_load %arg8[%get3A_314, %get3A_315] {strides = array<i32>} : memref<128x256xf32, #tpu.memory_space<vmem>>, vector<16xf32>,
      %sub3A_317 = arith.subf %get3A_316, %get3A_33 : vector<16xf32>
      %mul3A_318 = arith.mulf %sub3A_317, %sub3A_317 : vector<16xf32>
      %add3A_319 = arith.addf %add3A_295, %mul3A_318 : vector<16xf32>
      %add3A_320 = arith.addf %add3A_301, %add3A_307 : vector<16xf32>
      %add3A_321 = arith.addf %add3A_313, %add3A_319 : vector<16xf32>
      %add3A_322 = arith.addf %add3A_320, %add3A_321 : vector<16xf32>
      %broadcast_in_dim3A_323 = arith.constant true
      %broadcast_in_dim3A_324 = vector.broadcast %broadcast_in_dim3A_323 : i1 to vector<16xi1>
      %masked_cumsum3A_325 = tpu.scan <sum>, %add3A_322 masked %broadcast_in_dim3A_324 : vector<16xf32>, vector<16xi1> -> vector<16xf32>
      %slice3A_326 = vector.extract_strided_slice %masked_cumsum3A_325 {offsets = [15], sizes = [1], strides = [1]} : vector<16xf32> to vector<1xf32>
      %squeeze3A_327 = vector.extract %slice3A_326[0] : f32 from vector<1xf32>
      %lt3A_328 = arith.cmpf olt, %squeeze3A_327, %select_n3A : f32
      %add3A_329 = arith.constant 384 : i32
      %add3A_330 = arith.addi %mul3A_2, %add3A_329 : i32
      %add3A_331 = arith.addi %add3A_330, %scan3A_215 : i32
      %select_n3A_332 = arith.select %lt3A_328, %squeeze3A_327, %select_n3A : f32
      %select_n3A_333 = arith.select %lt3A_328, %add3A_331, %select_n3A_213 : i32
      %scan3A_334 = arith.constant 2 : i32
      %scan3A_335 = arith.addi %scan3A_99, %scan3A_334 : i32
      %broadcast_in_dim3A_336 = arith.constant 0.000000e+00 : f32
      %broadcast_in_dim3A_337 = vector.broadcast %broadcast_in_dim3A_336 : f32 to vector<16xf32>
      %broadcast_in_dim3A_338 = arith.constant 0.000000e+00 : f32
      %broadcast_in_dim3A_339 = vector.broadcast %broadcast_in_dim3A_338 : f32 to vector<16xf32>
      %broadcast_in_dim3A_340 = arith.constant 0.000000e+00 : f32
      %broadcast_in_dim3A_341 = vector.broadcast %broadcast_in_dim3A_340 : f32 to vector<16xf32>
      %broadcast_in_dim3A_342 = arith.constant 0.000000e+00 : f32
      %broadcast_in_dim3A_343 = vector.broadcast %broadcast_in_dim3A_342 : f32 to vector<16xf32>
      %get3A_344 = arith.index_cast %scan3A_335 : i32 to index
      %get3A_345 = arith.constant 0 : index
      %get3A_346 = tpu.vector_load %arg8[%get3A_344, %get3A_345] {strides = array<i32>} : memref<128x256xf32, #tpu.memory_space<vmem>>, vector<16xf32>,
      %sub3A_347 = arith.subf %get3A_346, %get3A_3 : vector<16xf32>
      %mul3A_348 = arith.mulf %sub3A_347, %sub3A_347 : vector<16xf32>
      %add3A_349 = arith.addf %broadcast_in_dim3A_337, %mul3A_348 : vector<16xf32>
      %get3A_350 = arith.index_cast %scan3A_335 : i32 to index
      %get3A_351 = arith.constant 16 : index
      %get3A_352 = tpu.vector_load %arg8[%get3A_350, %get3A_351] {strides = array<i32>} : memref<128x256xf32, #tpu.memory_space<vmem>>, vector<16xf32>,
      %sub3A_353 = arith.subf %get3A_352, %get3A_5 : vector<16xf32>
      %mul3A_354 = arith.mulf %sub3A_353, %sub3A_353 : vector<16xf32>
      %add3A_355 = arith.addf %broadcast_in_dim3A_339, %mul3A_354 : vector<16xf32>
      %get3A_356 = arith.index_cast %scan3A_335 : i32 to index
      %get3A_357 = arith.constant 32 : index
      %get3A_358 = tpu.vector_load %arg8[%get3A_356, %get3A_357] {strides = array<i32>} : memref<128x256xf32, #tpu.memory_space<vmem>>, vector<16xf32>,
      %sub3A_359 = arith.subf %get3A_358, %get3A_7 : vector<16xf32>
      %mul3A_360 = arith.mulf %sub3A_359, %sub3A_359 : vector<16xf32>
      %add3A_361 = arith.addf %broadcast_in_dim3A_341, %mul3A_360 : vector<16xf32>
      %get3A_362 = arith.index_cast %scan3A_335 : i32 to index
      %get3A_363 = arith.constant 48 : index
      %get3A_364 = tpu.vector_load %arg8[%get3A_362, %get3A_363] {strides = array<i32>} : memref<128x256xf32, #tpu.memory_space<vmem>>, vector<16xf32>,
      %sub3A_365 = arith.subf %get3A_364, %get3A_9 : vector<16xf32>
      %mul3A_366 = arith.mulf %sub3A_365, %sub3A_365 : vector<16xf32>
      %add3A_367 = arith.addf %broadcast_in_dim3A_343, %mul3A_366 : vector<16xf32>
      %get3A_368 = arith.index_cast %scan3A_335 : i32 to index
      %get3A_369 = arith.constant 64 : index
      %get3A_370 = tpu.vector_load %arg8[%get3A_368, %get3A_369] {strides = array<i32>} : memref<128x256xf32, #tpu.memory_space<vmem>>, vector<16xf32>,
      %sub3A_371 = arith.subf %get3A_370, %get3A_11 : vector<16xf32>
      %mul3A_372 = arith.mulf %sub3A_371, %sub3A_371 : vector<16xf32>
      %add3A_373 = arith.addf %add3A_349, %mul3A_372 : vector<16xf32>
      %get3A_374 = arith.index_cast %scan3A_335 : i32 to index
      %get3A_375 = arith.constant 80 : index
      %get3A_376 = tpu.vector_load %arg8[%get3A_374, %get3A_375] {strides = array<i32>} : memref<128x256xf32, #tpu.memory_space<vmem>>, vector<16xf32>,
      %sub3A_377 = arith.subf %get3A_376, %get3A_13 : vector<16xf32>
      %mul3A_378 = arith.mulf %sub3A_377, %sub3A_377 : vector<16xf32>
      %add3A_379 = arith.addf %add3A_355, %mul3A_378 : vector<16xf32>
      %get3A_380 = arith.index_cast %scan3A_335 : i32 to index
      %get3A_381 = arith.constant 96 : index
      %get3A_382 = tpu.vector_load %arg8[%get3A_380, %get3A_381] {strides = array<i32>} : memref<128x256xf32, #tpu.memory_space<vmem>>, vector<16xf32>,
      %sub3A_383 = arith.subf %get3A_382, %get3A_15 : vector<16xf32>
      %mul3A_384 = arith.mulf %sub3A_383, %sub3A_383 : vector<16xf32>
      %add3A_385 = arith.addf %add3A_361, %mul3A_384 : vector<16xf32>
      %get3A_386 = arith.index_cast %scan3A_335 : i32 to index
      %get3A_387 = arith.constant 112 : index
      %get3A_388 = tpu.vector_load %arg8[%get3A_386, %get3A_387] {strides = array<i32>} : memref<128x256xf32, #tpu.memory_space<vmem>>, vector<16xf32>,
      %sub3A_389 = arith.subf %get3A_388, %get3A_17 : vector<16xf32>
      %mul3A_390 = arith.mulf %sub3A_389, %sub3A_389 : vector<16xf32>
      %add3A_391 = arith.addf %add3A_367, %mul3A_390 : vector<16xf32>
      %get3A_392 = arith.index_cast %scan3A_335 : i32 to index
      %get3A_393 = arith.constant 128 : index
      %get3A_394 = tpu.vector_load %arg8[%get3A_392, %get3A_393] {strides = array<i32>} : memref<128x256xf32, #tpu.memory_space<vmem>>, vector<16xf32>,
      %sub3A_395 = arith.subf %get3A_394, %get3A_19 : vector<16xf32>
      %mul3A_396 = arith.mulf %sub3A_395, %sub3A_395 : vector<16xf32>
      %add3A_397 = arith.addf %add3A_373, %mul3A_396 : vector<16xf32>
      %get3A_398 = arith.index_cast %scan3A_335 : i32 to index
      %get3A_399 = arith.constant 144 : index
      %get3A_400 = tpu.vector_load %arg8[%get3A_398, %get3A_399] {strides = array<i32>} : memref<128x256xf32, #tpu.memory_space<vmem>>, vector<16xf32>,
      %sub3A_401 = arith.subf %get3A_400, %get3A_21 : vector<16xf32>
      %mul3A_402 = arith.mulf %sub3A_401, %sub3A_401 : vector<16xf32>
      %add3A_403 = arith.addf %add3A_379, %mul3A_402 : vector<16xf32>
      %get3A_404 = arith.index_cast %scan3A_335 : i32 to index
      %get3A_405 = arith.constant 160 : index
      %get3A_406 = tpu.vector_load %arg8[%get3A_404, %get3A_405] {strides = array<i32>} : memref<128x256xf32, #tpu.memory_space<vmem>>, vector<16xf32>,
      %sub3A_407 = arith.subf %get3A_406, %get3A_23 : vector<16xf32>
      %mul3A_408 = arith.mulf %sub3A_407, %sub3A_407 : vector<16xf32>
      %add3A_409 = arith.addf %add3A_385, %mul3A_408 : vector<16xf32>
      %get3A_410 = arith.index_cast %scan3A_335 : i32 to index
      %get3A_411 = arith.constant 176 : index
      %get3A_412 = tpu.vector_load %arg8[%get3A_410, %get3A_411] {strides = array<i32>} : memref<128x256xf32, #tpu.memory_space<vmem>>, vector<16xf32>,
      %sub3A_413 = arith.subf %get3A_412, %get3A_25 : vector<16xf32>
      %mul3A_414 = arith.mulf %sub3A_413, %sub3A_413 : vector<16xf32>
      %add3A_415 = arith.addf %add3A_391, %mul3A_414 : vector<16xf32>
      %get3A_416 = arith.index_cast %scan3A_335 : i32 to index
      %get3A_417 = arith.constant 192 : index
      %get3A_418 = tpu.vector_load %arg8[%get3A_416, %get3A_417] {strides = array<i32>} : memref<128x256xf32, #tpu.memory_space<vmem>>, vector<16xf32>,
      %sub3A_419 = arith.subf %get3A_418, %get3A_27 : vector<16xf32>
      %mul3A_420 = arith.mulf %sub3A_419, %sub3A_419 : vector<16xf32>
      %add3A_421 = arith.addf %add3A_397, %mul3A_420 : vector<16xf32>
      %get3A_422 = arith.index_cast %scan3A_335 : i32 to index
      %get3A_423 = arith.constant 208 : index
      %get3A_424 = tpu.vector_load %arg8[%get3A_422, %get3A_423] {strides = array<i32>} : memref<128x256xf32, #tpu.memory_space<vmem>>, vector<16xf32>,
      %sub3A_425 = arith.subf %get3A_424, %get3A_29 : vector<16xf32>
      %mul3A_426 = arith.mulf %sub3A_425, %sub3A_425 : vector<16xf32>
      %add3A_427 = arith.addf %add3A_403, %mul3A_426 : vector<16xf32>
      %get3A_428 = arith.index_cast %scan3A_335 : i32 to index
      %get3A_429 = arith.constant 224 : index
      %get3A_430 = tpu.vector_load %arg8[%get3A_428, %get3A_429] {strides = array<i32>} : memref<128x256xf32, #tpu.memory_space<vmem>>, vector<16xf32>,
      %sub3A_431 = arith.subf %get3A_430, %get3A_31 : vector<16xf32>
      %mul3A_432 = arith.mulf %sub3A_431, %sub3A_431 : vector<16xf32>
      %add3A_433 = arith.addf %add3A_409, %mul3A_432 : vector<16xf32>
      %get3A_434 = arith.index_cast %scan3A_335 : i32 to index
      %get3A_435 = arith.constant 240 : index
      %get3A_436 = tpu.vector_load %arg8[%get3A_434, %get3A_435] {strides = array<i32>} : memref<128x256xf32, #tpu.memory_space<vmem>>, vector<16xf32>,
      %sub3A_437 = arith.subf %get3A_436, %get3A_33 : vector<16xf32>
      %mul3A_438 = arith.mulf %sub3A_437, %sub3A_437 : vector<16xf32>
      %add3A_439 = arith.addf %add3A_415, %mul3A_438 : vector<16xf32>
      %add3A_440 = arith.addf %add3A_421, %add3A_427 : vector<16xf32>
      %add3A_441 = arith.addf %add3A_433, %add3A_439 : vector<16xf32>
      %add3A_442 = arith.addf %add3A_440, %add3A_441 : vector<16xf32>
      %broadcast_in_dim3A_443 = arith.constant true
      %broadcast_in_dim3A_444 = vector.broadcast %broadcast_in_dim3A_443 : i1 to vector<16xi1>
      %masked_cumsum3A_445 = tpu.scan <sum>, %add3A_442 masked %broadcast_in_dim3A_444 : vector<16xf32>, vector<16xi1> -> vector<16xf32>
      %slice3A_446 = vector.extract_strided_slice %masked_cumsum3A_445 {offsets = [15], sizes = [1], strides = [1]} : vector<16xf32> to vector<1xf32>
      %squeeze3A_447 = vector.extract %slice3A_446[0] : f32 from vector<1xf32>
      %lt3A_448 = arith.cmpf olt, %squeeze3A_447, %select_n3A_332 : f32
      %add3A_449 = arith.constant 384 : i32
      %add3A_450 = arith.addi %mul3A_2, %add3A_449 : i32
      %add3A_451 = arith.addi %add3A_450, %scan3A_335 : i32
      %select_n3A_452 = arith.select %lt3A_448, %squeeze3A_447, %select_n3A_332 : f32
      %select_n3A_453 = arith.select %lt3A_448, %add3A_451, %select_n3A_333 : i32
      %scan3A_454 = arith.constant 3 : i32
      %scan3A_455 = arith.addi %scan3A_99, %scan3A_454 : i32
      %broadcast_in_dim3A_456 = arith.constant 0.000000e+00 : f32
      %broadcast_in_dim3A_457 = vector.broadcast %broadcast_in_dim3A_456 : f32 to vector<16xf32>
      %broadcast_in_dim3A_458 = arith.constant 0.000000e+00 : f32
      %broadcast_in_dim3A_459 = vector.broadcast %broadcast_in_dim3A_458 : f32 to vector<16xf32>
      %broadcast_in_dim3A_460 = arith.constant 0.000000e+00 : f32
      %broadcast_in_dim3A_461 = vector.broadcast %broadcast_in_dim3A_460 : f32 to vector<16xf32>
      %broadcast_in_dim3A_462 = arith.constant 0.000000e+00 : f32
      %broadcast_in_dim3A_463 = vector.broadcast %broadcast_in_dim3A_462 : f32 to vector<16xf32>
      %get3A_464 = arith.index_cast %scan3A_455 : i32 to index
      %get3A_465 = arith.constant 0 : index
      %get3A_466 = tpu.vector_load %arg8[%get3A_464, %get3A_465] {strides = array<i32>} : memref<128x256xf32, #tpu.memory_space<vmem>>, vector<16xf32>,
      %sub3A_467 = arith.subf %get3A_466, %get3A_3 : vector<16xf32>
      %mul3A_468 = arith.mulf %sub3A_467, %sub3A_467 : vector<16xf32>
      %add3A_469 = arith.addf %broadcast_in_dim3A_457, %mul3A_468 : vector<16xf32>
      %get3A_470 = arith.index_cast %scan3A_455 : i32 to index
      %get3A_471 = arith.constant 16 : index
      %get3A_472 = tpu.vector_load %arg8[%get3A_470, %get3A_471] {strides = array<i32>} : memref<128x256xf32, #tpu.memory_space<vmem>>, vector<16xf32>,
      %sub3A_473 = arith.subf %get3A_472, %get3A_5 : vector<16xf32>
      %mul3A_474 = arith.mulf %sub3A_473, %sub3A_473 : vector<16xf32>
      %add3A_475 = arith.addf %broadcast_in_dim3A_459, %mul3A_474 : vector<16xf32>
      %get3A_476 = arith.index_cast %scan3A_455 : i32 to index
      %get3A_477 = arith.constant 32 : index
      %get3A_478 = tpu.vector_load %arg8[%get3A_476, %get3A_477] {strides = array<i32>} : memref<128x256xf32, #tpu.memory_space<vmem>>, vector<16xf32>,
      %sub3A_479 = arith.subf %get3A_478, %get3A_7 : vector<16xf32>
      %mul3A_480 = arith.mulf %sub3A_479, %sub3A_479 : vector<16xf32>
      %add3A_481 = arith.addf %broadcast_in_dim3A_461, %mul3A_480 : vector<16xf32>
      %get3A_482 = arith.index_cast %scan3A_455 : i32 to index
      %get3A_483 = arith.constant 48 : index
      %get3A_484 = tpu.vector_load %arg8[%get3A_482, %get3A_483] {strides = array<i32>} : memref<128x256xf32, #tpu.memory_space<vmem>>, vector<16xf32>,
      %sub3A_485 = arith.subf %get3A_484, %get3A_9 : vector<16xf32>
      %mul3A_486 = arith.mulf %sub3A_485, %sub3A_485 : vector<16xf32>
      %add3A_487 = arith.addf %broadcast_in_dim3A_463, %mul3A_486 : vector<16xf32>
      %get3A_488 = arith.index_cast %scan3A_455 : i32 to index
      %get3A_489 = arith.constant 64 : index
      %get3A_490 = tpu.vector_load %arg8[%get3A_488, %get3A_489] {strides = array<i32>} : memref<128x256xf32, #tpu.memory_space<vmem>>, vector<16xf32>,
      %sub3A_491 = arith.subf %get3A_490, %get3A_11 : vector<16xf32>
      %mul3A_492 = arith.mulf %sub3A_491, %sub3A_491 : vector<16xf32>
      %add3A_493 = arith.addf %add3A_469, %mul3A_492 : vector<16xf32>
      %get3A_494 = arith.index_cast %scan3A_455 : i32 to index
      %get3A_495 = arith.constant 80 : index
      %get3A_496 = tpu.vector_load %arg8[%get3A_494, %get3A_495] {strides = array<i32>} : memref<128x256xf32, #tpu.memory_space<vmem>>, vector<16xf32>,
      %sub3A_497 = arith.subf %get3A_496, %get3A_13 : vector<16xf32>
      %mul3A_498 = arith.mulf %sub3A_497, %sub3A_497 : vector<16xf32>
      %add3A_499 = arith.addf %add3A_475, %mul3A_498 : vector<16xf32>
      %get3A_500 = arith.index_cast %scan3A_455 : i32 to index
      %get3A_501 = arith.constant 96 : index
      %get3A_502 = tpu.vector_load %arg8[%get3A_500, %get3A_501] {strides = array<i32>} : memref<128x256xf32, #tpu.memory_space<vmem>>, vector<16xf32>,
      %sub3A_503 = arith.subf %get3A_502, %get3A_15 : vector<16xf32>
      %mul3A_504 = arith.mulf %sub3A_503, %sub3A_503 : vector<16xf32>
      %add3A_505 = arith.addf %add3A_481, %mul3A_504 : vector<16xf32>
      %get3A_506 = arith.index_cast %scan3A_455 : i32 to index
      %get3A_507 = arith.constant 112 : index
      %get3A_508 = tpu.vector_load %arg8[%get3A_506, %get3A_507] {strides = array<i32>} : memref<128x256xf32, #tpu.memory_space<vmem>>, vector<16xf32>,
      %sub3A_509 = arith.subf %get3A_508, %get3A_17 : vector<16xf32>
      %mul3A_510 = arith.mulf %sub3A_509, %sub3A_509 : vector<16xf32>
      %add3A_511 = arith.addf %add3A_487, %mul3A_510 : vector<16xf32>
      %get3A_512 = arith.index_cast %scan3A_455 : i32 to index
      %get3A_513 = arith.constant 128 : index
      %get3A_514 = tpu.vector_load %arg8[%get3A_512, %get3A_513] {strides = array<i32>} : memref<128x256xf32, #tpu.memory_space<vmem>>, vector<16xf32>,
      %sub3A_515 = arith.subf %get3A_514, %get3A_19 : vector<16xf32>
      %mul3A_516 = arith.mulf %sub3A_515, %sub3A_515 : vector<16xf32>
      %add3A_517 = arith.addf %add3A_493, %mul3A_516 : vector<16xf32>
      %get3A_518 = arith.index_cast %scan3A_455 : i32 to index
      %get3A_519 = arith.constant 144 : index
      %get3A_520 = tpu.vector_load %arg8[%get3A_518, %get3A_519] {strides = array<i32>} : memref<128x256xf32, #tpu.memory_space<vmem>>, vector<16xf32>,
      %sub3A_521 = arith.subf %get3A_520, %get3A_21 : vector<16xf32>
      %mul3A_522 = arith.mulf %sub3A_521, %sub3A_521 : vector<16xf32>
      %add3A_523 = arith.addf %add3A_499, %mul3A_522 : vector<16xf32>
      %get3A_524 = arith.index_cast %scan3A_455 : i32 to index
      %get3A_525 = arith.constant 160 : index
      %get3A_526 = tpu.vector_load %arg8[%get3A_524, %get3A_525] {strides = array<i32>} : memref<128x256xf32, #tpu.memory_space<vmem>>, vector<16xf32>,
      %sub3A_527 = arith.subf %get3A_526, %get3A_23 : vector<16xf32>
      %mul3A_528 = arith.mulf %sub3A_527, %sub3A_527 : vector<16xf32>
      %add3A_529 = arith.addf %add3A_505, %mul3A_528 : vector<16xf32>
      %get3A_530 = arith.index_cast %scan3A_455 : i32 to index
      %get3A_531 = arith.constant 176 : index
      %get3A_532 = tpu.vector_load %arg8[%get3A_530, %get3A_531] {strides = array<i32>} : memref<128x256xf32, #tpu.memory_space<vmem>>, vector<16xf32>,
      %sub3A_533 = arith.subf %get3A_532, %get3A_25 : vector<16xf32>
      %mul3A_534 = arith.mulf %sub3A_533, %sub3A_533 : vector<16xf32>
      %add3A_535 = arith.addf %add3A_511, %mul3A_534 : vector<16xf32>
      %get3A_536 = arith.index_cast %scan3A_455 : i32 to index
      %get3A_537 = arith.constant 192 : index
      %get3A_538 = tpu.vector_load %arg8[%get3A_536, %get3A_537] {strides = array<i32>} : memref<128x256xf32, #tpu.memory_space<vmem>>, vector<16xf32>,
      %sub3A_539 = arith.subf %get3A_538, %get3A_27 : vector<16xf32>
      %mul3A_540 = arith.mulf %sub3A_539, %sub3A_539 : vector<16xf32>
      %add3A_541 = arith.addf %add3A_517, %mul3A_540 : vector<16xf32>
      %get3A_542 = arith.index_cast %scan3A_455 : i32 to index
      %get3A_543 = arith.constant 208 : index
      %get3A_544 = tpu.vector_load %arg8[%get3A_542, %get3A_543] {strides = array<i32>} : memref<128x256xf32, #tpu.memory_space<vmem>>, vector<16xf32>,
      %sub3A_545 = arith.subf %get3A_544, %get3A_29 : vector<16xf32>
      %mul3A_546 = arith.mulf %sub3A_545, %sub3A_545 : vector<16xf32>
      %add3A_547 = arith.addf %add3A_523, %mul3A_546 : vector<16xf32>
      %get3A_548 = arith.index_cast %scan3A_455 : i32 to index
      %get3A_549 = arith.constant 224 : index
      %get3A_550 = tpu.vector_load %arg8[%get3A_548, %get3A_549] {strides = array<i32>} : memref<128x256xf32, #tpu.memory_space<vmem>>, vector<16xf32>,
      %sub3A_551 = arith.subf %get3A_550, %get3A_31 : vector<16xf32>
      %mul3A_552 = arith.mulf %sub3A_551, %sub3A_551 : vector<16xf32>
      %add3A_553 = arith.addf %add3A_529, %mul3A_552 : vector<16xf32>
      %get3A_554 = arith.index_cast %scan3A_455 : i32 to index
      %get3A_555 = arith.constant 240 : index
      %get3A_556 = tpu.vector_load %arg8[%get3A_554, %get3A_555] {strides = array<i32>} : memref<128x256xf32, #tpu.memory_space<vmem>>, vector<16xf32>,
      %sub3A_557 = arith.subf %get3A_556, %get3A_33 : vector<16xf32>
      %mul3A_558 = arith.mulf %sub3A_557, %sub3A_557 : vector<16xf32>
      %add3A_559 = arith.addf %add3A_535, %mul3A_558 : vector<16xf32>
      %add3A_560 = arith.addf %add3A_541, %add3A_547 : vector<16xf32>
      %add3A_561 = arith.addf %add3A_553, %add3A_559 : vector<16xf32>
      %add3A_562 = arith.addf %add3A_560, %add3A_561 : vector<16xf32>
      %broadcast_in_dim3A_563 = arith.constant true
      %broadcast_in_dim3A_564 = vector.broadcast %broadcast_in_dim3A_563 : i1 to vector<16xi1>
      %masked_cumsum3A_565 = tpu.scan <sum>, %add3A_562 masked %broadcast_in_dim3A_564 : vector<16xf32>, vector<16xi1> -> vector<16xf32>
      %slice3A_566 = vector.extract_strided_slice %masked_cumsum3A_565 {offsets = [15], sizes = [1], strides = [1]} : vector<16xf32> to vector<1xf32>
      %squeeze3A_567 = vector.extract %slice3A_566[0] : f32 from vector<1xf32>
      %lt3A_568 = arith.cmpf olt, %squeeze3A_567, %select_n3A_452 : f32
      %add3A_569 = arith.constant 384 : i32
      %add3A_570 = arith.addi %mul3A_2, %add3A_569 : i32
      %add3A_571 = arith.addi %add3A_570, %scan3A_455 : i32
      %select_n3A_572 = arith.select %lt3A_568, %squeeze3A_567, %select_n3A_452 : f32
      %select_n3A_573 = arith.select %lt3A_568, %add3A_571, %select_n3A_453 : i32
      scf.yield %select_n3A_572, %select_n3A_573 : f32, i32
    }
    %scan3A_94 = arith.constant 128 : i32
    %broadcast_in_dim3A = vector.broadcast %scan3A_93#0 : f32 to vector<16xf32>
    %swap3A = arith.constant 0 : index
    %swap3A_95 = tpu.vector_load %arg9[%swap3A] {strides = array<i32>} : memref<16xf32, #tpu.memory_space<vmem>>, vector<16xf32>,
    tpu.vector_store %arg9[%swap3A], %broadcast_in_dim3A {strides = array<i32>} : memref<16xf32, #tpu.memory_space<vmem>>, vector<16xf32>,
    %broadcast_in_dim3A_96 = vector.broadcast %scan3A_93#1 : i32 to vector<16xi32>
    %swap3A_97 = arith.constant 0 : index
    %swap3A_98 = tpu.vector_load %arg10[%swap3A_97] {strides = array<i32>} : memref<16xi32, #tpu.memory_space<vmem>>, vector<16xi32>,
    tpu.vector_store %arg10[%swap3A_97], %broadcast_in_dim3A_96 {strides = array<i32>} : memref<16xi32, #tpu.memory_space<vmem>>, vector<16xi32>,
    "tpu.region"() ({
      %run_scoped3A = tpu.sem_alloc : memref<!tpu.dma_semaphore, #tpu.memory_space<semaphore_mem>>
      %dma_start3A_99 = arith.constant 0 : i32
      %dma_start3A_100 = tpu.memref_slice %arg4[%add3A, %dma_start3A_99] : memref<32x16xf32, #tpu.memory_space<hbm>> -> memref<1x16xf32, #tpu.memory_space<hbm>>
      %dma_start3A_101 = tpu.memref_squeeze %dma_start3A_100 : memref<1x16xf32, #tpu.memory_space<hbm>> -> memref<16xf32, #tpu.memory_space<hbm>>
      %dma_start3A_102 = arith.constant 0 : i32
      %dma_start3A_103 = tpu.memref_slice %arg4[%add3A, %dma_start3A_102] : memref<32x16xf32, #tpu.memory_space<hbm>> -> memref<1x16xf32, #tpu.memory_space<hbm>>
      %dma_start3A_104 = tpu.memref_squeeze %dma_start3A_103 : memref<1x16xf32, #tpu.memory_space<hbm>> -> memref<16xf32, #tpu.memory_space<hbm>>
      tpu.enqueue_dma source(%arg9 : memref<16xf32, #tpu.memory_space<vmem>>) target(%dma_start3A_104 : memref<16xf32, #tpu.memory_space<hbm>>) target_semaphore(%run_scoped3A : memref<!tpu.dma_semaphore, #tpu.memory_space<semaphore_mem>>)
      %dma_wait3A_105 = arith.constant 0 : i32
      %dma_wait3A_106 = tpu.memref_slice %arg4[%add3A, %dma_wait3A_105] : memref<32x16xf32, #tpu.memory_space<hbm>> -> memref<1x16xf32, #tpu.memory_space<hbm>>
      %dma_wait3A_107 = tpu.memref_squeeze %dma_wait3A_106 : memref<1x16xf32, #tpu.memory_space<hbm>> -> memref<16xf32, #tpu.memory_space<hbm>>
      %dma_wait3A_108 = arith.constant 0 : i32
      %dma_wait3A_109 = tpu.memref_slice %arg4[%add3A, %dma_wait3A_108] : memref<32x16xf32, #tpu.memory_space<hbm>> -> memref<1x16xf32, #tpu.memory_space<hbm>>
      %dma_wait3A_110 = tpu.memref_squeeze %dma_wait3A_109 : memref<1x16xf32, #tpu.memory_space<hbm>> -> memref<16xf32, #tpu.memory_space<hbm>>
      tpu.wait_dma2 semaphore(%run_scoped3A : memref<!tpu.dma_semaphore, #tpu.memory_space<semaphore_mem>>) src(%arg9 : memref<16xf32, #tpu.memory_space<vmem>>) dst(%dma_wait3A_110 : memref<16xf32, #tpu.memory_space<hbm>>)
      tpu.yield
    }) : () -> ()
    "tpu.region"() ({
      %run_scoped3A = tpu.sem_alloc : memref<!tpu.dma_semaphore, #tpu.memory_space<semaphore_mem>>
      %dma_start3A_99 = arith.constant 0 : i32
      %dma_start3A_100 = tpu.memref_slice %arg5[%add3A, %dma_start3A_99] : memref<32x16xi32, #tpu.memory_space<hbm>> -> memref<1x16xi32, #tpu.memory_space<hbm>>
      %dma_start3A_101 = tpu.memref_squeeze %dma_start3A_100 : memref<1x16xi32, #tpu.memory_space<hbm>> -> memref<16xi32, #tpu.memory_space<hbm>>
      %dma_start3A_102 = arith.constant 0 : i32
      %dma_start3A_103 = tpu.memref_slice %arg5[%add3A, %dma_start3A_102] : memref<32x16xi32, #tpu.memory_space<hbm>> -> memref<1x16xi32, #tpu.memory_space<hbm>>
      %dma_start3A_104 = tpu.memref_squeeze %dma_start3A_103 : memref<1x16xi32, #tpu.memory_space<hbm>> -> memref<16xi32, #tpu.memory_space<hbm>>
      tpu.enqueue_dma source(%arg10 : memref<16xi32, #tpu.memory_space<vmem>>) target(%dma_start3A_104 : memref<16xi32, #tpu.memory_space<hbm>>) target_semaphore(%run_scoped3A : memref<!tpu.dma_semaphore, #tpu.memory_space<semaphore_mem>>)
      %dma_wait3A_105 = arith.constant 0 : i32
      %dma_wait3A_106 = tpu.memref_slice %arg5[%add3A, %dma_wait3A_105] : memref<32x16xi32, #tpu.memory_space<hbm>> -> memref<1x16xi32, #tpu.memory_space<hbm>>
      %dma_wait3A_107 = tpu.memref_squeeze %dma_wait3A_106 : memref<1x16xi32, #tpu.memory_space<hbm>> -> memref<16xi32, #tpu.memory_space<hbm>>
      %dma_wait3A_108 = arith.constant 0 : i32
      %dma_wait3A_109 = tpu.memref_slice %arg5[%add3A, %dma_wait3A_108] : memref<32x16xi32, #tpu.memory_space<hbm>> -> memref<1x16xi32, #tpu.memory_space<hbm>>
      %dma_wait3A_110 = tpu.memref_squeeze %dma_wait3A_109 : memref<1x16xi32, #tpu.memory_space<hbm>> -> memref<16xi32, #tpu.memory_space<hbm>>
      tpu.wait_dma2 semaphore(%run_scoped3A : memref<!tpu.dma_semaphore, #tpu.memory_space<semaphore_mem>>) src(%arg10 : memref<16xi32, #tpu.memory_space<vmem>>) dst(%dma_wait3A_110 : memref<16xi32, #tpu.memory_space<hbm>>)
      tpu.yield
    }) : () -> ()
    return
  }
}

module attributes {stable_mosaic.version = 14 : i64} {
  func.func @_tc_update_body(%arg0: i32, %arg1: memref<32x16xf32, #tpu.memory_space<vmem>>, %arg2: memref<32x16xi32, #tpu.memory_space<vmem>>, %arg3: memref<1x256xf32, #tpu.memory_space<vmem>>, %arg4: memref<1x128xf32, #tpu.memory_space<vmem>>, %arg5: memref<2048x256xf32, #tpu.memory_space<vmem>>, %arg6: memref<2048x256xf32, #tpu.memory_space<vmem>>, %arg7: memref<8x128xi32, #tpu.memory_space<vmem>>, %arg8: memref<2xi32, #tpu.memory_space<smem>>, %arg9: memref<1x32768xf32, #tpu.memory_space<vmem>>) attributes {dimension_semantics = [#tpu.dimension_semantics<arbitrary>], iteration_bounds = array<i64: 8>, scalar_prefetch = 0 : i64, scratch_operands = 2 : i64, tpu.core_type = #tpu.core_type<tc>, window_params = [{pipeline_mode = #tpu.pipeline_mode<synchronous>, transform_indices = @transform_0, window_bounds = array<i64: 32, 16>}, {pipeline_mode = #tpu.pipeline_mode<synchronous>, transform_indices = @transform_1, window_bounds = array<i64: 32, 16>}, {pipeline_mode = #tpu.pipeline_mode<synchronous>, transform_indices = @transform_2, window_bounds = array<i64: 1, 256>}, {pipeline_mode = #tpu.pipeline_mode<synchronous>, transform_indices = @transform_3, window_bounds = array<i64: 1, 128>}, {transform_indices = @transform_4, window_bounds = array<i64: 2048, 256>}, {transform_indices = @transform_5, window_bounds = array<i64: 2048, 256>}, {pipeline_mode = #tpu.pipeline_mode<synchronous>, transform_indices = @transform_6, window_bounds = array<i64: 8, 128>}]} {
    %get3A = arith.constant 0 : index
    %get3A_0 = arith.constant 0 : index
    %get3A_1 = vector.load %arg4[%get3A, %get3A_0] : memref<1x128xf32, #tpu.memory_space<vmem>>, vector<1x1xf32>
    %get3A_2 = vector.extract %get3A_1[0, 0] : f32 from vector<1x1xf32>
    %get3A_3 = arith.constant 0 : index
    %get3A_4 = arith.constant 1 : index
    %get3A_5 = vector.load %arg4[%get3A_3, %get3A_4] : memref<1x128xf32, #tpu.memory_space<vmem>>, vector<1x1xf32>
    %get3A_6 = vector.extract %get3A_5[0, 0] : f32 from vector<1x1xf32>
    %eq3A = arith.constant 0 : i32
    %eq3A_7 = arith.cmpi eq, %arg0, %eq3A : i32
    %convert_element_type3A = arith.extui %eq3A_7 : i1 to i32
    %cond3A = arith.constant 0 : i32
    %cond3A_8 = arith.cmpi ne, %convert_element_type3A, %cond3A : i32
    scf.if %cond3A_8 {
      %get3A_40 = arith.constant 0 : index
      %get3A_41 = arith.constant 0 : index
      %get3A_42 = vector.load %arg1[%get3A_40, %get3A_41] : memref<32x16xf32, #tpu.memory_space<vmem>>, vector<1x1xf32>
      %get3A_43 = vector.extract %get3A_42[0, 0] : f32 from vector<1x1xf32>
      %get3A_44 = arith.constant 0 : index
      %get3A_45 = arith.constant 0 : index
      %get3A_46 = vector.load %arg2[%get3A_44, %get3A_45] : memref<32x16xi32, #tpu.memory_space<vmem>>, vector<1x1xi32>
      %get3A_47 = vector.extract %get3A_46[0, 0] : i32 from vector<1x1xi32>
      %get3A_48 = arith.constant 1 : index
      %get3A_49 = arith.constant 0 : index
      %get3A_50 = vector.load %arg1[%get3A_48, %get3A_49] : memref<32x16xf32, #tpu.memory_space<vmem>>, vector<1x1xf32>
      %get3A_51 = vector.extract %get3A_50[0, 0] : f32 from vector<1x1xf32>
      %get3A_52 = arith.constant 1 : index
      %get3A_53 = arith.constant 0 : index
      %get3A_54 = vector.load %arg2[%get3A_52, %get3A_53] : memref<32x16xi32, #tpu.memory_space<vmem>>, vector<1x1xi32>
      %get3A_55 = vector.extract %get3A_54[0, 0] : i32 from vector<1x1xi32>
      %lt3A = arith.cmpf olt, %get3A_51, %get3A_43 : f32
      %select_n3A = arith.select %lt3A, %get3A_51, %get3A_43 : f32
      %select_n3A_56 = arith.select %lt3A, %get3A_55, %get3A_47 : i32
      %get3A_57 = arith.constant 2 : index
      %get3A_58 = arith.constant 0 : index
      %get3A_59 = vector.load %arg1[%get3A_57, %get3A_58] : memref<32x16xf32, #tpu.memory_space<vmem>>, vector<1x1xf32>
      %get3A_60 = vector.extract %get3A_59[0, 0] : f32 from vector<1x1xf32>
      %get3A_61 = arith.constant 2 : index
      %get3A_62 = arith.constant 0 : index
      %get3A_63 = vector.load %arg2[%get3A_61, %get3A_62] : memref<32x16xi32, #tpu.memory_space<vmem>>, vector<1x1xi32>
      %get3A_64 = vector.extract %get3A_63[0, 0] : i32 from vector<1x1xi32>
      %lt3A_65 = arith.cmpf olt, %get3A_60, %select_n3A : f32
      %select_n3A_66 = arith.select %lt3A_65, %get3A_60, %select_n3A : f32
      %select_n3A_67 = arith.select %lt3A_65, %get3A_64, %select_n3A_56 : i32
      %get3A_68 = arith.constant 3 : index
      %get3A_69 = arith.constant 0 : index
      %get3A_70 = vector.load %arg1[%get3A_68, %get3A_69] : memref<32x16xf32, #tpu.memory_space<vmem>>, vector<1x1xf32>
      %get3A_71 = vector.extract %get3A_70[0, 0] : f32 from vector<1x1xf32>
      %get3A_72 = arith.constant 3 : index
      %get3A_73 = arith.constant 0 : index
      %get3A_74 = vector.load %arg2[%get3A_72, %get3A_73] : memref<32x16xi32, #tpu.memory_space<vmem>>, vector<1x1xi32>
      %get3A_75 = vector.extract %get3A_74[0, 0] : i32 from vector<1x1xi32>
      %lt3A_76 = arith.cmpf olt, %get3A_71, %select_n3A_66 : f32
      %select_n3A_77 = arith.select %lt3A_76, %get3A_71, %select_n3A_66 : f32
      %select_n3A_78 = arith.select %lt3A_76, %get3A_75, %select_n3A_67 : i32
      %get3A_79 = arith.constant 4 : index
      %get3A_80 = arith.constant 0 : index
      %get3A_81 = vector.load %arg1[%get3A_79, %get3A_80] : memref<32x16xf32, #tpu.memory_space<vmem>>, vector<1x1xf32>
      %get3A_82 = vector.extract %get3A_81[0, 0] : f32 from vector<1x1xf32>
      %get3A_83 = arith.constant 4 : index
      %get3A_84 = arith.constant 0 : index
      %get3A_85 = vector.load %arg2[%get3A_83, %get3A_84] : memref<32x16xi32, #tpu.memory_space<vmem>>, vector<1x1xi32>
      %get3A_86 = vector.extract %get3A_85[0, 0] : i32 from vector<1x1xi32>
      %lt3A_87 = arith.cmpf olt, %get3A_82, %select_n3A_77 : f32
      %select_n3A_88 = arith.select %lt3A_87, %get3A_82, %select_n3A_77 : f32
      %select_n3A_89 = arith.select %lt3A_87, %get3A_86, %select_n3A_78 : i32
      %get3A_90 = arith.constant 5 : index
      %get3A_91 = arith.constant 0 : index
      %get3A_92 = vector.load %arg1[%get3A_90, %get3A_91] : memref<32x16xf32, #tpu.memory_space<vmem>>, vector<1x1xf32>
      %get3A_93 = vector.extract %get3A_92[0, 0] : f32 from vector<1x1xf32>
      %get3A_94 = arith.constant 5 : index
      %get3A_95 = arith.constant 0 : index
      %get3A_96 = vector.load %arg2[%get3A_94, %get3A_95] : memref<32x16xi32, #tpu.memory_space<vmem>>, vector<1x1xi32>
      %get3A_97 = vector.extract %get3A_96[0, 0] : i32 from vector<1x1xi32>
      %lt3A_98 = arith.cmpf olt, %get3A_93, %select_n3A_88 : f32
      %select_n3A_99 = arith.select %lt3A_98, %get3A_93, %select_n3A_88 : f32
      %select_n3A_100 = arith.select %lt3A_98, %get3A_97, %select_n3A_89 : i32
      %get3A_101 = arith.constant 6 : index
      %get3A_102 = arith.constant 0 : index
      %get3A_103 = vector.load %arg1[%get3A_101, %get3A_102] : memref<32x16xf32, #tpu.memory_space<vmem>>, vector<1x1xf32>
      %get3A_104 = vector.extract %get3A_103[0, 0] : f32 from vector<1x1xf32>
      %get3A_105 = arith.constant 6 : index
      %get3A_106 = arith.constant 0 : index
      %get3A_107 = vector.load %arg2[%get3A_105, %get3A_106] : memref<32x16xi32, #tpu.memory_space<vmem>>, vector<1x1xi32>
      %get3A_108 = vector.extract %get3A_107[0, 0] : i32 from vector<1x1xi32>
      %lt3A_109 = arith.cmpf olt, %get3A_104, %select_n3A_99 : f32
      %select_n3A_110 = arith.select %lt3A_109, %get3A_104, %select_n3A_99 : f32
      %select_n3A_111 = arith.select %lt3A_109, %get3A_108, %select_n3A_100 : i32
      %get3A_112 = arith.constant 7 : index
      %get3A_113 = arith.constant 0 : index
      %get3A_114 = vector.load %arg1[%get3A_112, %get3A_113] : memref<32x16xf32, #tpu.memory_space<vmem>>, vector<1x1xf32>
      %get3A_115 = vector.extract %get3A_114[0, 0] : f32 from vector<1x1xf32>
      %get3A_116 = arith.constant 7 : index
      %get3A_117 = arith.constant 0 : index
      %get3A_118 = vector.load %arg2[%get3A_116, %get3A_117] : memref<32x16xi32, #tpu.memory_space<vmem>>, vector<1x1xi32>
      %get3A_119 = vector.extract %get3A_118[0, 0] : i32 from vector<1x1xi32>
      %lt3A_120 = arith.cmpf olt, %get3A_115, %select_n3A_110 : f32
      %select_n3A_121 = arith.select %lt3A_120, %get3A_115, %select_n3A_110 : f32
      %select_n3A_122 = arith.select %lt3A_120, %get3A_119, %select_n3A_111 : i32
      %get3A_123 = arith.constant 8 : index
      %get3A_124 = arith.constant 0 : index
      %get3A_125 = vector.load %arg1[%get3A_123, %get3A_124] : memref<32x16xf32, #tpu.memory_space<vmem>>, vector<1x1xf32>
      %get3A_126 = vector.extract %get3A_125[0, 0] : f32 from vector<1x1xf32>
      %get3A_127 = arith.constant 8 : index
      %get3A_128 = arith.constant 0 : index
      %get3A_129 = vector.load %arg2[%get3A_127, %get3A_128] : memref<32x16xi32, #tpu.memory_space<vmem>>, vector<1x1xi32>
      %get3A_130 = vector.extract %get3A_129[0, 0] : i32 from vector<1x1xi32>
      %lt3A_131 = arith.cmpf olt, %get3A_126, %select_n3A_121 : f32
      %select_n3A_132 = arith.select %lt3A_131, %get3A_126, %select_n3A_121 : f32
      %select_n3A_133 = arith.select %lt3A_131, %get3A_130, %select_n3A_122 : i32
      %get3A_134 = arith.constant 9 : index
      %get3A_135 = arith.constant 0 : index
      %get3A_136 = vector.load %arg1[%get3A_134, %get3A_135] : memref<32x16xf32, #tpu.memory_space<vmem>>, vector<1x1xf32>
      %get3A_137 = vector.extract %get3A_136[0, 0] : f32 from vector<1x1xf32>
      %get3A_138 = arith.constant 9 : index
      %get3A_139 = arith.constant 0 : index
      %get3A_140 = vector.load %arg2[%get3A_138, %get3A_139] : memref<32x16xi32, #tpu.memory_space<vmem>>, vector<1x1xi32>
      %get3A_141 = vector.extract %get3A_140[0, 0] : i32 from vector<1x1xi32>
      %lt3A_142 = arith.cmpf olt, %get3A_137, %select_n3A_132 : f32
      %select_n3A_143 = arith.select %lt3A_142, %get3A_137, %select_n3A_132 : f32
      %select_n3A_144 = arith.select %lt3A_142, %get3A_141, %select_n3A_133 : i32
      %get3A_145 = arith.constant 10 : index
      %get3A_146 = arith.constant 0 : index
      %get3A_147 = vector.load %arg1[%get3A_145, %get3A_146] : memref<32x16xf32, #tpu.memory_space<vmem>>, vector<1x1xf32>
      %get3A_148 = vector.extract %get3A_147[0, 0] : f32 from vector<1x1xf32>
      %get3A_149 = arith.constant 10 : index
      %get3A_150 = arith.constant 0 : index
      %get3A_151 = vector.load %arg2[%get3A_149, %get3A_150] : memref<32x16xi32, #tpu.memory_space<vmem>>, vector<1x1xi32>
      %get3A_152 = vector.extract %get3A_151[0, 0] : i32 from vector<1x1xi32>
      %lt3A_153 = arith.cmpf olt, %get3A_148, %select_n3A_143 : f32
      %select_n3A_154 = arith.select %lt3A_153, %get3A_148, %select_n3A_143 : f32
      %select_n3A_155 = arith.select %lt3A_153, %get3A_152, %select_n3A_144 : i32
      %get3A_156 = arith.constant 11 : index
      %get3A_157 = arith.constant 0 : index
      %get3A_158 = vector.load %arg1[%get3A_156, %get3A_157] : memref<32x16xf32, #tpu.memory_space<vmem>>, vector<1x1xf32>
      %get3A_159 = vector.extract %get3A_158[0, 0] : f32 from vector<1x1xf32>
      %get3A_160 = arith.constant 11 : index
      %get3A_161 = arith.constant 0 : index
      %get3A_162 = vector.load %arg2[%get3A_160, %get3A_161] : memref<32x16xi32, #tpu.memory_space<vmem>>, vector<1x1xi32>
      %get3A_163 = vector.extract %get3A_162[0, 0] : i32 from vector<1x1xi32>
      %lt3A_164 = arith.cmpf olt, %get3A_159, %select_n3A_154 : f32
      %select_n3A_165 = arith.select %lt3A_164, %get3A_159, %select_n3A_154 : f32
      %select_n3A_166 = arith.select %lt3A_164, %get3A_163, %select_n3A_155 : i32
      %get3A_167 = arith.constant 12 : index
      %get3A_168 = arith.constant 0 : index
      %get3A_169 = vector.load %arg1[%get3A_167, %get3A_168] : memref<32x16xf32, #tpu.memory_space<vmem>>, vector<1x1xf32>
      %get3A_170 = vector.extract %get3A_169[0, 0] : f32 from vector<1x1xf32>
      %get3A_171 = arith.constant 12 : index
      %get3A_172 = arith.constant 0 : index
      %get3A_173 = vector.load %arg2[%get3A_171, %get3A_172] : memref<32x16xi32, #tpu.memory_space<vmem>>, vector<1x1xi32>
      %get3A_174 = vector.extract %get3A_173[0, 0] : i32 from vector<1x1xi32>
      %lt3A_175 = arith.cmpf olt, %get3A_170, %select_n3A_165 : f32
      %select_n3A_176 = arith.select %lt3A_175, %get3A_170, %select_n3A_165 : f32
      %select_n3A_177 = arith.select %lt3A_175, %get3A_174, %select_n3A_166 : i32
      %get3A_178 = arith.constant 13 : index
      %get3A_179 = arith.constant 0 : index
      %get3A_180 = vector.load %arg1[%get3A_178, %get3A_179] : memref<32x16xf32, #tpu.memory_space<vmem>>, vector<1x1xf32>
      %get3A_181 = vector.extract %get3A_180[0, 0] : f32 from vector<1x1xf32>
      %get3A_182 = arith.constant 13 : index
      %get3A_183 = arith.constant 0 : index
      %get3A_184 = vector.load %arg2[%get3A_182, %get3A_183] : memref<32x16xi32, #tpu.memory_space<vmem>>, vector<1x1xi32>
      %get3A_185 = vector.extract %get3A_184[0, 0] : i32 from vector<1x1xi32>
      %lt3A_186 = arith.cmpf olt, %get3A_181, %select_n3A_176 : f32
      %select_n3A_187 = arith.select %lt3A_186, %get3A_181, %select_n3A_176 : f32
      %select_n3A_188 = arith.select %lt3A_186, %get3A_185, %select_n3A_177 : i32
      %get3A_189 = arith.constant 14 : index
      %get3A_190 = arith.constant 0 : index
      %get3A_191 = vector.load %arg1[%get3A_189, %get3A_190] : memref<32x16xf32, #tpu.memory_space<vmem>>, vector<1x1xf32>
      %get3A_192 = vector.extract %get3A_191[0, 0] : f32 from vector<1x1xf32>
      %get3A_193 = arith.constant 14 : index
      %get3A_194 = arith.constant 0 : index
      %get3A_195 = vector.load %arg2[%get3A_193, %get3A_194] : memref<32x16xi32, #tpu.memory_space<vmem>>, vector<1x1xi32>
      %get3A_196 = vector.extract %get3A_195[0, 0] : i32 from vector<1x1xi32>
      %lt3A_197 = arith.cmpf olt, %get3A_192, %select_n3A_187 : f32
      %select_n3A_198 = arith.select %lt3A_197, %get3A_192, %select_n3A_187 : f32
      %select_n3A_199 = arith.select %lt3A_197, %get3A_196, %select_n3A_188 : i32
      %get3A_200 = arith.constant 15 : index
      %get3A_201 = arith.constant 0 : index
      %get3A_202 = vector.load %arg1[%get3A_200, %get3A_201] : memref<32x16xf32, #tpu.memory_space<vmem>>, vector<1x1xf32>
      %get3A_203 = vector.extract %get3A_202[0, 0] : f32 from vector<1x1xf32>
      %get3A_204 = arith.constant 15 : index
      %get3A_205 = arith.constant 0 : index
      %get3A_206 = vector.load %arg2[%get3A_204, %get3A_205] : memref<32x16xi32, #tpu.memory_space<vmem>>, vector<1x1xi32>
      %get3A_207 = vector.extract %get3A_206[0, 0] : i32 from vector<1x1xi32>
      %lt3A_208 = arith.cmpf olt, %get3A_203, %select_n3A_198 : f32
      %select_n3A_209 = arith.select %lt3A_208, %get3A_203, %select_n3A_198 : f32
      %select_n3A_210 = arith.select %lt3A_208, %get3A_207, %select_n3A_199 : i32
      %get3A_211 = arith.constant 16 : index
      %get3A_212 = arith.constant 0 : index
      %get3A_213 = vector.load %arg1[%get3A_211, %get3A_212] : memref<32x16xf32, #tpu.memory_space<vmem>>, vector<1x1xf32>
      %get3A_214 = vector.extract %get3A_213[0, 0] : f32 from vector<1x1xf32>
      %get3A_215 = arith.constant 16 : index
      %get3A_216 = arith.constant 0 : index
      %get3A_217 = vector.load %arg2[%get3A_215, %get3A_216] : memref<32x16xi32, #tpu.memory_space<vmem>>, vector<1x1xi32>
      %get3A_218 = vector.extract %get3A_217[0, 0] : i32 from vector<1x1xi32>
      %lt3A_219 = arith.cmpf olt, %get3A_214, %select_n3A_209 : f32
      %select_n3A_220 = arith.select %lt3A_219, %get3A_214, %select_n3A_209 : f32
      %select_n3A_221 = arith.select %lt3A_219, %get3A_218, %select_n3A_210 : i32
      %get3A_222 = arith.constant 17 : index
      %get3A_223 = arith.constant 0 : index
      %get3A_224 = vector.load %arg1[%get3A_222, %get3A_223] : memref<32x16xf32, #tpu.memory_space<vmem>>, vector<1x1xf32>
      %get3A_225 = vector.extract %get3A_224[0, 0] : f32 from vector<1x1xf32>
      %get3A_226 = arith.constant 17 : index
      %get3A_227 = arith.constant 0 : index
      %get3A_228 = vector.load %arg2[%get3A_226, %get3A_227] : memref<32x16xi32, #tpu.memory_space<vmem>>, vector<1x1xi32>
      %get3A_229 = vector.extract %get3A_228[0, 0] : i32 from vector<1x1xi32>
      %lt3A_230 = arith.cmpf olt, %get3A_225, %select_n3A_220 : f32
      %select_n3A_231 = arith.select %lt3A_230, %get3A_225, %select_n3A_220 : f32
      %select_n3A_232 = arith.select %lt3A_230, %get3A_229, %select_n3A_221 : i32
      %get3A_233 = arith.constant 18 : index
      %get3A_234 = arith.constant 0 : index
      %get3A_235 = vector.load %arg1[%get3A_233, %get3A_234] : memref<32x16xf32, #tpu.memory_space<vmem>>, vector<1x1xf32>
      %get3A_236 = vector.extract %get3A_235[0, 0] : f32 from vector<1x1xf32>
      %get3A_237 = arith.constant 18 : index
      %get3A_238 = arith.constant 0 : index
      %get3A_239 = vector.load %arg2[%get3A_237, %get3A_238] : memref<32x16xi32, #tpu.memory_space<vmem>>, vector<1x1xi32>
      %get3A_240 = vector.extract %get3A_239[0, 0] : i32 from vector<1x1xi32>
      %lt3A_241 = arith.cmpf olt, %get3A_236, %select_n3A_231 : f32
      %select_n3A_242 = arith.select %lt3A_241, %get3A_236, %select_n3A_231 : f32
      %select_n3A_243 = arith.select %lt3A_241, %get3A_240, %select_n3A_232 : i32
      %get3A_244 = arith.constant 19 : index
      %get3A_245 = arith.constant 0 : index
      %get3A_246 = vector.load %arg1[%get3A_244, %get3A_245] : memref<32x16xf32, #tpu.memory_space<vmem>>, vector<1x1xf32>
      %get3A_247 = vector.extract %get3A_246[0, 0] : f32 from vector<1x1xf32>
      %get3A_248 = arith.constant 19 : index
      %get3A_249 = arith.constant 0 : index
      %get3A_250 = vector.load %arg2[%get3A_248, %get3A_249] : memref<32x16xi32, #tpu.memory_space<vmem>>, vector<1x1xi32>
      %get3A_251 = vector.extract %get3A_250[0, 0] : i32 from vector<1x1xi32>
      %lt3A_252 = arith.cmpf olt, %get3A_247, %select_n3A_242 : f32
      %select_n3A_253 = arith.select %lt3A_252, %get3A_247, %select_n3A_242 : f32
      %select_n3A_254 = arith.select %lt3A_252, %get3A_251, %select_n3A_243 : i32
      %get3A_255 = arith.constant 20 : index
      %get3A_256 = arith.constant 0 : index
      %get3A_257 = vector.load %arg1[%get3A_255, %get3A_256] : memref<32x16xf32, #tpu.memory_space<vmem>>, vector<1x1xf32>
      %get3A_258 = vector.extract %get3A_257[0, 0] : f32 from vector<1x1xf32>
      %get3A_259 = arith.constant 20 : index
      %get3A_260 = arith.constant 0 : index
      %get3A_261 = vector.load %arg2[%get3A_259, %get3A_260] : memref<32x16xi32, #tpu.memory_space<vmem>>, vector<1x1xi32>
      %get3A_262 = vector.extract %get3A_261[0, 0] : i32 from vector<1x1xi32>
      %lt3A_263 = arith.cmpf olt, %get3A_258, %select_n3A_253 : f32
      %select_n3A_264 = arith.select %lt3A_263, %get3A_258, %select_n3A_253 : f32
      %select_n3A_265 = arith.select %lt3A_263, %get3A_262, %select_n3A_254 : i32
      %get3A_266 = arith.constant 21 : index
      %get3A_267 = arith.constant 0 : index
      %get3A_268 = vector.load %arg1[%get3A_266, %get3A_267] : memref<32x16xf32, #tpu.memory_space<vmem>>, vector<1x1xf32>
      %get3A_269 = vector.extract %get3A_268[0, 0] : f32 from vector<1x1xf32>
      %get3A_270 = arith.constant 21 : index
      %get3A_271 = arith.constant 0 : index
      %get3A_272 = vector.load %arg2[%get3A_270, %get3A_271] : memref<32x16xi32, #tpu.memory_space<vmem>>, vector<1x1xi32>
      %get3A_273 = vector.extract %get3A_272[0, 0] : i32 from vector<1x1xi32>
      %lt3A_274 = arith.cmpf olt, %get3A_269, %select_n3A_264 : f32
      %select_n3A_275 = arith.select %lt3A_274, %get3A_269, %select_n3A_264 : f32
      %select_n3A_276 = arith.select %lt3A_274, %get3A_273, %select_n3A_265 : i32
      %get3A_277 = arith.constant 22 : index
      %get3A_278 = arith.constant 0 : index
      %get3A_279 = vector.load %arg1[%get3A_277, %get3A_278] : memref<32x16xf32, #tpu.memory_space<vmem>>, vector<1x1xf32>
      %get3A_280 = vector.extract %get3A_279[0, 0] : f32 from vector<1x1xf32>
      %get3A_281 = arith.constant 22 : index
      %get3A_282 = arith.constant 0 : index
      %get3A_283 = vector.load %arg2[%get3A_281, %get3A_282] : memref<32x16xi32, #tpu.memory_space<vmem>>, vector<1x1xi32>
      %get3A_284 = vector.extract %get3A_283[0, 0] : i32 from vector<1x1xi32>
      %lt3A_285 = arith.cmpf olt, %get3A_280, %select_n3A_275 : f32
      %select_n3A_286 = arith.select %lt3A_285, %get3A_280, %select_n3A_275 : f32
      %select_n3A_287 = arith.select %lt3A_285, %get3A_284, %select_n3A_276 : i32
      %get3A_288 = arith.constant 23 : index
      %get3A_289 = arith.constant 0 : index
      %get3A_290 = vector.load %arg1[%get3A_288, %get3A_289] : memref<32x16xf32, #tpu.memory_space<vmem>>, vector<1x1xf32>
      %get3A_291 = vector.extract %get3A_290[0, 0] : f32 from vector<1x1xf32>
      %get3A_292 = arith.constant 23 : index
      %get3A_293 = arith.constant 0 : index
      %get3A_294 = vector.load %arg2[%get3A_292, %get3A_293] : memref<32x16xi32, #tpu.memory_space<vmem>>, vector<1x1xi32>
      %get3A_295 = vector.extract %get3A_294[0, 0] : i32 from vector<1x1xi32>
      %lt3A_296 = arith.cmpf olt, %get3A_291, %select_n3A_286 : f32
      %select_n3A_297 = arith.select %lt3A_296, %get3A_291, %select_n3A_286 : f32
      %select_n3A_298 = arith.select %lt3A_296, %get3A_295, %select_n3A_287 : i32
      %get3A_299 = arith.constant 24 : index
      %get3A_300 = arith.constant 0 : index
      %get3A_301 = vector.load %arg1[%get3A_299, %get3A_300] : memref<32x16xf32, #tpu.memory_space<vmem>>, vector<1x1xf32>
      %get3A_302 = vector.extract %get3A_301[0, 0] : f32 from vector<1x1xf32>
      %get3A_303 = arith.constant 24 : index
      %get3A_304 = arith.constant 0 : index
      %get3A_305 = vector.load %arg2[%get3A_303, %get3A_304] : memref<32x16xi32, #tpu.memory_space<vmem>>, vector<1x1xi32>
      %get3A_306 = vector.extract %get3A_305[0, 0] : i32 from vector<1x1xi32>
      %lt3A_307 = arith.cmpf olt, %get3A_302, %select_n3A_297 : f32
      %select_n3A_308 = arith.select %lt3A_307, %get3A_302, %select_n3A_297 : f32
      %select_n3A_309 = arith.select %lt3A_307, %get3A_306, %select_n3A_298 : i32
      %get3A_310 = arith.constant 25 : index
      %get3A_311 = arith.constant 0 : index
      %get3A_312 = vector.load %arg1[%get3A_310, %get3A_311] : memref<32x16xf32, #tpu.memory_space<vmem>>, vector<1x1xf32>
      %get3A_313 = vector.extract %get3A_312[0, 0] : f32 from vector<1x1xf32>
      %get3A_314 = arith.constant 25 : index
      %get3A_315 = arith.constant 0 : index
      %get3A_316 = vector.load %arg2[%get3A_314, %get3A_315] : memref<32x16xi32, #tpu.memory_space<vmem>>, vector<1x1xi32>
      %get3A_317 = vector.extract %get3A_316[0, 0] : i32 from vector<1x1xi32>
      %lt3A_318 = arith.cmpf olt, %get3A_313, %select_n3A_308 : f32
      %select_n3A_319 = arith.select %lt3A_318, %get3A_313, %select_n3A_308 : f32
      %select_n3A_320 = arith.select %lt3A_318, %get3A_317, %select_n3A_309 : i32
      %get3A_321 = arith.constant 26 : index
      %get3A_322 = arith.constant 0 : index
      %get3A_323 = vector.load %arg1[%get3A_321, %get3A_322] : memref<32x16xf32, #tpu.memory_space<vmem>>, vector<1x1xf32>
      %get3A_324 = vector.extract %get3A_323[0, 0] : f32 from vector<1x1xf32>
      %get3A_325 = arith.constant 26 : index
      %get3A_326 = arith.constant 0 : index
      %get3A_327 = vector.load %arg2[%get3A_325, %get3A_326] : memref<32x16xi32, #tpu.memory_space<vmem>>, vector<1x1xi32>
      %get3A_328 = vector.extract %get3A_327[0, 0] : i32 from vector<1x1xi32>
      %lt3A_329 = arith.cmpf olt, %get3A_324, %select_n3A_319 : f32
      %select_n3A_330 = arith.select %lt3A_329, %get3A_324, %select_n3A_319 : f32
      %select_n3A_331 = arith.select %lt3A_329, %get3A_328, %select_n3A_320 : i32
      %get3A_332 = arith.constant 27 : index
      %get3A_333 = arith.constant 0 : index
      %get3A_334 = vector.load %arg1[%get3A_332, %get3A_333] : memref<32x16xf32, #tpu.memory_space<vmem>>, vector<1x1xf32>
      %get3A_335 = vector.extract %get3A_334[0, 0] : f32 from vector<1x1xf32>
      %get3A_336 = arith.constant 27 : index
      %get3A_337 = arith.constant 0 : index
      %get3A_338 = vector.load %arg2[%get3A_336, %get3A_337] : memref<32x16xi32, #tpu.memory_space<vmem>>, vector<1x1xi32>
      %get3A_339 = vector.extract %get3A_338[0, 0] : i32 from vector<1x1xi32>
      %lt3A_340 = arith.cmpf olt, %get3A_335, %select_n3A_330 : f32
      %select_n3A_341 = arith.select %lt3A_340, %get3A_335, %select_n3A_330 : f32
      %select_n3A_342 = arith.select %lt3A_340, %get3A_339, %select_n3A_331 : i32
      %get3A_343 = arith.constant 28 : index
      %get3A_344 = arith.constant 0 : index
      %get3A_345 = vector.load %arg1[%get3A_343, %get3A_344] : memref<32x16xf32, #tpu.memory_space<vmem>>, vector<1x1xf32>
      %get3A_346 = vector.extract %get3A_345[0, 0] : f32 from vector<1x1xf32>
      %get3A_347 = arith.constant 28 : index
      %get3A_348 = arith.constant 0 : index
      %get3A_349 = vector.load %arg2[%get3A_347, %get3A_348] : memref<32x16xi32, #tpu.memory_space<vmem>>, vector<1x1xi32>
      %get3A_350 = vector.extract %get3A_349[0, 0] : i32 from vector<1x1xi32>
      %lt3A_351 = arith.cmpf olt, %get3A_346, %select_n3A_341 : f32
      %select_n3A_352 = arith.select %lt3A_351, %get3A_346, %select_n3A_341 : f32
      %select_n3A_353 = arith.select %lt3A_351, %get3A_350, %select_n3A_342 : i32
      %get3A_354 = arith.constant 29 : index
      %get3A_355 = arith.constant 0 : index
      %get3A_356 = vector.load %arg1[%get3A_354, %get3A_355] : memref<32x16xf32, #tpu.memory_space<vmem>>, vector<1x1xf32>
      %get3A_357 = vector.extract %get3A_356[0, 0] : f32 from vector<1x1xf32>
      %get3A_358 = arith.constant 29 : index
      %get3A_359 = arith.constant 0 : index
      %get3A_360 = vector.load %arg2[%get3A_358, %get3A_359] : memref<32x16xi32, #tpu.memory_space<vmem>>, vector<1x1xi32>
      %get3A_361 = vector.extract %get3A_360[0, 0] : i32 from vector<1x1xi32>
      %lt3A_362 = arith.cmpf olt, %get3A_357, %select_n3A_352 : f32
      %select_n3A_363 = arith.select %lt3A_362, %get3A_357, %select_n3A_352 : f32
      %select_n3A_364 = arith.select %lt3A_362, %get3A_361, %select_n3A_353 : i32
      %get3A_365 = arith.constant 30 : index
      %get3A_366 = arith.constant 0 : index
      %get3A_367 = vector.load %arg1[%get3A_365, %get3A_366] : memref<32x16xf32, #tpu.memory_space<vmem>>, vector<1x1xf32>
      %get3A_368 = vector.extract %get3A_367[0, 0] : f32 from vector<1x1xf32>
      %get3A_369 = arith.constant 30 : index
      %get3A_370 = arith.constant 0 : index
      %get3A_371 = vector.load %arg2[%get3A_369, %get3A_370] : memref<32x16xi32, #tpu.memory_space<vmem>>, vector<1x1xi32>
      %get3A_372 = vector.extract %get3A_371[0, 0] : i32 from vector<1x1xi32>
      %lt3A_373 = arith.cmpf olt, %get3A_368, %select_n3A_363 : f32
      %select_n3A_374 = arith.select %lt3A_373, %get3A_368, %select_n3A_363 : f32
      %select_n3A_375 = arith.select %lt3A_373, %get3A_372, %select_n3A_364 : i32
      %get3A_376 = arith.constant 31 : index
      %get3A_377 = arith.constant 0 : index
      %get3A_378 = vector.load %arg1[%get3A_376, %get3A_377] : memref<32x16xf32, #tpu.memory_space<vmem>>, vector<1x1xf32>
      %get3A_379 = vector.extract %get3A_378[0, 0] : f32 from vector<1x1xf32>
      %get3A_380 = arith.constant 31 : index
      %get3A_381 = arith.constant 0 : index
      %get3A_382 = vector.load %arg2[%get3A_380, %get3A_381] : memref<32x16xi32, #tpu.memory_space<vmem>>, vector<1x1xi32>
      %get3A_383 = vector.extract %get3A_382[0, 0] : i32 from vector<1x1xi32>
      %lt3A_384 = arith.cmpf olt, %get3A_379, %select_n3A_374 : f32
      %select_n3A_385 = arith.select %lt3A_384, %get3A_383, %select_n3A_375 : i32
      %shift_right_logical3A = arith.constant 7 : i32
      %shift_right_logical3A_386 = arith.shrui %select_n3A_385, %shift_right_logical3A : i32
      %and3A = arith.constant 127 : i32
      %and3A_387 = arith.andi %select_n3A_385, %and3A : i32
      %swap3A_388 = arith.constant 0 : index
      %swap3A_389 = memref.load %arg8[%swap3A_388] : memref<2xi32, #tpu.memory_space<smem>>
      memref.store %shift_right_logical3A_386, %arg8[%swap3A_388] : memref<2xi32, #tpu.memory_space<smem>>
      %swap3A_390 = arith.constant 1 : index
      %swap3A_391 = memref.load %arg8[%swap3A_390] : memref<2xi32, #tpu.memory_space<smem>>
      memref.store %and3A_387, %arg8[%swap3A_390] : memref<2xi32, #tpu.memory_space<smem>>
      %iota3A_392 = tpu.iota {dimensions = array<i32: 1>} : vector<1x32768xi32>
      %shift_right_logical3A_393 = arith.constant 8 : i32
      %shift_right_logical3A_394 = vector.broadcast %shift_right_logical3A_393 : i32 to vector<1x32768xi32>
      %shift_right_logical3A_395 = arith.shrui %iota3A_392, %shift_right_logical3A_394 : vector<1x32768xi32>
      %sub3A_396 = vector.broadcast %and3A_387 : i32 to vector<1x32768xi32>
      %sub3A_397 = arith.subi %shift_right_logical3A_395, %sub3A_396 : vector<1x32768xi32>
      %mul3A_398 = arith.muli %sub3A_397, %sub3A_397 : vector<1x32768xi32>
      %convert_element_type3A_399 = arith.sitofp %mul3A_398 : vector<1x32768xi32> to vector<1x32768xf32>
      %neg3A_400 = arith.constant 0.000000e+00 : f32
      %neg3A_401 = vector.broadcast %neg3A_400 : f32 to vector<1x32768xf32>
      %neg3A_402 = arith.subf %neg3A_401, %convert_element_type3A_399 : vector<1x32768xf32>
      %mul3A_403 = vector.broadcast %get3A_6 : f32 to vector<1x32768xf32>
      %mul3A_404 = arith.mulf %neg3A_402, %mul3A_403 : vector<1x32768xf32>
      %exp3A_405 = math.exp %mul3A_404 : vector<1x32768xf32>
      %swap3A_406 = arith.constant 0 : index
      %swap3A_407 = arith.constant 0 : index
      %swap3A_408 = vector.load %arg9[%swap3A_406, %swap3A_407] : memref<1x32768xf32, #tpu.memory_space<vmem>>, vector<1x32768xf32>
      tpu.vector_store %arg9[%swap3A_406, %swap3A_407], %exp3A_405 {strides = array<i32>} : memref<1x32768xf32, #tpu.memory_space<vmem>>, vector<1x32768xf32>,
      %iota3A_409 = tpu.iota {dimensions = array<i32: 1>} : vector<8x128xi32>
      %iota3A_410 = tpu.iota {dimensions = array<i32: 0>} : vector<8x128xi32>
      %eq3A_411 = arith.constant 0 : i32
      %eq3A_412 = vector.broadcast %eq3A_411 : i32 to vector<8x128xi32>
      %eq3A_413 = arith.cmpi eq, %iota3A_410, %eq3A_412 : vector<8x128xi32>
      %eq3A_414 = arith.constant 0 : i32
      %eq3A_415 = vector.broadcast %eq3A_414 : i32 to vector<8x128xi32>
      %eq3A_416 = arith.cmpi eq, %iota3A_409, %eq3A_415 : vector<8x128xi32>
      %and3A_417 = arith.andi %eq3A_413, %eq3A_416 : vector<8x128xi1>
      %eq3A_418 = arith.constant 0 : i32
      %eq3A_419 = vector.broadcast %eq3A_418 : i32 to vector<8x128xi32>
      %eq3A_420 = arith.cmpi eq, %iota3A_410, %eq3A_419 : vector<8x128xi32>
      %eq3A_421 = arith.constant 1 : i32
      %eq3A_422 = vector.broadcast %eq3A_421 : i32 to vector<8x128xi32>
      %eq3A_423 = arith.cmpi eq, %iota3A_409, %eq3A_422 : vector<8x128xi32>
      %and3A_424 = arith.andi %eq3A_420, %eq3A_423 : vector<8x128xi1>
      %jit3A = arith.constant 0 : i32
      %broadcast_in_dim3A = vector.broadcast %and3A_387 : i32 to vector<8x128xi32>
      %broadcast_in_dim3A_425 = vector.broadcast %jit3A : i32 to vector<8x128xi32>
      %select_n3A_426 = arith.select %and3A_424, %broadcast_in_dim3A, %broadcast_in_dim3A_425 : vector<8x128xi1>, vector<8x128xi32>
      %broadcast_in_dim3A_427 = vector.broadcast %shift_right_logical3A_386 : i32 to vector<8x128xi32>
      %select_n3A_428 = arith.select %and3A_417, %broadcast_in_dim3A_427, %select_n3A_426 : vector<8x128xi1>, vector<8x128xi32>
      %swap3A_429 = arith.constant 0 : index
      %swap3A_430 = arith.constant 0 : index
      %swap3A_431 = vector.load %arg7[%swap3A_429, %swap3A_430] : memref<8x128xi32, #tpu.memory_space<vmem>>, vector<8x128xi32>
      tpu.vector_store %arg7[%swap3A_429, %swap3A_430], %select_n3A_428 {strides = array<i32>} : memref<8x128xi32, #tpu.memory_space<vmem>>, vector<8x128xi32>,
    } else {
    }
    %get3A_9 = arith.constant 0 : index
    %get3A_10 = memref.load %arg8[%get3A_9] : memref<2xi32, #tpu.memory_space<smem>>
    %mul3A = arith.constant 16 : i32
    %mul3A_11 = arith.muli %arg0, %mul3A : i32
    %iota3A = tpu.iota {dimensions = array<i32: 0>} : vector<16x1xi32>
    %add3A = vector.broadcast %mul3A_11 : i32 to vector<16x1xi32>
    %add3A_12 = arith.addi %add3A, %iota3A : vector<16x1xi32>
    %sub3A = vector.broadcast %get3A_10 : i32 to vector<16x1xi32>
    %sub3A_13 = arith.subi %add3A_12, %sub3A : vector<16x1xi32>
    %mul3A_14 = arith.muli %sub3A_13, %sub3A_13 : vector<16x1xi32>
    %convert_element_type3A_15 = arith.sitofp %mul3A_14 : vector<16x1xi32> to vector<16x1xf32>
    %neg3A = arith.constant 0.000000e+00 : f32
    %neg3A_16 = vector.broadcast %neg3A : f32 to vector<16x1xf32>
    %neg3A_17 = arith.subf %neg3A_16, %convert_element_type3A_15 : vector<16x1xf32>
    %mul3A_18 = vector.broadcast %get3A_6 : f32 to vector<16x1xf32>
    %mul3A_19 = arith.mulf %neg3A_17, %mul3A_18 : vector<16x1xf32>
    %exp3A = math.exp %mul3A_19 : vector<16x1xf32>
    %mul3A_20 = vector.broadcast %get3A_2 : f32 to vector<16x1xf32>
    %mul3A_21 = arith.mulf %mul3A_20, %exp3A : vector<16x1xf32>
    %get3A_22 = arith.constant 0 : index
    %get3A_23 = arith.constant 0 : index
    %get3A_24 = vector.load %arg9[%get3A_22, %get3A_23] : memref<1x32768xf32, #tpu.memory_space<vmem>>, vector<1x32768xf32>
    %mul3A_25 = vector.broadcast %mul3A_21 : vector<16x1xf32> to vector<16x32768xf32>
    %mul3A_26 = vector.broadcast %get3A_24 : vector<1x32768xf32> to vector<16x32768xf32>
    %mul3A_27 = arith.mulf %mul3A_25, %mul3A_26 : vector<16x32768xf32>
    %reshape3A = vector.shape_cast %mul3A_27 : vector<16x32768xf32> to vector<2048x256xf32>
    %get3A_28 = arith.constant 0 : index
    %get3A_29 = arith.constant 0 : index
    %get3A_30 = vector.load %arg5[%get3A_28, %get3A_29] : memref<2048x256xf32, #tpu.memory_space<vmem>>, vector<2048x256xf32>
    %get3A_31 = arith.constant 0 : index
    %get3A_32 = arith.constant 0 : index
    %get3A_33 = vector.load %arg3[%get3A_31, %get3A_32] : memref<1x256xf32, #tpu.memory_space<vmem>>, vector<1x256xf32>
    %sub3A_34 = vector.broadcast %get3A_33 : vector<1x256xf32> to vector<2048x256xf32>
    %sub3A_35 = arith.subf %sub3A_34, %get3A_30 : vector<2048x256xf32>
    %mul3A_36 = arith.mulf %reshape3A, %sub3A_35 : vector<2048x256xf32>
    %add3A_37 = arith.addf %get3A_30, %mul3A_36 : vector<2048x256xf32>
    %swap3A = arith.constant 0 : index
    %swap3A_38 = arith.constant 0 : index
    %swap3A_39 = vector.load %arg6[%swap3A, %swap3A_38] : memref<2048x256xf32, #tpu.memory_space<vmem>>, vector<2048x256xf32>
    tpu.vector_store %arg6[%swap3A, %swap3A_38], %add3A_37 {strides = array<i32>} : memref<2048x256xf32, #tpu.memory_space<vmem>>, vector<2048x256xf32>,
    return
  }
  func.func @transform_0(%arg0: i32) -> (i32, i32) {
    %c0_i32 = arith.constant 0 : i32
    %c0_i32_0 = arith.constant 0 : i32
    %c0_i32_1 = arith.constant 0 : i32
    return %c0_i32, %c0_i32_0 : i32, i32
  }
  func.func @transform_1(%arg0: i32) -> (i32, i32) {
    %c0_i32 = arith.constant 0 : i32
    %c0_i32_0 = arith.constant 0 : i32
    %c0_i32_1 = arith.constant 0 : i32
    return %c0_i32, %c0_i32_0 : i32, i32
  }
  func.func @transform_2(%arg0: i32) -> (i32, i32) {
    %c0_i32 = arith.constant 0 : i32
    %c0_i32_0 = arith.constant 0 : i32
    %c0_i32_1 = arith.constant 0 : i32
    return %c0_i32, %c0_i32_0 : i32, i32
  }
  func.func @transform_3(%arg0: i32) -> (i32, i32) {
    %c0_i32 = arith.constant 0 : i32
    %c0_i32_0 = arith.constant 0 : i32
    %c0_i32_1 = arith.constant 0 : i32
    return %c0_i32, %c0_i32_0 : i32, i32
  }
  func.func @transform_4(%arg0: i32) -> (i32, i32) {
    %c0_i32 = arith.constant 0 : i32
    %c0_i32_0 = arith.constant 0 : i32
    return %arg0, %c0_i32 : i32, i32
  }
  func.func @transform_5(%arg0: i32) -> (i32, i32) {
    %c0_i32 = arith.constant 0 : i32
    %c0_i32_0 = arith.constant 0 : i32
    return %arg0, %c0_i32 : i32, i32
  }
  func.func @transform_6(%arg0: i32) -> (i32, i32) {
    %c0_i32 = arith.constant 0 : i32
    %c0_i32_0 = arith.constant 0 : i32
    %c0_i32_1 = arith.constant 0 : i32
    return %c0_i32, %c0_i32_0 : i32, i32
  }
}

</mosaic_0001>

<sc_bundles>
// kernel: kernel.4.cloned.1.call-start
scs
__scs_entry_jumppad:
0x0: {  	(pc) =	sbr.rel $0x88, $3  }
0x1: {  	(tag) =	ssettag $0x0;
	lr =	simm.s32 $0x1  }
0x2: {  	[smem:$0x3F9E] =	sst lr;
	_ =	strace $0xD0000000  }
0x3: {  	_ = 	snop  }
0x4: {  	_ = 	snop  }
0x5: {  	_ = 	snop  }
0x6: {  	_ = 	snop  }
0x7: {  	_ = 	snop  }
__scs_overlays_trampoline_lowered:
0x8: {  	[smem:$0x3FAD] =	sst s0  }
0x9: {  	[smem:$0x3FAE] =	sst s1  }
0xa: {  	[smem:$0x3FAF] =	sst s2  }
0xb: {  	[smem:$0x3FB0] =	sst s3  }
0xc: {  	[smem:$0x3FB1] =	sst s4  }
0xd: {  	[smem:$0x3FB2] =	sst s5  }
0xe: {  	[smem:$0x3FB3] =	sst s6  }
0xf: {  	[smem:$0x3FB4] =	sst s7  }
0x10: {  	[smem:$0x3FB5] =	sst s8  }
0x11: {  	[smem:$0x3FB6] =	sst s9;
	s0 =	simm.s32 @!p0 $0x0  }
0x12: {  	s1 =	sld [smem:$0x3F9C];
	s0 =	simm.s32 @p0 $0x1  }
0x13: {  	[smem:$0x3FB7] =	sst s0;
	s0 =	simm.s32 @!p1 $0x0  }
0x14: {  	s2 =	sld [smem:$0x3F9B];
	s0 =	simm.s32 @p1 $0x1  }
0x15: {  	[smem:$0x3FB8] =	sst s0;
	s0 =	simm.s32 @!p2 $0x0  }
0x16: {  	s3 =	sld [smem:$0x3FDB];
	s0 =	simm.s32 @p2 $0x1  }
0x17: {  	s4 =	simm.s32 $0x1BF5;
	[smem:$0x3FBA] =	sst s0  }
0x18: {  	s0 =	sld [smem:$0x3F9D];
	_ =	swait.ge [sflag:s4], $0x0  }
0x19: {  	s7 =	sld [smem:$0x3F9E]  }
0x1a: {  	s8 =	sadd.s32 $0xFFFFE003, lr  }
0x1b: {  	s9 =	sadd.s32 $0xFFFFFEF7, lr;
	s5 =	simm.s32 $0xFFFFFFFF;
	p2 =	slt.u32 s8, $0xFFFFF086  }
0x1c: {  	p1 =	slt.u32 s9, $0xF7A;
	s5 =	simm.s32 @!p2 $0x0  }
0x1d: {  	s5 =	simm.s32 @p1 $0x1;
	p0 =	seq.s32 s7, s2  }
0x1e: {  	s7 =	smul.u32 @!p0 $0xF7A, s2;
	p2 =	seq.s32 @!p0 s5, $0x0  }
0x1f: {  	s9 =	smul.u32 $0xF7A, s1;
	s8 =	simm.s32 @!p0 $0x1BF5;
	p2 =	por !p2, p0  }
0x20: {  	[sflag:s8] =	ssyncset.s32 @!p0 $0xFFFFF086;
	s6 =	sadd.s32 @!p0 s3, s7;
	s7 =	simm.s32 @!p0 $0x108  }
0x21: {  	s3 =	sadd.s32 s3, s9;
	s6 =	sadd.s32 @!p0 $0x88, s6;
	s7 =	simm.s32 @p2 $0x1082  }
0x22: {  	[simem:s7], [sflag:s8] =	dma.local @!p0 [hbm:s6], $0xF7A  }
0x23: {  	s9 =	sor.u32 $0xD0000000, s2;
	s6 =	simm.s32 $0x108;
	_ =	swait.ge @!p0 [sflag:s8], $0x0  }
0x24: {  	s3 =	sadd.s32 $0x88, s3;
	s6 =	simm.s32 @!p1 $0x1082;
	[sflag:s4] =	ssyncset.s32 $0xFFFFF086  }
0x25: {  	[simem:s6], [sflag:s4] =	dma.local [hbm:s3], $0xF7A  }
0x26: {  	[smem:$0x3F9E] =	sst s1;
	(tag) =	ssettag s2;
	_ =	strace s9  }
0x27: {  	s1 =	sld [smem:$0x3FAE]  }
0x28: {  	s2 =	sld [smem:$0x3FAF]  }
0x29: {  	s4 =	sld [smem:$0x3FB1]  }
0x2a: {  	p0 =	seq.s32 s5, $0x0;
	s5 =	sld [smem:$0x3FB2]  }
0x2b: {  	s6 =	sld [smem:$0x3FB3]  }
0x2c: {  	s7 =	sld [smem:$0x3FB4]  }
0x2d: {  	s3 =	simm.s32 $0x108;
	s8 =	sld [smem:$0x3FB5]  }
0x2e: {  	s3 =	simm.s32 @!p0 $0x1082;
	s9 =	sld [smem:$0x3FB6]  }
0x2f: {  	lr =	sadd.s32 s0, s3;
	s0 =	sld [smem:$0x3FAD]  }
0x30: {  	s3 =	sld [smem:$0x3FB0]  }
0x31: {  	[smem:$0x3FB9] =	sst s10  }
0x32: {  	s10 =	sld [smem:$0x3FB7];
	_ =	sdelay $0x3  }
0x33: {  	p0 =	seq.s32 s10, $0x1;
	s10 =	sld [smem:$0x3FB9];
	_ =	sdelay $0x3  }
0x34: {  	[smem:$0x3FB9] =	sst s10  }
0x35: {  	s10 =	sld [smem:$0x3FB8];
	_ =	sdelay $0x3  }
0x36: {  	p1 =	seq.s32 s10, $0x1;
	s10 =	sld [smem:$0x3FB9];
	_ =	sdelay $0x3  }
0x37: {  	[smem:$0x3FB9] =	sst s10  }
0x38: {  	s10 =	sld [smem:$0x3FBA]  }
0x39: {  	_ = 	snop;
	(pc) =	sbr.ind lr, $3  }
0x3a: {  	_ = 	snop  }
0x3b: {  	_ = 	snop  }
0x3c: {  	p2 =	seq.s32 s10, $0x1;
	s10 =	sld [smem:$0x3FB9]  }
0x3d: {  	_ =	shalt  }
0x3e: {  	_ =	shalt  }
0x3f: {  	_ =	shalt  }
0x40: {  	_ =	shalt  }
0x41: {  	_ =	shalt  }
0x42: {  	_ =	shalt  }
0x43: {  	_ =	shalt  }
0x44: {  	_ =	shalt  }
0x45: {  	_ =	shalt  }
0x46: {  	_ =	shalt  }
0x47: {  	_ =	shalt  }
0x48: {  	_ =	shalt  }
0x49: {  	_ =	shalt  }
0x4a: {  	_ =	shalt  }
0x4b: {  	_ =	shalt  }
0x4c: {  	_ =	shalt  }
0x4d: {  	_ =	shalt  }
0x4e: {  	_ =	shalt  }
0x4f: {  	_ =	shalt  }
0x50: {  	_ =	shalt  }
0x51: {  	_ =	shalt  }
0x52: {  	_ =	shalt  }
0x53: {  	_ =	shalt  }
0x54: {  	_ =	shalt  }
0x55: {  	_ =	shalt  }
0x56: {  	_ =	shalt  }
0x57: {  	_ =	shalt  }
0x58: {  	_ =	shalt  }
0x59: {  	_ =	shalt  }
0x5a: {  	_ =	shalt  }
0x5b: {  	_ =	shalt  }
0x5c: {  	_ =	shalt  }
0x5d: {  	_ =	shalt  }
0x5e: {  	_ =	shalt  }
0x5f: {  	_ =	shalt  }
0x60: {  	_ =	shalt  }
0x61: {  	_ =	shalt  }
0x62: {  	_ =	shalt  }
0x63: {  	_ =	shalt  }
0x64: {  	_ =	shalt  }
0x65: {  	_ =	shalt  }
0x66: {  	_ =	shalt  }
0x67: {  	_ =	shalt  }
0x68: {  	_ =	shalt  }
0x69: {  	_ =	shalt  }
0x6a: {  	_ =	shalt  }
0x6b: {  	_ =	shalt  }
0x6c: {  	_ =	shalt  }
0x6d: {  	_ =	shalt  }
0x6e: {  	_ =	shalt  }
0x6f: {  	_ =	shalt  }
0x70: {  	_ =	shalt  }
0x71: {  	_ =	shalt  }
0x72: {  	_ =	shalt  }
0x73: {  	_ =	shalt  }
0x74: {  	_ =	shalt  }
0x75: {  	_ =	shalt  }
0x76: {  	_ =	shalt  }
0x77: {  	_ =	shalt  }
0x78: {  	_ =	shalt  }
0x79: {  	_ =	shalt  }
0x7a: {  	_ =	shalt  }
0x7b: {  	_ =	shalt  }
0x7c: {  	_ =	shalt  }
0x7d: {  	_ =	shalt  }
0x7e: {  	_ =	shalt  }
0x7f: {  	_ =	shalt  }
0x80: {  	_ =	shalt  }
0x81: {  	_ =	shalt  }
0x82: {  	_ =	shalt  }
0x83: {  	_ =	shalt  }
0x84: {  	_ =	shalt  }
0x85: {  	_ =	shalt  }
0x86: {  	_ =	shalt  }
0x87: {  	_ =	shalt  }
.Lfunc_end0:
.L_simem_size_0:
called_computation_lowered:
.L_overlay_start_0:
0x88: {  	s2 =	sld [smem:$0x3FD9]  }
0x89: {  	s3 =	sld [smem:$0x3FFE];
	_ =	sdelay $0x1  }
0x8a: {  	s1 =	srdreg.scid  }
0x8b: {  	s0 =	sand.u32 $0x1, s1  }
0x8c: {  	s14 =	sshll.u32 s0, $0xA;
	s2 =	sadd.s32 s3, s2  }
0x8d: {  	s2 =	sadd.s32 s2, s14  }
0x8e: {  	[smem:$0x3FC5] =	sst s2  }
0x8f: {  	_ = 	snop  }
0x90: {  	s2 =	sld [smem:$0x3FD0];
	_ =	sdelay $0x1  }
0x91: {  	s15 =	sld [smem:$0x3FC9]  }
0x92: {  	s5 =	simm.s32 $0xA;
	s6 =	simm.s32 $0x10;
	s4 =	sld [smem:$0x3FC8]  }
0x93: {  	[smem:s6], [sflag:s5] =	dma.local [hbm:s2], $0x1  }
0x94: {  	_ =	swait.eq [sflag:s5], $0x1  }
0x95: {  	[sflag:s5] =	ssyncset.done $0x0  }
0x96: {  	[sflag:s5] =	ssyncadd.s32 $0xFFFFFFFF  }
0x97: {  	s16 =	sld [smem:$0x11];
	(tm) =	ssettm $0x1  }
0x98: {  	s17 =	sld [smem:$0x3FFB];
	_ =	sdelay $0x3  }
0x99: {  	_ =	strace s17  }
0x9a: {  	s5 =	sld [smem:$0x3FFC];
	_ =	sdelay $0x3  }
0x9b: {  	_ =	strace s5  }
0x9c: {  	s5 =	sld [smem:$0x3FFD];
	_ =	sdelay $0x3  }
0x9d: {  	_ =	strace s5  }
0x9e: {  	_ =	strace $0x8FFFFFFF  }
0x9f: {  	s18 =	sld [smem:$0x3FDB];
	_ =	sdelay $0x1  }
0xa0: {  	s19 =	simm.s32 $_scs_section_size  }
0xa1: {  	s7 =	simm.s32 $_size__tile_overlayer_lowered;
	s8 =	simm.s32 $_tile_overlayer_lowered  }
0xa2: {  	s22 =	simm.s32 $0x1BFF;
	s21 =	sshll.u32 s8, $0x1;
	s5 =	sadd.s32 s19, s18  }
0xa3: {  	s9 =	simm.s32 $0x0;
	s20 =	sshll.u32 s7, $0x1;
	s7 =	sadd.s32 s21, s5  }
0xa4: {  	[timem:s9], [sflag:s22] =	dma.local [hbm:s7], s20  }
0xa5: {  	_ =	swait.ge [sflag:s22], s20  }
0xa6: {  	s6 =	ssub.s32 $0x0, s20;
	[sflag:s22] =	ssyncset.done $0x0  }
0xa7: {  	[sflag:s22] =	ssyncadd.s32 s6;
	_ =	sdelay $0x1  }
0xa8: {  	s23 =	simm.s32 $0x1B8B  }
0xa9: {  	_ =	swait.ge [sflag:s23], $0x1  }
0xaa: {  	[sflag:s23] =	ssyncset.done $0x0  }
0xab: {  	s25 =	simm.s32 $0x1B8E;
	s24 =	sld [smem:$0x3FFE];
	[sflag:s23] =	ssyncadd.s32 $0xFFFFFFFF  }
0xac: {  	s26 =	simm.s32 $execute0_lowered;
	[smem:$0x3FD2] =	sst s25  }
0xad: {  	s7 =	sshll.u32 s26, $0x1;
	_ =	strace $0x80000046;
	[dreg:$0x1] =	wrdreg $0xFFFFFFFF  }
0xae: {  	s28 =	simm.s32 $_size_execute0_lowered;
	s5 =	sadd.s32 s5, s7;
	[dreg:$0x0] =	wrdreg $0x0  }
0xaf: {  	s7 =	sshll.u32 s28, $0x1;
	[dreg:$0x2] =	wrdreg s5  }
0xb0: {  	[dreg:$0x3] =	wrdreg s7  }
0xb1: {  	[dreg:$0x4] =	wrdreg $0xC0  }
0xb2: {  	_ =	task [dreg:s9], $0x5FFFF  }
0xb3: {  	[dreg:$0x1] =	wrdreg $0xFFFFFFFF  }
0xb4: {  	[dreg:$0x0] =	wrdreg $0x60  }
0xb5: {  	[dreg:$0x2] =	wrdreg s4  }
0xb6: {  	[dreg:$0x3] =	wrdreg s15  }
0xb7: {  	[dreg:$0x4] =	wrdreg s16  }
0xb8: {  	[dreg:$0x5] =	wrdreg s24  }
0xb9: {  	[dreg:$0x6] =	wrdreg $0x9  }
0xba: {  	_ =	task.clear_ibuf [dreg:s9], $0x7FFFF;
	_ =	strace $0x90000046  }
0xbb: {  	s29 =	simm.s32 $0x9;
	_ =	strace $0x80000048  }
0xbc: {  	_ =	swait.ge [sflag:s29], $0x1  }
0xbd: {  	[sflag:s29] =	ssyncadd.s32 $0xFFFFFFFF  }
0xbe: {  	_ =	strace $0x90000048  }
0xbf: {  	_ =	sfence  }
0xc0: {  	s30 =	sld [smem:$0x0];
	_ =	sdelay $0x2  }
0xc1: {  	s31 =	sshll.u32 s1, $0xD;
	s1 =	sshrl.u32 s1, $0x2  }
0xc2: {  	s3 =	sand.u32 $0x4000, s31;
	s1 =	sadd.s32 s1, s30  }
0xc3: {  	s0 =	sor.u32 s3, s0;
	s1 =	sshll.u32 s1, $0x11  }
0xc4: {  	s0 =	sor.u32 s1, s0  }
0xc5: {  	s0 =	sadd.s32 $0x8F2B, s0  }
0xc6: {  	[sflag:s0] =	ssyncadd.remote.s32 $0x1  }
0xc7: {  	_ =	sfence.sel $0xFFFF  }
0xc8: {  	[dreg:$0x0] =	wrdreg $0xFFFFFFFF;
	(pc) =	sbr.abs _section_cstart, $3  }
0xc9: {  	[dreg:$0x1] =	wrdreg $0xFFFFFFFF  }
0xca: {  	_ =	task.clear_ibuf [dreg:s9], $0x2FFFF;
	_ =	strace $0x9FFFFFFF  }
0xcb: {  	(tm) =	ssettm $0x7FFFFFFF  }
tec
execute0_lowered:
.L_overlay_start_1:
0x0: {  	(tag) =	ssettag $0x1  }
0x1: {  	s4 =	rddreg [dreg:$0x0]  }
0x2: {  	s8 =	rddreg [dreg:$0x2]  }
0x3: {  	s5 =	rddreg [dreg:$0x3]  }
0x4: {  	s3 =	simm.s32 $0x0;
	s6 =	srdreg.scid;
	s0 =	stileid.u32  }
0x5: {  	s13 =	simm.s32 $0x100;
	s14 =	simm.s32 $0x8100;
	s15 =	simm.s32 $0x1  }
0x6: {  	s16 =	simm.s32 $0x2;
	s19 =	simm.s32 $0x0;
	[smem:$0x7FF] =	sst s3  }
0x7: {  	s11 =	sand.u32 $0x1, s6;
	s29 =	sshll.u32 s0, $0x1;
	s31 =	sshll.u32 s0, $0xA  }
0x8: {  	_ =	strace $0x80000047;
	s6 =	sor.u32 s11, s29;
	s7 =	ssub.s32 $0x2, s11  }
0x9: {  	s11 =	sshll.u32 s11, $0x9;
	s9 =	sshll.u32 s6, $0x4;
	s6 =	sshll.u32 s6, $0xE  }
0xa: {  	s30 =	sshrl.u32 s7, $0x1;
	s11 =	sor.u32 s11, s31;
	s10 =	sadd.s32 s9, s5  }
0xb: {  	s4 =	sadd.s32 s4, s6;
	s12 =	ssub.s32 s7, s30;
	s8 =	sadd.s32 s8, s9  }
0xc: {  	s5 =	sadd.s32 $0x1000, s4;
	s6 =	sadd.s32 $0x2000, s4;
	s7 =	sadd.s32 $0x3000, s4  }
0xd: {  	s9 =	sadd.s32 $0x800, s10;
	s10 =	smax.u32 s12, $0x1;
	s12 =	simm.s32 $0x3  }
.LBB2_1:
0xe: {  	s0 =	rddreg [dreg:$0x1]  }
0xf: {  	[tilespmem:s3], [sflag:$0x3] =	stream.linear.gather [hbm4b:s0+s3], $0x100, $0x38;
	[tilespmem:$0x10200] =	vst v63  }
0x10: {  	_ =	swait.ge [sflag:s12], $0x100  }
0x11: {  	[sflag:s12] =	ssyncset.done $0x0  }
0x12: {  	[sflag:s12] =	ssyncadd.s32 $0xFFFFFF00  }
0x13: {  	v6 =	vld [tilespmem:$0x0]  }
0x14: {  	v7 =	vld [tilespmem:$0x10]  }
0x15: {  	v8 =	vld [tilespmem:$0x20]  }
0x16: {  	v9 =	vld [tilespmem:$0x30]  }
0x17: {  	v10 =	vld [tilespmem:$0x40]  }
0x18: {  	v11 =	vld [tilespmem:$0x50]  }
0x19: {  	v12 =	vld [tilespmem:$0x60]  }
0x1a: {  	v13 =	vld [tilespmem:$0x70]  }
0x1b: {  	v58 =	vld [tilespmem:$0x80]  }
0x1c: {  	v15 =	vld [tilespmem:$0x90]  }
0x1d: {  	v57 =	vld [tilespmem:$0xA0]  }
0x1e: {  	v54 =	vld [tilespmem:$0xB0]  }
0x1f: {  	v62 =	vld [tilespmem:$0xC0]  }
0x20: {  	v63 =	vld [tilespmem:$0xD0]  }
0x21: {  	v48 =	vld [tilespmem:$0xE0]  }
0x22: {  	v52 =	vld [tilespmem:$0xF0];
	[tilespmem:s13], [sflag:$0x1] =	stream.linear.gather [hbm4b:s4+s3], $0x8000, $0x38  }
0x23: {  	_ = 	snop  }
0x24: {  	[tilespmem:s14], [sflag:$0x2] =	stream.linear.gather [hbm4b:s5+s3], $0x8000, $0x38;
	[tilespmem:$0x10200] =	vst v63  }
0x25: {  	s23 =	simm.s32 $0x180;
	s20 =	sand.u32 $0x7800, s3;
	_ =	swait.ge [sflag:s15], $0x8000  }
0x26: {  	s20 =	sor.u32 $0x100, s20;
	s21 =	sand.u32 $0x380, s23;
	[sflag:s15] =	ssyncset.done $0x0  }
0x27: {  	s21 =	sadd.s32 s21, s20;
	[sflag:s15] =	ssyncadd.s32 $0xFFFF8000  }
0x28: {  	v0 =	vld [tilespmem:s21+$0x0]  }
0x29: {  	v1 =	vld [tilespmem:s21+$0x10]  }
0x2a: {  	v2 =	vld [tilespmem:s21+$0x20]  }
0x2b: {  	v3 =	vld [tilespmem:s21+$0x30]  }
0x2c: {  	v4 =	vld [tilespmem:s21+$0x40]  }
0x2d: {  	s22 =	simm.s32 $0x100;
	v5 =	vld [tilespmem:s21+$0x50]  }
0x2e: {  	s22 =	sand.u32 $0x300, s22;
	v16 =	vld [tilespmem:s21+$0x60]  }
0x2f: {  	s22 =	sadd.s32 s22, s20;
	v17 =	vld [tilespmem:s21+$0x70]  }
0x30: {  	v18 =	vld [tilespmem:s22+$0x0]  }
0x31: {  	v19 =	vld [tilespmem:s22+$0x10]  }
0x32: {  	v20 =	vld [tilespmem:s22+$0x20]  }
0x33: {  	v21 =	vld [tilespmem:s22+$0x30]  }
0x34: {  	v22 =	vld [tilespmem:s22+$0x40]  }
0x35: {  	s0 =	simm.s32 $0x80;
	v23 =	vld [tilespmem:s22+$0x50]  }
0x36: {  	s21 =	sand.u32 $0x280, s0;
	v24 =	vld [tilespmem:s22+$0x60]  }
0x37: {  	v25 =	vld [tilespmem:s22+$0x70];
	s21 =	sor.u32 s21, s20  }
0x38: {  	v26 =	vld [tilespmem:s21+$0x0]  }
0x39: {  	v27 =	vld [tilespmem:s21+$0x10]  }
0x3a: {  	v28 =	vld [tilespmem:s21+$0x20]  }
0x3b: {  	v29 =	vld [tilespmem:s21+$0x30]  }
0x3c: {  	v30 =	vld [tilespmem:s21+$0x40]  }
0x3d: {  	s1 =	simm.s32 $0x0;
	v31 =	vld [tilespmem:s21+$0x50]  }
0x3e: {  	s22 =	sand.u32 $0x200, s1;
	v32 =	vld [tilespmem:s21+$0x60]  }
0x3f: {  	s20 =	sor.u32 s22, s20;
	v33 =	vld [tilespmem:s21+$0x70]  }
0x40: {  	v34 =	vld [tilespmem:s20+$0x0]  }
0x41: {  	v35 =	vld [tilespmem:s20+$0x10]  }
0x42: {  	v36 =	vld [tilespmem:s20+$0x20]  }
0x43: {  	v37 =	vld [tilespmem:s20+$0x30]  }
0x44: {  	v38 =	vld [tilespmem:s20+$0x40]  }
0x45: {  	s25 =	sand.u32 $0x7, s3;
	v39 =	vld [tilespmem:s20+$0x50]  }
0x46: {  	p0 =	por $0x0, $0x0;
	s26 =	sshll.u32 s25, $0x7;
	s21 =	simm.s32 $0x1;
	v50 =	vld [tilespmem:s20+$0x60];
	v0 =	vsub.f32 v0, v6;
	v1 =	vsub.f32 v1, v7  }
0x47: {  	v49 =	vld [tilespmem:s20+$0x70];
	s20 =	sadd.s32 $0x0, s26;
	s21 =	simm.s32 @!p0 $0x0;
	v2 =	vsub.f32 v2, v8;
	v3 =	vsub.f32 v3, v9  }
0x48: {  	s31 =	sadd.s32 $0x180, s20;
	s21 =	sshll.u32 s21, $0x9;
	v4 =	vsub.f32 v4, v10;
	v5 =	vsub.f32 v5, v11  }
0x49: {  	s25 =	sor.u32 $0x400, s31;
	v40 =	vsub.f32 v16, v12;
	s21 =	sadd.s32 $0x0, s21;
	v41 =	vsub.f32 v17, v13  }
0x4a: {  	v42 =	vsub.f32 v18, v6;
	v43 =	vsub.f32 v19, v7;
	v51 =	vld [tilespmem:s25+$0x100];
	s2 =	sor.u32 $0x440, s21  }
0x4b: {  	v44 =	vsub.f32 v20, v8;
	v45 =	vsub.f32 v21, v9;
	s17 =	sor.u32 $0x450, s21;
	v18 =	vld [tilespmem:s2+$0x100]  }
0x4c: {  	v22 =	vsub.f32 v22, v10;
	v23 =	vsub.f32 v23, v11;
	s18 =	sor.u32 $0x460, s21;
	v19 =	vld [tilespmem:s17+$0x100]  }
0x4d: {  	v24 =	vsub.f32 v24, v12;
	v25 =	vsub.f32 v25, v13;
	s22 =	sor.u32 $0x470, s21;
	v20 =	vld [tilespmem:s18+$0x100]  }
0x4e: {  	s24 =	sor.u32 $0x400, s21;
	v21 =	vld [tilespmem:s22+$0x100];
	v26 =	vsub.f32 v26, v6;
	v47 =	vsub.f32 v27, v7  }
0x4f: {  	s29 =	sor.u32 $0x410, s21;
	v46 =	vld [tilespmem:s24+$0x100];
	v14 =	vsub.f32 v28, v8;
	v59 =	vsub.f32 v29, v9  }
0x50: {  	s30 =	sor.u32 $0x420, s21;
	v27 =	vld [tilespmem:s29+$0x100];
	v30 =	vsub.f32 v30, v10;
	v31 =	vsub.f32 v31, v11  }
0x51: {  	s21 =	sor.u32 $0x430, s21;
	v28 =	vld [tilespmem:s30+$0x100];
	v32 =	vsub.f32 v32, v12;
	v60 =	vsub.f32 v33, v13  }
0x52: {  	s0 =	sor.u32 $0x440, s31;
	v29 =	vld [tilespmem:s21+$0x100];
	v53 =	vsub.f32 v34, v6;
	v35 =	vsub.f32 v35, v7  }
0x53: {  	s1 =	sor.u32 $0x450, s31;
	v33 =	vld [tilespmem:s0+$0x100];
	v36 =	vsub.f32 v36, v8;
	v61 =	vsub.f32 v37, v9;
	s18 =	sand.u32 $0x3, s3  }
0x54: {  	v34 =	vld [tilespmem:s1+$0x100];
	s2 =	sor.u32 $0x460, s31;
	v38 =	vsub.f32 v38, v10;
	v39 =	vsub.f32 v39, v11;
	s24 =	sshll.u32 s18, $0x8  }
0x55: {  	s17 =	sor.u32 $0x470, s31;
	v16 =	vsub.f32 v50, v12;
	v0 =	vmul.f32 v0, v0;
	v4 =	vmul.f32 v4, v4;
	v37 =	vld [tilespmem:s2+$0x100];
	s21 =	sadd.s32 $0x0, s24  }
0x56: {  	[tilespmem:$0x1FED0] =	vst v9;
	s25 =	sor.u32 $0x410, s31;
	v9 =	vsub.f32 v49, v13;
	v1 =	vmul.f32 v1, v1;
	v2 =	vmul.f32 v2, v2;
	v50 =	vld [tilespmem:s17+$0x100];
	s21 =	sadd.s32 $0x100, s21  }
0x57: {  	[tilespmem:$0x1FEA0] =	vst v6;
	v3 =	vmul.f32 v3, v3;
	s29 =	sor.u32 $0x440, s21;
	v6 =	vsub.f32 v21, v52;
	v21 =	vld [tilespmem:s25+$0x100];
	v49 =	vsub.f32 v29, v54  }
0x58: {  	[tilespmem:$0x1FEB0] =	vst v7;
	s26 =	sor.u32 $0x420, s31;
	v22 =	vmul.f32 v22, v22;
	v29 =	vadd.f32 v4, v0;
	v0 =	vld [tilespmem:s29+$0x100];
	v4 =	vsub.f32 v33, v62  }
0x59: {  	v23 =	vmul.f32 v23, v23;
	v24 =	vmul.f32 v24, v24;
	[tilespmem:$0x1FF20] =	vst v6;
	v6 =	vsub.f32 v27, v15;
	v27 =	vld [tilespmem:s26+$0x100]  }
0x5a: {  	s22 =	sor.u32 $0x430, s31;
	v25 =	vmul.f32 v25, v25;
	v56 =	vsub.f32 v51, v58;
	[tilespmem:$0x1FF30] =	vst v4;
	v4 =	vsub.f32 v34, v63  }
0x5b: {  	[tilespmem:$0x1FEE0] =	vst v10;
	v53 =	vmul.f32 v53, v53;
	v7 =	vsub.f32 v18, v62;
	v55 =	vsub.f32 v28, v57;
	v28 =	vld [tilespmem:s22+$0x100]  }
0x5c: {  	s20 =	sadd.s32 $0x80, s20;
	v51 =	vmul.f32 v45, v45;
	v10 =	vsub.f32 v19, v63;
	[tilespmem:$0x1FF40] =	vst v4;
	v4 =	vsub.f32 v37, v48  }
0x5d: {  	[tilespmem:$0x1FEC0] =	vst v8;
	s26 =	sor.u32 $0x470, s20;
	v8 =	vsub.f32 v21, v15;
	v21 =	vsub.f32 v0, v62;
	v0 =	vmul.f32 v41, v41  }
0x5e: {  	s0 =	sor.u32 $0x470, s21;
	v45 =	vld [tilespmem:s26+$0x100];
	[tilespmem:$0x1FF50] =	vst v4;
	v4 =	vsub.f32 v50, v52;
	v50 =	vmul.f32 v40, v40;
	v18 =	vsub.f32 v27, v57  }
0x5f: {  	s2 =	sor.u32 $0x410, s21;
	v27 =	vmul.f32 v43, v43;
	v37 =	vadd.f32 v0, v3;
	v0 =	vld [tilespmem:s0+$0x100];
	v3 =	vmul.f32 v44, v44  }
0x60: {  	v61 =	vmul.f32 v61, v61;
	s30 =	sor.u32 $0x450, s21;
	s31 =	sor.u32 $0x460, s21;
	v19 =	vsub.f32 v28, v54;
	v44 =	vld [tilespmem:s2+$0x100];
	v34 =	vadd.f32 v50, v2  }
0x61: {  	s1 =	sor.u32 $0x400, s21;
	s17 =	sor.u32 $0x420, s21;
	s21 =	sor.u32 $0x430, s21;
	[tilespmem:$0x1FF60] =	vst v4;
	v4 =	vmul.f32 v5, v5;
	v2 =	vld [tilespmem:s31+$0x100];
	v41 =	vadd.f32 v23, v27;
	v28 =	vadd.f32 v24, v3  }
0x62: {  	s18 =	sor.u32 $0x440, s20;
	v3 =	vmul.f32 v26, v26;
	v24 =	vmul.f32 v30, v30;
	v27 =	vadd.f32 v25, v51;
	v25 =	vld [tilespmem:s21+$0x100]  }
0x63: {  	[tilespmem:$0x1FF00] =	vst v12;
	s24 =	sor.u32 $0x450, s20;
	v12 =	vsub.f32 v46, v58;
	s25 =	sor.u32 $0x460, s20;
	s29 =	sor.u32 $0x400, s20;
	v56 =	vmul.f32 v56, v56;
	v33 =	vadd.f32 v4, v1;
	v1 =	vld [tilespmem:s30+$0x100]  }
0x64: {  	v49 =	vmul.f32 v49, v49;
	s31 =	sor.u32 $0x420, s20;
	v4 =	vmul.f32 v42, v42;
	s30 =	sor.u32 $0x410, s20;
	s20 =	sor.u32 $0x430, s20;
	v46 =	vadd.f32 v24, v3;
	v3 =	vld [tilespmem:s18+$0x100]  }
0x65: {  	v17 =	vsub.f32 v20, v48;
	v43 =	vmul.f32 v14, v14;
	v14 =	vmul.f32 v60, v60;
	v5 =	vld [tilespmem:s20+$0x100]  }
0x66: {  	v60 =	vmul.f32 v36, v36;
	v40 =	vadd.f32 v22, v4;
	v4 =	vld [tilespmem:s1+$0x100];
	v2 =	vsub.f32 v2, v48  }
0x67: {  	[tilespmem:$0x1FEF0] =	vst v11;
	v36 =	vsub.f32 v45, v52;
	v45 =	vmul.f32 v12, v12;
	v24 =	vsub.f32 v0, v52;
	v0 =	vld [tilespmem:s24+$0x100]  }
0x68: {  	v26 =	vmul.f32 v31, v31;
	v23 =	vsub.f32 v1, v63;
	v1 =	vld [tilespmem:s17+$0x100];
	[tilespmem:$0x1FF70] =	vst v2;
	v2 =	vmul.f32 v47, v47  }
0x69: {  	[tilespmem:$0x1FF10] =	vst v13;
	v31 =	vmul.f32 v7, v7;
	v42 =	vmul.f32 v32, v32;
	v11 =	vsub.f32 v3, v62;
	v3 =	vld [tilespmem:s30+$0x100]  }
0x6a: {  	[tilespmem:$0x1FFB0] =	vst v52;
	v32 =	vmul.f32 v10, v10;
	v52 =	vmul.f32 v6, v6;
	v51 =	vadd.f32 v26, v2;
	v2 =	vld [tilespmem:s25+$0x100]  }
0x6b: {  	[tilespmem:$0x1FF80] =	vst v62;
	v30 =	vld [tilespmem:s29+$0x100];
	v13 =	vsub.f32 v25, v54;
	v47 =	vsub.f32 v44, v15;
	v44 =	vmul.f32 v59, v59  }
0x6c: {  	[tilespmem:$0x1FF90] =	vst v63;
	v59 =	vmul.f32 v35, v35;
	v62 =	vmul.f32 v38, v38;
	v50 =	vsub.f32 v4, v58;
	v4 =	vld [tilespmem:s31+$0x100]  }
0x6d: {  	[tilespmem:$0x1FFF0] =	vst v54;
	v54 =	vsub.f32 v5, v54;
	v5 =	vmul.f32 v19, v19;
	v38 =	vsub.f32 v0, v63  }
0x6e: {  	[tilespmem:$0x1FFA0] =	vst v48;
	v0 =	vmul.f32 v39, v39;
	v63 =	vmul.f32 v16, v16;
	v26 =	vsub.f32 v1, v57  }
0x6f: {  	s28 =	simm.s32 $0x0;
	[tilespmem:$0x1FFC0] =	vst v58;
	v1 =	vmul.f32 v9, v9;
	v3 =	vsub.f32 v3, v15;
	v39 =	vsub.f32 v2, v48  }
0x70: {  	[tilespmem:$0x1FFD0] =	vst v15;
	s22 =	simm.s32 $0xFFFFFFFC;
	s26 =	simm.s32 $0x0;
	s21 =	simm.s32 $0x0;
	v2 =	vsub.f32 v30, v58;
	v30 =	vmul.f32 v17, v17;
	v48 =	vmul.f32 v55, v55  }
0x71: {  	[tilespmem:$0x1FFE0] =	vst v57;
	s20 =	simm.f32 $+Inf;
	s24 =	simm.s32 $0x0;
	s25 =	simm.s32 $0x400;
	v55 =	vsub.f32 v4, v57;
	v57 =	vmul.f32 v8, v8;
	v4 =	vmul.f32 v18, v18  }
.LBB2_2:
0x72: {  	v7 =	vld [tilespmem:$0x1FF20]  }
0x73: {  	v6 =	vld [tilespmem:$0x1FF70]  }
0x74: {  	v8 =	vld [tilespmem:$0x1FEB0]  }
0x75: {  	v9 =	vld [tilespmem:$0x1FEC0]  }
0x76: {  	v10 =	vld [tilespmem:$0x1FED0]  }
0x77: {  	v12 =	vld [tilespmem:$0x1FEF0]  }
0x78: {  	s29 =	sand.u32 $0x7800, s25;
	s23 =	sadd.s32 $0x200, s23;
	v22 =	vmul.f32 v13, v13;
	v13 =	vld [tilespmem:$0x1FF00]  }
0x79: {  	s29 =	sor.u32 $0x100, s29;
	s30 =	sand.u32 $0x380, s23;
	v35 =	vmul.f32 v11, v11;
	v11 =	vld [tilespmem:$0x1FEE0]  }
0x7a: {  	v44 =	vadd.f32 v14, v44;
	v14 =	vld [tilespmem:$0x1FF10];
	s30 =	sadd.s32 s30, s29  }
0x7b: {  	v43 =	vadd.f32 v42, v43;
	v42 =	vld [tilespmem:s30+$0x0]  }
0x7c: {  	v47 =	vmul.f32 v47, v47;
	v29 =	vadd.f32 v56, v29;
	v56 =	vld [tilespmem:s30+$0x10]  }
0x7d: {  	v2 =	vmul.f32 v2, v2;
	v4 =	vadd.f32 v4, v34;
	v34 =	vld [tilespmem:s30+$0x20]  }
0x7e: {  	v54 =	vmul.f32 v54, v54;
	v41 =	vadd.f32 v47, v41;
	v47 =	vld [tilespmem:s30+$0x30]  }
0x7f: {  	v1 =	vadd.f32 v1, v61;
	v3 =	vmul.f32 v3, v3;
	v2 =	vadd.f32 v2, v46;
	v46 =	vld [tilespmem:s30+$0x40]  }
0x80: {  	v5 =	vadd.f32 v5, v37;
	s31 =	sadd.s32 $0xFFFFFF80, s23;
	v37 =	vadd.f32 v54, v44;
	v44 =	vld [tilespmem:s30+$0x50]  }
0x81: {  	s31 =	sand.u32 $0x300, s31;
	v3 =	vadd.f32 v3, v51;
	v51 =	vld [tilespmem:s30+$0x60]  }
0x82: {  	v58 =	vadd.f32 v63, v60;
	v1 =	vadd.f32 v49, v1;
	s31 =	sadd.s32 s31, s29;
	v49 =	vld [tilespmem:s30+$0x70]  }
0x83: {  	v33 =	vadd.f32 v57, v33;
	v57 =	vld [tilespmem:s31+$0x10]  }
0x84: {  	v53 =	vadd.f32 v62, v53;
	v48 =	vadd.f32 v48, v58;
	v58 =	vld [tilespmem:s31+$0x20]  }
0x85: {  	v55 =	vmul.f32 v55, v55;
	v0 =	vadd.f32 v0, v59;
	v59 =	vld [tilespmem:s31+$0x30]  }
0x86: {  	v38 =	vmul.f32 v38, v38;
	v39 =	vmul.f32 v39, v39;
	v45 =	vadd.f32 v45, v53;
	v61 =	vld [tilespmem:s31+$0x40]  }
0x87: {  	v36 =	vmul.f32 v36, v36;
	v43 =	vadd.f32 v55, v43;
	v0 =	vadd.f32 v52, v0;
	v25 =	vld [tilespmem:s31+$0x50]  }
0x88: {  	v60 =	vmul.f32 v23, v23;
	s18 =	sadd.s32 $0xFFFFFF00, s23;
	v2 =	vadd.f32 v35, v2;
	v3 =	vadd.f32 v38, v3;
	v38 =	vld [tilespmem:s31+$0x0]  }
0x89: {  	s30 =	sand.u32 $0x280, s18;
	v55 =	vadd.f32 v39, v43;
	v36 =	vadd.f32 v36, v37;
	v23 =	vmul.f32 v6, v6;
	v6 =	vld [tilespmem:$0x1FF40]  }
0x8a: {  	v31 =	vadd.f32 v31, v45;
	s30 =	sor.u32 s30, s29;
	v19 =	vmul.f32 v7, v7;
	v7 =	vld [tilespmem:$0x1FF30];
	v0 =	vadd.f32 v32, v0  }
0x8b: {  	v26 =	vmul.f32 v26, v26;
	v62 =	vld [tilespmem:s30+$0x0];
	v2 =	vadd.f32 v3, v2;
	v3 =	vadd.f32 v36, v55  }
0x8c: {  	v22 =	vadd.f32 v22, v27;
	v0 =	vadd.f32 v0, v31;
	v31 =	vld [tilespmem:s30+$0x40]  }
0x8d: {  	v24 =	vmul.f32 v24, v24;
	v2 =	vadd.f32 v3, v2;
	v3 =	vadd.f32 v26, v28;
	v26 =	vld [tilespmem:s31+$0x60]  }
0x8e: {  	v16 =	vmul.f32 v6, v6;
	v6 =	vld [tilespmem:$0x1FF50]  }
0x8f: {  	v22 =	vadd.f32 v24, v22;
	v30 =	vadd.f32 v30, v48;
	v28 =	vld [tilespmem:s30+$0x10]  }
0x90: {  	v1 =	vadd.f32 v19, v1;
	v24 =	vsub.f32 v58, v9;
	v58 =	vld [tilespmem:$0x1FFB0]  }
0x91: {  	v50 =	vmul.f32 v50, v50;
	v20 =	vmul.f32 v7, v7;
	v7 =	vld [tilespmem:$0x1FEA0]  }
0x92: {  	v1 =	vadd.f32 v1, v30;
	(xrf2) =	vadd.scan.msk.f32 $0xffff, v2;
	v2 =	vld [tilespmem:s31+$0x70]  }
0x93: {  	v40 =	vadd.f32 v50, v40;
	v17 =	vmul.f32 v6, v6;
	v6 =	vld [tilespmem:$0x1FF60]  }
0x94: {  	v21 =	vmul.f32 v21, v21;
	s0 =	sadd.s32 $0xFFFFFE80, s23;
	v0 =	vadd.f32 v1, v0;
	v1 =	vadd.f32 v60, v41;
	v60 =	vld [tilespmem:$0x1FF90]  }
0x95: {  	s31 =	sand.u32 $0x200, s0;
	v20 =	vadd.f32 v20, v29;
	v29 =	vld [tilespmem:s30+$0x30]  }
0x96: {  	v21 =	vadd.f32 v21, v40;
	v52 =	vsub.f32 v56, v8;
	s29 =	sor.u32 s31, s29;
	(xrf2) =	vadd.scan.msk.f32 $0xffff, v0;
	v0 =	vld [tilespmem:s30+$0x20]  }
0x97: {  	v50 =	vsub.f32 v46, v11;
	v3 =	vadd.f32 v23, v3;
	v63 =	vld [tilespmem:s29+$0x0]  }
0x98: {  	v53 =	vsub.f32 v44, v12;
	v16 =	vadd.f32 v16, v33;
	v45 =	vld [tilespmem:s29+$0x10];
	v18 =	vmul.f32 v6, v6  }
0x99: {  	v1 =	vadd.f32 v1, v21;
	v3 =	vadd.f32 v22, v3;
	v48 =	vld [tilespmem:s29+$0x30]  }
0x9a: {  	v54 =	vld [tilespmem:s29+$0x40];
	v4 =	vadd.f32 v17, v4;
	v5 =	vadd.f32 v18, v5  }
0x9b: {  	v33 =	vsub.f32 v57, v8;
	v46 =	vld [tilespmem:s29+$0x50];
	v1 =	vadd.f32 v3, v1  }
0x9c: {  	v16 =	vadd.f32 v16, v20;
	v3 =	vld [tilespmem:s30+$0x50];
	v4 =	vadd.f32 v5, v4  }
0x9d: {  	v40 =	vsub.f32 v28, v8;
	(xrf2) =	vadd.scan.msk.f32 $0xffff, v1;
	v1 =	vld [tilespmem:s30+$0x70];
	v44 =	vsub.f32 v29, v10  }
0x9e: {  	v29 =	vsub.f32 v45, v8;
	v8 =	vld [tilespmem:$0x1FFF0];
	v4 =	vadd.f32 v4, v16  }
0x9f: {  	p0 =	por !p0, !p0;
	v41 =	vsub.f32 v31, v11;
	v20, _, _ =	vpop (xrf2);
	v5 =	vld [tilespmem:s30+$0x60];
	s30 =	simm.s32 $0x1  }
0xa0: {  	v36 =	vsub.f32 v54, v11;
	v6 =	vsub.f32 v61, v11;
	v11 =	vld [tilespmem:$0x1FF80];
	v21, _, _ =	vpop (xrf2);
	s30 =	simm.s32 @!p0 $0x0;
	(xrf2) =	vadd.scan.msk.f32 $0xffff, v4  }
0xa1: {  	(v2sf) =	vpush v21, $0xF;
	v21 =	vsub.f32 v51, v13;
	v51 =	vld [tilespmem:s29+$0x60];
	s30 =	sshll.u32 s30, $0x9  }
0xa2: {  	(v2sf) =	vpush v20, $0xF;
	v20 =	vld [tilespmem:s29+$0x70];
	s30 =	sadd.s32 s30, s25  }
0xa3: {  	v4 =	vld [tilespmem:s29+$0x20];
	s1 =	sor.u32 $0x440, s30  }
0xa4: {  	s2 =	sor.u32 $0x450, s30;
	v35 =	vld [tilespmem:s1+$0x100]  }
0xa5: {  	s26 =	sadd.s32 $0x4, s26;
	v22 =	vsub.f32 v38, v7;
	v23 =	vsub.f32 v2, v14;
	s18 =	sor.u32 $0x470, s30;
	v55 =	vld [tilespmem:s2+$0x100]  }
0xa6: {  	v17 =	vsub.f32 v42, v7;
	v43 =	vsub.f32 v0, v9;
	s17 =	sor.u32 $0x460, s30;
	s1 =	sand.u32 $0x7, s26;
	v57 =	vld [tilespmem:s18+$0x100]  }
0xa7: {  	v42 =	vsub.f32 v3, v12;
	v39 =	vsub.f32 v1, v14;
	v30, _, _ =	vpop (xrf2);
	s0 =	sor.u32 $0x400, s30;
	v56 =	vld [tilespmem:s17+$0x100];
	s2 =	sshll.u32 s1, $0x7  }
0xa8: {  	(v2sf) =	vpush v30, $0xF;
	v30 =	vsub.f32 v25, v12;
	s31 =	sor.u32 $0x430, s30;
	v19 =	vld [tilespmem:s0+$0x100];
	s29 =	sadd.s32 s25, s2  }
0xa9: {  	v25 =	vsub.f32 v26, v13;
	v26 =	vsub.f32 v62, v7;
	s18 =	sor.u32 $0x420, s30;
	v3 =	vld [tilespmem:s31+$0x100];
	s2 =	sadd.s32 $0x180, s29  }
0xaa: {  	v62 =	vsub.f32 v63, v7;
	v0 =	vld [tilespmem:s18+$0x100];
	s1 =	sor.u32 $0x440, s2;
	v4 =	vsub.f32 v4, v9;
	v2, _, _ =	vpop (xrf2)  }
0xab: {  	s18 =	sor.u32 $0x460, s2;
	v1 =	vld [tilespmem:s1+$0x100];
	v7 =	vsub.f32 v57, v58;
	(v2sf) =	vpush v2, $0xF  }
0xac: {  	v38 =	vsub.f32 v5, v13;
	v5 =	vld [tilespmem:s18+$0x100];
	[tilespmem:$0x1FE20] =	vst v4;
	v4 =	vsub.f32 v48, v10  }
0xad: {  	v32 =	vsub.f32 v35, v11;
	v35 =	vld [tilespmem:$0x1FFD0];
	[tilespmem:$0x1FF20] =	vst v7  }
0xae: {  	s28 =	sadd.s32 $0x2, s28;
	s18 =	sor.u32 $0x400, s2;
	v7 =	vld [tilespmem:$0x1FFE0];
	[tilespmem:$0x1FE30] =	vst v4;
	v4 =	vsub.f32 v46, v12  }
0xaf: {  	s17 =	sor.u32 $0x410, s30;
	s31 =	sand.u32 $0x3, s28;
	v12 =	vld [tilespmem:s18+$0x100]  }
0xb0: {  	s30 =	sadd.s32 s22, s11;
	s22 =	sshll.u32 s31, $0x8;
	v2 =	vld [tilespmem:s17+$0x100];
	s17 =	sor.u32 $0x450, s2;
	[tilespmem:$0x1FE40] =	vst v4;
	v4 =	vsub.f32 v20, v14  }
0xb1: {  	v18 =	vsub.f32 v34, v9;
	s22 =	sadd.s32 s25, s22;
	s0 =	spop (v2sf);
	v9 =	vld [tilespmem:s17+$0x100]  }
0xb2: {  	s31 =	sadd.s32 $0x100, s22;
	s17 =	sor.u32 $0x470, s2;
	p1 =	slt.f32 s0, s20;
	[tilespmem:$0x1FE50] =	vst v4;
	v4 =	vld [tilespmem:$0x1FFA0]  }
0xb3: {  	s22 =	sor.u32 $0x420, s2;
	s1 =	sadd.s32 $0x4, s30;
	v37 =	vld [tilespmem:s17+$0x100];
	s17 =	sor.u32 $0x410, s2  }
0xb4: {  	v1 =	vsub.f32 v1, v11;
	s18 =	spop (v2sf);
	s2 =	sor.u32 $0x430, s2;
	v16 =	vld [tilespmem:s17+$0x100];
	s20 =	smov.u32 @p1 s0  }
0xb5: {  	v15 =	vsub.f32 v49, v14;
	v48 =	vsub.f32 v0, v7;
	s21 =	smov.u32 @p1 s1;
	s1 =	sor.u32 $0x440, s31;
	v0 =	vld [tilespmem:s2+$0x100];
	p1 =	slt.f32 s18, s20  }
0xb6: {  	v49 =	vsub.f32 v3, v8;
	[tilespmem:$0x1FF30] =	vst v1;
	s17 =	sor.u32 $0x450, s31;
	v3 =	vld [tilespmem:s1+$0x100];
	v1 =	vsub.f32 v9, v60  }
0xb7: {  	[tilespmem:$0x1FE10] =	vst v6;
	s1 =	sadd.s32 $0x5, s30;
	s2 =	spop (v2sf);
	v54 =	vsub.f32 v2, v35;
	v2 =	vld [tilespmem:s22+$0x100];
	s20 =	smov.u32 @p1 s18;
	v5 =	vsub.f32 v5, v4  }
0xb8: {  	v47 =	vsub.f32 v47, v10;
	s21 =	smov.u32 @p1 s1;
	v6 =	vsub.f32 v56, v4;
	p1 =	slt.f32 s2, s20;
	[tilespmem:$0x1FF40] =	vst v1;
	v1 =	vld [tilespmem:s17+$0x100];
	s17 =	sor.u32 $0x460, s31  }
0xb9: {  	[tilespmem:$0x1FF50] =	vst v5;
	v5 =	vld [tilespmem:s17+$0x100];
	s17 =	sor.u32 $0x470, s31  }
0xba: {  	v57 =	vmul.f32 v47, v47;
	s0 =	sadd.s32 $0x6, s30;
	[tilespmem:$0x1FE60] =	vst v6;
	v6 =	vmul.f32 v17, v17;
	s20 =	smov.u32 @p1 s2;
	v47 =	vld [tilespmem:s17+$0x100];
	s17 =	spop (v2sf)  }
0xbb: {  	v31 =	vld [tilespmem:$0x1FFC0];
	s18 =	sor.u32 $0x400, s31;
	s21 =	smov.u32 @p1 s0;
	p1 =	slt.f32 s17, s20  }
0xbc: {  	v27 =	vsub.f32 v59, v10;
	s1 =	sadd.s32 $0x80, s29;
	v59 =	vld [tilespmem:s18+$0x100];
	s18 =	sor.u32 $0x410, s31;
	s2 =	sadd.s32 $0x7, s30;
	[tilespmem:$0x1FE70] =	vst v6;
	v6 =	vmul.f32 v52, v52  }
0xbd: {  	v63 =	vsub.f32 v51, v13;
	v51 =	vsub.f32 v2, v7;
	v2 =	vld [tilespmem:s18+$0x100];
	s21 =	smov.u32 @p1 s2;
	s2 =	sor.u32 $0x460, s1  }
0xbe: {  	s18 =	sor.u32 $0x420, s31;
	[tilespmem:$0x1FE80] =	vst v6;
	v6 =	vmul.f32 v18, v18;
	v18 =	vmul.f32 v33, v33;
	v33 =	vld [tilespmem:s2+$0x100]  }
0xbf: {  	v34 =	vmul.f32 v50, v50;
	s29 =	sor.u32 $0x430, s31;
	v46 =	vsub.f32 v16, v35;
	v16 =	vsub.f32 v0, v8;
	s31 =	sor.u32 $0x450, s1;
	v0 =	vld [tilespmem:s18+$0x100]  }
0xc0: {  	v20 =	vmul.f32 v30, v30;
	v56 =	vsub.f32 v12, v31;
	v12 =	vmul.f32 v21, v21;
	v30 =	vld [tilespmem:s31+$0x100];
	s18 =	sor.u32 $0x400, s1  }
0xc1: {  	v21 =	vmul.f32 v23, v23;
	v23 =	vmul.f32 v40, v40;
	s31 =	sor.u32 $0x430, s1;
	v40 =	vld [tilespmem:s18+$0x100]  }
0xc2: {  	v50 =	vsub.f32 v59, v31;
	v59 =	vmul.f32 v29, v29;
	v29 =	vld [tilespmem:s31+$0x100];
	[tilespmem:$0x1FE90] =	vst v6;
	v6 =	vsub.f32 v3, v11  }
0xc3: {  	v14 =	vmul.f32 v39, v39;
	v3 =	vsub.f32 v5, v4;
	v39 =	vsub.f32 v33, v4;
	v4 =	vld [tilespmem:$0x1FE60]  }
0xc4: {  	v17 =	vmul.f32 v22, v22;
	s30 =	sor.u32 $0x440, s1;
	v22 =	vmul.f32 v26, v26;
	v26 =	vsub.f32 v0, v7;
	v0 =	vld [tilespmem:$0x1FE20]  }
0xc5: {  	v28 =	vmul.f32 v25, v25;
	v25 =	vmul.f32 v42, v42;
	v45 =	vsub.f32 v55, v60;
	[tilespmem:$0x1FF70] =	vst v3;
	v3 =	vld [tilespmem:s30+$0x100];
	s20 =	smov.u32 @p1 s17;
	s17 =	sor.u32 $0x470, s1  }
0xc6: {  	v42 =	vmul.f32 v38, v38;
	v10 =	vsub.f32 v47, v58;
	v47 =	vsub.f32 v2, v35;
	s30 =	sor.u32 $0x420, s1;
	v2 =	vld [tilespmem:s17+$0x100]  }
0xc7: {  	v55 =	vsub.f32 v19, v31;
	v19 =	vmul.f32 v24, v24;
	v24 =	vmul.f32 v41, v41;
	v52 =	vld [tilespmem:s30+$0x100]  }
0xc8: {  	v9 =	vsub.f32 v37, v58;
	v38 =	vsub.f32 v30, v60;
	v30 =	vmul.f32 v4, v4;
	v4 =	vld [tilespmem:$0x1FE70]  }
0xc9: {  	v37 =	vmul.f32 v53, v53;
	v53 =	vmul.f32 v62, v62  }
0xca: {  	v62 =	vmul.f32 v36, v36;
	[tilespmem:$0x1FF60] =	vst v9;
	v9 =	vsub.f32 v1, v60;
	v1 =	vld [tilespmem:s29+$0x100];
	v60 =	vmul.f32 v0, v0  }
0xcb: {  	s29 =	sor.u32 $0x410, s1;
	v0 =	vld [tilespmem:$0x1FE30];
	v36 =	vsub.f32 v2, v58;
	v2 =	vsub.f32 v40, v31;
	v31 =	vmul.f32 v32, v32  }
0xcc: {  	v41 =	vld [tilespmem:s29+$0x100];
	v32 =	vmul.f32 v45, v45;
	v45 =	vmul.f32 v55, v55;
	v55 =	vsub.f32 v52, v7  }
0xcd: {  	v52 =	vmul.f32 v54, v54;
	v54 =	vsub.f32 v29, v8;
	v29 =	vadd.f32 v34, v4;
	v4 =	vld [tilespmem:$0x1FE80]  }
0xce: {  	v15 =	vmul.f32 v15, v15;
	v5 =	vld [tilespmem:$0x1FE10]  }
0xcf: {  	v27 =	vmul.f32 v27, v27;
	v44 =	vmul.f32 v44, v44;
	v13 =	vsub.f32 v1, v8;
	v1 =	vld [tilespmem:$0x1FE50]  }
0xd0: {  	v43 =	vmul.f32 v43, v43;
	v61 =	vmul.f32 v0, v0;
	v0 =	vld [tilespmem:$0x1FE40]  }
0xd1: {  	v63 =	vmul.f32 v63, v63;
	v49 =	vmul.f32 v49, v49;
	v28 =	vadd.f32 v28, v19;
	s22 =	smov.u32 s24;
	s24 =	sadd.s32 $0x4, s24  }
0xd2: {  	v48 =	vmul.f32 v48, v48;
	v56 =	vmul.f32 v56, v56;
	p1 =	slt.u32 s24, $0x7C;
	v33 =	vadd.f32 v37, v4;
	v4 =	vld [tilespmem:$0x1FE90]  }
.Ltmp0:
0xd3: {  	v27 =	vadd.f32 v21, v27;
	v5 =	vmul.f32 v5, v5;
	v11 =	vsub.f32 v3, v11;
	(pc) =	sbr.rel @p1 .LBB2_2-.Ltmp0, $4  }
0xd4: {  	v3 =	vsub.f32 v41, v35;
	v41 =	vadd.f32 v20, v18;
	v1 =	vmul.f32 v1, v1  }
0xd5: {  	v21 =	vmovc v6;
	v40 =	vadd.f32 v5, v17;
	v5 =	vmul.f32 v16, v16;
	v0 =	vmul.f32 v0, v0  }
0xd6: {  	v37 =	vadd.f32 v15, v57;
	v57 =	vmul.f32 v46, v46;
	v46 =	vadd.f32 v24, v22;
	v24 =	vmovc v10  }
0xd7: {  	s25 =	sadd.s32 $0x400, s25;
	v34 =	vadd.f32 v12, v4;
	v4 =	vmul.f32 v51, v51;
	v51 =	vadd.f32 v25, v23;
	v23 =	vmovc v9  }
0xd8: {  	v18 =	vadd.f32 v42, v43;
	v19 =	vadd.f32 v14, v44  }
0xd9: {  	v6 =	vmul.f32 v50, v50;
	v9 =	vadd.f32 v62, v53;
	v0 =	vadd.f32 v0, v59  }
0xda: {  	v7 =	vmul.f32 v47, v47;
	v12 =	vadd.f32 v63, v60;
	v1 =	vadd.f32 v1, v61  }
0xdb: {  	v2 =	vmul.f32 v2, v2;
	v3 =	vmul.f32 v3, v3;
	v25 =	vadd.f32 v56, v29  }
0xdc: {  	v33 =	vadd.f32 v57, v33;
	v15 =	vmul.f32 v55, v55;
	v5 =	vadd.f32 v5, v37  }
0xdd: {  	v16 =	vmul.f32 v54, v54;
	v35 =	vld [tilespmem:$0x1FF20];
	v22 =	vadd.f32 v6, v40;
	v20 =	vadd.f32 v7, v41  }
0xde: {  	v2 =	vadd.f32 v2, v46;
	v3 =	vadd.f32 v3, v51  }
0xdf: {  	v17 =	vmul.f32 v11, v11;
	v7 =	vadd.f32 v15, v18;
	v8 =	vadd.f32 v16, v19  }
0xe0: {  	v15 =	vmul.f32 v38, v38;
	v6 =	vadd.f32 v45, v9;
	v0 =	vadd.f32 v52, v0  }
0xe1: {  	v16 =	vmul.f32 v39, v39;
	v12 =	vadd.f32 v48, v12;
	v1 =	vadd.f32 v49, v1  }
0xe2: {  	v2 =	vadd.f32 v17, v2;
	v3 =	vadd.f32 v15, v3;
	v15 =	vmul.f32 v35, v35  }
0xe3: {  	v18 =	vmul.f32 v36, v36;
	v9 =	vadd.f32 v31, v6;
	v0 =	vadd.f32 v32, v0  }
0xe4: {  	v42 =	vld [tilespmem:$0x1FF50];
	v37 =	vadd.f32 v30, v12;
	v1 =	vadd.f32 v15, v1  }
0xe5: {  	v43 =	vld [tilespmem:$0x1FF60];
	v7 =	vadd.f32 v16, v7;
	v8 =	vadd.f32 v18, v8  }
0xe6: {  	v40 =	vld [tilespmem:$0x1FF70];
	v6 =	vmul.f32 v23, v23;
	v0 =	vadd.f32 v0, v9;
	v1 =	vadd.f32 v1, v37  }
0xe7: {  	v36 =	vld [tilespmem:$0x1FF30];
	v2 =	vadd.f32 v3, v2;
	v3 =	vadd.f32 v8, v7  }
0xe8: {  	v38 =	vmul.f32 v26, v26;
	v0 =	vadd.f32 v1, v0;
	v1 =	vadd.f32 v6, v20;
	v6 =	vld [tilespmem:$0x1FF40]  }
0xe9: {  	v4 =	vadd.f32 v4, v34;
	v41 =	vmul.f32 v24, v24;
	v7 =	vmul.f32 v21, v21  }
0xea: {  	v9 =	vmul.f32 v42, v42;
	v2 =	vadd.f32 v3, v2;
	v3 =	vmul.f32 v13, v13  }
0xeb: {  	v39 =	vadd.f32 v38, v28;
	v10 =	vmul.f32 v40, v40;
	v7 =	vadd.f32 v7, v22  }
0xec: {  	v16 =	vmul.f32 v36, v36;
	v4 =	vadd.f32 v9, v4;
	v3 =	vadd.f32 v3, v27  }
0xed: {  	v8 =	vadd.f32 v10, v39;
	v10 =	vmul.f32 v43, v43;
	v6 =	vmul.f32 v6, v6  }
0xee: {  	v11 =	vadd.f32 v16, v25;
	v3 =	vadd.f32 v41, v3  }
0xef: {  	v5 =	vadd.f32 v10, v5;
	v6 =	vadd.f32 v6, v33  }
0xf0: {  	v1 =	vadd.f32 v1, v7;
	v3 =	vadd.f32 v3, v8  }
0xf1: {  	(xrf2) =	vadd.scan.msk.f32 $0xffff, v2;
	v4 =	vadd.f32 v5, v4;
	v2 =	vadd.f32 v6, v11  }
0xf2: {  	(xrf2) =	vadd.scan.msk.f32 $0xffff, v0;
	v0 =	vadd.f32 v3, v1  }
0xf3: {  	v1 =	vadd.f32 v4, v2  }
0xf4: {  	(xrf2) =	vadd.scan.msk.f32 $0xffff, v0  }
0xf5: {  	(xrf2) =	vadd.scan.msk.f32 $0xffff, v1;
	_ =	sdelay $0x5  }
0xf6: {  	v0, _, _ =	vpop (xrf2)  }
0xf7: {  	v1, _, _ =	vpop (xrf2)  }
0xf8: {  	(v2sf) =	vpush v1, $0xF  }
0xf9: {  	(v2sf) =	vpush v0, $0xF;
	v0, _, _ =	vpop (xrf2)  }
0xfa: {  	(v2sf) =	vpush v0, $0xF;
	v0, _, _ =	vpop (xrf2)  }
0xfb: {  	(v2sf) =	vpush v0, $0xF;
	_ =	sdelay $0x9  }
0xfc: {  	s23 =	simm.s32 $0x0  }
0xfd: {  	[tilespmem:s13], [sflag:$0x1] =	stream.linear.gather [hbm4b:s6+s23], $0x8000, $0x38;
	[tilespmem:$0x10200] =	vst v63  }
0xfe: {  	s29 =	spop (v2sf)  }
0xff: {  	s28 =	spop (v2sf)  }
0x100: {  	s26 =	spop (v2sf)  }
0x101: {  	s25 =	spop (v2sf)  }
0x102: {  	_ =	swait.ge [sflag:s16], $0x8000  }
0x103: {  	v63 =	vld [tilespmem:$0x1FEA0]  }
0x104: {  	v41 =	vld [tilespmem:$0x1FEB0]  }
0x105: {  	v48 =	vld [tilespmem:$0x1FEC0]  }
0x106: {  	v50 =	vld [tilespmem:$0x1FED0]  }
0x107: {  	v52 =	vld [tilespmem:$0x1FEE0]  }
0x108: {  	v56 =	vld [tilespmem:$0x1FEF0]  }
0x109: {  	v57 =	vld [tilespmem:$0x1FF00]  }
0x10a: {  	v58 =	vld [tilespmem:$0x1FF10]  }
0x10b: {  	v54 =	vld [tilespmem:$0x1FFA0]  }
0x10c: {  	s24 =	simm.s32 $0x180;
	s0 =	sand.u32 $0x7800, s23;
	v49 =	vld [tilespmem:$0x1FFB0]  }
0x10d: {  	s1 =	sand.u32 $0x380, s24;
	s0 =	sor.u32 $0x8100, s0;
	[sflag:s16] =	ssyncset.done $0x0;
	v8 =	vld [tilespmem:$0x1FFD0]  }
0x10e: {  	s1 =	sadd.s32 s1, s0;
	v9 =	vld [tilespmem:$0x1FFE0];
	[sflag:s16] =	ssyncadd.s32 $0xFFFF8000  }
0x10f: {  	v0 =	vld [tilespmem:s1+$0x0]  }
0x110: {  	v1 =	vld [tilespmem:s1+$0x10]  }
0x111: {  	v2 =	vld [tilespmem:s1+$0x20]  }
0x112: {  	v3 =	vld [tilespmem:s1+$0x30]  }
0x113: {  	v4 =	vld [tilespmem:s1+$0x40]  }
0x114: {  	s2 =	simm.s32 $0x100;
	v5 =	vld [tilespmem:s1+$0x50]  }
0x115: {  	s2 =	sand.u32 $0x300, s2;
	v6 =	vld [tilespmem:s1+$0x60]  }
0x116: {  	s2 =	sadd.s32 s2, s0;
	v7 =	vld [tilespmem:s1+$0x70]  }
0x117: {  	v44 =	vld [tilespmem:s2+$0x0]  }
0x118: {  	v45 =	vld [tilespmem:s2+$0x10]  }
0x119: {  	v46 =	vld [tilespmem:s2+$0x20]  }
0x11a: {  	v47 =	vld [tilespmem:s2+$0x30]  }
0x11b: {  	v60 =	vld [tilespmem:s2+$0x40]  }
0x11c: {  	s31 =	simm.s32 $0x80;
	v61 =	vld [tilespmem:s2+$0x50]  }
0x11d: {  	s1 =	sand.u32 $0x280, s31;
	v62 =	vld [tilespmem:s2+$0x60]  }
0x11e: {  	v15 =	vld [tilespmem:s2+$0x70];
	s1 =	sor.u32 s1, s0  }
0x11f: {  	v16 =	vld [tilespmem:s1+$0x0]  }
0x120: {  	v17 =	vld [tilespmem:s1+$0x10]  }
0x121: {  	v18 =	vld [tilespmem:s1+$0x20]  }
0x122: {  	v19 =	vld [tilespmem:s1+$0x30]  }
0x123: {  	v20 =	vld [tilespmem:s1+$0x40]  }
0x124: {  	s17 =	simm.s32 $0x0;
	v21 =	vld [tilespmem:s1+$0x50]  }
0x125: {  	s2 =	sand.u32 $0x200, s17;
	v22 =	vld [tilespmem:s1+$0x60]  }
0x126: {  	s0 =	sor.u32 s2, s0;
	v23 =	vld [tilespmem:s1+$0x70]  }
0x127: {  	v24 =	vld [tilespmem:s0+$0x0]  }
0x128: {  	v25 =	vld [tilespmem:s0+$0x10]  }
0x129: {  	v26 =	vld [tilespmem:s0+$0x20]  }
0x12a: {  	p0 =	por $0x0, $0x0;
	v27 =	vld [tilespmem:s0+$0x30];
	s1 =	simm.s32 $0x1  }
0x12b: {  	v28 =	vld [tilespmem:s0+$0x40];
	s1 =	simm.s32 @!p0 $0x0  }
0x12c: {  	v29 =	vld [tilespmem:s0+$0x50];
	s1 =	sshll.u32 s1, $0x9  }
0x12d: {  	v30 =	vld [tilespmem:s0+$0x60];
	s1 =	sadd.s32 $0x0, s1  }
0x12e: {  	v31 =	vld [tilespmem:s0+$0x70];
	s18 =	sor.u32 $0x440, s1  }
0x12f: {  	s30 =	sor.u32 $0x450, s1;
	v32 =	vld [tilespmem:s18+$0x8100]  }
0x130: {  	s31 =	sor.u32 $0x460, s1;
	v33 =	vld [tilespmem:s30+$0x8100]  }
0x131: {  	v2 =	vsub.f32 v2, v48;
	v7 =	vsub.f32 v7, v58;
	s2 =	sor.u32 $0x470, s1;
	v34 =	vld [tilespmem:s31+$0x8100]  }
0x132: {  	v10 =	vsub.f32 v46, v48;
	v11 =	vsub.f32 v47, v50;
	s17 =	sor.u32 $0x400, s1;
	v35 =	vld [tilespmem:s2+$0x8100]  }
0x133: {  	v15 =	vsub.f32 v15, v58;
	v51 =	vsub.f32 v16, v63;
	v16 =	vld [tilespmem:s17+$0x8100]  }
0x134: {  	v38 =	vsub.f32 v18, v48;
	v59 =	vsub.f32 v26, v48;
	v48 =	vld [tilespmem:$0x1FF80]  }
0x135: {  	s18 =	sand.u32 $0x7, s23;
	v47 =	vsub.f32 v23, v58;
	v14 =	vsub.f32 v31, v58;
	v58 =	vld [tilespmem:$0x1FF90]  }
0x136: {  	s31 =	sor.u32 $0x410, s1;
	v39 =	vsub.f32 v19, v50;
	v19 =	vld [tilespmem:$0x1FFC0];
	s30 =	sshll.u32 s18, $0x7  }
0x137: {  	v43 =	vsub.f32 v17, v41;
	s2 =	sor.u32 $0x420, s1;
	v17 =	vld [tilespmem:s31+$0x8100];
	s30 =	sadd.s32 $0x0, s30  }
0x138: {  	s17 =	sor.u32 $0x430, s1;
	v18 =	vld [tilespmem:s2+$0x8100];
	s1 =	sadd.s32 $0x180, s30  }
0x139: {  	v36 =	vsub.f32 v44, v63;
	v44 =	vsub.f32 v20, v52;
	v20 =	vld [tilespmem:s17+$0x8100];
	s18 =	sor.u32 $0x440, s1  }
0x13a: {  	v37 =	vsub.f32 v45, v41;
	v45 =	vsub.f32 v21, v56;
	s31 =	sor.u32 $0x450, s1;
	v21 =	vld [tilespmem:s18+$0x8100]  }
0x13b: {  	v46 =	vsub.f32 v22, v57;
	s2 =	sor.u32 $0x460, s1;
	v22 =	vld [tilespmem:s31+$0x8100]  }
0x13c: {  	s17 =	sor.u32 $0x470, s1;
	v23 =	vld [tilespmem:s2+$0x8100]  }
0x13d: {  	v42 =	vsub.f32 v61, v56;
	v61 =	vsub.f32 v24, v63;
	v24 =	vld [tilespmem:s17+$0x8100];
	s31 =	sor.u32 $0x400, s1  }
0x13e: {  	v0 =	vsub.f32 v0, v63;
	v55 =	vsub.f32 v25, v41;
	s18 =	sand.u32 $0x3, s23;
	s17 =	sor.u32 $0x410, s1;
	v25 =	vld [tilespmem:s31+$0x8100]  }
0x13f: {  	v1 =	vsub.f32 v1, v41;
	v3 =	vsub.f32 v3, v50;
	s2 =	sshll.u32 s18, $0x8;
	v26 =	vld [tilespmem:s17+$0x8100]  }
0x140: {  	v4 =	vsub.f32 v4, v52;
	s18 =	sor.u32 $0x420, s1;
	v41 =	vsub.f32 v18, v9;
	v18 =	vld [tilespmem:$0x1FFF0];
	s2 =	sadd.s32 $0x0, s2  }
0x141: {  	v53 =	vsub.f32 v62, v57;
	v62 =	vsub.f32 v27, v50;
	s1 =	sor.u32 $0x430, s1;
	v27 =	vld [tilespmem:s18+$0x8100];
	s0 =	sadd.s32 $0x100, s2  }
0x142: {  	v12 =	vsub.f32 v60, v52;
	v60 =	vsub.f32 v28, v52;
	v28 =	vld [tilespmem:s1+$0x8100];
	s31 =	sor.u32 $0x440, s0  }
0x143: {  	v5 =	vsub.f32 v5, v56;
	v13 =	vsub.f32 v29, v56;
	s2 =	sor.u32 $0x450, s0;
	v29 =	vld [tilespmem:s31+$0x8100]  }
0x144: {  	v6 =	vsub.f32 v6, v57;
	s17 =	sor.u32 $0x460, s0;
	v52 =	vsub.f32 v22, v58;
	v22 =	vld [tilespmem:s2+$0x8100]  }
0x145: {  	v56 =	vsub.f32 v30, v57;
	v0 =	vmul.f32 v0, v0;
	s18 =	sor.u32 $0x470, s0;
	v57 =	vsub.f32 v23, v54;
	v23 =	vld [tilespmem:s17+$0x8100]  }
0x146: {  	v4 =	vmul.f32 v4, v4;
	v40 =	vsub.f32 v17, v8;
	v63 =	vsub.f32 v24, v49;
	v24 =	vld [tilespmem:s18+$0x8100];
	s2 =	sor.u32 $0x410, s0  }
0x147: {  	v1 =	vmul.f32 v1, v1;
	v5 =	vmul.f32 v5, v5;
	[tilespmem:$0x1FDB0] =	vst v14;
	s17 =	sor.u32 $0x420, s0;
	v14 =	vsub.f32 v26, v8;
	v26 =	vld [tilespmem:s2+$0x8100]  }
0x148: {  	v2 =	vmul.f32 v2, v2;
	v6 =	vmul.f32 v6, v6;
	s1 =	sadd.s32 $0x80, s30;
	[tilespmem:$0x1FDE0] =	vst v40;
	v40 =	vadd.f32 v4, v0;
	s31 =	sor.u32 $0x400, s0;
	s0 =	sor.u32 $0x430, s0;
	v0 =	vld [tilespmem:s17+$0x8100]  }
0x149: {  	[tilespmem:$0x1FDF0] =	vst v41;
	v41 =	vadd.f32 v5, v1;
	s18 =	sor.u32 $0x440, s1;
	v1 =	vld [tilespmem:s0+$0x8100]  }
0x14a: {  	v3 =	vmul.f32 v3, v3;
	v5 =	vmul.f32 v42, v42;
	v42 =	vadd.f32 v6, v2;
	v2 =	vld [tilespmem:s18+$0x8100]  }
0x14b: {  	v7 =	vmul.f32 v7, v7;
	v31 =	vsub.f32 v32, v48;
	[tilespmem:$0x1FD80] =	vst v57;
	v57 =	vsub.f32 v25, v19;
	v25 =	vld [tilespmem:s31+$0x8100]  }
0x14c: {  	v10 =	vmul.f32 v10, v10;
	v33 =	vsub.f32 v33, v58;
	v34 =	vsub.f32 v34, v54  }
0x14d: {  	v11 =	vmul.f32 v11, v11;
	v35 =	vsub.f32 v35, v49;
	v32 =	vsub.f32 v16, v19  }
0x14e: {  	[tilespmem:$0x1FDC0] =	vst v33;
	v4 =	vmul.f32 v12, v12;
	v12 =	vmul.f32 v15, v15;
	s2 =	sor.u32 $0x470, s1;
	v33 =	vsub.f32 v26, v8  }
0x14f: {  	v15 =	vmul.f32 v51, v51;
	s31 =	sor.u32 $0x460, s1;
	v26 =	vsub.f32 v0, v9;
	v17 =	vsub.f32 v2, v48;
	v2 =	vld [tilespmem:s2+$0x8100]  }
0x150: {  	[tilespmem:$0x1FDA0] =	vst v13;
	s30 =	sor.u32 $0x450, s1;
	v0 =	vmul.f32 v44, v44;
	v30 =	vsub.f32 v25, v19;
	v25 =	vsub.f32 v1, v18;
	v1 =	vld [tilespmem:s31+$0x8100]  }
0x151: {  	v16 =	vmul.f32 v36, v36;
	[tilespmem:$0x1FD60] =	vst v35;
	v35 =	vmul.f32 v43, v43;
	v43 =	vadd.f32 v7, v3;
	v3 =	vld [tilespmem:s30+$0x8100]  }
0x152: {  	v38 =	vmul.f32 v38, v38;
	s17 =	sor.u32 $0x400, s1;
	[tilespmem:$0x1FD70] =	vst v52;
	v52 =	vmul.f32 v55, v55;
	v55 =	vadd.f32 v0, v15;
	v0 =	vld [tilespmem:$0x1FDA0]  }
0x153: {  	v39 =	vmul.f32 v39, v39;
	[tilespmem:$0x1FDD0] =	vst v34;
	v7 =	vmul.f32 v45, v45;
	v45 =	vadd.f32 v4, v16;
	v4 =	vld [tilespmem:s17+$0x8100]  }
0x154: {  	[tilespmem:$0x1FD90] =	vst v63;
	v63 =	vsub.f32 v27, v9;
	v27 =	vmul.f32 v37, v37;
	v37 =	vsub.f32 v2, v49;
	v2 =	vld [tilespmem:$0x1FDF0]  }
0x155: {  	p1 =	slt.f32 s29, s20;
	v47 =	vmul.f32 v47, v47;
	v50 =	vsub.f32 v20, v18;
	s18 =	sor.u32 $0x410, s1;
	v36 =	vsub.f32 v1, v54;
	v1 =	vld [tilespmem:$0x1FDD0]  }
0x156: {  	v31 =	vmul.f32 v31, v31;
	v6 =	vmul.f32 v53, v53;
	v34 =	vsub.f32 v3, v58;
	v3 =	vld [tilespmem:s18+$0x8100]  }
0x157: {  	s20 =	smov.u32 @p1 s29;
	[tilespmem:$0x1FE00] =	vst v50;
	v50 =	vmul.f32 v61, v61;
	s31 =	sor.u32 $0x430, s1;
	v61 =	vmul.f32 v0, v0;
	v0 =	vld [tilespmem:$0x1FDB0]  }
0x158: {  	p2 =	slt.f32 s28, s20;
	v53 =	vmul.f32 v59, v59;
	v13 =	vsub.f32 v28, v18;
	v28 =	vadd.f32 v6, v10;
	v6 =	vld [tilespmem:s31+$0x8100]  }
0x159: {  	v24 =	vsub.f32 v24, v49;
	v44 =	vmul.f32 v46, v46;
	v49 =	vmul.f32 v2, v2;
	v2 =	vld [tilespmem:$0x1FE00]  }
0x15a: {  	s20 =	smov.u32 @p2 s28;
	s29 =	sor.u32 $0x420, s1;
	v20 =	vsub.f32 v21, v48;
	v46 =	vmul.f32 v32, v32;
	v32 =	vmul.f32 v1, v1;
	v1 =	vld [tilespmem:$0x1FDE0]  }
0x15b: {  	p3 =	slt.f32 s26, s20;
	v59 =	vmul.f32 v60, v60;
	v21 =	vsub.f32 v29, v48;
	v48 =	vadd.f32 v5, v27;
	v5 =	vld [tilespmem:s29+$0x8100]  }
0x15c: {  	s30 =	sadd.s32 s22, s11;
	v22 =	vsub.f32 v22, v58;
	v58 =	vmul.f32 v62, v62;
	v62 =	vmul.f32 v0, v0;
	v0 =	vld [tilespmem:$0x1FDC0]  }
0x15d: {  	s28 =	simm.s32 $0x0;
	s20 =	smov.u32 @p3 s26;
	v60 =	vmul.f32 v56, v56;
	v56 =	vadd.f32 v7, v35;
	v57 =	vmul.f32 v57, v57;
	s1 =	sadd.s32 $0x4, s30  }
0x15e: {  	s26 =	simm.s32 $0x400;
	s0 =	sadd.s32 $0x5, s30;
	v63 =	vmul.f32 v63, v63;
	v23 =	vsub.f32 v23, v54;
	v27 =	vadd.f32 v12, v11;
	s21 =	smov.u32 @p1 s1  }
0x15f: {  	p1 =	slt.f32 s25, s20;
	s21 =	smov.u32 @p2 s0;
	s0 =	sadd.s32 $0x6, s30;
	v54 =	vmul.f32 v2, v2;
	v2 =	vsub.f32 v6, v18;
	v51 =	vmul.f32 v1, v1  }
0x160: {  	s22 =	simm.s32 $0xFFFFFFFC;
	s21 =	smov.u32 @p3 s0;
	s0 =	sadd.s32 $0x7, s30;
	v1 =	vsub.f32 v3, v8;
	v3 =	vsub.f32 v5, v9;
	v5 =	vmul.f32 v13, v13  }
0x161: {  	s20 =	smov.u32 @p1 s25;
	s25 =	simm.s32 $0x0;
	s21 =	smov.u32 @p1 s0;
	v35 =	vmul.f32 v0, v0;
	v0 =	vsub.f32 v4, v19;
	v4 =	vmul.f32 v14, v14  }
.LBB2_4:
0x162: {  	v16 =	vld [tilespmem:$0x1FD60]  }
0x163: {  	v13 =	vadd.f32 v62, v58;
	v12 =	vadd.f32 v60, v53;
	v53 =	vld [tilespmem:$0x1FD70]  }
0x164: {  	v0 =	vmul.f32 v0, v0;
	v14 =	vadd.f32 v57, v40;
	v40 =	vld [tilespmem:$0x1FEF0]  }
0x165: {  	v8 =	vmul.f32 v30, v30;
	v13 =	vadd.f32 v54, v13;
	v54 =	vld [tilespmem:$0x1FD80]  }
0x166: {  	s0 =	sand.u32 $0x7800, s26;
	s24 =	sadd.s32 $0x200, s24;
	v9 =	vadd.f32 v59, v50;
	v0 =	vadd.f32 v0, v55;
	v55 =	vld [tilespmem:$0x1FD90]  }
0x167: {  	s29 =	sor.u32 $0x8100, s0;
	s17 =	sand.u32 $0x380, s24;
	v8 =	vadd.f32 v8, v45;
	v45 =	vld [tilespmem:$0x1FEC0]  }
0x168: {  	s0 =	sadd.s32 s17, s29;
	v9 =	vadd.f32 v46, v9;
	v46 =	vld [tilespmem:$0x1FED0]  }
0x169: {  	v30 =	vld [tilespmem:s0+$0x0]  }
0x16a: {  	v15 =	vld [tilespmem:s0+$0x10]  }
0x16b: {  	v10 =	vadd.f32 v61, v52;
	v61 =	vld [tilespmem:s0+$0x20]  }
0x16c: {  	v7 =	vadd.f32 v47, v39;
	v2 =	vmul.f32 v2, v2;
	v62 =	vld [tilespmem:s0+$0x30]  }
0x16d: {  	v11 =	vmul.f32 v33, v33;
	v60 =	vadd.f32 v63, v42;
	v63 =	vld [tilespmem:s0+$0x40]  }
0x16e: {  	v6 =	vadd.f32 v44, v38;
	v2 =	vadd.f32 v2, v7;
	v7 =	vld [tilespmem:s0+$0x50]  }
0x16f: {  	v3 =	vmul.f32 v3, v3;
	s1 =	sadd.s32 $0xFFFFFF80, s24;
	v11 =	vadd.f32 v11, v48;
	v48 =	vmul.f32 v36, v36;
	v36 =	vld [tilespmem:s0+$0x60]  }
0x170: {  	v29 =	vmul.f32 v17, v17;
	v1 =	vmul.f32 v1, v1;
	v4 =	vadd.f32 v4, v41;
	s1 =	sand.u32 $0x300, s1;
	v41 =	vld [tilespmem:s0+$0x70]  }
0x171: {  	v3 =	vadd.f32 v3, v6;
	v6 =	vmul.f32 v34, v34;
	s1 =	sadd.s32 s1, s29;
	v34 =	vld [tilespmem:$0x1FEB0]  }
0x172: {  	s18 =	sadd.s32 $0xFFFFFF00, s24;
	v1 =	vadd.f32 v1, v56;
	v0 =	vadd.f32 v29, v0;
	v29 =	vld [tilespmem:s1+$0x10]  }
0x173: {  	s0 =	sand.u32 $0x280, s18;
	v9 =	vadd.f32 v31, v9;
	v31 =	vld [tilespmem:s1+$0x20]  }
0x174: {  	s0 =	sor.u32 s0, s29;
	v1 =	vadd.f32 v6, v1;
	v6 =	vld [tilespmem:s1+$0x0]  }
0x175: {  	v19 =	vmul.f32 v16, v16;
	v16 =	vld [tilespmem:s0+$0x0]  }
0x176: {  	v37 =	vmul.f32 v37, v37;
	v57 =	vld [tilespmem:s0+$0x50]  }
0x177: {  	v12 =	vadd.f32 v49, v12;
	v58 =	vld [tilespmem:s0+$0x60]  }
0x178: {  	v3 =	vadd.f32 v48, v3;
	v2 =	vadd.f32 v37, v2;
	v48 =	vld [tilespmem:$0x1FEE0]  }
0x179: {  	v12 =	vadd.f32 v32, v12;
	v32 =	vld [tilespmem:$0x1FFD0]  }
0x17a: {  	v0 =	vadd.f32 v1, v0;
	v1 =	vadd.f32 v2, v3;
	v3 =	vld [tilespmem:s1+$0x30]  }
0x17b: {  	v10 =	vadd.f32 v51, v10;
	v2 =	vmul.f32 v26, v26;
	v26 =	vld [tilespmem:s1+$0x40]  }
0x17c: {  	v13 =	vadd.f32 v19, v13;
	v19 =	vmul.f32 v22, v22;
	v47 =	vsub.f32 v62, v46;
	v62 =	vld [tilespmem:$0x1FF80]  }
0x17d: {  	v0 =	vadd.f32 v1, v0;
	v1 =	vadd.f32 v2, v28;
	v2 =	vmul.f32 v25, v25;
	v25 =	vld [tilespmem:s1+$0x50]  }
0x17e: {  	v50 =	vadd.f32 v13, v12;
	v13 =	vld [tilespmem:s1+$0x60]  }
0x17f: {  	v10 =	vadd.f32 v35, v10;
	v52 =	vadd.f32 v19, v11;
	v19 =	vld [tilespmem:s0+$0x10]  }
0x180: {  	v28 =	vld [tilespmem:$0x1FEA0]  }
0x181: {  	v21 =	vmul.f32 v21, v21;
	v9 =	vadd.f32 v10, v9;
	v12 =	vmul.f32 v54, v54;
	v54 =	vld [tilespmem:$0x1FF10]  }
0x182: {  	v5 =	vadd.f32 v5, v43;
	v51 =	vmul.f32 v23, v23;
	v11 =	vmul.f32 v53, v53;
	v53 =	vld [tilespmem:$0x1FF90]  }
0x183: {  	v20 =	vmul.f32 v20, v20;
	v8 =	vadd.f32 v21, v8;
	(xrf2) =	vadd.scan.msk.f32 $0xffff, v0;
	v0 =	vld [tilespmem:s1+$0x70];
	v9 =	vadd.f32 v50, v9  }
0x184: {  	s30 =	sadd.s32 $0xFFFFFE80, s24;
	v1 =	vadd.f32 v51, v1;
	v4 =	vadd.f32 v11, v4;
	v11 =	vmul.f32 v55, v55;
	v51 =	vld [tilespmem:$0x1FF00]  }
0x185: {  	v21 =	vmul.f32 v24, v24;
	v14 =	vadd.f32 v20, v14;
	v2 =	vadd.f32 v2, v27;
	s1 =	sand.u32 $0x200, s30;
	(xrf2) =	vadd.scan.msk.f32 $0xffff, v9;
	v9 =	vld [tilespmem:s0+$0x20]  }
0x186: {  	v8 =	vadd.f32 v52, v8;
	s1 =	sor.u32 s1, s29;
	v5 =	vadd.f32 v11, v5;
	v11 =	vld [tilespmem:s0+$0x40]  }
0x187: {  	v2 =	vadd.f32 v21, v2;
	v4 =	vadd.f32 v4, v14;
	v14 =	vld [tilespmem:s1+$0x10]  }
0x188: {  	v56 =	vadd.f32 v12, v60;
	v52 =	vsub.f32 v15, v34;
	v15 =	vld [tilespmem:s1+$0x30]  }
0x189: {  	v50 =	vsub.f32 v63, v48;
	v37 =	vld [tilespmem:s1+$0x40];
	v1 =	vadd.f32 v2, v1  }
0x18a: {  	v63 =	vsub.f32 v7, v40;
	v7 =	vld [tilespmem:s1+$0x60];
	v5 =	vadd.f32 v5, v56  }
0x18b: {  	v55 =	vld [tilespmem:s1+$0x70];
	v1 =	vadd.f32 v1, v8  }
0x18c: {  	v2 =	vld [tilespmem:s0+$0x30];
	v4 =	vadd.f32 v5, v4  }
0x18d: {  	p0 =	por !p0, !p0;
	(xrf2) =	vadd.scan.msk.f32 $0xffff, v1;
	v1 =	vld [tilespmem:s0+$0x70];
	s0 =	simm.s32 $0x1  }
0x18e: {  	v18 =	vsub.f32 v61, v45;
	v27 =	vsub.f32 v3, v46;
	s0 =	simm.s32 @!p0 $0x0;
	v59, _, _ =	vpop (xrf2);
	(xrf2) =	vadd.scan.msk.f32 $0xffff, v4;
	v4 =	vld [tilespmem:s1+$0x20]  }
0x18f: {  	v24 =	vsub.f32 v26, v48;
	v35 =	vsub.f32 v41, v54;
	v41 =	vld [tilespmem:$0x1FFF0];
	s0 =	sshll.u32 s0, $0x9;
	v20, _, _ =	vpop (xrf2)  }
0x190: {  	v17 =	vsub.f32 v30, v28;
	s0 =	sadd.s32 s0, s26;
	(v2sf) =	vpush v20, $0xF;
	v20 =	vld [tilespmem:s1+$0x50]  }
0x191: {  	v22 =	vsub.f32 v6, v28;
	v21 =	vsub.f32 v36, v51;
	v5 =	vld [tilespmem:s1+$0x0];
	s31 =	sor.u32 $0x440, s0  }
0x192: {  	s23 =	sadd.s32 $0x4, s23;
	v13 =	vsub.f32 v13, v51;
	v36 =	vsub.f32 v58, v51;
	s2 =	sor.u32 $0x450, s0;
	v6 =	vld [tilespmem:s31+$0x8100]  }
0x193: {  	s18 =	sor.u32 $0x470, s0;
	v49 =	vld [tilespmem:s2+$0x8100];
	s2 =	sand.u32 $0x7, s23;
	v58 =	vsub.f32 v4, v45;
	v4 =	vsub.f32 v15, v46  }
0x194: {  	v30 =	vsub.f32 v29, v34;
	[tilespmem:$0x1FCE0] =	vst v13;
	v44 =	vsub.f32 v2, v46;
	v13 =	vld [tilespmem:s18+$0x8100];
	s31 =	sor.u32 $0x420, s0;
	s29 =	sshll.u32 s2, $0x7  }
0x195: {  	(v2sf) =	vpush v59, $0xF;
	v2 =	vld [tilespmem:s31+$0x8100];
	s29 =	sadd.s32 s26, s29;
	[tilespmem:$0x1FCF0] =	vst v4;
	v4 =	vsub.f32 v20, v40  }
0x196: {  	[tilespmem:$0x1FCD0] =	vst v24;
	v24 =	vsub.f32 v16, v28;
	v59 =	vsub.f32 v5, v28;
	v5 =	vld [tilespmem:$0x1FFB0];
	s1 =	sadd.s32 $0x180, s29  }
0x197: {  	v38 =	vsub.f32 v19, v34;
	v28 =	vld [tilespmem:$0x1FFC0];
	s2 =	sor.u32 $0x440, s1;
	[tilespmem:$0x1FD00] =	vst v4;
	v4 =	vsub.f32 v55, v54  }
0x198: {  	v34 =	vsub.f32 v14, v34;
	v61 =	vsub.f32 v1, v54;
	s18 =	sor.u32 $0x460, s1;
	v3, _, _ =	vpop (xrf2);
	v1 =	vld [tilespmem:s2+$0x8100]  }
0x199: {  	s17 =	sor.u32 $0x460, s0;
	v14 =	vld [tilespmem:s18+$0x8100];
	(v2sf) =	vpush v3, $0xF;
	[tilespmem:$0x1FD10] =	vst v4;
	v4 =	vsub.f32 v49, v53  }
0x19a: {  	v3 =	vld [tilespmem:s17+$0x8100]  }
0x19b: {  	v33 =	vsub.f32 v0, v54;
	s17 =	sor.u32 $0x400, s0;
	v0, _, _ =	vpop (xrf2);
	[tilespmem:$0x1FD20] =	vst v4;
	v4 =	vld [tilespmem:$0x1FFA0]  }
0x19c: {  	s30 =	sor.u32 $0x410, s0;
	s0 =	sor.u32 $0x430, s0;
	v16 =	vld [tilespmem:s17+$0x8100];
	(v2sf) =	vpush v0, $0xF  }
0x19d: {  	s28 =	sadd.s32 $0x2, s28;
	v8 =	vld [tilespmem:s0+$0x8100]  }
0x19e: {  	s17 =	sor.u32 $0x450, s1;
	v0 =	vld [tilespmem:s30+$0x8100];
	s30 =	sadd.s32 s22, s11;
	s22 =	sand.u32 $0x3, s28  }
0x19f: {  	v23 =	vsub.f32 v31, v45;
	v26 =	vsub.f32 v57, v40;
	s31 =	sor.u32 $0x470, s1;
	v57 =	vld [tilespmem:s17+$0x8100];
	s2 =	sshll.u32 s22, $0x8  }
0x1a0: {  	v60 =	vsub.f32 v7, v51;
	v7 =	vld [tilespmem:s31+$0x8100];
	s2 =	sadd.s32 s26, s2;
	v3 =	vsub.f32 v3, v4  }
0x1a1: {  	v29 =	vsub.f32 v25, v40;
	s18 =	sor.u32 $0x400, s1;
	v40 =	vld [tilespmem:$0x1FFE0];
	v1 =	vsub.f32 v1, v62;
	s31 =	sadd.s32 $0x100, s2  }
0x1a2: {  	v31 =	vsub.f32 v6, v62;
	v6 =	vld [tilespmem:s18+$0x8100];
	s2 =	sor.u32 $0x440, s31;
	s0 =	spop (v2sf);
	[tilespmem:$0x1FD30] =	vst v3;
	v3 =	vsub.f32 v13, v5  }
0x1a3: {  	s22 =	sor.u32 $0x410, s1;
	v54 =	vsub.f32 v8, v41;
	[tilespmem:$0x1FD40] =	vst v1;
	v8 =	vld [tilespmem:s2+$0x8100];
	p1 =	slt.f32 s0, s20  }
0x1a4: {  	s17 =	sadd.s32 $0x84, s30;
	v1 =	vsub.f32 v57, v53;
	s18 =	spop (v2sf);
	[tilespmem:$0x1FD60] =	vst v3;
	v3 =	vld [tilespmem:s22+$0x8100];
	s22 =	sor.u32 $0x420, s1  }
0x1a5: {  	v51 =	vsub.f32 v0, v32;
	s20 =	smov.u32 @p1 s0;
	s21 =	smov.u32 @p1 s17;
	s17 =	sor.u32 $0x450, s31;
	v0 =	vld [tilespmem:s22+$0x8100]  }
0x1a6: {  	[tilespmem:$0x1FD70] =	vst v1;
	p1 =	slt.f32 s18, s20;
	v1 =	vld [tilespmem:s17+$0x8100];
	s1 =	sor.u32 $0x430, s1  }
0x1a7: {  	v49 =	vsub.f32 v2, v40;
	s17 =	sor.u32 $0x460, s31;
	v2 =	vld [tilespmem:s1+$0x8100];
	s1 =	sadd.s32 $0x85, s30  }
0x1a8: {  	v57 =	vmul.f32 v52, v52;
	v52 =	vld [tilespmem:s17+$0x8100];
	s2 =	spop (v2sf);
	s20 =	smov.u32 @p1 s18;
	s18 =	sor.u32 $0x400, s31  }
0x1a9: {  	v42 =	vmul.f32 v50, v50;
	v7 =	vsub.f32 v7, v5;
	s21 =	smov.u32 @p1 s1;
	p1 =	slt.f32 s2, s20;
	v50 =	vld [tilespmem:s18+$0x8100];
	s18 =	sor.u32 $0x410, s31  }
0x1aa: {  	s17 =	sor.u32 $0x470, s31;
	v55 =	vsub.f32 v0, v40;
	v0 =	vld [tilespmem:s18+$0x8100]  }
0x1ab: {  	v43 =	vmul.f32 v47, v47;
	v27 =	vmul.f32 v27, v27;
	[tilespmem:$0x1FD90] =	vst v7;
	s0 =	sadd.s32 $0x86, s30;
	v7 =	vld [tilespmem:s17+$0x8100];
	s17 =	spop (v2sf);
	s20 =	smov.u32 @p1 s2  }
0x1ac: {  	v26 =	vmul.f32 v26, v26;
	v56 =	vmul.f32 v17, v17;
	s21 =	smov.u32 @p1 s0;
	p1 =	slt.f32 s17, s20;
	v2 =	vsub.f32 v2, v41  }
0x1ad: {  	v19 =	vmul.f32 v30, v30;
	v39 =	vsub.f32 v9, v45;
	v46 =	vsub.f32 v16, v28;
	v16 =	vld [tilespmem:$0x1FCE0];
	s1 =	sadd.s32 $0x80, s29;
	s18 =	sor.u32 $0x420, s31  }
0x1ae: {  	v25 =	vsub.f32 v11, v48;
	v37 =	vsub.f32 v37, v48;
	v20 =	vmul.f32 v23, v23;
	s20 =	smov.u32 @p1 s17;
	s17 =	sor.u32 $0x470, s1;
	[tilespmem:$0x1FD50] =	vst v2;
	v2 =	vld [tilespmem:s18+$0x8100]  }
0x1af: {  	v23 =	vmul.f32 v33, v33;
	v48 =	vsub.f32 v14, v4;
	s29 =	sor.u32 $0x430, s31;
	v33 =	vsub.f32 v0, v32;
	v0 =	vld [tilespmem:s17+$0x8100]  }
0x1b0: {  	v11 =	vmul.f32 v35, v35;
	v60 =	vmul.f32 v60, v60;
	v10 =	vsub.f32 v1, v53;
	s2 =	sadd.s32 $0x87, s30;
	s30 =	sor.u32 $0x440, s1;
	v1 =	vld [tilespmem:s29+$0x8100]  }
0x1b1: {  	[tilespmem:$0x1FD80] =	vst v48;
	v48 =	vmul.f32 v18, v18;
	v13 =	vmul.f32 v63, v63;
	v63 =	vsub.f32 v3, v32;
	v3 =	vld [tilespmem:s30+$0x8100];
	s31 =	sor.u32 $0x450, s1  }
0x1b2: {  	v12 =	vsub.f32 v8, v62;
	v18 =	vmul.f32 v22, v22;
	v8 =	vsub.f32 v7, v5;
	v7 =	vld [tilespmem:s31+$0x8100];
	s18 =	sor.u32 $0x400, s1  }
0x1b3: {  	v22 =	vmul.f32 v16, v16;
	v30 =	vsub.f32 v50, v28;
	v16 =	vsub.f32 v2, v40;
	v2 =	vld [tilespmem:s18+$0x8100]  }
0x1b4: {  	v50 =	vmul.f32 v59, v59;
	v59 =	vmul.f32 v37, v37;
	v37 =	vsub.f32 v0, v5;
	v0 =	vld [tilespmem:$0x1FD10]  }
0x1b5: {  	v15 =	vmul.f32 v21, v21;
	v21 =	vmul.f32 v29, v29;
	v45 =	vsub.f32 v6, v28;
	v6 =	vld [tilespmem:$0x1FCD0];
	s21 =	smov.u32 @p1 s2;
	s2 =	sor.u32 $0x460, s1  }
0x1b6: {  	v29 =	vmul.f32 v25, v25;
	v47 =	vmul.f32 v61, v61;
	s29 =	sor.u32 $0x410, s1;
	v35 =	vld [tilespmem:s2+$0x8100]  }
0x1b7: {  	v31 =	vmul.f32 v31, v31;
	v14 =	vmul.f32 v24, v24;
	v25 =	vsub.f32 v1, v41;
	v1 =	vld [tilespmem:s29+$0x8100]  }
0x1b8: {  	v9 =	vsub.f32 v52, v4;
	v52 =	vmul.f32 v34, v34;
	v34 =	vsub.f32 v7, v53;
	v7 =	vld [tilespmem:$0x1FCF0]  }
0x1b9: {  	s30 =	sor.u32 $0x420, s1;
	v17 =	vsub.f32 v3, v62;
	v62 =	vmul.f32 v0, v0;
	v0 =	vsub.f32 v2, v28;
	v2 =	vld [tilespmem:$0x1FD20]  }
0x1ba: {  	v24 =	vmul.f32 v38, v38;
	v38 =	vmul.f32 v39, v39;
	v3 =	vld [tilespmem:s30+$0x8100]  }
0x1bb: {  	v39 =	vmul.f32 v44, v44;
	v44 =	vmul.f32 v36, v36;
	v36 =	vsub.f32 v35, v4;
	v4 =	vld [tilespmem:$0x1FD00]  }
0x1bc: {  	v43 =	vadd.f32 v11, v43;
	v49 =	vmul.f32 v49, v49;
	v46 =	vmul.f32 v46, v46;
	s31 =	sor.u32 $0x430, s1;
	v5 =	vld [tilespmem:$0x1FD50]  }
0x1bd: {  	v27 =	vadd.f32 v23, v27;
	v53 =	vmul.f32 v58, v58;
	v58 =	vmul.f32 v7, v7;
	v7 =	vld [tilespmem:s31+$0x8100]  }
0x1be: {  	v54 =	vmul.f32 v54, v54;
	s22 =	smov.u32 s25;
	s25 =	sadd.s32 $0x4, s25;
	v1 =	vsub.f32 v1, v32;
	v35 =	vmul.f32 v2, v2;
	v2 =	vld [tilespmem:$0x1FD30]  }
0x1bf: {  	v51 =	vmul.f32 v51, v51;
	p1 =	slt.u32 s25, $0x7C;
	v3 =	vsub.f32 v3, v40;
	v40 =	vadd.f32 v42, v56  }
.Ltmp1:
0x1c0: {  	v6 =	vmul.f32 v6, v6;
	v23 =	vmovc v9;
	v42 =	vadd.f32 v15, v48;
	v48 =	vadd.f32 v21, v19;
	(pc) =	sbr.rel @p1 .LBB2_4-.Ltmp1, $4  }
0x1c1: {  	v21 =	vmovc v12;
	v56 =	vadd.f32 v26, v24;
	v61 =	vmul.f32 v4, v4;
	v4 =	vmul.f32 v63, v63  }
0x1c2: {  	v26 =	vmovc v16;
	v63 =	vmul.f32 v55, v55;
	v55 =	vadd.f32 v29, v14;
	v28 =	vadd.f32 v22, v20  }
0x1c3: {  	v24 =	vmovc v8;
	v5 =	vmul.f32 v5, v5;
	v32 =	vmul.f32 v2, v2;
	v2 =	vsub.f32 v7, v41  }
0x1c4: {  	s26 =	sadd.s32 $0x400, s26;
	v22 =	vmovc v10;
	v20 =	vld [tilespmem:$0x1FD40];
	v41 =	vadd.f32 v13, v57;
	v57 =	vmul.f32 v45, v45;
	v45 =	vadd.f32 v6, v18  }
0x1c5: {  	v6 =	vadd.f32 v44, v38  }
0x1c6: {  	v7 =	vadd.f32 v47, v39;
	v8 =	vmul.f32 v30, v30;
	v9 =	vadd.f32 v59, v50  }
0x1c7: {  	v10 =	vadd.f32 v61, v52;
	v11 =	vmul.f32 v33, v33;
	v12 =	vadd.f32 v60, v53  }
0x1c8: {  	v13 =	vadd.f32 v62, v58;
	v0 =	vmul.f32 v0, v0;
	v1 =	vmul.f32 v1, v1  }
0x1c9: {  	v3 =	vmul.f32 v3, v3;
	v15 =	vadd.f32 v63, v42;
	v5 =	vadd.f32 v5, v43  }
0x1ca: {  	v2 =	vmul.f32 v2, v2;
	v14 =	vadd.f32 v57, v40;
	v4 =	vadd.f32 v4, v41  }
0x1cb: {  	v16 =	vmul.f32 v17, v17;
	v8 =	vadd.f32 v8, v45;
	v11 =	vadd.f32 v11, v48  }
0x1cc: {  	v1 =	vadd.f32 v1, v56;
	v3 =	vadd.f32 v3, v6;
	v6 =	vmul.f32 v34, v34  }
0x1cd: {  	v17 =	vmul.f32 v37, v37;
	v0 =	vadd.f32 v0, v55;
	v2 =	vadd.f32 v2, v7  }
0x1ce: {  	v37 =	vmul.f32 v26, v26;
	v7 =	vadd.f32 v46, v9;
	v1 =	vadd.f32 v6, v1;
	v6 =	vld [tilespmem:$0x1FD60]  }
0x1cf: {  	v33 =	vadd.f32 v51, v10;
	v34 =	vmul.f32 v36, v36;
	v12 =	vadd.f32 v49, v12  }
0x1d0: {  	v38 =	vmul.f32 v22, v22;
	v43 =	vld [tilespmem:$0x1FD90];
	v13 =	vadd.f32 v54, v13;
	v0 =	vadd.f32 v16, v0  }
0x1d1: {  	v39 =	vmul.f32 v23, v23;
	v3 =	vadd.f32 v34, v3;
	v2 =	vadd.f32 v17, v2  }
0x1d2: {  	v7 =	vadd.f32 v31, v7;
	v9 =	vadd.f32 v35, v33;
	v36 =	vmul.f32 v20, v20  }
0x1d3: {  	v42 =	vld [tilespmem:$0x1FD80];
	v0 =	vadd.f32 v1, v0;
	v1 =	vadd.f32 v2, v3;
	v6 =	vmul.f32 v6, v6  }
0x1d4: {  	v41 =	vld [tilespmem:$0x1FD70];
	v2 =	vmul.f32 v21, v21;
	v3 =	vadd.f32 v32, v12;
	v7 =	vadd.f32 v9, v7  }
0x1d5: {  	v9 =	vmul.f32 v43, v43;
	v10 =	vadd.f32 v36, v14;
	v6 =	vadd.f32 v6, v13  }
0x1d6: {  	v0 =	vadd.f32 v1, v0;
	v1 =	vmul.f32 v25, v25;
	v2 =	vadd.f32 v2, v8  }
0x1d7: {  	v40 =	vmul.f32 v24, v24;
	v5 =	vadd.f32 v9, v5;
	v3 =	vadd.f32 v6, v3  }
0x1d8: {  	v8 =	vmul.f32 v42, v42;
	v1 =	vadd.f32 v1, v27;
	v6 =	vadd.f32 v37, v28  }
0x1d9: {  	v3 =	vadd.f32 v3, v7;
	v7 =	vadd.f32 v38, v11;
	v11 =	vmul.f32 v41, v41  }
0x1da: {  	v1 =	vadd.f32 v40, v1;
	v6 =	vadd.f32 v39, v6  }
0x1db: {  	v8 =	vadd.f32 v8, v15;
	v4 =	vadd.f32 v11, v4  }
0x1dc: {  	v2 =	vadd.f32 v7, v2;
	v1 =	vadd.f32 v1, v6  }
0x1dd: {  	(xrf2) =	vadd.scan.msk.f32 $0xffff, v0;
	v0 =	vadd.f32 v4, v10;
	v4 =	vadd.f32 v5, v8  }
0x1de: {  	(xrf2) =	vadd.scan.msk.f32 $0xffff, v3;
	v1 =	vadd.f32 v1, v2  }
0x1df: {  	v0 =	vadd.f32 v4, v0  }
0x1e0: {  	(xrf2) =	vadd.scan.msk.f32 $0xffff, v1  }
0x1e1: {  	(xrf2) =	vadd.scan.msk.f32 $0xffff, v0;
	_ =	sdelay $0x5  }
0x1e2: {  	v0, _, _ =	vpop (xrf2)  }
0x1e3: {  	v1, _, _ =	vpop (xrf2)  }
0x1e4: {  	(v2sf) =	vpush v1, $0xF  }
0x1e5: {  	(v2sf) =	vpush v0, $0xF;
	v0, _, _ =	vpop (xrf2)  }
0x1e6: {  	(v2sf) =	vpush v0, $0xF;
	v0, _, _ =	vpop (xrf2)  }
0x1e7: {  	(v2sf) =	vpush v0, $0xF;
	_ =	sdelay $0x9  }
0x1e8: {  	s23 =	simm.s32 $0x0  }
0x1e9: {  	[tilespmem:s14], [sflag:$0x2] =	stream.linear.gather [hbm4b:s7+s23], $0x8000, $0x38;
	[tilespmem:$0x10200] =	vst v63  }
0x1ea: {  	s29 =	spop (v2sf)  }
0x1eb: {  	s28 =	spop (v2sf)  }
0x1ec: {  	s26 =	spop (v2sf)  }
0x1ed: {  	s25 =	spop (v2sf)  }
0x1ee: {  	_ =	swait.ge [sflag:s15], $0x8000  }
0x1ef: {  	v63 =	vld [tilespmem:$0x1FEA0]  }
0x1f0: {  	v41 =	vld [tilespmem:$0x1FEB0]  }
0x1f1: {  	v48 =	vld [tilespmem:$0x1FEC0]  }
0x1f2: {  	v50 =	vld [tilespmem:$0x1FED0]  }
0x1f3: {  	v52 =	vld [tilespmem:$0x1FEE0]  }
0x1f4: {  	v56 =	vld [tilespmem:$0x1FEF0]  }
0x1f5: {  	v57 =	vld [tilespmem:$0x1FF00]  }
0x1f6: {  	v58 =	vld [tilespmem:$0x1FF10]  }
0x1f7: {  	v54 =	vld [tilespmem:$0x1FFA0]  }
0x1f8: {  	s24 =	simm.s32 $0x180;
	s0 =	sand.u32 $0x7800, s23;
	v49 =	vld [tilespmem:$0x1FFB0]  }
0x1f9: {  	s1 =	sand.u32 $0x380, s24;
	s0 =	sor.u32 $0x100, s0;
	[sflag:s15] =	ssyncset.done $0x0;
	v8 =	vld [tilespmem:$0x1FFD0]  }
0x1fa: {  	s1 =	sadd.s32 s1, s0;
	v9 =	vld [tilespmem:$0x1FFE0];
	[sflag:s15] =	ssyncadd.s32 $0xFFFF8000  }
0x1fb: {  	v0 =	vld [tilespmem:s1+$0x0]  }
0x1fc: {  	v1 =	vld [tilespmem:s1+$0x10]  }
0x1fd: {  	v2 =	vld [tilespmem:s1+$0x20]  }
0x1fe: {  	v3 =	vld [tilespmem:s1+$0x30]  }
0x1ff: {  	v4 =	vld [tilespmem:s1+$0x40]  }
0x200: {  	s2 =	simm.s32 $0x100;
	v5 =	vld [tilespmem:s1+$0x50]  }
0x201: {  	s2 =	sand.u32 $0x300, s2;
	v6 =	vld [tilespmem:s1+$0x60]  }
0x202: {  	s2 =	sadd.s32 s2, s0;
	v7 =	vld [tilespmem:s1+$0x70]  }
0x203: {  	v44 =	vld [tilespmem:s2+$0x0]  }
0x204: {  	v45 =	vld [tilespmem:s2+$0x10]  }
0x205: {  	v46 =	vld [tilespmem:s2+$0x20]  }
0x206: {  	v47 =	vld [tilespmem:s2+$0x30]  }
0x207: {  	v60 =	vld [tilespmem:s2+$0x40]  }
0x208: {  	s31 =	simm.s32 $0x80;
	v61 =	vld [tilespmem:s2+$0x50]  }
0x209: {  	s1 =	sand.u32 $0x280, s31;
	v62 =	vld [tilespmem:s2+$0x60]  }
0x20a: {  	v15 =	vld [tilespmem:s2+$0x70];
	s1 =	sor.u32 s1, s0  }
0x20b: {  	v16 =	vld [tilespmem:s1+$0x0]  }
0x20c: {  	v17 =	vld [tilespmem:s1+$0x10]  }
0x20d: {  	v18 =	vld [tilespmem:s1+$0x20]  }
0x20e: {  	v19 =	vld [tilespmem:s1+$0x30]  }
0x20f: {  	v20 =	vld [tilespmem:s1+$0x40]  }
0x210: {  	s17 =	simm.s32 $0x0;
	v21 =	vld [tilespmem:s1+$0x50]  }
0x211: {  	s2 =	sand.u32 $0x200, s17;
	v22 =	vld [tilespmem:s1+$0x60]  }
0x212: {  	s0 =	sor.u32 s2, s0;
	v23 =	vld [tilespmem:s1+$0x70]  }
0x213: {  	v24 =	vld [tilespmem:s0+$0x0]  }
0x214: {  	v25 =	vld [tilespmem:s0+$0x10]  }
0x215: {  	v26 =	vld [tilespmem:s0+$0x20]  }
0x216: {  	p0 =	por $0x0, $0x0;
	v27 =	vld [tilespmem:s0+$0x30];
	s1 =	simm.s32 $0x1  }
0x217: {  	v28 =	vld [tilespmem:s0+$0x40];
	s1 =	simm.s32 @!p0 $0x0  }
0x218: {  	v29 =	vld [tilespmem:s0+$0x50];
	s1 =	sshll.u32 s1, $0x9  }
0x219: {  	v30 =	vld [tilespmem:s0+$0x60];
	s1 =	sadd.s32 $0x0, s1  }
0x21a: {  	v31 =	vld [tilespmem:s0+$0x70];
	s18 =	sor.u32 $0x440, s1  }
0x21b: {  	s30 =	sor.u32 $0x450, s1;
	v32 =	vld [tilespmem:s18+$0x100]  }
0x21c: {  	s31 =	sor.u32 $0x460, s1;
	v33 =	vld [tilespmem:s30+$0x100]  }
0x21d: {  	v2 =	vsub.f32 v2, v48;
	v7 =	vsub.f32 v7, v58;
	s2 =	sor.u32 $0x470, s1;
	v34 =	vld [tilespmem:s31+$0x100]  }
0x21e: {  	v10 =	vsub.f32 v46, v48;
	v11 =	vsub.f32 v47, v50;
	s17 =	sor.u32 $0x400, s1;
	v35 =	vld [tilespmem:s2+$0x100]  }
0x21f: {  	v15 =	vsub.f32 v15, v58;
	v51 =	vsub.f32 v16, v63;
	v16 =	vld [tilespmem:s17+$0x100]  }
0x220: {  	v38 =	vsub.f32 v18, v48;
	v59 =	vsub.f32 v26, v48;
	v48 =	vld [tilespmem:$0x1FF80]  }
0x221: {  	s18 =	sand.u32 $0x7, s23;
	v47 =	vsub.f32 v23, v58;
	v14 =	vsub.f32 v31, v58;
	v58 =	vld [tilespmem:$0x1FF90]  }
0x222: {  	s31 =	sor.u32 $0x410, s1;
	v39 =	vsub.f32 v19, v50;
	v19 =	vld [tilespmem:$0x1FFC0];
	s30 =	sshll.u32 s18, $0x7  }
0x223: {  	v43 =	vsub.f32 v17, v41;
	s2 =	sor.u32 $0x420, s1;
	v17 =	vld [tilespmem:s31+$0x100];
	s30 =	sadd.s32 $0x0, s30  }
0x224: {  	s17 =	sor.u32 $0x430, s1;
	v18 =	vld [tilespmem:s2+$0x100];
	s1 =	sadd.s32 $0x180, s30  }
0x225: {  	v36 =	vsub.f32 v44, v63;
	v44 =	vsub.f32 v20, v52;
	v20 =	vld [tilespmem:s17+$0x100];
	s18 =	sor.u32 $0x440, s1  }
0x226: {  	v37 =	vsub.f32 v45, v41;
	v45 =	vsub.f32 v21, v56;
	s31 =	sor.u32 $0x450, s1;
	v21 =	vld [tilespmem:s18+$0x100]  }
0x227: {  	v46 =	vsub.f32 v22, v57;
	s2 =	sor.u32 $0x460, s1;
	v22 =	vld [tilespmem:s31+$0x100]  }
0x228: {  	s17 =	sor.u32 $0x470, s1;
	v23 =	vld [tilespmem:s2+$0x100]  }
0x229: {  	v42 =	vsub.f32 v61, v56;
	v61 =	vsub.f32 v24, v63;
	v24 =	vld [tilespmem:s17+$0x100];
	s31 =	sor.u32 $0x400, s1  }
0x22a: {  	v0 =	vsub.f32 v0, v63;
	v55 =	vsub.f32 v25, v41;
	s18 =	sand.u32 $0x3, s23;
	s17 =	sor.u32 $0x410, s1;
	v25 =	vld [tilespmem:s31+$0x100]  }
0x22b: {  	v1 =	vsub.f32 v1, v41;
	v3 =	vsub.f32 v3, v50;
	s2 =	sshll.u32 s18, $0x8;
	v26 =	vld [tilespmem:s17+$0x100]  }
0x22c: {  	v4 =	vsub.f32 v4, v52;
	s18 =	sor.u32 $0x420, s1;
	v41 =	vsub.f32 v18, v9;
	v18 =	vld [tilespmem:$0x1FFF0];
	s2 =	sadd.s32 $0x0, s2  }
0x22d: {  	v53 =	vsub.f32 v62, v57;
	v62 =	vsub.f32 v27, v50;
	s1 =	sor.u32 $0x430, s1;
	v27 =	vld [tilespmem:s18+$0x100];
	s0 =	sadd.s32 $0x100, s2  }
0x22e: {  	v12 =	vsub.f32 v60, v52;
	v60 =	vsub.f32 v28, v52;
	v28 =	vld [tilespmem:s1+$0x100];
	s31 =	sor.u32 $0x440, s0  }
0x22f: {  	v5 =	vsub.f32 v5, v56;
	v13 =	vsub.f32 v29, v56;
	s2 =	sor.u32 $0x450, s0;
	v29 =	vld [tilespmem:s31+$0x100]  }
0x230: {  	v6 =	vsub.f32 v6, v57;
	s17 =	sor.u32 $0x460, s0;
	v52 =	vsub.f32 v22, v58;
	v22 =	vld [tilespmem:s2+$0x100]  }
0x231: {  	v56 =	vsub.f32 v30, v57;
	v0 =	vmul.f32 v0, v0;
	s18 =	sor.u32 $0x470, s0;
	v57 =	vsub.f32 v23, v54;
	v23 =	vld [tilespmem:s17+$0x100]  }
0x232: {  	v4 =	vmul.f32 v4, v4;
	v40 =	vsub.f32 v17, v8;
	v63 =	vsub.f32 v24, v49;
	v24 =	vld [tilespmem:s18+$0x100];
	s2 =	sor.u32 $0x410, s0  }
0x233: {  	v1 =	vmul.f32 v1, v1;
	v5 =	vmul.f32 v5, v5;
	[tilespmem:$0x1FC70] =	vst v14;
	s17 =	sor.u32 $0x420, s0;
	v14 =	vsub.f32 v26, v8;
	v26 =	vld [tilespmem:s2+$0x100]  }
0x234: {  	v2 =	vmul.f32 v2, v2;
	v6 =	vmul.f32 v6, v6;
	s1 =	sadd.s32 $0x80, s30;
	[tilespmem:$0x1FCA0] =	vst v40;
	v40 =	vadd.f32 v4, v0;
	s31 =	sor.u32 $0x400, s0;
	s0 =	sor.u32 $0x430, s0;
	v0 =	vld [tilespmem:s17+$0x100]  }
0x235: {  	[tilespmem:$0x1FCB0] =	vst v41;
	v41 =	vadd.f32 v5, v1;
	s18 =	sor.u32 $0x440, s1;
	v1 =	vld [tilespmem:s0+$0x100]  }
0x236: {  	v3 =	vmul.f32 v3, v3;
	v5 =	vmul.f32 v42, v42;
	v42 =	vadd.f32 v6, v2;
	v2 =	vld [tilespmem:s18+$0x100]  }
0x237: {  	v7 =	vmul.f32 v7, v7;
	v31 =	vsub.f32 v32, v48;
	[tilespmem:$0x1FC40] =	vst v57;
	v57 =	vsub.f32 v25, v19;
	v25 =	vld [tilespmem:s31+$0x100]  }
0x238: {  	v10 =	vmul.f32 v10, v10;
	v33 =	vsub.f32 v33, v58;
	v34 =	vsub.f32 v34, v54  }
0x239: {  	v11 =	vmul.f32 v11, v11;
	v35 =	vsub.f32 v35, v49;
	v32 =	vsub.f32 v16, v19  }
0x23a: {  	[tilespmem:$0x1FC80] =	vst v33;
	v4 =	vmul.f32 v12, v12;
	v12 =	vmul.f32 v15, v15;
	s2 =	sor.u32 $0x470, s1;
	v33 =	vsub.f32 v26, v8  }
0x23b: {  	v15 =	vmul.f32 v51, v51;
	s31 =	sor.u32 $0x460, s1;
	v26 =	vsub.f32 v0, v9;
	v17 =	vsub.f32 v2, v48;
	v2 =	vld [tilespmem:s2+$0x100]  }
0x23c: {  	[tilespmem:$0x1FC60] =	vst v13;
	s30 =	sor.u32 $0x450, s1;
	v0 =	vmul.f32 v44, v44;
	v30 =	vsub.f32 v25, v19;
	v25 =	vsub.f32 v1, v18;
	v1 =	vld [tilespmem:s31+$0x100]  }
0x23d: {  	v16 =	vmul.f32 v36, v36;
	[tilespmem:$0x1FC20] =	vst v35;
	v35 =	vmul.f32 v43, v43;
	v43 =	vadd.f32 v7, v3;
	v3 =	vld [tilespmem:s30+$0x100]  }
0x23e: {  	v38 =	vmul.f32 v38, v38;
	s17 =	sor.u32 $0x400, s1;
	[tilespmem:$0x1FC30] =	vst v52;
	v52 =	vmul.f32 v55, v55;
	v55 =	vadd.f32 v0, v15;
	v0 =	vld [tilespmem:$0x1FC60]  }
0x23f: {  	v39 =	vmul.f32 v39, v39;
	[tilespmem:$0x1FC90] =	vst v34;
	v7 =	vmul.f32 v45, v45;
	v45 =	vadd.f32 v4, v16;
	v4 =	vld [tilespmem:s17+$0x100]  }
0x240: {  	[tilespmem:$0x1FC50] =	vst v63;
	v63 =	vsub.f32 v27, v9;
	v27 =	vmul.f32 v37, v37;
	v37 =	vsub.f32 v2, v49;
	v2 =	vld [tilespmem:$0x1FCB0]  }
0x241: {  	p1 =	slt.f32 s29, s20;
	v47 =	vmul.f32 v47, v47;
	v50 =	vsub.f32 v20, v18;
	s18 =	sor.u32 $0x410, s1;
	v36 =	vsub.f32 v1, v54;
	v1 =	vld [tilespmem:$0x1FC90]  }
0x242: {  	v31 =	vmul.f32 v31, v31;
	v6 =	vmul.f32 v53, v53;
	v34 =	vsub.f32 v3, v58;
	v3 =	vld [tilespmem:s18+$0x100]  }
0x243: {  	s20 =	smov.u32 @p1 s29;
	[tilespmem:$0x1FCC0] =	vst v50;
	v50 =	vmul.f32 v61, v61;
	s31 =	sor.u32 $0x430, s1;
	v61 =	vmul.f32 v0, v0;
	v0 =	vld [tilespmem:$0x1FC70]  }
0x244: {  	p2 =	slt.f32 s28, s20;
	v53 =	vmul.f32 v59, v59;
	v13 =	vsub.f32 v28, v18;
	v28 =	vadd.f32 v6, v10;
	v6 =	vld [tilespmem:s31+$0x100]  }
0x245: {  	v24 =	vsub.f32 v24, v49;
	v44 =	vmul.f32 v46, v46;
	v49 =	vmul.f32 v2, v2;
	v2 =	vld [tilespmem:$0x1FCC0]  }
0x246: {  	s20 =	smov.u32 @p2 s28;
	s29 =	sor.u32 $0x420, s1;
	v20 =	vsub.f32 v21, v48;
	v46 =	vmul.f32 v32, v32;
	v32 =	vmul.f32 v1, v1;
	v1 =	vld [tilespmem:$0x1FCA0]  }
0x247: {  	p3 =	slt.f32 s26, s20;
	v59 =	vmul.f32 v60, v60;
	v21 =	vsub.f32 v29, v48;
	v48 =	vadd.f32 v5, v27;
	v5 =	vld [tilespmem:s29+$0x100]  }
0x248: {  	s30 =	sadd.s32 s22, s11;
	v22 =	vsub.f32 v22, v58;
	v58 =	vmul.f32 v62, v62;
	v62 =	vmul.f32 v0, v0;
	v0 =	vld [tilespmem:$0x1FC80]  }
0x249: {  	s28 =	simm.s32 $0x0;
	s20 =	smov.u32 @p3 s26;
	v60 =	vmul.f32 v56, v56;
	v56 =	vadd.f32 v7, v35;
	v57 =	vmul.f32 v57, v57;
	s1 =	sadd.s32 $0x84, s30  }
0x24a: {  	s26 =	simm.s32 $0x400;
	s0 =	sadd.s32 $0x85, s30;
	v63 =	vmul.f32 v63, v63;
	v23 =	vsub.f32 v23, v54;
	v27 =	vadd.f32 v12, v11;
	s21 =	smov.u32 @p1 s1  }
0x24b: {  	p1 =	slt.f32 s25, s20;
	s21 =	smov.u32 @p2 s0;
	s0 =	sadd.s32 $0x86, s30;
	v54 =	vmul.f32 v2, v2;
	v2 =	vsub.f32 v6, v18;
	v51 =	vmul.f32 v1, v1  }
0x24c: {  	s22 =	simm.s32 $0xFFFFFFFC;
	s21 =	smov.u32 @p3 s0;
	s0 =	sadd.s32 $0x87, s30;
	v1 =	vsub.f32 v3, v8;
	v3 =	vsub.f32 v5, v9;
	v5 =	vmul.f32 v13, v13  }
0x24d: {  	s20 =	smov.u32 @p1 s25;
	s25 =	simm.s32 $0x0;
	s21 =	smov.u32 @p1 s0;
	v35 =	vmul.f32 v0, v0;
	v0 =	vsub.f32 v4, v19;
	v4 =	vmul.f32 v14, v14  }
.LBB2_6:
0x24e: {  	v16 =	vld [tilespmem:$0x1FC20]  }
0x24f: {  	v13 =	vadd.f32 v62, v58;
	v12 =	vadd.f32 v60, v53;
	v53 =	vld [tilespmem:$0x1FC30]  }
0x250: {  	v0 =	vmul.f32 v0, v0;
	v14 =	vadd.f32 v57, v40;
	v40 =	vld [tilespmem:$0x1FEF0]  }
0x251: {  	v8 =	vmul.f32 v30, v30;
	v13 =	vadd.f32 v54, v13;
	v54 =	vld [tilespmem:$0x1FC40]  }
0x252: {  	s0 =	sand.u32 $0x7800, s26;
	s24 =	sadd.s32 $0x200, s24;
	v9 =	vadd.f32 v59, v50;
	v0 =	vadd.f32 v0, v55;
	v55 =	vld [tilespmem:$0x1FC50]  }
0x253: {  	s29 =	sor.u32 $0x100, s0;
	s17 =	sand.u32 $0x380, s24;
	v8 =	vadd.f32 v8, v45;
	v45 =	vld [tilespmem:$0x1FEC0]  }
0x254: {  	s0 =	sadd.s32 s17, s29;
	v9 =	vadd.f32 v46, v9;
	v46 =	vld [tilespmem:$0x1FED0]  }
0x255: {  	v30 =	vld [tilespmem:s0+$0x0]  }
0x256: {  	v15 =	vld [tilespmem:s0+$0x10]  }
0x257: {  	v10 =	vadd.f32 v61, v52;
	v61 =	vld [tilespmem:s0+$0x20]  }
0x258: {  	v7 =	vadd.f32 v47, v39;
	v2 =	vmul.f32 v2, v2;
	v62 =	vld [tilespmem:s0+$0x30]  }
0x259: {  	v11 =	vmul.f32 v33, v33;
	v60 =	vadd.f32 v63, v42;
	v63 =	vld [tilespmem:s0+$0x40]  }
0x25a: {  	v6 =	vadd.f32 v44, v38;
	v2 =	vadd.f32 v2, v7;
	v7 =	vld [tilespmem:s0+$0x50]  }
0x25b: {  	v3 =	vmul.f32 v3, v3;
	s1 =	sadd.s32 $0xFFFFFF80, s24;
	v11 =	vadd.f32 v11, v48;
	v48 =	vmul.f32 v36, v36;
	v36 =	vld [tilespmem:s0+$0x60]  }
0x25c: {  	v29 =	vmul.f32 v17, v17;
	v1 =	vmul.f32 v1, v1;
	v4 =	vadd.f32 v4, v41;
	s1 =	sand.u32 $0x300, s1;
	v41 =	vld [tilespmem:s0+$0x70]  }
0x25d: {  	v3 =	vadd.f32 v3, v6;
	v6 =	vmul.f32 v34, v34;
	s1 =	sadd.s32 s1, s29;
	v34 =	vld [tilespmem:$0x1FEB0]  }
0x25e: {  	s18 =	sadd.s32 $0xFFFFFF00, s24;
	v1 =	vadd.f32 v1, v56;
	v0 =	vadd.f32 v29, v0;
	v29 =	vld [tilespmem:s1+$0x10]  }
0x25f: {  	s0 =	sand.u32 $0x280, s18;
	v9 =	vadd.f32 v31, v9;
	v31 =	vld [tilespmem:s1+$0x20]  }
0x260: {  	s0 =	sor.u32 s0, s29;
	v1 =	vadd.f32 v6, v1;
	v6 =	vld [tilespmem:s1+$0x0]  }
0x261: {  	v19 =	vmul.f32 v16, v16;
	v16 =	vld [tilespmem:s0+$0x0]  }
0x262: {  	v37 =	vmul.f32 v37, v37;
	v57 =	vld [tilespmem:s0+$0x50]  }
0x263: {  	v12 =	vadd.f32 v49, v12;
	v58 =	vld [tilespmem:s0+$0x60]  }
0x264: {  	v3 =	vadd.f32 v48, v3;
	v2 =	vadd.f32 v37, v2;
	v48 =	vld [tilespmem:$0x1FEE0]  }
0x265: {  	v12 =	vadd.f32 v32, v12;
	v32 =	vld [tilespmem:$0x1FFD0]  }
0x266: {  	v0 =	vadd.f32 v1, v0;
	v1 =	vadd.f32 v2, v3;
	v3 =	vld [tilespmem:s1+$0x30]  }
0x267: {  	v10 =	vadd.f32 v51, v10;
	v2 =	vmul.f32 v26, v26;
	v26 =	vld [tilespmem:s1+$0x40]  }
0x268: {  	v13 =	vadd.f32 v19, v13;
	v19 =	vmul.f32 v22, v22;
	v47 =	vsub.f32 v62, v46;
	v62 =	vld [tilespmem:$0x1FF80]  }
0x269: {  	v0 =	vadd.f32 v1, v0;
	v1 =	vadd.f32 v2, v28;
	v2 =	vmul.f32 v25, v25;
	v25 =	vld [tilespmem:s1+$0x50]  }
0x26a: {  	v50 =	vadd.f32 v13, v12;
	v13 =	vld [tilespmem:s1+$0x60]  }
0x26b: {  	v10 =	vadd.f32 v35, v10;
	v52 =	vadd.f32 v19, v11;
	v19 =	vld [tilespmem:s0+$0x10]  }
0x26c: {  	v28 =	vld [tilespmem:$0x1FEA0]  }
0x26d: {  	v21 =	vmul.f32 v21, v21;
	v9 =	vadd.f32 v10, v9;
	v12 =	vmul.f32 v54, v54;
	v54 =	vld [tilespmem:$0x1FF10]  }
0x26e: {  	v5 =	vadd.f32 v5, v43;
	v51 =	vmul.f32 v23, v23;
	v11 =	vmul.f32 v53, v53;
	v53 =	vld [tilespmem:$0x1FF90]  }
0x26f: {  	v20 =	vmul.f32 v20, v20;
	v8 =	vadd.f32 v21, v8;
	(xrf2) =	vadd.scan.msk.f32 $0xffff, v0;
	v0 =	vld [tilespmem:s1+$0x70];
	v9 =	vadd.f32 v50, v9  }
0x270: {  	s30 =	sadd.s32 $0xFFFFFE80, s24;
	v1 =	vadd.f32 v51, v1;
	v4 =	vadd.f32 v11, v4;
	v11 =	vmul.f32 v55, v55;
	v51 =	vld [tilespmem:$0x1FF00]  }
0x271: {  	v21 =	vmul.f32 v24, v24;
	v14 =	vadd.f32 v20, v14;
	v2 =	vadd.f32 v2, v27;
	s1 =	sand.u32 $0x200, s30;
	(xrf2) =	vadd.scan.msk.f32 $0xffff, v9;
	v9 =	vld [tilespmem:s0+$0x20]  }
0x272: {  	v8 =	vadd.f32 v52, v8;
	s1 =	sor.u32 s1, s29;
	v5 =	vadd.f32 v11, v5;
	v11 =	vld [tilespmem:s0+$0x40]  }
0x273: {  	v2 =	vadd.f32 v21, v2;
	v4 =	vadd.f32 v4, v14;
	v14 =	vld [tilespmem:s1+$0x10]  }
0x274: {  	v56 =	vadd.f32 v12, v60;
	v52 =	vsub.f32 v15, v34;
	v15 =	vld [tilespmem:s1+$0x30]  }
0x275: {  	v50 =	vsub.f32 v63, v48;
	v37 =	vld [tilespmem:s1+$0x40];
	v1 =	vadd.f32 v2, v1  }
0x276: {  	v63 =	vsub.f32 v7, v40;
	v7 =	vld [tilespmem:s1+$0x60];
	v5 =	vadd.f32 v5, v56  }
0x277: {  	v55 =	vld [tilespmem:s1+$0x70];
	v1 =	vadd.f32 v1, v8  }
0x278: {  	v2 =	vld [tilespmem:s0+$0x30];
	v4 =	vadd.f32 v5, v4  }
0x279: {  	p0 =	por !p0, !p0;
	(xrf2) =	vadd.scan.msk.f32 $0xffff, v1;
	v1 =	vld [tilespmem:s0+$0x70];
	s0 =	simm.s32 $0x1  }
0x27a: {  	v18 =	vsub.f32 v61, v45;
	v27 =	vsub.f32 v3, v46;
	s0 =	simm.s32 @!p0 $0x0;
	v59, _, _ =	vpop (xrf2);
	(xrf2) =	vadd.scan.msk.f32 $0xffff, v4;
	v4 =	vld [tilespmem:s1+$0x20]  }
0x27b: {  	v24 =	vsub.f32 v26, v48;
	v35 =	vsub.f32 v41, v54;
	v41 =	vld [tilespmem:$0x1FFF0];
	s0 =	sshll.u32 s0, $0x9;
	v20, _, _ =	vpop (xrf2)  }
0x27c: {  	v17 =	vsub.f32 v30, v28;
	s0 =	sadd.s32 s0, s26;
	(v2sf) =	vpush v20, $0xF;
	v20 =	vld [tilespmem:s1+$0x50]  }
0x27d: {  	v22 =	vsub.f32 v6, v28;
	v21 =	vsub.f32 v36, v51;
	v5 =	vld [tilespmem:s1+$0x0];
	s31 =	sor.u32 $0x440, s0  }
0x27e: {  	s23 =	sadd.s32 $0x4, s23;
	v13 =	vsub.f32 v13, v51;
	v36 =	vsub.f32 v58, v51;
	s2 =	sor.u32 $0x450, s0;
	v6 =	vld [tilespmem:s31+$0x100]  }
0x27f: {  	s18 =	sor.u32 $0x470, s0;
	v49 =	vld [tilespmem:s2+$0x100];
	s2 =	sand.u32 $0x7, s23;
	v58 =	vsub.f32 v4, v45;
	v4 =	vsub.f32 v15, v46  }
0x280: {  	v30 =	vsub.f32 v29, v34;
	[tilespmem:$0x1FBA0] =	vst v13;
	v44 =	vsub.f32 v2, v46;
	v13 =	vld [tilespmem:s18+$0x100];
	s31 =	sor.u32 $0x420, s0;
	s29 =	sshll.u32 s2, $0x7  }
0x281: {  	(v2sf) =	vpush v59, $0xF;
	v2 =	vld [tilespmem:s31+$0x100];
	s29 =	sadd.s32 s26, s29;
	[tilespmem:$0x1FBB0] =	vst v4;
	v4 =	vsub.f32 v20, v40  }
0x282: {  	[tilespmem:$0x1FB90] =	vst v24;
	v24 =	vsub.f32 v16, v28;
	v59 =	vsub.f32 v5, v28;
	v5 =	vld [tilespmem:$0x1FFB0];
	s1 =	sadd.s32 $0x180, s29  }
0x283: {  	v38 =	vsub.f32 v19, v34;
	v28 =	vld [tilespmem:$0x1FFC0];
	s2 =	sor.u32 $0x440, s1;
	[tilespmem:$0x1FBC0] =	vst v4;
	v4 =	vsub.f32 v55, v54  }
0x284: {  	v34 =	vsub.f32 v14, v34;
	v61 =	vsub.f32 v1, v54;
	s18 =	sor.u32 $0x460, s1;
	v3, _, _ =	vpop (xrf2);
	v1 =	vld [tilespmem:s2+$0x100]  }
0x285: {  	s17 =	sor.u32 $0x460, s0;
	v14 =	vld [tilespmem:s18+$0x100];
	(v2sf) =	vpush v3, $0xF;
	[tilespmem:$0x1FBD0] =	vst v4;
	v4 =	vsub.f32 v49, v53  }
0x286: {  	v3 =	vld [tilespmem:s17+$0x100]  }
0x287: {  	v33 =	vsub.f32 v0, v54;
	s17 =	sor.u32 $0x400, s0;
	v0, _, _ =	vpop (xrf2);
	[tilespmem:$0x1FBE0] =	vst v4;
	v4 =	vld [tilespmem:$0x1FFA0]  }
0x288: {  	s30 =	sor.u32 $0x410, s0;
	s0 =	sor.u32 $0x430, s0;
	v16 =	vld [tilespmem:s17+$0x100];
	(v2sf) =	vpush v0, $0xF  }
0x289: {  	s28 =	sadd.s32 $0x2, s28;
	v8 =	vld [tilespmem:s0+$0x100]  }
0x28a: {  	s17 =	sor.u32 $0x450, s1;
	v0 =	vld [tilespmem:s30+$0x100];
	s30 =	sadd.s32 s22, s11;
	s22 =	sand.u32 $0x3, s28  }
0x28b: {  	v23 =	vsub.f32 v31, v45;
	v26 =	vsub.f32 v57, v40;
	s31 =	sor.u32 $0x470, s1;
	v57 =	vld [tilespmem:s17+$0x100];
	s2 =	sshll.u32 s22, $0x8  }
0x28c: {  	v60 =	vsub.f32 v7, v51;
	v7 =	vld [tilespmem:s31+$0x100];
	s2 =	sadd.s32 s26, s2;
	v3 =	vsub.f32 v3, v4  }
0x28d: {  	v29 =	vsub.f32 v25, v40;
	s18 =	sor.u32 $0x400, s1;
	v40 =	vld [tilespmem:$0x1FFE0];
	v1 =	vsub.f32 v1, v62;
	s31 =	sadd.s32 $0x100, s2  }
0x28e: {  	v31 =	vsub.f32 v6, v62;
	v6 =	vld [tilespmem:s18+$0x100];
	s2 =	sor.u32 $0x440, s31;
	s0 =	spop (v2sf);
	[tilespmem:$0x1FBF0] =	vst v3;
	v3 =	vsub.f32 v13, v5  }
0x28f: {  	s22 =	sor.u32 $0x410, s1;
	v54 =	vsub.f32 v8, v41;
	[tilespmem:$0x1FC00] =	vst v1;
	v8 =	vld [tilespmem:s2+$0x100];
	p1 =	slt.f32 s0, s20  }
0x290: {  	s17 =	sadd.s32 $0x104, s30;
	v1 =	vsub.f32 v57, v53;
	s18 =	spop (v2sf);
	[tilespmem:$0x1FC20] =	vst v3;
	v3 =	vld [tilespmem:s22+$0x100];
	s22 =	sor.u32 $0x420, s1  }
0x291: {  	v51 =	vsub.f32 v0, v32;
	s20 =	smov.u32 @p1 s0;
	s21 =	smov.u32 @p1 s17;
	s17 =	sor.u32 $0x450, s31;
	v0 =	vld [tilespmem:s22+$0x100]  }
0x292: {  	[tilespmem:$0x1FC30] =	vst v1;
	p1 =	slt.f32 s18, s20;
	v1 =	vld [tilespmem:s17+$0x100];
	s1 =	sor.u32 $0x430, s1  }
0x293: {  	v49 =	vsub.f32 v2, v40;
	s17 =	sor.u32 $0x460, s31;
	v2 =	vld [tilespmem:s1+$0x100];
	s1 =	sadd.s32 $0x105, s30  }
0x294: {  	v57 =	vmul.f32 v52, v52;
	v52 =	vld [tilespmem:s17+$0x100];
	s2 =	spop (v2sf);
	s20 =	smov.u32 @p1 s18;
	s18 =	sor.u32 $0x400, s31  }
0x295: {  	v42 =	vmul.f32 v50, v50;
	v7 =	vsub.f32 v7, v5;
	s21 =	smov.u32 @p1 s1;
	p1 =	slt.f32 s2, s20;
	v50 =	vld [tilespmem:s18+$0x100];
	s18 =	sor.u32 $0x410, s31  }
0x296: {  	s17 =	sor.u32 $0x470, s31;
	v55 =	vsub.f32 v0, v40;
	v0 =	vld [tilespmem:s18+$0x100]  }
0x297: {  	v43 =	vmul.f32 v47, v47;
	v27 =	vmul.f32 v27, v27;
	[tilespmem:$0x1FC50] =	vst v7;
	s0 =	sadd.s32 $0x106, s30;
	v7 =	vld [tilespmem:s17+$0x100];
	s17 =	spop (v2sf);
	s20 =	smov.u32 @p1 s2  }
0x298: {  	v26 =	vmul.f32 v26, v26;
	v56 =	vmul.f32 v17, v17;
	s21 =	smov.u32 @p1 s0;
	p1 =	slt.f32 s17, s20;
	v2 =	vsub.f32 v2, v41  }
0x299: {  	v19 =	vmul.f32 v30, v30;
	v39 =	vsub.f32 v9, v45;
	v46 =	vsub.f32 v16, v28;
	v16 =	vld [tilespmem:$0x1FBA0];
	s1 =	sadd.s32 $0x80, s29;
	s18 =	sor.u32 $0x420, s31  }
0x29a: {  	v25 =	vsub.f32 v11, v48;
	v37 =	vsub.f32 v37, v48;
	v20 =	vmul.f32 v23, v23;
	s20 =	smov.u32 @p1 s17;
	s17 =	sor.u32 $0x470, s1;
	[tilespmem:$0x1FC10] =	vst v2;
	v2 =	vld [tilespmem:s18+$0x100]  }
0x29b: {  	v23 =	vmul.f32 v33, v33;
	v48 =	vsub.f32 v14, v4;
	s29 =	sor.u32 $0x430, s31;
	v33 =	vsub.f32 v0, v32;
	v0 =	vld [tilespmem:s17+$0x100]  }
0x29c: {  	v11 =	vmul.f32 v35, v35;
	v60 =	vmul.f32 v60, v60;
	v10 =	vsub.f32 v1, v53;
	s2 =	sadd.s32 $0x107, s30;
	s30 =	sor.u32 $0x440, s1;
	v1 =	vld [tilespmem:s29+$0x100]  }
0x29d: {  	[tilespmem:$0x1FC40] =	vst v48;
	v48 =	vmul.f32 v18, v18;
	v13 =	vmul.f32 v63, v63;
	v63 =	vsub.f32 v3, v32;
	v3 =	vld [tilespmem:s30+$0x100];
	s31 =	sor.u32 $0x450, s1  }
0x29e: {  	v12 =	vsub.f32 v8, v62;
	v18 =	vmul.f32 v22, v22;
	v8 =	vsub.f32 v7, v5;
	v7 =	vld [tilespmem:s31+$0x100];
	s18 =	sor.u32 $0x400, s1  }
0x29f: {  	v22 =	vmul.f32 v16, v16;
	v30 =	vsub.f32 v50, v28;
	v16 =	vsub.f32 v2, v40;
	v2 =	vld [tilespmem:s18+$0x100]  }
0x2a0: {  	v50 =	vmul.f32 v59, v59;
	v59 =	vmul.f32 v37, v37;
	v37 =	vsub.f32 v0, v5;
	v0 =	vld [tilespmem:$0x1FBD0]  }
0x2a1: {  	v15 =	vmul.f32 v21, v21;
	v21 =	vmul.f32 v29, v29;
	v45 =	vsub.f32 v6, v28;
	v6 =	vld [tilespmem:$0x1FB90];
	s21 =	smov.u32 @p1 s2;
	s2 =	sor.u32 $0x460, s1  }
0x2a2: {  	v29 =	vmul.f32 v25, v25;
	v47 =	vmul.f32 v61, v61;
	s29 =	sor.u32 $0x410, s1;
	v35 =	vld [tilespmem:s2+$0x100]  }
0x2a3: {  	v31 =	vmul.f32 v31, v31;
	v14 =	vmul.f32 v24, v24;
	v25 =	vsub.f32 v1, v41;
	v1 =	vld [tilespmem:s29+$0x100]  }
0x2a4: {  	v9 =	vsub.f32 v52, v4;
	v52 =	vmul.f32 v34, v34;
	v34 =	vsub.f32 v7, v53;
	v7 =	vld [tilespmem:$0x1FBB0]  }
0x2a5: {  	s30 =	sor.u32 $0x420, s1;
	v17 =	vsub.f32 v3, v62;
	v62 =	vmul.f32 v0, v0;
	v0 =	vsub.f32 v2, v28;
	v2 =	vld [tilespmem:$0x1FBE0]  }
0x2a6: {  	v24 =	vmul.f32 v38, v38;
	v38 =	vmul.f32 v39, v39;
	v3 =	vld [tilespmem:s30+$0x100]  }
0x2a7: {  	v39 =	vmul.f32 v44, v44;
	v44 =	vmul.f32 v36, v36;
	v36 =	vsub.f32 v35, v4;
	v4 =	vld [tilespmem:$0x1FBC0]  }
0x2a8: {  	v43 =	vadd.f32 v11, v43;
	v49 =	vmul.f32 v49, v49;
	v46 =	vmul.f32 v46, v46;
	s31 =	sor.u32 $0x430, s1;
	v5 =	vld [tilespmem:$0x1FC10]  }
0x2a9: {  	v27 =	vadd.f32 v23, v27;
	v53 =	vmul.f32 v58, v58;
	v58 =	vmul.f32 v7, v7;
	v7 =	vld [tilespmem:s31+$0x100]  }
0x2aa: {  	v54 =	vmul.f32 v54, v54;
	s22 =	smov.u32 s25;
	s25 =	sadd.s32 $0x4, s25;
	v1 =	vsub.f32 v1, v32;
	v35 =	vmul.f32 v2, v2;
	v2 =	vld [tilespmem:$0x1FBF0]  }
0x2ab: {  	v51 =	vmul.f32 v51, v51;
	p1 =	slt.u32 s25, $0x7C;
	v3 =	vsub.f32 v3, v40;
	v40 =	vadd.f32 v42, v56  }
.Ltmp2:
0x2ac: {  	v6 =	vmul.f32 v6, v6;
	v23 =	vmovc v9;
	v42 =	vadd.f32 v15, v48;
	v48 =	vadd.f32 v21, v19;
	(pc) =	sbr.rel @p1 .LBB2_6-.Ltmp2, $4  }
0x2ad: {  	v21 =	vmovc v12;
	v56 =	vadd.f32 v26, v24;
	v61 =	vmul.f32 v4, v4;
	v4 =	vmul.f32 v63, v63  }
0x2ae: {  	v26 =	vmovc v16;
	v63 =	vmul.f32 v55, v55;
	v55 =	vadd.f32 v29, v14;
	v28 =	vadd.f32 v22, v20  }
0x2af: {  	v24 =	vmovc v8;
	v5 =	vmul.f32 v5, v5;
	v32 =	vmul.f32 v2, v2;
	v2 =	vsub.f32 v7, v41  }
0x2b0: {  	s26 =	sadd.s32 $0x400, s26;
	v22 =	vmovc v10;
	v20 =	vld [tilespmem:$0x1FC00];
	v41 =	vadd.f32 v13, v57;
	v57 =	vmul.f32 v45, v45;
	v45 =	vadd.f32 v6, v18  }
0x2b1: {  	v6 =	vadd.f32 v44, v38  }
0x2b2: {  	v7 =	vadd.f32 v47, v39;
	v8 =	vmul.f32 v30, v30;
	v9 =	vadd.f32 v59, v50  }
0x2b3: {  	v10 =	vadd.f32 v61, v52;
	v11 =	vmul.f32 v33, v33;
	v12 =	vadd.f32 v60, v53  }
0x2b4: {  	v13 =	vadd.f32 v62, v58;
	v0 =	vmul.f32 v0, v0;
	v15 =	vadd.f32 v63, v42  }
0x2b5: {  	v1 =	vmul.f32 v1, v1;
	v5 =	vadd.f32 v5, v43;
	v14 =	vadd.f32 v57, v40  }
0x2b6: {  	v3 =	vmul.f32 v3, v3;
	v4 =	vadd.f32 v4, v41;
	v8 =	vadd.f32 v8, v45  }
0x2b7: {  	v2 =	vmul.f32 v2, v2;
	v11 =	vadd.f32 v11, v48;
	v0 =	vadd.f32 v0, v55  }
0x2b8: {  	v1 =	vadd.f32 v1, v56;
	v3 =	vadd.f32 v3, v6;
	v6 =	vmul.f32 v34, v34  }
0x2b9: {  	v16 =	vmul.f32 v17, v17;
	v2 =	vadd.f32 v2, v7;
	v7 =	vadd.f32 v46, v9  }
0x2ba: {  	v60 =	vmul.f32 v36, v36;
	v59 =	vadd.f32 v51, v10;
	v1 =	vadd.f32 v6, v1;
	v6 =	vld [tilespmem:$0x1FC20]  }
0x2bb: {  	v61 =	vmul.f32 v37, v37;
	v12 =	vadd.f32 v49, v12;
	v13 =	vadd.f32 v54, v13  }
0x2bc: {  	v63 =	vmul.f32 v26, v26;
	v0 =	vadd.f32 v16, v0;
	v3 =	vadd.f32 v60, v3  }
0x2bd: {  	v17 =	vmul.f32 v23, v23;
	v34 =	vld [tilespmem:$0x1FC40];
	v2 =	vadd.f32 v61, v2;
	v7 =	vadd.f32 v31, v7  }
0x2be: {  	v9 =	vadd.f32 v35, v59;
	v62 =	vmul.f32 v20, v20;
	v16 =	vmul.f32 v22, v22  }
0x2bf: {  	v35 =	vld [tilespmem:$0x1FC50];
	v0 =	vadd.f32 v1, v0;
	v1 =	vadd.f32 v2, v3;
	v6 =	vmul.f32 v6, v6  }
0x2c0: {  	v33 =	vld [tilespmem:$0x1FC30];
	v2 =	vmul.f32 v21, v21;
	v3 =	vadd.f32 v32, v12;
	v7 =	vadd.f32 v9, v7  }
0x2c1: {  	v0 =	vadd.f32 v1, v0;
	v1 =	vmul.f32 v25, v25;
	v6 =	vadd.f32 v6, v13  }
0x2c2: {  	v10 =	vadd.f32 v62, v14;
	v2 =	vadd.f32 v2, v8;
	v8 =	vmul.f32 v34, v34  }
0x2c3: {  	v32 =	vmul.f32 v24, v24;
	v1 =	vadd.f32 v1, v27;
	v3 =	vadd.f32 v6, v3  }
0x2c4: {  	v9 =	vmul.f32 v35, v35;
	v8 =	vadd.f32 v8, v15;
	v6 =	vadd.f32 v63, v28  }
0x2c5: {  	v3 =	vadd.f32 v3, v7;
	v7 =	vadd.f32 v16, v11;
	v11 =	vmul.f32 v33, v33  }
0x2c6: {  	v1 =	vadd.f32 v32, v1;
	v6 =	vadd.f32 v17, v6  }
0x2c7: {  	v5 =	vadd.f32 v9, v5;
	v4 =	vadd.f32 v11, v4  }
0x2c8: {  	v2 =	vadd.f32 v7, v2;
	v1 =	vadd.f32 v1, v6  }
0x2c9: {  	(xrf2) =	vadd.scan.msk.f32 $0xffff, v0;
	v0 =	vadd.f32 v4, v10;
	v4 =	vadd.f32 v5, v8  }
0x2ca: {  	(xrf2) =	vadd.scan.msk.f32 $0xffff, v3;
	v1 =	vadd.f32 v1, v2  }
0x2cb: {  	v0 =	vadd.f32 v4, v0  }
0x2cc: {  	(xrf2) =	vadd.scan.msk.f32 $0xffff, v1  }
0x2cd: {  	(xrf2) =	vadd.scan.msk.f32 $0xffff, v0;
	_ =	sdelay $0x5  }
0x2ce: {  	v0, _, _ =	vpop (xrf2)  }
0x2cf: {  	v1, _, _ =	vpop (xrf2)  }
0x2d0: {  	(v2sf) =	vpush v1, $0xF  }
0x2d1: {  	(v2sf) =	vpush v0, $0xF;
	v0, _, _ =	vpop (xrf2)  }
0x2d2: {  	(v2sf) =	vpush v0, $0xF;
	v0, _, _ =	vpop (xrf2)  }
0x2d3: {  	(v2sf) =	vpush v0, $0xF;
	_ =	sdelay $0xb  }
0x2d4: {  	s29 =	spop (v2sf)  }
0x2d5: {  	s28 =	spop (v2sf)  }
0x2d6: {  	s26 =	spop (v2sf)  }
0x2d7: {  	s25 =	spop (v2sf)  }
0x2d8: {  	_ =	swait.ge [sflag:s16], $0x8000  }
0x2d9: {  	v63 =	vld [tilespmem:$0x1FEA0]  }
0x2da: {  	v41 =	vld [tilespmem:$0x1FEB0]  }
0x2db: {  	v48 =	vld [tilespmem:$0x1FEC0]  }
0x2dc: {  	v50 =	vld [tilespmem:$0x1FED0]  }
0x2dd: {  	v52 =	vld [tilespmem:$0x1FEE0]  }
0x2de: {  	v56 =	vld [tilespmem:$0x1FEF0]  }
0x2df: {  	s23 =	simm.s32 $0x0;
	v57 =	vld [tilespmem:$0x1FF00]  }
0x2e0: {  	s24 =	simm.s32 $0x180;
	s0 =	sand.u32 $0x7800, s23;
	v58 =	vld [tilespmem:$0x1FF10]  }
0x2e1: {  	s1 =	sand.u32 $0x380, s24;
	s0 =	sor.u32 $0x8100, s0;
	[sflag:s16] =	ssyncset.done $0x0;
	v54 =	vld [tilespmem:$0x1FFA0]  }
0x2e2: {  	s1 =	sadd.s32 s1, s0;
	v49 =	vld [tilespmem:$0x1FFB0];
	[sflag:s16] =	ssyncadd.s32 $0xFFFF8000  }
0x2e3: {  	v0 =	vld [tilespmem:s1+$0x0]  }
0x2e4: {  	v1 =	vld [tilespmem:s1+$0x10]  }
0x2e5: {  	v2 =	vld [tilespmem:s1+$0x20]  }
0x2e6: {  	v3 =	vld [tilespmem:s1+$0x30]  }
0x2e7: {  	v4 =	vld [tilespmem:s1+$0x40]  }
0x2e8: {  	s2 =	simm.s32 $0x100;
	v5 =	vld [tilespmem:s1+$0x50]  }
0x2e9: {  	s2 =	sand.u32 $0x300, s2;
	v6 =	vld [tilespmem:s1+$0x60]  }
0x2ea: {  	s2 =	sadd.s32 s2, s0;
	v7 =	vld [tilespmem:s1+$0x70]  }
0x2eb: {  	v36 =	vld [tilespmem:s2+$0x0]  }
0x2ec: {  	v37 =	vld [tilespmem:s2+$0x10]  }
0x2ed: {  	v38 =	vld [tilespmem:s2+$0x20]  }
0x2ee: {  	v44 =	vld [tilespmem:s2+$0x30]  }
0x2ef: {  	v45 =	vld [tilespmem:s2+$0x40]  }
0x2f0: {  	s31 =	simm.s32 $0x80;
	v46 =	vld [tilespmem:s2+$0x50]  }
0x2f1: {  	s1 =	sand.u32 $0x280, s31;
	v47 =	vld [tilespmem:s2+$0x60]  }
0x2f2: {  	v60 =	vld [tilespmem:s2+$0x70];
	s1 =	sor.u32 s1, s0  }
0x2f3: {  	v61 =	vld [tilespmem:s1+$0x0]  }
0x2f4: {  	v62 =	vld [tilespmem:s1+$0x10]  }
0x2f5: {  	v18 =	vld [tilespmem:s1+$0x20]  }
0x2f6: {  	v19 =	vld [tilespmem:s1+$0x30]  }
0x2f7: {  	v20 =	vld [tilespmem:s1+$0x40]  }
0x2f8: {  	s17 =	simm.s32 $0x0;
	v21 =	vld [tilespmem:s1+$0x50]  }
0x2f9: {  	s2 =	sand.u32 $0x200, s17;
	v22 =	vld [tilespmem:s1+$0x60]  }
0x2fa: {  	s0 =	sor.u32 s2, s0;
	v23 =	vld [tilespmem:s1+$0x70]  }
0x2fb: {  	v24 =	vld [tilespmem:s0+$0x0]  }
0x2fc: {  	v25 =	vld [tilespmem:s0+$0x10]  }
0x2fd: {  	v26 =	vld [tilespmem:s0+$0x20]  }
0x2fe: {  	p0 =	por $0x0, $0x0;
	v27 =	vld [tilespmem:s0+$0x30];
	s1 =	simm.s32 $0x1  }
0x2ff: {  	v28 =	vld [tilespmem:s0+$0x40];
	s1 =	simm.s32 @!p0 $0x0  }
0x300: {  	v29 =	vld [tilespmem:s0+$0x50];
	s1 =	sshll.u32 s1, $0x9  }
0x301: {  	v30 =	vld [tilespmem:s0+$0x60];
	s1 =	sadd.s32 $0x0, s1  }
0x302: {  	v31 =	vld [tilespmem:s0+$0x70];
	s18 =	sor.u32 $0x440, s1  }
0x303: {  	s30 =	sor.u32 $0x450, s1;
	v32 =	vld [tilespmem:s18+$0x8100]  }
0x304: {  	v2 =	vsub.f32 v2, v48;
	s31 =	sor.u32 $0x460, s1;
	v33 =	vld [tilespmem:s30+$0x8100]  }
0x305: {  	v7 =	vsub.f32 v7, v58;
	v9 =	vsub.f32 v37, v41;
	s2 =	sor.u32 $0x470, s1;
	v34 =	vld [tilespmem:s31+$0x8100]  }
0x306: {  	v10 =	vsub.f32 v38, v48;
	v43 =	vsub.f32 v47, v57;
	s17 =	sor.u32 $0x400, s1;
	v35 =	vld [tilespmem:s2+$0x8100]  }
0x307: {  	v15 =	vsub.f32 v60, v58;
	v16 =	vld [tilespmem:s17+$0x8100];
	v37 =	vsub.f32 v62, v41  }
0x308: {  	v38 =	vsub.f32 v18, v48;
	v53 =	vsub.f32 v26, v48;
	v48 =	vld [tilespmem:$0x1FF80]  }
0x309: {  	s18 =	sand.u32 $0x7, s23;
	v47 =	vsub.f32 v23, v58;
	v62 =	vsub.f32 v31, v58;
	v58 =	vld [tilespmem:$0x1FF90]  }
0x30a: {  	s31 =	sor.u32 $0x410, s1;
	v39 =	vsub.f32 v19, v50;
	v19 =	vld [tilespmem:$0x1FFC0];
	s30 =	sshll.u32 s18, $0x7  }
0x30b: {  	s2 =	sor.u32 $0x420, s1;
	v17 =	vld [tilespmem:s31+$0x8100];
	s30 =	sadd.s32 $0x0, s30  }
0x30c: {  	s17 =	sor.u32 $0x430, s1;
	v18 =	vld [tilespmem:s2+$0x8100];
	s1 =	sadd.s32 $0x180, s30  }
0x30d: {  	v11 =	vsub.f32 v44, v50;
	v44 =	vsub.f32 v20, v52;
	v20 =	vld [tilespmem:s17+$0x8100];
	s18 =	sor.u32 $0x440, s1  }
0x30e: {  	v12 =	vsub.f32 v45, v52;
	v45 =	vsub.f32 v21, v56;
	s31 =	sor.u32 $0x450, s1;
	v21 =	vld [tilespmem:s18+$0x8100]  }
0x30f: {  	v42 =	vsub.f32 v46, v56;
	v46 =	vsub.f32 v22, v57;
	s2 =	sor.u32 $0x460, s1;
	v22 =	vld [tilespmem:s31+$0x8100]  }
0x310: {  	v0 =	vsub.f32 v0, v63;
	v8 =	vsub.f32 v36, v63;
	s17 =	sor.u32 $0x470, s1;
	v23 =	vld [tilespmem:s2+$0x8100]  }
0x311: {  	v36 =	vsub.f32 v61, v63;
	v61 =	vsub.f32 v24, v63;
	v24 =	vld [tilespmem:s17+$0x8100]  }
0x312: {  	s31 =	sor.u32 $0x400, s1;
	v31 =	vsub.f32 v32, v48;
	v32 =	vsub.f32 v16, v19;
	v16 =	vld [tilespmem:$0x1FFD0]  }
0x313: {  	v1 =	vsub.f32 v1, v41;
	v51 =	vsub.f32 v25, v41;
	s18 =	sand.u32 $0x3, s23;
	s17 =	sor.u32 $0x410, s1;
	v25 =	vld [tilespmem:s31+$0x8100]  }
0x314: {  	v3 =	vsub.f32 v3, v50;
	v4 =	vsub.f32 v4, v52;
	s2 =	sshll.u32 s18, $0x8;
	v26 =	vld [tilespmem:s17+$0x8100];
	s18 =	sor.u32 $0x420, s1  }
0x315: {  	v5 =	vsub.f32 v5, v56;
	v59 =	vsub.f32 v27, v50;
	s1 =	sor.u32 $0x430, s1;
	s2 =	sadd.s32 $0x0, s2;
	v27 =	vld [tilespmem:s18+$0x8100]  }
0x316: {  	v6 =	vsub.f32 v6, v57;
	v55 =	vsub.f32 v28, v52;
	v28 =	vld [tilespmem:s1+$0x8100];
	s0 =	sadd.s32 $0x100, s2  }
0x317: {  	v56 =	vsub.f32 v29, v56;
	s31 =	sor.u32 $0x440, s0;
	v41 =	vsub.f32 v17, v16;
	v17 =	vld [tilespmem:$0x1FFE0]  }
0x318: {  	v60 =	vsub.f32 v30, v57;
	v0 =	vmul.f32 v0, v0;
	v1 =	vmul.f32 v1, v1;
	s2 =	sor.u32 $0x450, s0;
	v29 =	vld [tilespmem:s31+$0x8100]  }
0x319: {  	v2 =	vmul.f32 v2, v2;
	v3 =	vmul.f32 v3, v3;
	s17 =	sor.u32 $0x460, s0;
	v57 =	vsub.f32 v22, v58;
	v22 =	vld [tilespmem:s2+$0x8100]  }
0x31a: {  	v4 =	vmul.f32 v4, v4;
	v5 =	vmul.f32 v5, v5;
	s18 =	sor.u32 $0x470, s0;
	v63 =	vsub.f32 v24, v49;
	v24 =	vld [tilespmem:s17+$0x8100]  }
0x31b: {  	v6 =	vmul.f32 v6, v6;
	v7 =	vmul.f32 v7, v7;
	s1 =	sadd.s32 $0x80, s30;
	s31 =	sor.u32 $0x400, s0;
	[tilespmem:$0x1FB10] =	vst v57;
	v57 =	vsub.f32 v25, v19;
	v25 =	vld [tilespmem:s18+$0x8100]  }
0x31c: {  	v8 =	vmul.f32 v8, v8;
	v40 =	vsub.f32 v35, v49;
	s2 =	sor.u32 $0x410, s0;
	s17 =	sor.u32 $0x420, s0;
	s0 =	sor.u32 $0x430, s0;
	v50 =	vsub.f32 v18, v17;
	v18 =	vld [tilespmem:$0x1FFF0]  }
0x31d: {  	v9 =	vmul.f32 v9, v9;
	v34 =	vsub.f32 v34, v54;
	[tilespmem:$0x1FB60] =	vst v41;
	v41 =	vadd.f32 v5, v1;
	v1 =	vld [tilespmem:s0+$0x8100];
	s18 =	sor.u32 $0x440, s1  }
0x31e: {  	[tilespmem:$0x1FB00] =	vst v40;
	v5 =	vmul.f32 v42, v42;
	v42 =	vadd.f32 v6, v2;
	v2 =	vld [tilespmem:s18+$0x8100];
	v22 =	vsub.f32 v22, v58  }
0x31f: {  	v10 =	vmul.f32 v10, v10;
	v40 =	vadd.f32 v4, v0;
	v14 =	vsub.f32 v26, v16;
	v26 =	vld [tilespmem:s31+$0x8100];
	[tilespmem:$0x1FB20] =	vst v63  }
0x320: {  	v11 =	vmul.f32 v11, v11;
	v0 =	vld [tilespmem:s17+$0x8100];
	v63 =	vsub.f32 v27, v17;
	[tilespmem:$0x1FB30] =	vst v22;
	v22 =	vsub.f32 v24, v54  }
0x321: {  	v38 =	vmul.f32 v38, v38;
	s31 =	sor.u32 $0x460, s1;
	v27 =	vld [tilespmem:s2+$0x8100];
	v24 =	vsub.f32 v25, v49;
	v52 =	vsub.f32 v20, v18  }
0x322: {  	v39 =	vmul.f32 v39, v39;
	s2 =	sor.u32 $0x470, s1;
	v20 =	vsub.f32 v21, v48;
	v25 =	vsub.f32 v1, v18;
	v1 =	vld [tilespmem:s31+$0x8100]  }
0x323: {  	v47 =	vmul.f32 v47, v47;
	s30 =	sor.u32 $0x450, s1;
	v21 =	vsub.f32 v29, v48;
	v29 =	vsub.f32 v2, v48;
	v2 =	vld [tilespmem:s2+$0x8100]  }
0x324: {  	v4 =	vmul.f32 v12, v12;
	v6 =	vmul.f32 v43, v43;
	v43 =	vadd.f32 v7, v3;
	v3 =	vld [tilespmem:s30+$0x8100]  }
0x325: {  	v53 =	vmul.f32 v53, v53;
	v33 =	vsub.f32 v33, v58;
	v35 =	vmul.f32 v37, v37;
	s17 =	sor.u32 $0x400, s1  }
0x326: {  	[tilespmem:$0x1FB50] =	vst v34;
	v12 =	vmul.f32 v15, v15;
	v7 =	vmul.f32 v45, v45;
	v45 =	vadd.f32 v4, v8;
	v4 =	vld [tilespmem:s17+$0x8100]  }
0x327: {  	p1 =	slt.f32 s29, s20;
	v15 =	vmul.f32 v36, v36;
	v30 =	vsub.f32 v26, v19;
	[tilespmem:$0x1FB70] =	vst v50;
	v36 =	vsub.f32 v1, v54;
	v1 =	vld [tilespmem:$0x1FB50]  }
0x328: {  	s18 =	sor.u32 $0x410, s1;
	v26 =	vsub.f32 v0, v17;
	v0 =	vmul.f32 v44, v44;
	v37 =	vsub.f32 v2, v49;
	v2 =	vld [tilespmem:$0x1FB70]  }
0x329: {  	s20 =	smov.u32 @p1 s29;
	v60 =	vmul.f32 v60, v60;
	v62 =	vmul.f32 v62, v62;
	[tilespmem:$0x1FB40] =	vst v33;
	v34 =	vsub.f32 v3, v58;
	v3 =	vld [tilespmem:s18+$0x8100]  }
0x32a: {  	p2 =	slt.f32 s28, s20;
	s29 =	sor.u32 $0x420, s1;
	v58 =	vmul.f32 v59, v59;
	v59 =	vmul.f32 v55, v55;
	v55 =	vadd.f32 v0, v15;
	v0 =	vld [tilespmem:$0x1FB40]  }
0x32b: {  	v31 =	vmul.f32 v31, v31;
	v44 =	vmul.f32 v46, v46;
	v48 =	vadd.f32 v5, v9;
	v5 =	vld [tilespmem:s29+$0x8100]  }
0x32c: {  	s20 =	smov.u32 @p2 s28;
	v46 =	vmul.f32 v32, v32;
	[tilespmem:$0x1FB80] =	vst v52;
	v32 =	vmul.f32 v1, v1;
	v1 =	vld [tilespmem:$0x1FB60]  }
0x32d: {  	p3 =	slt.f32 s26, s20;
	v23 =	vsub.f32 v23, v54;
	v57 =	vmul.f32 v57, v57;
	s31 =	sor.u32 $0x430, s1;
	v49 =	vmul.f32 v2, v2;
	v2 =	vld [tilespmem:$0x1FB80]  }
0x32e: {  	s30 =	sadd.s32 s22, s11;
	v50 =	vmul.f32 v61, v61;
	v13 =	vsub.f32 v28, v18;
	v28 =	vadd.f32 v6, v10;
	v6 =	vld [tilespmem:s31+$0x8100]  }
0x32f: {  	s28 =	simm.s32 $0x0;
	s20 =	smov.u32 @p3 s26;
	v61 =	vmul.f32 v56, v56;
	v56 =	vadd.f32 v7, v35;
	v63 =	vmul.f32 v63, v63;
	s1 =	sadd.s32 $0x104, s30  }
0x330: {  	s26 =	simm.s32 $0x400;
	s0 =	sadd.s32 $0x105, s30;
	v33 =	vsub.f32 v27, v16;
	v27 =	vadd.f32 v12, v11;
	s21 =	smov.u32 @p1 s1;
	v52 =	vmul.f32 v51, v51  }
0x331: {  	p1 =	slt.f32 s25, s20;
	s21 =	smov.u32 @p2 s0;
	s0 =	sadd.s32 $0x106, s30;
	v35 =	vmul.f32 v0, v0;
	v0 =	vsub.f32 v4, v19;
	v4 =	vmul.f32 v14, v14  }
0x332: {  	s22 =	simm.s32 $0xFFFFFFFC;
	s21 =	smov.u32 @p3 s0;
	s0 =	sadd.s32 $0x107, s30;
	v51 =	vmul.f32 v1, v1;
	v1 =	vsub.f32 v3, v16;
	v54 =	vmul.f32 v2, v2  }
0x333: {  	s20 =	smov.u32 @p1 s25;
	s25 =	simm.s32 $0x0;
	s21 =	smov.u32 @p1 s0;
	v3 =	vsub.f32 v5, v17;
	v2 =	vsub.f32 v6, v18;
	v5 =	vmul.f32 v13, v13  }
.LBB2_8:
0x334: {  	v16 =	vld [tilespmem:$0x1FB00]  }
0x335: {  	v0 =	vmul.f32 v0, v0;
	v12 =	vadd.f32 v60, v53;
	v53 =	vld [tilespmem:$0x1FB10]  }
0x336: {  	v8 =	vmul.f32 v30, v30;
	v14 =	vadd.f32 v57, v40;
	v40 =	vld [tilespmem:$0x1FFE0]  }
0x337: {  	s0 =	sand.u32 $0x7800, s26;
	s24 =	sadd.s32 $0x200, s24;
	v9 =	vadd.f32 v59, v50;
	v0 =	vadd.f32 v0, v55;
	v55 =	vld [tilespmem:$0x1FB20]  }
0x338: {  	s29 =	sor.u32 $0x8100, s0;
	s17 =	sand.u32 $0x380, s24;
	v8 =	vadd.f32 v8, v45;
	v45 =	vld [tilespmem:$0x1FEC0]  }
0x339: {  	s0 =	sadd.s32 s17, s29;
	v9 =	vadd.f32 v46, v9;
	v46 =	vld [tilespmem:$0x1FED0]  }
0x33a: {  	v30 =	vld [tilespmem:s0+$0x0]  }
0x33b: {  	v15 =	vld [tilespmem:s0+$0x10]  }
0x33c: {  	v10 =	vadd.f32 v61, v52;
	v61 =	vld [tilespmem:s0+$0x20]  }
0x33d: {  	v7 =	vadd.f32 v47, v39;
	v13 =	vadd.f32 v62, v58;
	v2 =	vmul.f32 v2, v2;
	v62 =	vld [tilespmem:s0+$0x30]  }
0x33e: {  	v11 =	vmul.f32 v33, v33;
	v60 =	vadd.f32 v63, v42;
	v63 =	vld [tilespmem:s0+$0x40]  }
0x33f: {  	v2 =	vadd.f32 v2, v7;
	v7 =	vld [tilespmem:s0+$0x50]  }
0x340: {  	v11 =	vadd.f32 v11, v48;
	v48 =	vmul.f32 v36, v36;
	v36 =	vld [tilespmem:s0+$0x60]  }
0x341: {  	v6 =	vadd.f32 v44, v38;
	v4 =	vadd.f32 v4, v41;
	v3 =	vmul.f32 v3, v3;
	s1 =	sadd.s32 $0xFFFFFF80, s24;
	v41 =	vld [tilespmem:s0+$0x70]  }
0x342: {  	v29 =	vmul.f32 v29, v29;
	v1 =	vmul.f32 v1, v1;
	s1 =	sand.u32 $0x300, s1;
	v12 =	vadd.f32 v49, v12;
	v49 =	vld [tilespmem:$0x1FB30]  }
0x343: {  	v3 =	vadd.f32 v3, v6;
	v6 =	vmul.f32 v34, v34;
	s1 =	sadd.s32 s1, s29;
	v34 =	vld [tilespmem:$0x1FEB0]  }
0x344: {  	s18 =	sadd.s32 $0xFFFFFF00, s24;
	v1 =	vadd.f32 v1, v56;
	v0 =	vadd.f32 v29, v0;
	v29 =	vld [tilespmem:s1+$0x10]  }
0x345: {  	s0 =	sand.u32 $0x280, s18;
	v9 =	vadd.f32 v31, v9;
	v31 =	vld [tilespmem:s1+$0x20]  }
0x346: {  	s0 =	sor.u32 s0, s29;
	v1 =	vadd.f32 v6, v1;
	v6 =	vld [tilespmem:s1+$0x0]  }
0x347: {  	v19 =	vmul.f32 v16, v16;
	v16 =	vld [tilespmem:s0+$0x0]  }
0x348: {  	v57 =	vld [tilespmem:s0+$0x50]  }
0x349: {  	v37 =	vmul.f32 v37, v37;
	v58 =	vld [tilespmem:s0+$0x60]  }
0x34a: {  	v13 =	vadd.f32 v54, v13;
	v54 =	vmul.f32 v23, v23;
	v3 =	vadd.f32 v48, v3;
	v48 =	vld [tilespmem:$0x1FEE0]  }
0x34b: {  	v2 =	vadd.f32 v37, v2;
	v12 =	vadd.f32 v32, v12;
	v32 =	vld [tilespmem:$0x1FFD0]  }
0x34c: {  	v56 =	vadd.f32 v54, v60;
	v54 =	vld [tilespmem:$0x1FF10]  }
0x34d: {  	v0 =	vadd.f32 v1, v0;
	v1 =	vadd.f32 v2, v3;
	v3 =	vld [tilespmem:s1+$0x30]  }
0x34e: {  	v10 =	vadd.f32 v51, v10;
	v2 =	vmul.f32 v26, v26;
	v26 =	vld [tilespmem:s1+$0x40]  }
0x34f: {  	v21 =	vmul.f32 v21, v21;
	v13 =	vadd.f32 v19, v13;
	v47 =	vsub.f32 v62, v46;
	v62 =	vld [tilespmem:$0x1FEF0]  }
0x350: {  	v0 =	vadd.f32 v1, v0;
	v1 =	vadd.f32 v2, v28;
	v2 =	vmul.f32 v25, v25;
	v25 =	vld [tilespmem:s1+$0x50]  }
0x351: {  	v5 =	vadd.f32 v5, v43;
	v51 =	vmul.f32 v22, v22;
	v50 =	vadd.f32 v13, v12;
	v13 =	vld [tilespmem:s1+$0x60]  }
0x352: {  	v8 =	vadd.f32 v21, v8;
	v10 =	vadd.f32 v35, v10;
	v19 =	vmul.f32 v49, v49;
	v28 =	vld [tilespmem:$0x1FEA0]  }
0x353: {  	v21 =	vmul.f32 v24, v24;
	v22 =	vsub.f32 v31, v45;
	v31 =	vld [tilespmem:$0x1FFC0];
	v2 =	vadd.f32 v2, v27  }
0x354: {  	v9 =	vadd.f32 v10, v9;
	v52 =	vadd.f32 v19, v11;
	v11 =	vmul.f32 v53, v53;
	v19 =	vld [tilespmem:s0+$0x10];
	(xrf2) =	vadd.scan.msk.f32 $0xffff, v0  }
0x355: {  	v20 =	vmul.f32 v20, v20;
	v0 =	vld [tilespmem:s1+$0x70];
	v1 =	vadd.f32 v51, v1;
	v2 =	vadd.f32 v21, v2  }
0x356: {  	v9 =	vadd.f32 v50, v9;
	v51 =	vld [tilespmem:$0x1FF00];
	v4 =	vadd.f32 v11, v4;
	v11 =	vmul.f32 v55, v55  }
0x357: {  	v50 =	vld [tilespmem:$0x1FF80];
	v8 =	vadd.f32 v52, v8;
	v1 =	vadd.f32 v2, v1  }
0x358: {  	v14 =	vadd.f32 v20, v14;
	(xrf2) =	vadd.scan.msk.f32 $0xffff, v9;
	v9 =	vld [tilespmem:s0+$0x20];
	v5 =	vadd.f32 v11, v5  }
0x359: {  	v11 =	vld [tilespmem:s0+$0x40];
	v1 =	vadd.f32 v1, v8  }
0x35a: {  	s30 =	sadd.s32 $0xFFFFFE80, s24;
	v4 =	vadd.f32 v4, v14;
	v2 =	vld [tilespmem:s0+$0x30];
	v5 =	vadd.f32 v5, v56  }
0x35b: {  	p0 =	por !p0, !p0;
	s1 =	sand.u32 $0x200, s30;
	(xrf2) =	vadd.scan.msk.f32 $0xffff, v1;
	v1 =	vld [tilespmem:s0+$0x70];
	s0 =	simm.s32 $0x1  }
0x35c: {  	v35 =	vsub.f32 v41, v54;
	v41 =	vld [tilespmem:$0x1FFF0];
	s1 =	sor.u32 s1, s29;
	v4 =	vadd.f32 v5, v4;
	s0 =	simm.s32 @!p0 $0x0  }
0x35d: {  	v52 =	vsub.f32 v15, v34;
	v15 =	vld [tilespmem:s1+$0x30];
	s0 =	sshll.u32 s0, $0x9  }
0x35e: {  	v59, _, _ =	vpop (xrf2);
	(xrf2) =	vadd.scan.msk.f32 $0xffff, v4;
	v4 =	vld [tilespmem:s1+$0x20];
	s0 =	sadd.s32 s0, s26  }
0x35f: {  	v37 =	vld [tilespmem:s1+$0x40];
	s31 =	sor.u32 $0x440, s0  }
0x360: {  	v23 =	vsub.f32 v6, v28;
	v6 =	vld [tilespmem:s31+$0x8100]  }
0x361: {  	v53 =	vsub.f32 v7, v62;
	v7 =	vld [tilespmem:s1+$0x60]  }
0x362: {  	v12 =	vld [tilespmem:s1+$0x70];
	v20, _, _ =	vpop (xrf2)  }
0x363: {  	v14 =	vld [tilespmem:s1+$0x10];
	(v2sf) =	vpush v20, $0xF;
	v4 =	vsub.f32 v4, v45  }
0x364: {  	s23 =	sadd.s32 $0x4, s23;
	v5 =	vld [tilespmem:s1+$0x0];
	s2 =	sor.u32 $0x450, s0  }
0x365: {  	v49 =	vld [tilespmem:s2+$0x8100];
	s2 =	sand.u32 $0x7, s23;
	[tilespmem:$0x1FAA0] =	vst v4;
	v4 =	vsub.f32 v6, v50  }
0x366: {  	v13 =	vsub.f32 v13, v51;
	v20 =	vld [tilespmem:s1+$0x50];
	s29 =	sshll.u32 s2, $0x7  }
0x367: {  	v27 =	vsub.f32 v3, v46;
	v17 =	vsub.f32 v30, v28;
	s18 =	sor.u32 $0x470, s0;
	s29 =	sadd.s32 s26, s29;
	[tilespmem:$0x1FAB0] =	vst v4;
	v4 =	vld [tilespmem:$0x1FF90]  }
0x368: {  	v30 =	vsub.f32 v29, v34;
	v16 =	vsub.f32 v16, v28;
	[tilespmem:$0x1FA80] =	vst v13;
	v13 =	vld [tilespmem:s18+$0x8100];
	s31 =	sor.u32 $0x420, s0;
	s1 =	sadd.s32 $0x180, s29  }
0x369: {  	v44 =	vsub.f32 v2, v46;
	(v2sf) =	vpush v59, $0xF;
	v2 =	vld [tilespmem:s31+$0x8100];
	s2 =	sor.u32 $0x440, s1  }
0x36a: {  	v21 =	vsub.f32 v36, v51;
	v29 =	vsub.f32 v1, v54;
	v3, _, _ =	vpop (xrf2);
	v1 =	vld [tilespmem:s2+$0x8100]  }
0x36b: {  	v36 =	vsub.f32 v58, v51;
	s17 =	sor.u32 $0x460, s0;
	v6 =	vld [tilespmem:$0x1FFB0];
	(v2sf) =	vpush v3, $0xF  }
0x36c: {  	[tilespmem:$0x1FA70] =	vst v22;
	v58 =	vsub.f32 v5, v28;
	v3 =	vld [tilespmem:s17+$0x8100];
	s17 =	sor.u32 $0x400, s0;
	v5 =	vsub.f32 v49, v4  }
0x36d: {  	[tilespmem:$0x1FA90] =	vst v16;
	v16 =	vld [tilespmem:s17+$0x8100]  }
0x36e: {  	v22 =	vsub.f32 v25, v62;
	v33 =	vsub.f32 v0, v54;
	v0, _, _ =	vpop (xrf2);
	s17 =	sor.u32 $0x450, s1;
	[tilespmem:$0x1FAC0] =	vst v5;
	v5 =	vld [tilespmem:$0x1FFA0]  }
0x36f: {  	s28 =	sadd.s32 $0x2, s28;
	v25 =	vsub.f32 v57, v62;
	s30 =	sor.u32 $0x410, s0;
	(v2sf) =	vpush v0, $0xF;
	v57 =	vld [tilespmem:s17+$0x8100]  }
0x370: {  	s18 =	sor.u32 $0x460, s1;
	v0 =	vld [tilespmem:s30+$0x8100];
	s30 =	sadd.s32 s22, s11;
	s22 =	sand.u32 $0x3, s28  }
0x371: {  	v10 =	vld [tilespmem:s18+$0x8100];
	s0 =	sor.u32 $0x430, s0;
	s2 =	sshll.u32 s22, $0x8  }
0x372: {  	v38 =	vsub.f32 v19, v34;
	s31 =	sor.u32 $0x470, s1;
	v55 =	vld [tilespmem:s0+$0x8100];
	s2 =	sadd.s32 s26, s2;
	v1 =	vsub.f32 v1, v50;
	s0 =	spop (v2sf)  }
0x373: {  	v60 =	vsub.f32 v7, v51;
	s18 =	sor.u32 $0x400, s1;
	v7 =	vld [tilespmem:s31+$0x8100];
	s31 =	sadd.s32 $0x100, s2;
	p1 =	slt.f32 s0, s20;
	v3 =	vsub.f32 v3, v5  }
0x374: {  	v34 =	vsub.f32 v14, v34;
	v14 =	vld [tilespmem:s18+$0x8100];
	s17 =	sadd.s32 $0x184, s30;
	s2 =	sor.u32 $0x440, s31;
	[tilespmem:$0x1FAE0] =	vst v1;
	v1 =	vsub.f32 v57, v4  }
0x375: {  	v8 =	vld [tilespmem:s2+$0x8100];
	s21 =	smov.u32 @p1 s17;
	s17 =	sor.u32 $0x450, s31;
	[tilespmem:$0x1FAD0] =	vst v3;
	v3 =	vsub.f32 v13, v6  }
0x376: {  	s22 =	sor.u32 $0x410, s1;
	[tilespmem:$0x1FB10] =	vst v1;
	v1 =	vld [tilespmem:s17+$0x8100]  }
0x377: {  	[tilespmem:$0x1FB00] =	vst v3;
	v3 =	vld [tilespmem:s22+$0x8100];
	s22 =	sor.u32 $0x420, s1  }
0x378: {  	v51 =	vsub.f32 v0, v32;
	s18 =	spop (v2sf);
	s20 =	smov.u32 @p1 s0;
	s1 =	sor.u32 $0x430, s1;
	v0 =	vld [tilespmem:s22+$0x8100]  }
0x379: {  	v7 =	vsub.f32 v7, v6;
	v49 =	vsub.f32 v2, v40;
	p1 =	slt.f32 s18, s20;
	s17 =	sor.u32 $0x460, s31;
	v2 =	vld [tilespmem:s1+$0x8100]  }
0x37a: {  	v28 =	vld [tilespmem:s17+$0x8100];
	s17 =	sor.u32 $0x470, s31;
	s2 =	spop (v2sf)  }
0x37b: {  	v18 =	vsub.f32 v61, v45;
	[tilespmem:$0x1FB20] =	vst v7;
	s20 =	smov.u32 @p1 s18;
	s18 =	sor.u32 $0x400, s31;
	v7 =	vld [tilespmem:s17+$0x8100];
	s1 =	sadd.s32 $0x185, s30  }
0x37c: {  	v43 =	vmul.f32 v47, v47;
	v61 =	vsub.f32 v20, v62;
	v62 =	vsub.f32 v12, v54;
	v47 =	vld [tilespmem:s18+$0x8100];
	s18 =	sor.u32 $0x410, s31;
	s21 =	smov.u32 @p1 s1;
	p1 =	slt.f32 s2, s20  }
0x37d: {  	v54 =	vsub.f32 v55, v41;
	v55 =	vsub.f32 v0, v40;
	v0 =	vld [tilespmem:s18+$0x8100];
	s18 =	sor.u32 $0x420, s31  }
0x37e: {  	v63 =	vsub.f32 v63, v48;
	v57 =	vmul.f32 v17, v17;
	s0 =	sadd.s32 $0x186, s30;
	s17 =	spop (v2sf);
	s20 =	smov.u32 @p1 s2;
	v17 =	vsub.f32 v2, v41;
	v2 =	vld [tilespmem:s18+$0x8100]  }
0x37f: {  	v26 =	vsub.f32 v26, v48;
	v24 =	vsub.f32 v11, v48;
	s1 =	sadd.s32 $0x80, s29;
	s21 =	smov.u32 @p1 s0;
	p1 =	slt.f32 s17, s20  }
0x380: {  	v59 =	vsub.f32 v15, v46;
	v46 =	vsub.f32 v16, v31;
	s2 =	sadd.s32 $0x187, s30;
	s30 =	sor.u32 $0x440, s1  }
0x381: {  	v16 =	vmul.f32 v63, v63;
	v11 =	vsub.f32 v28, v5;
	v63 =	vsub.f32 v3, v32;
	v3 =	vld [tilespmem:s30+$0x8100];
	s20 =	smov.u32 @p1 s17;
	s17 =	sor.u32 $0x470, s1  }
0x382: {  	v28 =	vmul.f32 v22, v22;
	v22 =	vmul.f32 v33, v33;
	s18 =	sor.u32 $0x400, s1;
	v33 =	vsub.f32 v0, v32;
	v0 =	vld [tilespmem:s17+$0x8100]  }
0x383: {  	v39 =	vsub.f32 v9, v45;
	v9 =	vmul.f32 v26, v26;
	v26 =	vsub.f32 v2, v40;
	v2 =	vld [tilespmem:s18+$0x8100]  }
0x384: {  	v27 =	vmul.f32 v27, v27;
	v42 =	vmul.f32 v53, v53;
	v1 =	vsub.f32 v1, v4  }
0x385: {  	v56 =	vmul.f32 v52, v52;
	v19 =	vmul.f32 v30, v30;
	v37 =	vsub.f32 v37, v48  }
0x386: {  	v13 =	vsub.f32 v8, v50;
	[tilespmem:$0x1FB30] =	vst v1;
	v1 =	vld [tilespmem:$0x1FA70];
	v30 =	vsub.f32 v47, v31;
	v47 =	vmul.f32 v29, v29  }
0x387: {  	v53 =	vld [tilespmem:$0x1FA90];
	v29 =	vsub.f32 v3, v50;
	v50 =	vmul.f32 v58, v58;
	v58 =	vmul.f32 v59, v59  }
0x388: {  	v59 =	vmul.f32 v37, v37;
	v37 =	vsub.f32 v0, v6;
	v0 =	vsub.f32 v2, v31;
	v2 =	vld [tilespmem:$0x1FAB0]  }
0x389: {  	v48 =	vmul.f32 v18, v18;
	v18 =	vmul.f32 v23, v23;
	v52 =	vld [tilespmem:$0x1FA80];
	s29 =	sor.u32 $0x430, s31;
	s31 =	sor.u32 $0x450, s1  }
0x38a: {  	v23 =	vmul.f32 v38, v38;
	v45 =	vsub.f32 v10, v5;
	v10 =	vsub.f32 v7, v6;
	v7 =	vld [tilespmem:s31+$0x8100]  }
0x38b: {  	v38 =	vmul.f32 v39, v39;
	s21 =	smov.u32 @p1 s2;
	s2 =	sor.u32 $0x460, s1;
	v20 =	vmul.f32 v1, v1;
	v1 =	vld [tilespmem:s29+$0x8100]  }
0x38c: {  	v60 =	vmul.f32 v60, v60;
	v12 =	vmul.f32 v35, v35;
	v35 =	vld [tilespmem:s2+$0x8100]  }
0x38d: {  	v24 =	vmul.f32 v24, v24;
	[tilespmem:$0x1FAF0] =	vst v45;
	v45 =	vsub.f32 v14, v31;
	s30 =	sor.u32 $0x420, s1;
	v31 =	vmul.f32 v2, v2;
	v2 =	vld [tilespmem:$0x1FAC0]  }
0x38e: {  	v39 =	vmul.f32 v44, v44;
	v15 =	vmul.f32 v21, v21;
	v3 =	vld [tilespmem:s30+$0x8100]  }
0x38f: {  	v21 =	vmul.f32 v52, v52;
	v52 =	vmul.f32 v34, v34;
	s31 =	sor.u32 $0x430, s1;
	v34 =	vsub.f32 v7, v4;
	v4 =	vld [tilespmem:$0x1FAA0]  }
0x390: {  	v44 =	vmul.f32 v36, v36;
	v61 =	vmul.f32 v61, v61;
	s29 =	sor.u32 $0x410, s1;
	v7 =	vld [tilespmem:s31+$0x8100]  }
0x391: {  	v62 =	vmul.f32 v62, v62;
	v8 =	vmul.f32 v25, v25;
	v25 =	vsub.f32 v1, v41;
	v1 =	vld [tilespmem:s29+$0x8100]  }
0x392: {  	v46 =	vmul.f32 v46, v46;
	v36 =	vsub.f32 v35, v5;
	v35 =	vmul.f32 v2, v2;
	v2 =	vld [tilespmem:$0x1FAD0]  }
0x393: {  	v43 =	vadd.f32 v12, v43;
	v49 =	vmul.f32 v49, v49;
	v54 =	vmul.f32 v54, v54  }
0x394: {  	v51 =	vmul.f32 v51, v51;
	v14 =	vmul.f32 v53, v53;
	s22 =	smov.u32 s25;
	s25 =	sadd.s32 $0x4, s25;
	v27 =	vadd.f32 v22, v27  }
0x395: {  	p1 =	slt.u32 s25, $0x7C;
	v5 =	vmul.f32 v17, v17;
	v3 =	vsub.f32 v3, v40;
	v40 =	vadd.f32 v16, v57  }
.Ltmp3:
0x396: {  	v57 =	vmul.f32 v45, v45;
	v45 =	vadd.f32 v9, v18;
	v53 =	vmul.f32 v4, v4;
	(pc) =	sbr.rel @p1 .LBB2_8-.Ltmp3, $4  }
0x397: {  	v1 =	vsub.f32 v1, v32;
	v32 =	vmul.f32 v2, v2;
	v2 =	vsub.f32 v7, v41  }
0x398: {  	v4 =	vmul.f32 v63, v63;
	v41 =	vadd.f32 v42, v56;
	v42 =	vadd.f32 v15, v48  }
0x399: {  	v63 =	vmul.f32 v55, v55;
	v48 =	vadd.f32 v28, v19;
	v28 =	vadd.f32 v21, v20;
	v20 =	vld [tilespmem:$0x1FAE0]  }
0x39a: {  	s26 =	sadd.s32 $0x400, s26;
	v22 =	vmovc v11;
	v55 =	vadd.f32 v24, v14;
	v24 =	vmovc v10;
	v21 =	vmov v13;
	v56 =	vadd.f32 v8, v23;
	v23 =	vld [tilespmem:$0x1FAF0]  }
0x39b: {  	v6 =	vadd.f32 v44, v38;
	v7 =	vadd.f32 v47, v39  }
0x39c: {  	v8 =	vmul.f32 v30, v30;
	v9 =	vadd.f32 v59, v50;
	v10 =	vadd.f32 v61, v52  }
0x39d: {  	v11 =	vmul.f32 v33, v33;
	v12 =	vadd.f32 v60, v53;
	v13 =	vadd.f32 v62, v58  }
0x39e: {  	v0 =	vmul.f32 v0, v0;
	v14 =	vadd.f32 v57, v40;
	v1 =	vmul.f32 v1, v1  }
0x39f: {  	v4 =	vadd.f32 v4, v41;
	v15 =	vadd.f32 v63, v42;
	v3 =	vmul.f32 v3, v3  }
0x3a0: {  	v5 =	vadd.f32 v5, v43;
	v2 =	vmul.f32 v2, v2;
	v8 =	vadd.f32 v8, v45  }
0x3a1: {  	v16 =	vmul.f32 v29, v29;
	v11 =	vadd.f32 v11, v48;
	v0 =	vadd.f32 v0, v55  }
0x3a2: {  	v17 =	vmul.f32 v37, v37;
	v37 =	vld [tilespmem:$0x1FB00];
	v1 =	vadd.f32 v1, v56;
	v3 =	vadd.f32 v3, v6  }
0x3a3: {  	v40 =	vmul.f32 v26, v26;
	v2 =	vadd.f32 v2, v7;
	v33 =	vadd.f32 v46, v9  }
0x3a4: {  	v30 =	vmul.f32 v34, v34;
	v34 =	vadd.f32 v51, v10;
	v12 =	vadd.f32 v49, v12  }
0x3a5: {  	v36 =	vmul.f32 v36, v36;
	v13 =	vadd.f32 v54, v13;
	v43 =	vadd.f32 v40, v28  }
0x3a6: {  	v0 =	vadd.f32 v16, v0;
	v1 =	vadd.f32 v30, v1  }
0x3a7: {  	v3 =	vadd.f32 v36, v3;
	v2 =	vadd.f32 v17, v2;
	v6 =	vmul.f32 v37, v37  }
0x3a8: {  	v41 =	vld [tilespmem:$0x1FB30];
	v7 =	vadd.f32 v31, v33;
	v9 =	vadd.f32 v35, v34  }
0x3a9: {  	v39 =	vmul.f32 v21, v21;
	v48 =	vld [tilespmem:$0x1FB10];
	v12 =	vadd.f32 v32, v12;
	v6 =	vadd.f32 v6, v13  }
0x3aa: {  	v42 =	vmul.f32 v25, v25;
	v0 =	vadd.f32 v1, v0;
	v2 =	vadd.f32 v2, v3  }
0x3ab: {  	v44 =	vmul.f32 v22, v22;
	v52 =	vld [tilespmem:$0x1FB20];
	v7 =	vadd.f32 v9, v7;
	v6 =	vadd.f32 v6, v12  }
0x3ac: {  	v45 =	vadd.f32 v42, v27;
	v46 =	vmul.f32 v24, v24;
	v0 =	vadd.f32 v2, v0  }
0x3ad: {  	v38 =	vmul.f32 v20, v20;
	v13 =	vmul.f32 v41, v41;
	v6 =	vadd.f32 v6, v7  }
0x3ae: {  	v49 =	vadd.f32 v46, v45;
	v1 =	vadd.f32 v39, v8;
	(xrf2) =	vadd.scan.msk.f32 $0xffff, v0;
	v7 =	vmul.f32 v48, v48  }
0x3af: {  	v50 =	vmul.f32 v23, v23;
	v2 =	vadd.f32 v44, v43;
	v47 =	vadd.f32 v13, v11;
	(xrf2) =	vadd.scan.msk.f32 $0xffff, v6  }
0x3b0: {  	v51 =	vadd.f32 v38, v14;
	v4 =	vadd.f32 v7, v4;
	v7 =	vmul.f32 v52, v52  }
0x3b1: {  	v53 =	vadd.f32 v49, v2;
	v0 =	vadd.f32 v47, v1  }
0x3b2: {  	v54 =	vadd.f32 v50, v15;
	v55 =	vadd.f32 v7, v5  }
0x3b3: {  	v0 =	vadd.f32 v53, v0  }
0x3b4: {  	v56 =	vadd.f32 v4, v51;
	v2 =	vadd.f32 v55, v54  }
0x3b5: {  	(xrf2) =	vadd.scan.msk.f32 $0xffff, v0  }
0x3b6: {  	v57 =	vadd.f32 v2, v56;
	_ =	sdelay $0x1  }
0x3b7: {  	v58, _, _ =	vpop (xrf2);
	(xrf2) =	vadd.scan.msk.f32 $0xffff, v57  }
0x3b8: {  	v59, _, _ =	vpop (xrf2)  }
0x3b9: {  	(v2sf) =	vpush v59, $0xF;
	_ =	sdelay $0x2  }
0x3ba: {  	(v2sf) =	vpush v58, $0xF;
	_ =	sdelay $0x1  }
0x3bb: {  	v60, _, _ =	vpop (xrf2)  }
0x3bc: {  	(v2sf) =	vpush v60, $0xF;
	_ =	sdelay $0x1  }
0x3bd: {  	v61, _, _ =	vpop (xrf2)  }
0x3be: {  	(v2sf) =	vpush v61, $0xF;
	_ =	sdelay $0x5  }
0x3bf: {  	s0 =	spop (v2sf)  }
0x3c0: {  	p0 =	slt.f32 s0, s20;
	_ =	sdelay $0x1  }
0x3c1: {  	s1 =	spop (v2sf);
	s20 =	smov.u32 @p0 s0  }
0x3c2: {  	p1 =	slt.f32 s1, s20;
	_ =	sdelay $0x1  }
0x3c3: {  	s0 =	spop (v2sf);
	s20 =	smov.u32 @p1 s1  }
0x3c4: {  	p2 =	slt.f32 s0, s20  }
0x3c5: {  	s29 =	sadd.s32 s22, s11  }
0x3c6: {  	s2 =	sadd.s32 $0x184, s29;
	s17 =	spop (v2sf);
	s20 =	smov.u32 @p2 s0  }
0x3c7: {  	s21 =	smov.u32 @p0 s2;
	s0 =	sadd.s32 $0x185, s29;
	p0 =	slt.f32 s17, s20  }
0x3c8: {  	s21 =	smov.u32 @p1 s0;
	s0 =	sadd.s32 $0x186, s29  }
0x3c9: {  	s21 =	smov.u32 @p2 s0;
	s0 =	sadd.s32 $0x187, s29;
	s20 =	smov.u32 @p0 s17  }
0x3ca: {  	s21 =	smov.u32 @p0 s0;
	v62 =	vmov s20  }
0x3cb: {  	v63 =	vmov s21;
	[tilespmem:$0x10100] =	vst v62  }
0x3cc: {  	s30 =	simm.s32 $0x10100;
	[tilespmem:$0x10180] =	vst v63  }
0x3cd: {  	[hbm4b:s8+s3] =	stream.linear.scatter [tilespmem:s30], [sflag:$0x3], $0x80, $0x38;
	[tilespmem:$0x10200] =	vst v63  }
0x3ce: {  	s19 =	sadd.s32 $0x1, s19;
	_ =	swait.ge [sflag:s12], $0x80  }
0x3cf: {  	p0 =	sne.s32 s19, s10;
	[sflag:s12] =	ssyncset.done $0x0  }
.Ltmp4:
0x3d0: {  	s31 =	simm.s32 $0x10180;
	[sflag:s12] =	ssyncadd.s32 $0xFFFFFF80;
	(pc) =	sbr.rel @p0 .LBB2_1-.Ltmp4, $4  }
0x3d1: {  	[hbm4b:s9+s3] =	stream.linear.scatter [tilespmem:s31], [sflag:$0x3], $0x80, $0x38;
	[tilespmem:$0x10200] =	vst v63  }
0x3d2: {  	_ =	swait.ge [sflag:s12], $0x80  }
0x3d3: {  	[sflag:s12] =	ssyncset.done $0x0  }
0x3d4: {  	[sflag:s12] =	ssyncadd.s32 $0xFFFFFF80  }
0x3d5: {  	_ =	sfence.sel $0x180000  }
0x3d6: {  	[bflag:$0x0] =	sbarrier.arrive $0xFFFF  }
0x3d7: {  	_ =	strace $0x90000047  }
0x3d8: {  	s0 =	stileid.u32;
	[bflag:$0x2] =	sbarrier.arrive $0xFFFF  }
0x3d9: {  	p0 =	sne.s32 s0, $0x0;
	s0 =	rddreg [dreg:$0x4]  }
0x3da: {  	s0 =	sadd.s32 @!p0 $0x100000, s0  }
0x3db: {  	[sflag:s0] =	ssyncadd.tile.s32 @!p0 $0x1;
	_ =	shalt  }
.Lfunc_end2:
_tile_overlayer_lowered:
.L_overlay_start_2:
0x3dc: {  	(tag) =	ssettag $0x2  }
0x3dd: {  	s0 =	rddreg [dreg:$0x0];
	s2 =	stileid.u32  }
0x3de: {  	s1 =	rddreg [dreg:$0x1];
	p0 =	sne.s32 s2, $0x0  }
0x3df: {  	s3 =	rddreg [dreg:$0x2];
	[bflag:$0x3] =	sbarrier.arrive $0xFFFF;
	s2 =	simm.s32 @!p0 $0x1C03  }
0x3e0: {  	[timem:s3], [sflag:s2] =	dma.local @!p0 [hbm:s0], s1  }
0x3e1: {  	s0 =	simm.s32 @!p0 $0x3  }
0x3e2: {  	_ =	swait.ge @!p0 [sflag:s0], s1  }
0x3e3: {  	s1 =	ssub.s32 @!p0 $0x0, s1;
	[sflag:s0] =	ssyncset.done @!p0 $0x0  }
0x3e4: {  	[sflag:s0] =	ssyncadd.s32 @!p0 s1  }
0x3e5: {  	[bflag:$0x3] =	sbarrier.arrive $0xFFFF  }
0x3e6: {  	_ =	shalt  }

</sc_bundles>
